<compile_context>
chip_gen: v7x
topology: tpu7x:2x2x1
jax: 0.10.2.dev20260603
libtpu: 0.0.44.dev20260713+nightly
codegen_flags: <defaults>
</compile_context>

<pallas_src>
import dataclasses
import functools

import jax
import jax.numpy as jnp
from jax import lax
from jax.experimental import pallas as pl
from jax.experimental.pallas import tpu as pltpu
from jax.experimental.pallas import tpu_sc as plsc

N_SUITS = 4
N_RANKS = 13
VOCAB = N_SUITS * N_RANKS
DIM = 128
NUM_CARDS = 20
BATCH = 16384
CWIDTH = 128

NUM_CORES = 2
NUM_SUBCORES = 16
NUM_TILES = NUM_CORES * NUM_SUBCORES
ROWS_PER_TILE = BATCH // NUM_TILES
LANES = 16
GROUPS = ROWS_PER_TILE // LANES

X_WORDS = ROWS_PER_TILE * NUM_CARDS
CNT_WORDS = ROWS_PER_TILE * CWIDTH


def _sc_histogram(x):
  mesh = plsc.VectorSubcoreMesh(
      core_axis_name="c",
      subcore_axis_name="s",
      num_cores=NUM_CORES,
      num_subcores=NUM_SUBCORES,
  )

  cp = pltpu.CompilerParams()
  if "needs_layout_passes" in pltpu.CompilerParams.__dataclass_fields__:
    cp = dataclasses.replace(cp, needs_layout_passes=False)

  slabs = 4
  slab_rows = ROWS_PER_TILE // slabs
  slab_groups = slab_rows // LANES

  @functools.partial(
      pl.kernel,
      out_type=jax.ShapeDtypeStruct((BATCH, CWIDTH), jnp.float32),
      mesh=mesh,
      compiler_params=cp,
      scratch_types=[
          pltpu.VMEM((ROWS_PER_TILE, NUM_CARDS), jnp.int32),
          pltpu.VMEM((ROWS_PER_TILE, CWIDTH), jnp.float32),
          pltpu.SemaphoreType.DMA,
          pltpu.SemaphoreType.DMA,
          pltpu.SemaphoreType.DMA,
          pltpu.SemaphoreType.DMA,
          pltpu.SemaphoreType.DMA,
      ],
  )
  def hist_kernel(x_hbm, counts_hbm, x_loc, cnt_loc, s0, s1, s2, s3, osem):
    wid = lax.axis_index("s") * NUM_CORES + lax.axis_index("c")
    base = wid * ROWS_PER_TILE
    xsems = [s0, s1, s2, s3]

    x_dmas = [
        pltpu.async_copy(
            x_hbm.at[pl.ds(base + s * slab_rows, slab_rows), :],
            x_loc.at[pl.ds(s * slab_rows, slab_rows), :],
            xsems[s],
        )
        for s in range(slabs)
    ]

    zeros = jnp.zeros((LANES,), jnp.float32)

    def zero_slab(s):
      @pl.loop(s * slab_rows, (s + 1) * slab_rows)
      def _(r):
        for k in range(CWIDTH // LANES):
          cnt_loc[r, pl.ds(k * LANES, LANES)] = zeros

    lane = lax.iota(jnp.int32, LANES)
    zero_i = jnp.zeros((LANES,), jnp.int32)
    ones = jnp.ones((LANES,), jnp.float32)

    def hist_slab(s):
      @pl.loop(s * slab_groups, (s + 1) * slab_groups, step=4)
      def _(g):
        rows = [g * LANES + k * LANES + lane for k in range(4)]
        for j in range(NUM_CARDS):
          col = zero_i + j
          xvs = [plsc.load_gather(x_loc, [r, col]) for r in rows]
          for r, xv in zip(rows, xvs):
            plsc.addupdate_scatter(cnt_loc, [r, xv], ones)

    zero_slab(0)
    out_dmas = []
    for s in range(slabs):
      x_dmas[s].wait()
      hist_slab(s)
      if s + 1 < slabs:
        zero_slab(s + 1)
      out_dmas.append(
          pltpu.async_copy(
              cnt_loc.at[pl.ds(s * slab_rows, slab_rows), :],
              counts_hbm.at[pl.ds(base + s * slab_rows, slab_rows), :],
              osem,
          )
      )
    for d in out_dmas:
      d.wait()

  return hist_kernel(x)


def _tc_matmul(counts, card_w, rank_w, suit_w):
  blk = 8192
  grid = (BATCH // blk,)

  def body(cnt_ref, card_ref, rank_ref, suit_ref, out_ref, hi_ref, lo_ref):
    @pl.when(pl.program_id(0) == 0)
    def _():
      c_card = lax.broadcasted_iota(jnp.int32, (CWIDTH, VOCAB), 0)
      v_card = lax.broadcasted_iota(jnp.int32, (CWIDTH, VOCAB), 1)
      card_oh = (c_card == v_card).astype(jnp.float32)
      c_rank = lax.broadcasted_iota(jnp.int32, (CWIDTH, N_RANKS), 0)
      v_rank = lax.broadcasted_iota(jnp.int32, (CWIDTH, N_RANKS), 1)
      rank_oh = (c_rank // N_SUITS == v_rank).astype(jnp.float32)
      c_suit = lax.broadcasted_iota(jnp.int32, (CWIDTH, N_SUITS), 0)
      v_suit = lax.broadcasted_iota(jnp.int32, (CWIDTH, N_SUITS), 1)
      suit_oh = ((c_suit % N_SUITS == v_suit) & (c_suit < VOCAB)).astype(
          jnp.float32
      )
      comb = (
          jnp.dot(card_oh, card_ref[...], preferred_element_type=jnp.float32)
          + jnp.dot(rank_oh, rank_ref[...], preferred_element_type=jnp.float32)
          + jnp.dot(suit_oh, suit_ref[...], preferred_element_type=jnp.float32)
      )
      hi = comb.astype(jnp.bfloat16)
      hi_ref[...] = hi
      lo_ref[...] = (comb - hi.astype(jnp.float32)).astype(jnp.bfloat16)

    cnt16 = cnt_ref[...].astype(jnp.bfloat16)
    out_ref[...] = jnp.dot(
        cnt16, hi_ref[...], preferred_element_type=jnp.float32
    ) + jnp.dot(cnt16, lo_ref[...], preferred_element_type=jnp.float32)

  return pl.pallas_call(
      body,
      grid=grid,
      in_specs=[
          pl.BlockSpec((blk, CWIDTH), lambda i: (i, 0)),
          pl.BlockSpec((VOCAB, DIM), lambda i: (0, 0)),
          pl.BlockSpec((N_RANKS, DIM), lambda i: (0, 0)),
          pl.BlockSpec((N_SUITS, DIM), lambda i: (0, 0)),
      ],
      out_specs=pl.BlockSpec((blk, DIM), lambda i: (i, 0)),
      out_shape=jax.ShapeDtypeStruct((BATCH, DIM), jnp.float32),
      scratch_shapes=[
          pltpu.VMEM((CWIDTH, DIM), jnp.bfloat16),
          pltpu.VMEM((CWIDTH, DIM), jnp.bfloat16),
      ],
  )(counts, card_w, rank_w, suit_w)


@jax.jit
def kernel(x, card_w, rank_w, suit_w):
  counts = _sc_histogram(x)
  return _tc_matmul(counts, card_w, rank_w, suit_w)

# --- scband reference (transcript-rebuilt; emitter-appended) ---
"""Pipeline reference for scband-card-embedding-19129784337016 (READ-ONLY COPY).

The authoritative reference and input builder live on the scoring server;
editing this copy changes nothing except your own understanding.
"""

import jax, jax.numpy as jnp
import numpy as np

N_SUITS = 4
N_RANKS = 13
DIM = 128

def setup_inputs(seed: int = 0) -> dict:
    key = jax.random.key(seed)
    k1, k2, k3, k4 = jax.random.split(key, 4)
    x = jax.random.randint(k1, (16384, 20), 0, N_RANKS * N_SUITS, dtype=jnp.int32)
    card_w = jax.random.normal(k2, (N_RANKS * N_SUITS, DIM), dtype=jnp.float32)
    rank_w = jax.random.normal(k3, (N_RANKS, DIM), dtype=jnp.float32)
    suit_w = jax.random.normal(k4, (N_SUITS, DIM), dtype=jnp.float32)
    return {"x": x, "card_w": card_w, "rank_w": rank_w, "suit_w": suit_w}

def reference(x, card_w, rank_w, suit_w):
    batch, num_cards = x.shape
    xf = x.reshape(-1)
    valid = (xf >= 0).astype(jnp.float32)
    xc = jnp.clip(xf, 0)
    embs = (jnp.take(card_w, xc, axis=0)
            + jnp.take(rank_w, xc // N_SUITS, axis=0)
            + jnp.take(suit_w, jnp.mod(xc, N_SUITS), axis=0))
    embs = embs * valid[:, None]
    return embs.reshape(batch, num_cards, -1).sum(axis=1)

if __name__ == "__main__":
    import jax
    _d = setup_inputs()
    print(jax.jit(kernel)(*tuple(_d.values())))

</pallas_src>

<mosaic_0001>
#map = affine_map<(d0, d1) -> (0, 0)>
module attributes {stable_mosaic.version = 14 : i64} {
  func.func @hist_kernel(%arg0: i32, %arg1: i32, %arg2: memref<16384x20xi32, #tpu.memory_space<hbm>>, %arg3: memref<16384x128xf32, #tpu.memory_space<hbm>>, %arg4: memref<512x20xi32, #tpu.memory_space<vmem>>, %arg5: memref<512x128xf32, #tpu.memory_space<vmem>>, %arg6: memref<!tpu.dma_semaphore, #tpu.memory_space<semaphore_mem>>, %arg7: memref<!tpu.dma_semaphore, #tpu.memory_space<semaphore_mem>>, %arg8: memref<!tpu.dma_semaphore, #tpu.memory_space<semaphore_mem>>, %arg9: memref<!tpu.dma_semaphore, #tpu.memory_space<semaphore_mem>>, %arg10: memref<!tpu.dma_semaphore, #tpu.memory_space<semaphore_mem>>) attributes {dimension_semantics = [#tpu.dimension_semantics<core_parallel>, #tpu.dimension_semantics<subcore_parallel>], iteration_bounds = array<i64: 2, 16>, scalar_prefetch = 0 : i64, scratch_operands = 7 : i64, tpu.core_type = #tpu.core_type<sc_vector_subcore>, window_params = [{transform_indices = #map}, {transform_indices = #map}]} {
    %mul3A = arith.constant 2 : i32
    %mul3A_0 = arith.muli %arg1, %mul3A : i32
    %add3A = arith.addi %mul3A_0, %arg0 : i32
    %mul3A_1 = arith.constant 512 : i32
    %mul3A_2 = arith.muli %add3A, %mul3A_1 : i32
    %add3A_3 = arith.constant 0 : i32
    %add3A_4 = arith.addi %mul3A_2, %add3A_3 : i32
    %dma_start3A = arith.constant 0 : i32
    %dma_start3A_5 = arith.constant 0 : i32
    %dma_start3A_6 = tpu.memref_slice %arg4[%dma_start3A, %dma_start3A_5] : memref<512x20xi32, #tpu.memory_space<vmem>> -> memref<128x20xi32, #tpu.memory_space<vmem>>
    %dma_start3A_7 = arith.constant 0 : i32
    %dma_start3A_8 = tpu.memref_slice %arg2[%add3A_4, %dma_start3A_7] : memref<16384x20xi32, #tpu.memory_space<hbm>> -> memref<128x20xi32, #tpu.memory_space<hbm>>
    %dma_start3A_9 = arith.constant 0 : i32
    %dma_start3A_10 = arith.constant 0 : i32
    %dma_start3A_11 = tpu.memref_slice %arg4[%dma_start3A_9, %dma_start3A_10] : memref<512x20xi32, #tpu.memory_space<vmem>> -> memref<128x20xi32, #tpu.memory_space<vmem>>
    %dma_start3A_12 = arith.constant 0 : i32
    %dma_start3A_13 = tpu.memref_slice %arg2[%add3A_4, %dma_start3A_12] : memref<16384x20xi32, #tpu.memory_space<hbm>> -> memref<128x20xi32, #tpu.memory_space<hbm>>
    tpu.enqueue_dma source(%dma_start3A_13 : memref<128x20xi32, #tpu.memory_space<hbm>>) target(%dma_start3A_11 : memref<128x20xi32, #tpu.memory_space<vmem>>) target_semaphore(%arg6 : memref<!tpu.dma_semaphore, #tpu.memory_space<semaphore_mem>>)
    %add3A_14 = arith.constant 128 : i32
    %add3A_15 = arith.addi %mul3A_2, %add3A_14 : i32
    %dma_start3A_16 = arith.constant 128 : i32
    %dma_start3A_17 = arith.constant 0 : i32
    %dma_start3A_18 = tpu.memref_slice %arg4[%dma_start3A_16, %dma_start3A_17] : memref<512x20xi32, #tpu.memory_space<vmem>> -> memref<128x20xi32, #tpu.memory_space<vmem>>
    %dma_start3A_19 = arith.constant 0 : i32
    %dma_start3A_20 = tpu.memref_slice %arg2[%add3A_15, %dma_start3A_19] : memref<16384x20xi32, #tpu.memory_space<hbm>> -> memref<128x20xi32, #tpu.memory_space<hbm>>
    %dma_start3A_21 = arith.constant 128 : i32
    %dma_start3A_22 = arith.constant 0 : i32
    %dma_start3A_23 = tpu.memref_slice %arg4[%dma_start3A_21, %dma_start3A_22] : memref<512x20xi32, #tpu.memory_space<vmem>> -> memref<128x20xi32, #tpu.memory_space<vmem>>
    %dma_start3A_24 = arith.constant 0 : i32
    %dma_start3A_25 = tpu.memref_slice %arg2[%add3A_15, %dma_start3A_24] : memref<16384x20xi32, #tpu.memory_space<hbm>> -> memref<128x20xi32, #tpu.memory_space<hbm>>
    tpu.enqueue_dma source(%dma_start3A_25 : memref<128x20xi32, #tpu.memory_space<hbm>>) target(%dma_start3A_23 : memref<128x20xi32, #tpu.memory_space<vmem>>) target_semaphore(%arg7 : memref<!tpu.dma_semaphore, #tpu.memory_space<semaphore_mem>>)
    %add3A_26 = arith.constant 256 : i32
    %add3A_27 = arith.addi %mul3A_2, %add3A_26 : i32
    %dma_start3A_28 = arith.constant 256 : i32
    %dma_start3A_29 = arith.constant 0 : i32
    %dma_start3A_30 = tpu.memref_slice %arg4[%dma_start3A_28, %dma_start3A_29] : memref<512x20xi32, #tpu.memory_space<vmem>> -> memref<128x20xi32, #tpu.memory_space<vmem>>
    %dma_start3A_31 = arith.constant 0 : i32
    %dma_start3A_32 = tpu.memref_slice %arg2[%add3A_27, %dma_start3A_31] : memref<16384x20xi32, #tpu.memory_space<hbm>> -> memref<128x20xi32, #tpu.memory_space<hbm>>
    %dma_start3A_33 = arith.constant 256 : i32
    %dma_start3A_34 = arith.constant 0 : i32
    %dma_start3A_35 = tpu.memref_slice %arg4[%dma_start3A_33, %dma_start3A_34] : memref<512x20xi32, #tpu.memory_space<vmem>> -> memref<128x20xi32, #tpu.memory_space<vmem>>
    %dma_start3A_36 = arith.constant 0 : i32
    %dma_start3A_37 = tpu.memref_slice %arg2[%add3A_27, %dma_start3A_36] : memref<16384x20xi32, #tpu.memory_space<hbm>> -> memref<128x20xi32, #tpu.memory_space<hbm>>
    tpu.enqueue_dma source(%dma_start3A_37 : memref<128x20xi32, #tpu.memory_space<hbm>>) target(%dma_start3A_35 : memref<128x20xi32, #tpu.memory_space<vmem>>) target_semaphore(%arg8 : memref<!tpu.dma_semaphore, #tpu.memory_space<semaphore_mem>>)
    %add3A_38 = arith.constant 384 : i32
    %add3A_39 = arith.addi %mul3A_2, %add3A_38 : i32
    %dma_start3A_40 = arith.constant 384 : i32
    %dma_start3A_41 = arith.constant 0 : i32
    %dma_start3A_42 = tpu.memref_slice %arg4[%dma_start3A_40, %dma_start3A_41] : memref<512x20xi32, #tpu.memory_space<vmem>> -> memref<128x20xi32, #tpu.memory_space<vmem>>
    %dma_start3A_43 = arith.constant 0 : i32
    %dma_start3A_44 = tpu.memref_slice %arg2[%add3A_39, %dma_start3A_43] : memref<16384x20xi32, #tpu.memory_space<hbm>> -> memref<128x20xi32, #tpu.memory_space<hbm>>
    %dma_start3A_45 = arith.constant 384 : i32
    %dma_start3A_46 = arith.constant 0 : i32
    %dma_start3A_47 = tpu.memref_slice %arg4[%dma_start3A_45, %dma_start3A_46] : memref<512x20xi32, #tpu.memory_space<vmem>> -> memref<128x20xi32, #tpu.memory_space<vmem>>
    %dma_start3A_48 = arith.constant 0 : i32
    %dma_start3A_49 = tpu.memref_slice %arg2[%add3A_39, %dma_start3A_48] : memref<16384x20xi32, #tpu.memory_space<hbm>> -> memref<128x20xi32, #tpu.memory_space<hbm>>
    tpu.enqueue_dma source(%dma_start3A_49 : memref<128x20xi32, #tpu.memory_space<hbm>>) target(%dma_start3A_47 : memref<128x20xi32, #tpu.memory_space<vmem>>) target_semaphore(%arg9 : memref<!tpu.dma_semaphore, #tpu.memory_space<semaphore_mem>>)
    %broadcast_in_dim3A = arith.constant 0.000000e+00 : f32
    %broadcast_in_dim3A_50 = vector.broadcast %broadcast_in_dim3A : f32 to vector<16xf32>
    %iota3A = tpu.iota {dimensions = array<i32: 0>} : vector<16xi32>
    %broadcast_in_dim3A_51 = arith.constant 0 : i32
    %broadcast_in_dim3A_52 = vector.broadcast %broadcast_in_dim3A_51 : i32 to vector<16xi32>
    %broadcast_in_dim3A_53 = arith.constant 1.000000e+00 : f32
    %broadcast_in_dim3A_54 = vector.broadcast %broadcast_in_dim3A_53 : f32 to vector<16xf32>
    %scan3A = arith.constant 0 : i32
    %scan3A_55 = arith.constant 128 : i32
    %scan3A_56 = arith.addi %scan3A, %scan3A_55 : i32
    %scan3A_57 = arith.constant 1 : i32
    scf.for %scan3A_221 = %scan3A to %scan3A_56 step %scan3A_57  : i32 {
      %mul3A_222 = arith.constant 1 : i32
      %mul3A_223 = arith.muli %scan3A_221, %mul3A_222 : i32
      %add3A_224 = arith.constant 0 : i32
      %add3A_225 = arith.addi %add3A_224, %mul3A_223 : i32
      %swap3A = arith.index_cast %add3A_225 : i32 to index
      %swap3A_226 = arith.constant 0 : index
      %swap3A_227 = tpu.vector_load %arg5[%swap3A, %swap3A_226] {strides = array<i32>} : memref<512x128xf32, #tpu.memory_space<vmem>>, vector<16xf32>,
      tpu.vector_store %arg5[%swap3A, %swap3A_226], %broadcast_in_dim3A_50 {strides = array<i32>} : memref<512x128xf32, #tpu.memory_space<vmem>>, vector<16xf32>,
      %swap3A_228 = arith.index_cast %add3A_225 : i32 to index
      %swap3A_229 = arith.constant 16 : index
      %swap3A_230 = tpu.vector_load %arg5[%swap3A_228, %swap3A_229] {strides = array<i32>} : memref<512x128xf32, #tpu.memory_space<vmem>>, vector<16xf32>,
      tpu.vector_store %arg5[%swap3A_228, %swap3A_229], %broadcast_in_dim3A_50 {strides = array<i32>} : memref<512x128xf32, #tpu.memory_space<vmem>>, vector<16xf32>,
      %swap3A_231 = arith.index_cast %add3A_225 : i32 to index
      %swap3A_232 = arith.constant 32 : index
      %swap3A_233 = tpu.vector_load %arg5[%swap3A_231, %swap3A_232] {strides = array<i32>} : memref<512x128xf32, #tpu.memory_space<vmem>>, vector<16xf32>,
      tpu.vector_store %arg5[%swap3A_231, %swap3A_232], %broadcast_in_dim3A_50 {strides = array<i32>} : memref<512x128xf32, #tpu.memory_space<vmem>>, vector<16xf32>,
      %swap3A_234 = arith.index_cast %add3A_225 : i32 to index
      %swap3A_235 = arith.constant 48 : index
      %swap3A_236 = tpu.vector_load %arg5[%swap3A_234, %swap3A_235] {strides = array<i32>} : memref<512x128xf32, #tpu.memory_space<vmem>>, vector<16xf32>,
      tpu.vector_store %arg5[%swap3A_234, %swap3A_235], %broadcast_in_dim3A_50 {strides = array<i32>} : memref<512x128xf32, #tpu.memory_space<vmem>>, vector<16xf32>,
      %swap3A_237 = arith.index_cast %add3A_225 : i32 to index
      %swap3A_238 = arith.constant 64 : index
      %swap3A_239 = tpu.vector_load %arg5[%swap3A_237, %swap3A_238] {strides = array<i32>} : memref<512x128xf32, #tpu.memory_space<vmem>>, vector<16xf32>,
      tpu.vector_store %arg5[%swap3A_237, %swap3A_238], %broadcast_in_dim3A_50 {strides = array<i32>} : memref<512x128xf32, #tpu.memory_space<vmem>>, vector<16xf32>,
      %swap3A_240 = arith.index_cast %add3A_225 : i32 to index
      %swap3A_241 = arith.constant 80 : index
      %swap3A_242 = tpu.vector_load %arg5[%swap3A_240, %swap3A_241] {strides = array<i32>} : memref<512x128xf32, #tpu.memory_space<vmem>>, vector<16xf32>,
      tpu.vector_store %arg5[%swap3A_240, %swap3A_241], %broadcast_in_dim3A_50 {strides = array<i32>} : memref<512x128xf32, #tpu.memory_space<vmem>>, vector<16xf32>,
      %swap3A_243 = arith.index_cast %add3A_225 : i32 to index
      %swap3A_244 = arith.constant 96 : index
      %swap3A_245 = tpu.vector_load %arg5[%swap3A_243, %swap3A_244] {strides = array<i32>} : memref<512x128xf32, #tpu.memory_space<vmem>>, vector<16xf32>,
      tpu.vector_store %arg5[%swap3A_243, %swap3A_244], %broadcast_in_dim3A_50 {strides = array<i32>} : memref<512x128xf32, #tpu.memory_space<vmem>>, vector<16xf32>,
      %swap3A_246 = arith.index_cast %add3A_225 : i32 to index
      %swap3A_247 = arith.constant 112 : index
      %swap3A_248 = tpu.vector_load %arg5[%swap3A_246, %swap3A_247] {strides = array<i32>} : memref<512x128xf32, #tpu.memory_space<vmem>>, vector<16xf32>,
      tpu.vector_store %arg5[%swap3A_246, %swap3A_247], %broadcast_in_dim3A_50 {strides = array<i32>} : memref<512x128xf32, #tpu.memory_space<vmem>>, vector<16xf32>,
    }
    %scan3A_58 = arith.constant 128 : i32
    %dma_wait3A = arith.constant 0 : i32
    %dma_wait3A_59 = arith.constant 0 : i32
    %dma_wait3A_60 = tpu.memref_slice %arg4[%dma_wait3A, %dma_wait3A_59] : memref<512x20xi32, #tpu.memory_space<vmem>> -> memref<128x20xi32, #tpu.memory_space<vmem>>
    %dma_wait3A_61 = arith.constant 0 : i32
    %dma_wait3A_62 = tpu.memref_slice %arg2[%add3A_4, %dma_wait3A_61] : memref<16384x20xi32, #tpu.memory_space<hbm>> -> memref<128x20xi32, #tpu.memory_space<hbm>>
    %dma_wait3A_63 = arith.constant 0 : i32
    %dma_wait3A_64 = arith.constant 0 : i32
    %dma_wait3A_65 = tpu.memref_slice %arg4[%dma_wait3A_63, %dma_wait3A_64] : memref<512x20xi32, #tpu.memory_space<vmem>> -> memref<128x20xi32, #tpu.memory_space<vmem>>
    %dma_wait3A_66 = arith.constant 0 : i32
    %dma_wait3A_67 = tpu.memref_slice %arg2[%add3A_4, %dma_wait3A_66] : memref<16384x20xi32, #tpu.memory_space<hbm>> -> memref<128x20xi32, #tpu.memory_space<hbm>>
    tpu.wait_dma2 semaphore(%arg6 : memref<!tpu.dma_semaphore, #tpu.memory_space<semaphore_mem>>) src(%dma_wait3A_67 : memref<128x20xi32, #tpu.memory_space<hbm>>) dst(%dma_wait3A_65 : memref<128x20xi32, #tpu.memory_space<vmem>>)
    %scan3A_68 = arith.constant 0 : i32
    %scan3A_69 = arith.constant 2 : i32
    %scan3A_70 = arith.addi %scan3A_68, %scan3A_69 : i32
    %scan3A_71 = arith.constant 1 : i32
    scf.for %scan3A_221 = %scan3A_68 to %scan3A_70 step %scan3A_71  : i32 {
      %mul3A_222 = arith.constant 4 : i32
      %mul3A_223 = arith.muli %scan3A_221, %mul3A_222 : i32
      %add3A_224 = arith.constant 0 : i32
      %add3A_225 = arith.addi %add3A_224, %mul3A_223 : i32
      %mul3A_226 = arith.constant 16 : i32
      %mul3A_227 = arith.muli %add3A_225, %mul3A_226 : i32
      %add3A_228 = arith.constant 0 : i32
      %add3A_229 = arith.addi %mul3A_227, %add3A_228 : i32
      %add3A_230 = vector.broadcast %add3A_229 : i32 to vector<16xi32>
      %add3A_231 = arith.addi %add3A_230, %iota3A : vector<16xi32>
      %mul3A_232 = arith.constant 16 : i32
      %mul3A_233 = arith.muli %add3A_225, %mul3A_232 : i32
      %add3A_234 = arith.constant 16 : i32
      %add3A_235 = arith.addi %mul3A_233, %add3A_234 : i32
      %add3A_236 = vector.broadcast %add3A_235 : i32 to vector<16xi32>
      %add3A_237 = arith.addi %add3A_236, %iota3A : vector<16xi32>
      %mul3A_238 = arith.constant 16 : i32
      %mul3A_239 = arith.muli %add3A_225, %mul3A_238 : i32
      %add3A_240 = arith.constant 32 : i32
      %add3A_241 = arith.addi %mul3A_239, %add3A_240 : i32
      %add3A_242 = vector.broadcast %add3A_241 : i32 to vector<16xi32>
      %add3A_243 = arith.addi %add3A_242, %iota3A : vector<16xi32>
      %mul3A_244 = arith.constant 16 : i32
      %mul3A_245 = arith.muli %add3A_225, %mul3A_244 : i32
      %add3A_246 = arith.constant 48 : i32
      %add3A_247 = arith.addi %mul3A_245, %add3A_246 : i32
      %add3A_248 = vector.broadcast %add3A_247 : i32 to vector<16xi32>
      %add3A_249 = arith.addi %add3A_248, %iota3A : vector<16xi32>
      %add3A_250 = arith.constant 0 : i32
      %add3A_251 = vector.broadcast %add3A_250 : i32 to vector<16xi32>
      %add3A_252 = arith.addi %broadcast_in_dim3A_52, %add3A_251 : vector<16xi32>
      %gather3A = tpu.vector_load_idx %arg4[%add3A_231, %add3A_252] : memref<512x20xi32, #tpu.memory_space<vmem>>[vector<16xi32>, vector<16xi32>], vector<16xi32>,
      %gather3A_253 = tpu.vector_load_idx %arg4[%add3A_237, %add3A_252] : memref<512x20xi32, #tpu.memory_space<vmem>>[vector<16xi32>, vector<16xi32>], vector<16xi32>,
      %gather3A_254 = tpu.vector_load_idx %arg4[%add3A_243, %add3A_252] : memref<512x20xi32, #tpu.memory_space<vmem>>[vector<16xi32>, vector<16xi32>], vector<16xi32>,
      %gather3A_255 = tpu.vector_load_idx %arg4[%add3A_249, %add3A_252] : memref<512x20xi32, #tpu.memory_space<vmem>>[vector<16xi32>, vector<16xi32>], vector<16xi32>,
      tpu.vector_store_idx %arg5[%add3A_231, %gather3A], %broadcast_in_dim3A_54 {add = true} : memref<512x128xf32, #tpu.memory_space<vmem>>[vector<16xi32>, vector<16xi32>], vector<16xf32>,
      tpu.vector_store_idx %arg5[%add3A_237, %gather3A_253], %broadcast_in_dim3A_54 {add = true} : memref<512x128xf32, #tpu.memory_space<vmem>>[vector<16xi32>, vector<16xi32>], vector<16xf32>,
      tpu.vector_store_idx %arg5[%add3A_243, %gather3A_254], %broadcast_in_dim3A_54 {add = true} : memref<512x128xf32, #tpu.memory_space<vmem>>[vector<16xi32>, vector<16xi32>], vector<16xf32>,
      tpu.vector_store_idx %arg5[%add3A_249, %gather3A_255], %broadcast_in_dim3A_54 {add = true} : memref<512x128xf32, #tpu.memory_space<vmem>>[vector<16xi32>, vector<16xi32>], vector<16xf32>,
      %add3A_256 = arith.constant 1 : i32
      %add3A_257 = vector.broadcast %add3A_256 : i32 to vector<16xi32>
      %add3A_258 = arith.addi %broadcast_in_dim3A_52, %add3A_257 : vector<16xi32>
      %gather3A_259 = tpu.vector_load_idx %arg4[%add3A_231, %add3A_258] : memref<512x20xi32, #tpu.memory_space<vmem>>[vector<16xi32>, vector<16xi32>], vector<16xi32>,
      %gather3A_260 = tpu.vector_load_idx %arg4[%add3A_237, %add3A_258] : memref<512x20xi32, #tpu.memory_space<vmem>>[vector<16xi32>, vector<16xi32>], vector<16xi32>,
      %gather3A_261 = tpu.vector_load_idx %arg4[%add3A_243, %add3A_258] : memref<512x20xi32, #tpu.memory_space<vmem>>[vector<16xi32>, vector<16xi32>], vector<16xi32>,
      %gather3A_262 = tpu.vector_load_idx %arg4[%add3A_249, %add3A_258] : memref<512x20xi32, #tpu.memory_space<vmem>>[vector<16xi32>, vector<16xi32>], vector<16xi32>,
      tpu.vector_store_idx %arg5[%add3A_231, %gather3A_259], %broadcast_in_dim3A_54 {add = true} : memref<512x128xf32, #tpu.memory_space<vmem>>[vector<16xi32>, vector<16xi32>], vector<16xf32>,
      tpu.vector_store_idx %arg5[%add3A_237, %gather3A_260], %broadcast_in_dim3A_54 {add = true} : memref<512x128xf32, #tpu.memory_space<vmem>>[vector<16xi32>, vector<16xi32>], vector<16xf32>,
      tpu.vector_store_idx %arg5[%add3A_243, %gather3A_261], %broadcast_in_dim3A_54 {add = true} : memref<512x128xf32, #tpu.memory_space<vmem>>[vector<16xi32>, vector<16xi32>], vector<16xf32>,
      tpu.vector_store_idx %arg5[%add3A_249, %gather3A_262], %broadcast_in_dim3A_54 {add = true} : memref<512x128xf32, #tpu.memory_space<vmem>>[vector<16xi32>, vector<16xi32>], vector<16xf32>,
      %add3A_263 = arith.constant 2 : i32
      %add3A_264 = vector.broadcast %add3A_263 : i32 to vector<16xi32>
      %add3A_265 = arith.addi %broadcast_in_dim3A_52, %add3A_264 : vector<16xi32>
      %gather3A_266 = tpu.vector_load_idx %arg4[%add3A_231, %add3A_265] : memref<512x20xi32, #tpu.memory_space<vmem>>[vector<16xi32>, vector<16xi32>], vector<16xi32>,
      %gather3A_267 = tpu.vector_load_idx %arg4[%add3A_237, %add3A_265] : memref<512x20xi32, #tpu.memory_space<vmem>>[vector<16xi32>, vector<16xi32>], vector<16xi32>,
      %gather3A_268 = tpu.vector_load_idx %arg4[%add3A_243, %add3A_265] : memref<512x20xi32, #tpu.memory_space<vmem>>[vector<16xi32>, vector<16xi32>], vector<16xi32>,
      %gather3A_269 = tpu.vector_load_idx %arg4[%add3A_249, %add3A_265] : memref<512x20xi32, #tpu.memory_space<vmem>>[vector<16xi32>, vector<16xi32>], vector<16xi32>,
      tpu.vector_store_idx %arg5[%add3A_231, %gather3A_266], %broadcast_in_dim3A_54 {add = true} : memref<512x128xf32, #tpu.memory_space<vmem>>[vector<16xi32>, vector<16xi32>], vector<16xf32>,
      tpu.vector_store_idx %arg5[%add3A_237, %gather3A_267], %broadcast_in_dim3A_54 {add = true} : memref<512x128xf32, #tpu.memory_space<vmem>>[vector<16xi32>, vector<16xi32>], vector<16xf32>,
      tpu.vector_store_idx %arg5[%add3A_243, %gather3A_268], %broadcast_in_dim3A_54 {add = true} : memref<512x128xf32, #tpu.memory_space<vmem>>[vector<16xi32>, vector<16xi32>], vector<16xf32>,
      tpu.vector_store_idx %arg5[%add3A_249, %gather3A_269], %broadcast_in_dim3A_54 {add = true} : memref<512x128xf32, #tpu.memory_space<vmem>>[vector<16xi32>, vector<16xi32>], vector<16xf32>,
      %add3A_270 = arith.constant 3 : i32
      %add3A_271 = vector.broadcast %add3A_270 : i32 to vector<16xi32>
      %add3A_272 = arith.addi %broadcast_in_dim3A_52, %add3A_271 : vector<16xi32>
      %gather3A_273 = tpu.vector_load_idx %arg4[%add3A_231, %add3A_272] : memref<512x20xi32, #tpu.memory_space<vmem>>[vector<16xi32>, vector<16xi32>], vector<16xi32>,
      %gather3A_274 = tpu.vector_load_idx %arg4[%add3A_237, %add3A_272] : memref<512x20xi32, #tpu.memory_space<vmem>>[vector<16xi32>, vector<16xi32>], vector<16xi32>,
      %gather3A_275 = tpu.vector_load_idx %arg4[%add3A_243, %add3A_272] : memref<512x20xi32, #tpu.memory_space<vmem>>[vector<16xi32>, vector<16xi32>], vector<16xi32>,
      %gather3A_276 = tpu.vector_load_idx %arg4[%add3A_249, %add3A_272] : memref<512x20xi32, #tpu.memory_space<vmem>>[vector<16xi32>, vector<16xi32>], vector<16xi32>,
      tpu.vector_store_idx %arg5[%add3A_231, %gather3A_273], %broadcast_in_dim3A_54 {add = true} : memref<512x128xf32, #tpu.memory_space<vmem>>[vector<16xi32>, vector<16xi32>], vector<16xf32>,
      tpu.vector_store_idx %arg5[%add3A_237, %gather3A_274], %broadcast_in_dim3A_54 {add = true} : memref<512x128xf32, #tpu.memory_space<vmem>>[vector<16xi32>, vector<16xi32>], vector<16xf32>,
      tpu.vector_store_idx %arg5[%add3A_243, %gather3A_275], %broadcast_in_dim3A_54 {add = true} : memref<512x128xf32, #tpu.memory_space<vmem>>[vector<16xi32>, vector<16xi32>], vector<16xf32>,
      tpu.vector_store_idx %arg5[%add3A_249, %gather3A_276], %broadcast_in_dim3A_54 {add = true} : memref<512x128xf32, #tpu.memory_space<vmem>>[vector<16xi32>, vector<16xi32>], vector<16xf32>,
      %add3A_277 = arith.constant 4 : i32
      %add3A_278 = vector.broadcast %add3A_277 : i32 to vector<16xi32>
      %add3A_279 = arith.addi %broadcast_in_dim3A_52, %add3A_278 : vector<16xi32>
      %gather3A_280 = tpu.vector_load_idx %arg4[%add3A_231, %add3A_279] : memref<512x20xi32, #tpu.memory_space<vmem>>[vector<16xi32>, vector<16xi32>], vector<16xi32>,
      %gather3A_281 = tpu.vector_load_idx %arg4[%add3A_237, %add3A_279] : memref<512x20xi32, #tpu.memory_space<vmem>>[vector<16xi32>, vector<16xi32>], vector<16xi32>,
      %gather3A_282 = tpu.vector_load_idx %arg4[%add3A_243, %add3A_279] : memref<512x20xi32, #tpu.memory_space<vmem>>[vector<16xi32>, vector<16xi32>], vector<16xi32>,
      %gather3A_283 = tpu.vector_load_idx %arg4[%add3A_249, %add3A_279] : memref<512x20xi32, #tpu.memory_space<vmem>>[vector<16xi32>, vector<16xi32>], vector<16xi32>,
      tpu.vector_store_idx %arg5[%add3A_231, %gather3A_280], %broadcast_in_dim3A_54 {add = true} : memref<512x128xf32, #tpu.memory_space<vmem>>[vector<16xi32>, vector<16xi32>], vector<16xf32>,
      tpu.vector_store_idx %arg5[%add3A_237, %gather3A_281], %broadcast_in_dim3A_54 {add = true} : memref<512x128xf32, #tpu.memory_space<vmem>>[vector<16xi32>, vector<16xi32>], vector<16xf32>,
      tpu.vector_store_idx %arg5[%add3A_243, %gather3A_282], %broadcast_in_dim3A_54 {add = true} : memref<512x128xf32, #tpu.memory_space<vmem>>[vector<16xi32>, vector<16xi32>], vector<16xf32>,
      tpu.vector_store_idx %arg5[%add3A_249, %gather3A_283], %broadcast_in_dim3A_54 {add = true} : memref<512x128xf32, #tpu.memory_space<vmem>>[vector<16xi32>, vector<16xi32>], vector<16xf32>,
      %add3A_284 = arith.constant 5 : i32
      %add3A_285 = vector.broadcast %add3A_284 : i32 to vector<16xi32>
      %add3A_286 = arith.addi %broadcast_in_dim3A_52, %add3A_285 : vector<16xi32>
      %gather3A_287 = tpu.vector_load_idx %arg4[%add3A_231, %add3A_286] : memref<512x20xi32, #tpu.memory_space<vmem>>[vector<16xi32>, vector<16xi32>], vector<16xi32>,
      %gather3A_288 = tpu.vector_load_idx %arg4[%add3A_237, %add3A_286] : memref<512x20xi32, #tpu.memory_space<vmem>>[vector<16xi32>, vector<16xi32>], vector<16xi32>,
      %gather3A_289 = tpu.vector_load_idx %arg4[%add3A_243, %add3A_286] : memref<512x20xi32, #tpu.memory_space<vmem>>[vector<16xi32>, vector<16xi32>], vector<16xi32>,
      %gather3A_290 = tpu.vector_load_idx %arg4[%add3A_249, %add3A_286] : memref<512x20xi32, #tpu.memory_space<vmem>>[vector<16xi32>, vector<16xi32>], vector<16xi32>,
      tpu.vector_store_idx %arg5[%add3A_231, %gather3A_287], %broadcast_in_dim3A_54 {add = true} : memref<512x128xf32, #tpu.memory_space<vmem>>[vector<16xi32>, vector<16xi32>], vector<16xf32>,
      tpu.vector_store_idx %arg5[%add3A_237, %gather3A_288], %broadcast_in_dim3A_54 {add = true} : memref<512x128xf32, #tpu.memory_space<vmem>>[vector<16xi32>, vector<16xi32>], vector<16xf32>,
      tpu.vector_store_idx %arg5[%add3A_243, %gather3A_289], %broadcast_in_dim3A_54 {add = true} : memref<512x128xf32, #tpu.memory_space<vmem>>[vector<16xi32>, vector<16xi32>], vector<16xf32>,
      tpu.vector_store_idx %arg5[%add3A_249, %gather3A_290], %broadcast_in_dim3A_54 {add = true} : memref<512x128xf32, #tpu.memory_space<vmem>>[vector<16xi32>, vector<16xi32>], vector<16xf32>,
      %add3A_291 = arith.constant 6 : i32
      %add3A_292 = vector.broadcast %add3A_291 : i32 to vector<16xi32>
      %add3A_293 = arith.addi %broadcast_in_dim3A_52, %add3A_292 : vector<16xi32>
      %gather3A_294 = tpu.vector_load_idx %arg4[%add3A_231, %add3A_293] : memref<512x20xi32, #tpu.memory_space<vmem>>[vector<16xi32>, vector<16xi32>], vector<16xi32>,
      %gather3A_295 = tpu.vector_load_idx %arg4[%add3A_237, %add3A_293] : memref<512x20xi32, #tpu.memory_space<vmem>>[vector<16xi32>, vector<16xi32>], vector<16xi32>,
      %gather3A_296 = tpu.vector_load_idx %arg4[%add3A_243, %add3A_293] : memref<512x20xi32, #tpu.memory_space<vmem>>[vector<16xi32>, vector<16xi32>], vector<16xi32>,
      %gather3A_297 = tpu.vector_load_idx %arg4[%add3A_249, %add3A_293] : memref<512x20xi32, #tpu.memory_space<vmem>>[vector<16xi32>, vector<16xi32>], vector<16xi32>,
      tpu.vector_store_idx %arg5[%add3A_231, %gather3A_294], %broadcast_in_dim3A_54 {add = true} : memref<512x128xf32, #tpu.memory_space<vmem>>[vector<16xi32>, vector<16xi32>], vector<16xf32>,
      tpu.vector_store_idx %arg5[%add3A_237, %gather3A_295], %broadcast_in_dim3A_54 {add = true} : memref<512x128xf32, #tpu.memory_space<vmem>>[vector<16xi32>, vector<16xi32>], vector<16xf32>,
      tpu.vector_store_idx %arg5[%add3A_243, %gather3A_296], %broadcast_in_dim3A_54 {add = true} : memref<512x128xf32, #tpu.memory_space<vmem>>[vector<16xi32>, vector<16xi32>], vector<16xf32>,
      tpu.vector_store_idx %arg5[%add3A_249, %gather3A_297], %broadcast_in_dim3A_54 {add = true} : memref<512x128xf32, #tpu.memory_space<vmem>>[vector<16xi32>, vector<16xi32>], vector<16xf32>,
      %add3A_298 = arith.constant 7 : i32
      %add3A_299 = vector.broadcast %add3A_298 : i32 to vector<16xi32>
      %add3A_300 = arith.addi %broadcast_in_dim3A_52, %add3A_299 : vector<16xi32>
      %gather3A_301 = tpu.vector_load_idx %arg4[%add3A_231, %add3A_300] : memref<512x20xi32, #tpu.memory_space<vmem>>[vector<16xi32>, vector<16xi32>], vector<16xi32>,
      %gather3A_302 = tpu.vector_load_idx %arg4[%add3A_237, %add3A_300] : memref<512x20xi32, #tpu.memory_space<vmem>>[vector<16xi32>, vector<16xi32>], vector<16xi32>,
      %gather3A_303 = tpu.vector_load_idx %arg4[%add3A_243, %add3A_300] : memref<512x20xi32, #tpu.memory_space<vmem>>[vector<16xi32>, vector<16xi32>], vector<16xi32>,
      %gather3A_304 = tpu.vector_load_idx %arg4[%add3A_249, %add3A_300] : memref<512x20xi32, #tpu.memory_space<vmem>>[vector<16xi32>, vector<16xi32>], vector<16xi32>,
      tpu.vector_store_idx %arg5[%add3A_231, %gather3A_301], %broadcast_in_dim3A_54 {add = true} : memref<512x128xf32, #tpu.memory_space<vmem>>[vector<16xi32>, vector<16xi32>], vector<16xf32>,
      tpu.vector_store_idx %arg5[%add3A_237, %gather3A_302], %broadcast_in_dim3A_54 {add = true} : memref<512x128xf32, #tpu.memory_space<vmem>>[vector<16xi32>, vector<16xi32>], vector<16xf32>,
      tpu.vector_store_idx %arg5[%add3A_243, %gather3A_303], %broadcast_in_dim3A_54 {add = true} : memref<512x128xf32, #tpu.memory_space<vmem>>[vector<16xi32>, vector<16xi32>], vector<16xf32>,
      tpu.vector_store_idx %arg5[%add3A_249, %gather3A_304], %broadcast_in_dim3A_54 {add = true} : memref<512x128xf32, #tpu.memory_space<vmem>>[vector<16xi32>, vector<16xi32>], vector<16xf32>,
      %add3A_305 = arith.constant 8 : i32
      %add3A_306 = vector.broadcast %add3A_305 : i32 to vector<16xi32>
      %add3A_307 = arith.addi %broadcast_in_dim3A_52, %add3A_306 : vector<16xi32>
      %gather3A_308 = tpu.vector_load_idx %arg4[%add3A_231, %add3A_307] : memref<512x20xi32, #tpu.memory_space<vmem>>[vector<16xi32>, vector<16xi32>], vector<16xi32>,
      %gather3A_309 = tpu.vector_load_idx %arg4[%add3A_237, %add3A_307] : memref<512x20xi32, #tpu.memory_space<vmem>>[vector<16xi32>, vector<16xi32>], vector<16xi32>,
      %gather3A_310 = tpu.vector_load_idx %arg4[%add3A_243, %add3A_307] : memref<512x20xi32, #tpu.memory_space<vmem>>[vector<16xi32>, vector<16xi32>], vector<16xi32>,
      %gather3A_311 = tpu.vector_load_idx %arg4[%add3A_249, %add3A_307] : memref<512x20xi32, #tpu.memory_space<vmem>>[vector<16xi32>, vector<16xi32>], vector<16xi32>,
      tpu.vector_store_idx %arg5[%add3A_231, %gather3A_308], %broadcast_in_dim3A_54 {add = true} : memref<512x128xf32, #tpu.memory_space<vmem>>[vector<16xi32>, vector<16xi32>], vector<16xf32>,
      tpu.vector_store_idx %arg5[%add3A_237, %gather3A_309], %broadcast_in_dim3A_54 {add = true} : memref<512x128xf32, #tpu.memory_space<vmem>>[vector<16xi32>, vector<16xi32>], vector<16xf32>,
      tpu.vector_store_idx %arg5[%add3A_243, %gather3A_310], %broadcast_in_dim3A_54 {add = true} : memref<512x128xf32, #tpu.memory_space<vmem>>[vector<16xi32>, vector<16xi32>], vector<16xf32>,
      tpu.vector_store_idx %arg5[%add3A_249, %gather3A_311], %broadcast_in_dim3A_54 {add = true} : memref<512x128xf32, #tpu.memory_space<vmem>>[vector<16xi32>, vector<16xi32>], vector<16xf32>,
      %add3A_312 = arith.constant 9 : i32
      %add3A_313 = vector.broadcast %add3A_312 : i32 to vector<16xi32>
      %add3A_314 = arith.addi %broadcast_in_dim3A_52, %add3A_313 : vector<16xi32>
      %gather3A_315 = tpu.vector_load_idx %arg4[%add3A_231, %add3A_314] : memref<512x20xi32, #tpu.memory_space<vmem>>[vector<16xi32>, vector<16xi32>], vector<16xi32>,
      %gather3A_316 = tpu.vector_load_idx %arg4[%add3A_237, %add3A_314] : memref<512x20xi32, #tpu.memory_space<vmem>>[vector<16xi32>, vector<16xi32>], vector<16xi32>,
      %gather3A_317 = tpu.vector_load_idx %arg4[%add3A_243, %add3A_314] : memref<512x20xi32, #tpu.memory_space<vmem>>[vector<16xi32>, vector<16xi32>], vector<16xi32>,
      %gather3A_318 = tpu.vector_load_idx %arg4[%add3A_249, %add3A_314] : memref<512x20xi32, #tpu.memory_space<vmem>>[vector<16xi32>, vector<16xi32>], vector<16xi32>,
      tpu.vector_store_idx %arg5[%add3A_231, %gather3A_315], %broadcast_in_dim3A_54 {add = true} : memref<512x128xf32, #tpu.memory_space<vmem>>[vector<16xi32>, vector<16xi32>], vector<16xf32>,
      tpu.vector_store_idx %arg5[%add3A_237, %gather3A_316], %broadcast_in_dim3A_54 {add = true} : memref<512x128xf32, #tpu.memory_space<vmem>>[vector<16xi32>, vector<16xi32>], vector<16xf32>,
      tpu.vector_store_idx %arg5[%add3A_243, %gather3A_317], %broadcast_in_dim3A_54 {add = true} : memref<512x128xf32, #tpu.memory_space<vmem>>[vector<16xi32>, vector<16xi32>], vector<16xf32>,
      tpu.vector_store_idx %arg5[%add3A_249, %gather3A_318], %broadcast_in_dim3A_54 {add = true} : memref<512x128xf32, #tpu.memory_space<vmem>>[vector<16xi32>, vector<16xi32>], vector<16xf32>,
      %add3A_319 = arith.constant 10 : i32
      %add3A_320 = vector.broadcast %add3A_319 : i32 to vector<16xi32>
      %add3A_321 = arith.addi %broadcast_in_dim3A_52, %add3A_320 : vector<16xi32>
      %gather3A_322 = tpu.vector_load_idx %arg4[%add3A_231, %add3A_321] : memref<512x20xi32, #tpu.memory_space<vmem>>[vector<16xi32>, vector<16xi32>], vector<16xi32>,
      %gather3A_323 = tpu.vector_load_idx %arg4[%add3A_237, %add3A_321] : memref<512x20xi32, #tpu.memory_space<vmem>>[vector<16xi32>, vector<16xi32>], vector<16xi32>,
      %gather3A_324 = tpu.vector_load_idx %arg4[%add3A_243, %add3A_321] : memref<512x20xi32, #tpu.memory_space<vmem>>[vector<16xi32>, vector<16xi32>], vector<16xi32>,
      %gather3A_325 = tpu.vector_load_idx %arg4[%add3A_249, %add3A_321] : memref<512x20xi32, #tpu.memory_space<vmem>>[vector<16xi32>, vector<16xi32>], vector<16xi32>,
      tpu.vector_store_idx %arg5[%add3A_231, %gather3A_322], %broadcast_in_dim3A_54 {add = true} : memref<512x128xf32, #tpu.memory_space<vmem>>[vector<16xi32>, vector<16xi32>], vector<16xf32>,
      tpu.vector_store_idx %arg5[%add3A_237, %gather3A_323], %broadcast_in_dim3A_54 {add = true} : memref<512x128xf32, #tpu.memory_space<vmem>>[vector<16xi32>, vector<16xi32>], vector<16xf32>,
      tpu.vector_store_idx %arg5[%add3A_243, %gather3A_324], %broadcast_in_dim3A_54 {add = true} : memref<512x128xf32, #tpu.memory_space<vmem>>[vector<16xi32>, vector<16xi32>], vector<16xf32>,
      tpu.vector_store_idx %arg5[%add3A_249, %gather3A_325], %broadcast_in_dim3A_54 {add = true} : memref<512x128xf32, #tpu.memory_space<vmem>>[vector<16xi32>, vector<16xi32>], vector<16xf32>,
      %add3A_326 = arith.constant 11 : i32
      %add3A_327 = vector.broadcast %add3A_326 : i32 to vector<16xi32>
      %add3A_328 = arith.addi %broadcast_in_dim3A_52, %add3A_327 : vector<16xi32>
      %gather3A_329 = tpu.vector_load_idx %arg4[%add3A_231, %add3A_328] : memref<512x20xi32, #tpu.memory_space<vmem>>[vector<16xi32>, vector<16xi32>], vector<16xi32>,
      %gather3A_330 = tpu.vector_load_idx %arg4[%add3A_237, %add3A_328] : memref<512x20xi32, #tpu.memory_space<vmem>>[vector<16xi32>, vector<16xi32>], vector<16xi32>,
      %gather3A_331 = tpu.vector_load_idx %arg4[%add3A_243, %add3A_328] : memref<512x20xi32, #tpu.memory_space<vmem>>[vector<16xi32>, vector<16xi32>], vector<16xi32>,
      %gather3A_332 = tpu.vector_load_idx %arg4[%add3A_249, %add3A_328] : memref<512x20xi32, #tpu.memory_space<vmem>>[vector<16xi32>, vector<16xi32>], vector<16xi32>,
      tpu.vector_store_idx %arg5[%add3A_231, %gather3A_329], %broadcast_in_dim3A_54 {add = true} : memref<512x128xf32, #tpu.memory_space<vmem>>[vector<16xi32>, vector<16xi32>], vector<16xf32>,
      tpu.vector_store_idx %arg5[%add3A_237, %gather3A_330], %broadcast_in_dim3A_54 {add = true} : memref<512x128xf32, #tpu.memory_space<vmem>>[vector<16xi32>, vector<16xi32>], vector<16xf32>,
      tpu.vector_store_idx %arg5[%add3A_243, %gather3A_331], %broadcast_in_dim3A_54 {add = true} : memref<512x128xf32, #tpu.memory_space<vmem>>[vector<16xi32>, vector<16xi32>], vector<16xf32>,
      tpu.vector_store_idx %arg5[%add3A_249, %gather3A_332], %broadcast_in_dim3A_54 {add = true} : memref<512x128xf32, #tpu.memory_space<vmem>>[vector<16xi32>, vector<16xi32>], vector<16xf32>,
      %add3A_333 = arith.constant 12 : i32
      %add3A_334 = vector.broadcast %add3A_333 : i32 to vector<16xi32>
      %add3A_335 = arith.addi %broadcast_in_dim3A_52, %add3A_334 : vector<16xi32>
      %gather3A_336 = tpu.vector_load_idx %arg4[%add3A_231, %add3A_335] : memref<512x20xi32, #tpu.memory_space<vmem>>[vector<16xi32>, vector<16xi32>], vector<16xi32>,
      %gather3A_337 = tpu.vector_load_idx %arg4[%add3A_237, %add3A_335] : memref<512x20xi32, #tpu.memory_space<vmem>>[vector<16xi32>, vector<16xi32>], vector<16xi32>,
      %gather3A_338 = tpu.vector_load_idx %arg4[%add3A_243, %add3A_335] : memref<512x20xi32, #tpu.memory_space<vmem>>[vector<16xi32>, vector<16xi32>], vector<16xi32>,
      %gather3A_339 = tpu.vector_load_idx %arg4[%add3A_249, %add3A_335] : memref<512x20xi32, #tpu.memory_space<vmem>>[vector<16xi32>, vector<16xi32>], vector<16xi32>,
      tpu.vector_store_idx %arg5[%add3A_231, %gather3A_336], %broadcast_in_dim3A_54 {add = true} : memref<512x128xf32, #tpu.memory_space<vmem>>[vector<16xi32>, vector<16xi32>], vector<16xf32>,
      tpu.vector_store_idx %arg5[%add3A_237, %gather3A_337], %broadcast_in_dim3A_54 {add = true} : memref<512x128xf32, #tpu.memory_space<vmem>>[vector<16xi32>, vector<16xi32>], vector<16xf32>,
      tpu.vector_store_idx %arg5[%add3A_243, %gather3A_338], %broadcast_in_dim3A_54 {add = true} : memref<512x128xf32, #tpu.memory_space<vmem>>[vector<16xi32>, vector<16xi32>], vector<16xf32>,
      tpu.vector_store_idx %arg5[%add3A_249, %gather3A_339], %broadcast_in_dim3A_54 {add = true} : memref<512x128xf32, #tpu.memory_space<vmem>>[vector<16xi32>, vector<16xi32>], vector<16xf32>,
      %add3A_340 = arith.constant 13 : i32
      %add3A_341 = vector.broadcast %add3A_340 : i32 to vector<16xi32>
      %add3A_342 = arith.addi %broadcast_in_dim3A_52, %add3A_341 : vector<16xi32>
      %gather3A_343 = tpu.vector_load_idx %arg4[%add3A_231, %add3A_342] : memref<512x20xi32, #tpu.memory_space<vmem>>[vector<16xi32>, vector<16xi32>], vector<16xi32>,
      %gather3A_344 = tpu.vector_load_idx %arg4[%add3A_237, %add3A_342] : memref<512x20xi32, #tpu.memory_space<vmem>>[vector<16xi32>, vector<16xi32>], vector<16xi32>,
      %gather3A_345 = tpu.vector_load_idx %arg4[%add3A_243, %add3A_342] : memref<512x20xi32, #tpu.memory_space<vmem>>[vector<16xi32>, vector<16xi32>], vector<16xi32>,
      %gather3A_346 = tpu.vector_load_idx %arg4[%add3A_249, %add3A_342] : memref<512x20xi32, #tpu.memory_space<vmem>>[vector<16xi32>, vector<16xi32>], vector<16xi32>,
      tpu.vector_store_idx %arg5[%add3A_231, %gather3A_343], %broadcast_in_dim3A_54 {add = true} : memref<512x128xf32, #tpu.memory_space<vmem>>[vector<16xi32>, vector<16xi32>], vector<16xf32>,
      tpu.vector_store_idx %arg5[%add3A_237, %gather3A_344], %broadcast_in_dim3A_54 {add = true} : memref<512x128xf32, #tpu.memory_space<vmem>>[vector<16xi32>, vector<16xi32>], vector<16xf32>,
      tpu.vector_store_idx %arg5[%add3A_243, %gather3A_345], %broadcast_in_dim3A_54 {add = true} : memref<512x128xf32, #tpu.memory_space<vmem>>[vector<16xi32>, vector<16xi32>], vector<16xf32>,
      tpu.vector_store_idx %arg5[%add3A_249, %gather3A_346], %broadcast_in_dim3A_54 {add = true} : memref<512x128xf32, #tpu.memory_space<vmem>>[vector<16xi32>, vector<16xi32>], vector<16xf32>,
      %add3A_347 = arith.constant 14 : i32
      %add3A_348 = vector.broadcast %add3A_347 : i32 to vector<16xi32>
      %add3A_349 = arith.addi %broadcast_in_dim3A_52, %add3A_348 : vector<16xi32>
      %gather3A_350 = tpu.vector_load_idx %arg4[%add3A_231, %add3A_349] : memref<512x20xi32, #tpu.memory_space<vmem>>[vector<16xi32>, vector<16xi32>], vector<16xi32>,
      %gather3A_351 = tpu.vector_load_idx %arg4[%add3A_237, %add3A_349] : memref<512x20xi32, #tpu.memory_space<vmem>>[vector<16xi32>, vector<16xi32>], vector<16xi32>,
      %gather3A_352 = tpu.vector_load_idx %arg4[%add3A_243, %add3A_349] : memref<512x20xi32, #tpu.memory_space<vmem>>[vector<16xi32>, vector<16xi32>], vector<16xi32>,
      %gather3A_353 = tpu.vector_load_idx %arg4[%add3A_249, %add3A_349] : memref<512x20xi32, #tpu.memory_space<vmem>>[vector<16xi32>, vector<16xi32>], vector<16xi32>,
      tpu.vector_store_idx %arg5[%add3A_231, %gather3A_350], %broadcast_in_dim3A_54 {add = true} : memref<512x128xf32, #tpu.memory_space<vmem>>[vector<16xi32>, vector<16xi32>], vector<16xf32>,
      tpu.vector_store_idx %arg5[%add3A_237, %gather3A_351], %broadcast_in_dim3A_54 {add = true} : memref<512x128xf32, #tpu.memory_space<vmem>>[vector<16xi32>, vector<16xi32>], vector<16xf32>,
      tpu.vector_store_idx %arg5[%add3A_243, %gather3A_352], %broadcast_in_dim3A_54 {add = true} : memref<512x128xf32, #tpu.memory_space<vmem>>[vector<16xi32>, vector<16xi32>], vector<16xf32>,
      tpu.vector_store_idx %arg5[%add3A_249, %gather3A_353], %broadcast_in_dim3A_54 {add = true} : memref<512x128xf32, #tpu.memory_space<vmem>>[vector<16xi32>, vector<16xi32>], vector<16xf32>,
      %add3A_354 = arith.constant 15 : i32
      %add3A_355 = vector.broadcast %add3A_354 : i32 to vector<16xi32>
      %add3A_356 = arith.addi %broadcast_in_dim3A_52, %add3A_355 : vector<16xi32>
      %gather3A_357 = tpu.vector_load_idx %arg4[%add3A_231, %add3A_356] : memref<512x20xi32, #tpu.memory_space<vmem>>[vector<16xi32>, vector<16xi32>], vector<16xi32>,
      %gather3A_358 = tpu.vector_load_idx %arg4[%add3A_237, %add3A_356] : memref<512x20xi32, #tpu.memory_space<vmem>>[vector<16xi32>, vector<16xi32>], vector<16xi32>,
      %gather3A_359 = tpu.vector_load_idx %arg4[%add3A_243, %add3A_356] : memref<512x20xi32, #tpu.memory_space<vmem>>[vector<16xi32>, vector<16xi32>], vector<16xi32>,
      %gather3A_360 = tpu.vector_load_idx %arg4[%add3A_249, %add3A_356] : memref<512x20xi32, #tpu.memory_space<vmem>>[vector<16xi32>, vector<16xi32>], vector<16xi32>,
      tpu.vector_store_idx %arg5[%add3A_231, %gather3A_357], %broadcast_in_dim3A_54 {add = true} : memref<512x128xf32, #tpu.memory_space<vmem>>[vector<16xi32>, vector<16xi32>], vector<16xf32>,
      tpu.vector_store_idx %arg5[%add3A_237, %gather3A_358], %broadcast_in_dim3A_54 {add = true} : memref<512x128xf32, #tpu.memory_space<vmem>>[vector<16xi32>, vector<16xi32>], vector<16xf32>,
      tpu.vector_store_idx %arg5[%add3A_243, %gather3A_359], %broadcast_in_dim3A_54 {add = true} : memref<512x128xf32, #tpu.memory_space<vmem>>[vector<16xi32>, vector<16xi32>], vector<16xf32>,
      tpu.vector_store_idx %arg5[%add3A_249, %gather3A_360], %broadcast_in_dim3A_54 {add = true} : memref<512x128xf32, #tpu.memory_space<vmem>>[vector<16xi32>, vector<16xi32>], vector<16xf32>,
      %add3A_361 = arith.constant 16 : i32
      %add3A_362 = vector.broadcast %add3A_361 : i32 to vector<16xi32>
      %add3A_363 = arith.addi %broadcast_in_dim3A_52, %add3A_362 : vector<16xi32>
      %gather3A_364 = tpu.vector_load_idx %arg4[%add3A_231, %add3A_363] : memref<512x20xi32, #tpu.memory_space<vmem>>[vector<16xi32>, vector<16xi32>], vector<16xi32>,
      %gather3A_365 = tpu.vector_load_idx %arg4[%add3A_237, %add3A_363] : memref<512x20xi32, #tpu.memory_space<vmem>>[vector<16xi32>, vector<16xi32>], vector<16xi32>,
      %gather3A_366 = tpu.vector_load_idx %arg4[%add3A_243, %add3A_363] : memref<512x20xi32, #tpu.memory_space<vmem>>[vector<16xi32>, vector<16xi32>], vector<16xi32>,
      %gather3A_367 = tpu.vector_load_idx %arg4[%add3A_249, %add3A_363] : memref<512x20xi32, #tpu.memory_space<vmem>>[vector<16xi32>, vector<16xi32>], vector<16xi32>,
      tpu.vector_store_idx %arg5[%add3A_231, %gather3A_364], %broadcast_in_dim3A_54 {add = true} : memref<512x128xf32, #tpu.memory_space<vmem>>[vector<16xi32>, vector<16xi32>], vector<16xf32>,
      tpu.vector_store_idx %arg5[%add3A_237, %gather3A_365], %broadcast_in_dim3A_54 {add = true} : memref<512x128xf32, #tpu.memory_space<vmem>>[vector<16xi32>, vector<16xi32>], vector<16xf32>,
      tpu.vector_store_idx %arg5[%add3A_243, %gather3A_366], %broadcast_in_dim3A_54 {add = true} : memref<512x128xf32, #tpu.memory_space<vmem>>[vector<16xi32>, vector<16xi32>], vector<16xf32>,
      tpu.vector_store_idx %arg5[%add3A_249, %gather3A_367], %broadcast_in_dim3A_54 {add = true} : memref<512x128xf32, #tpu.memory_space<vmem>>[vector<16xi32>, vector<16xi32>], vector<16xf32>,
      %add3A_368 = arith.constant 17 : i32
      %add3A_369 = vector.broadcast %add3A_368 : i32 to vector<16xi32>
      %add3A_370 = arith.addi %broadcast_in_dim3A_52, %add3A_369 : vector<16xi32>
      %gather3A_371 = tpu.vector_load_idx %arg4[%add3A_231, %add3A_370] : memref<512x20xi32, #tpu.memory_space<vmem>>[vector<16xi32>, vector<16xi32>], vector<16xi32>,
      %gather3A_372 = tpu.vector_load_idx %arg4[%add3A_237, %add3A_370] : memref<512x20xi32, #tpu.memory_space<vmem>>[vector<16xi32>, vector<16xi32>], vector<16xi32>,
      %gather3A_373 = tpu.vector_load_idx %arg4[%add3A_243, %add3A_370] : memref<512x20xi32, #tpu.memory_space<vmem>>[vector<16xi32>, vector<16xi32>], vector<16xi32>,
      %gather3A_374 = tpu.vector_load_idx %arg4[%add3A_249, %add3A_370] : memref<512x20xi32, #tpu.memory_space<vmem>>[vector<16xi32>, vector<16xi32>], vector<16xi32>,
      tpu.vector_store_idx %arg5[%add3A_231, %gather3A_371], %broadcast_in_dim3A_54 {add = true} : memref<512x128xf32, #tpu.memory_space<vmem>>[vector<16xi32>, vector<16xi32>], vector<16xf32>,
      tpu.vector_store_idx %arg5[%add3A_237, %gather3A_372], %broadcast_in_dim3A_54 {add = true} : memref<512x128xf32, #tpu.memory_space<vmem>>[vector<16xi32>, vector<16xi32>], vector<16xf32>,
      tpu.vector_store_idx %arg5[%add3A_243, %gather3A_373], %broadcast_in_dim3A_54 {add = true} : memref<512x128xf32, #tpu.memory_space<vmem>>[vector<16xi32>, vector<16xi32>], vector<16xf32>,
      tpu.vector_store_idx %arg5[%add3A_249, %gather3A_374], %broadcast_in_dim3A_54 {add = true} : memref<512x128xf32, #tpu.memory_space<vmem>>[vector<16xi32>, vector<16xi32>], vector<16xf32>,
      %add3A_375 = arith.constant 18 : i32
      %add3A_376 = vector.broadcast %add3A_375 : i32 to vector<16xi32>
      %add3A_377 = arith.addi %broadcast_in_dim3A_52, %add3A_376 : vector<16xi32>
      %gather3A_378 = tpu.vector_load_idx %arg4[%add3A_231, %add3A_377] : memref<512x20xi32, #tpu.memory_space<vmem>>[vector<16xi32>, vector<16xi32>], vector<16xi32>,
      %gather3A_379 = tpu.vector_load_idx %arg4[%add3A_237, %add3A_377] : memref<512x20xi32, #tpu.memory_space<vmem>>[vector<16xi32>, vector<16xi32>], vector<16xi32>,
      %gather3A_380 = tpu.vector_load_idx %arg4[%add3A_243, %add3A_377] : memref<512x20xi32, #tpu.memory_space<vmem>>[vector<16xi32>, vector<16xi32>], vector<16xi32>,
      %gather3A_381 = tpu.vector_load_idx %arg4[%add3A_249, %add3A_377] : memref<512x20xi32, #tpu.memory_space<vmem>>[vector<16xi32>, vector<16xi32>], vector<16xi32>,
      tpu.vector_store_idx %arg5[%add3A_231, %gather3A_378], %broadcast_in_dim3A_54 {add = true} : memref<512x128xf32, #tpu.memory_space<vmem>>[vector<16xi32>, vector<16xi32>], vector<16xf32>,
      tpu.vector_store_idx %arg5[%add3A_237, %gather3A_379], %broadcast_in_dim3A_54 {add = true} : memref<512x128xf32, #tpu.memory_space<vmem>>[vector<16xi32>, vector<16xi32>], vector<16xf32>,
      tpu.vector_store_idx %arg5[%add3A_243, %gather3A_380], %broadcast_in_dim3A_54 {add = true} : memref<512x128xf32, #tpu.memory_space<vmem>>[vector<16xi32>, vector<16xi32>], vector<16xf32>,
      tpu.vector_store_idx %arg5[%add3A_249, %gather3A_381], %broadcast_in_dim3A_54 {add = true} : memref<512x128xf32, #tpu.memory_space<vmem>>[vector<16xi32>, vector<16xi32>], vector<16xf32>,
      %add3A_382 = arith.constant 19 : i32
      %add3A_383 = vector.broadcast %add3A_382 : i32 to vector<16xi32>
      %add3A_384 = arith.addi %broadcast_in_dim3A_52, %add3A_383 : vector<16xi32>
      %gather3A_385 = tpu.vector_load_idx %arg4[%add3A_231, %add3A_384] : memref<512x20xi32, #tpu.memory_space<vmem>>[vector<16xi32>, vector<16xi32>], vector<16xi32>,
      %gather3A_386 = tpu.vector_load_idx %arg4[%add3A_237, %add3A_384] : memref<512x20xi32, #tpu.memory_space<vmem>>[vector<16xi32>, vector<16xi32>], vector<16xi32>,
      %gather3A_387 = tpu.vector_load_idx %arg4[%add3A_243, %add3A_384] : memref<512x20xi32, #tpu.memory_space<vmem>>[vector<16xi32>, vector<16xi32>], vector<16xi32>,
      %gather3A_388 = tpu.vector_load_idx %arg4[%add3A_249, %add3A_384] : memref<512x20xi32, #tpu.memory_space<vmem>>[vector<16xi32>, vector<16xi32>], vector<16xi32>,
      tpu.vector_store_idx %arg5[%add3A_231, %gather3A_385], %broadcast_in_dim3A_54 {add = true} : memref<512x128xf32, #tpu.memory_space<vmem>>[vector<16xi32>, vector<16xi32>], vector<16xf32>,
      tpu.vector_store_idx %arg5[%add3A_237, %gather3A_386], %broadcast_in_dim3A_54 {add = true} : memref<512x128xf32, #tpu.memory_space<vmem>>[vector<16xi32>, vector<16xi32>], vector<16xf32>,
      tpu.vector_store_idx %arg5[%add3A_243, %gather3A_387], %broadcast_in_dim3A_54 {add = true} : memref<512x128xf32, #tpu.memory_space<vmem>>[vector<16xi32>, vector<16xi32>], vector<16xf32>,
      tpu.vector_store_idx %arg5[%add3A_249, %gather3A_388], %broadcast_in_dim3A_54 {add = true} : memref<512x128xf32, #tpu.memory_space<vmem>>[vector<16xi32>, vector<16xi32>], vector<16xf32>,
    }
    %scan3A_72 = arith.constant 2 : i32
    %scan3A_73 = arith.constant 0 : i32
    %scan3A_74 = arith.constant 128 : i32
    %scan3A_75 = arith.addi %scan3A_73, %scan3A_74 : i32
    %scan3A_76 = arith.constant 1 : i32
    scf.for %scan3A_221 = %scan3A_73 to %scan3A_75 step %scan3A_76  : i32 {
      %mul3A_222 = arith.constant 1 : i32
      %mul3A_223 = arith.muli %scan3A_221, %mul3A_222 : i32
      %add3A_224 = arith.constant 128 : i32
      %add3A_225 = arith.addi %add3A_224, %mul3A_223 : i32
      %swap3A = arith.index_cast %add3A_225 : i32 to index
      %swap3A_226 = arith.constant 0 : index
      %swap3A_227 = tpu.vector_load %arg5[%swap3A, %swap3A_226] {strides = array<i32>} : memref<512x128xf32, #tpu.memory_space<vmem>>, vector<16xf32>,
      tpu.vector_store %arg5[%swap3A, %swap3A_226], %broadcast_in_dim3A_50 {strides = array<i32>} : memref<512x128xf32, #tpu.memory_space<vmem>>, vector<16xf32>,
      %swap3A_228 = arith.index_cast %add3A_225 : i32 to index
      %swap3A_229 = arith.constant 16 : index
      %swap3A_230 = tpu.vector_load %arg5[%swap3A_228, %swap3A_229] {strides = array<i32>} : memref<512x128xf32, #tpu.memory_space<vmem>>, vector<16xf32>,
      tpu.vector_store %arg5[%swap3A_228, %swap3A_229], %broadcast_in_dim3A_50 {strides = array<i32>} : memref<512x128xf32, #tpu.memory_space<vmem>>, vector<16xf32>,
      %swap3A_231 = arith.index_cast %add3A_225 : i32 to index
      %swap3A_232 = arith.constant 32 : index
      %swap3A_233 = tpu.vector_load %arg5[%swap3A_231, %swap3A_232] {strides = array<i32>} : memref<512x128xf32, #tpu.memory_space<vmem>>, vector<16xf32>,
      tpu.vector_store %arg5[%swap3A_231, %swap3A_232], %broadcast_in_dim3A_50 {strides = array<i32>} : memref<512x128xf32, #tpu.memory_space<vmem>>, vector<16xf32>,
      %swap3A_234 = arith.index_cast %add3A_225 : i32 to index
      %swap3A_235 = arith.constant 48 : index
      %swap3A_236 = tpu.vector_load %arg5[%swap3A_234, %swap3A_235] {strides = array<i32>} : memref<512x128xf32, #tpu.memory_space<vmem>>, vector<16xf32>,
      tpu.vector_store %arg5[%swap3A_234, %swap3A_235], %broadcast_in_dim3A_50 {strides = array<i32>} : memref<512x128xf32, #tpu.memory_space<vmem>>, vector<16xf32>,
      %swap3A_237 = arith.index_cast %add3A_225 : i32 to index
      %swap3A_238 = arith.constant 64 : index
      %swap3A_239 = tpu.vector_load %arg5[%swap3A_237, %swap3A_238] {strides = array<i32>} : memref<512x128xf32, #tpu.memory_space<vmem>>, vector<16xf32>,
      tpu.vector_store %arg5[%swap3A_237, %swap3A_238], %broadcast_in_dim3A_50 {strides = array<i32>} : memref<512x128xf32, #tpu.memory_space<vmem>>, vector<16xf32>,
      %swap3A_240 = arith.index_cast %add3A_225 : i32 to index
      %swap3A_241 = arith.constant 80 : index
      %swap3A_242 = tpu.vector_load %arg5[%swap3A_240, %swap3A_241] {strides = array<i32>} : memref<512x128xf32, #tpu.memory_space<vmem>>, vector<16xf32>,
      tpu.vector_store %arg5[%swap3A_240, %swap3A_241], %broadcast_in_dim3A_50 {strides = array<i32>} : memref<512x128xf32, #tpu.memory_space<vmem>>, vector<16xf32>,
      %swap3A_243 = arith.index_cast %add3A_225 : i32 to index
      %swap3A_244 = arith.constant 96 : index
      %swap3A_245 = tpu.vector_load %arg5[%swap3A_243, %swap3A_244] {strides = array<i32>} : memref<512x128xf32, #tpu.memory_space<vmem>>, vector<16xf32>,
      tpu.vector_store %arg5[%swap3A_243, %swap3A_244], %broadcast_in_dim3A_50 {strides = array<i32>} : memref<512x128xf32, #tpu.memory_space<vmem>>, vector<16xf32>,
      %swap3A_246 = arith.index_cast %add3A_225 : i32 to index
      %swap3A_247 = arith.constant 112 : index
      %swap3A_248 = tpu.vector_load %arg5[%swap3A_246, %swap3A_247] {strides = array<i32>} : memref<512x128xf32, #tpu.memory_space<vmem>>, vector<16xf32>,
      tpu.vector_store %arg5[%swap3A_246, %swap3A_247], %broadcast_in_dim3A_50 {strides = array<i32>} : memref<512x128xf32, #tpu.memory_space<vmem>>, vector<16xf32>,
    }
    %scan3A_77 = arith.constant 128 : i32
    %add3A_78 = arith.constant 0 : i32
    %add3A_79 = arith.addi %mul3A_2, %add3A_78 : i32
    %dma_start3A_80 = arith.constant 0 : i32
    %dma_start3A_81 = arith.constant 0 : i32
    %dma_start3A_82 = tpu.memref_slice %arg5[%dma_start3A_80, %dma_start3A_81] : memref<512x128xf32, #tpu.memory_space<vmem>> -> memref<128x128xf32, #tpu.memory_space<vmem>>
    %dma_start3A_83 = arith.constant 0 : i32
    %dma_start3A_84 = tpu.memref_slice %arg3[%add3A_79, %dma_start3A_83] : memref<16384x128xf32, #tpu.memory_space<hbm>> -> memref<128x128xf32, #tpu.memory_space<hbm>>
    %dma_start3A_85 = arith.constant 0 : i32
    %dma_start3A_86 = tpu.memref_slice %arg3[%add3A_79, %dma_start3A_85] : memref<16384x128xf32, #tpu.memory_space<hbm>> -> memref<128x128xf32, #tpu.memory_space<hbm>>
    %dma_start3A_87 = arith.constant 0 : i32
    %dma_start3A_88 = arith.constant 0 : i32
    %dma_start3A_89 = tpu.memref_slice %arg5[%dma_start3A_87, %dma_start3A_88] : memref<512x128xf32, #tpu.memory_space<vmem>> -> memref<128x128xf32, #tpu.memory_space<vmem>>
    tpu.enqueue_dma source(%dma_start3A_89 : memref<128x128xf32, #tpu.memory_space<vmem>>) target(%dma_start3A_86 : memref<128x128xf32, #tpu.memory_space<hbm>>) target_semaphore(%arg10 : memref<!tpu.dma_semaphore, #tpu.memory_space<semaphore_mem>>)
    %dma_wait3A_90 = arith.constant 128 : i32
    %dma_wait3A_91 = arith.constant 0 : i32
    %dma_wait3A_92 = tpu.memref_slice %arg4[%dma_wait3A_90, %dma_wait3A_91] : memref<512x20xi32, #tpu.memory_space<vmem>> -> memref<128x20xi32, #tpu.memory_space<vmem>>
    %dma_wait3A_93 = arith.constant 0 : i32
    %dma_wait3A_94 = tpu.memref_slice %arg2[%add3A_15, %dma_wait3A_93] : memref<16384x20xi32, #tpu.memory_space<hbm>> -> memref<128x20xi32, #tpu.memory_space<hbm>>
    %dma_wait3A_95 = arith.constant 128 : i32
    %dma_wait3A_96 = arith.constant 0 : i32
    %dma_wait3A_97 = tpu.memref_slice %arg4[%dma_wait3A_95, %dma_wait3A_96] : memref<512x20xi32, #tpu.memory_space<vmem>> -> memref<128x20xi32, #tpu.memory_space<vmem>>
    %dma_wait3A_98 = arith.constant 0 : i32
    %dma_wait3A_99 = tpu.memref_slice %arg2[%add3A_15, %dma_wait3A_98] : memref<16384x20xi32, #tpu.memory_space<hbm>> -> memref<128x20xi32, #tpu.memory_space<hbm>>
    tpu.wait_dma2 semaphore(%arg7 : memref<!tpu.dma_semaphore, #tpu.memory_space<semaphore_mem>>) src(%dma_wait3A_99 : memref<128x20xi32, #tpu.memory_space<hbm>>) dst(%dma_wait3A_97 : memref<128x20xi32, #tpu.memory_space<vmem>>)
    %scan3A_100 = arith.constant 0 : i32
    %scan3A_101 = arith.constant 2 : i32
    %scan3A_102 = arith.addi %scan3A_100, %scan3A_101 : i32
    %scan3A_103 = arith.constant 1 : i32
    scf.for %scan3A_221 = %scan3A_100 to %scan3A_102 step %scan3A_103  : i32 {
      %mul3A_222 = arith.constant 4 : i32
      %mul3A_223 = arith.muli %scan3A_221, %mul3A_222 : i32
      %add3A_224 = arith.constant 8 : i32
      %add3A_225 = arith.addi %add3A_224, %mul3A_223 : i32
      %mul3A_226 = arith.constant 16 : i32
      %mul3A_227 = arith.muli %add3A_225, %mul3A_226 : i32
      %add3A_228 = arith.constant 0 : i32
      %add3A_229 = arith.addi %mul3A_227, %add3A_228 : i32
      %add3A_230 = vector.broadcast %add3A_229 : i32 to vector<16xi32>
      %add3A_231 = arith.addi %add3A_230, %iota3A : vector<16xi32>
      %mul3A_232 = arith.constant 16 : i32
      %mul3A_233 = arith.muli %add3A_225, %mul3A_232 : i32
      %add3A_234 = arith.constant 16 : i32
      %add3A_235 = arith.addi %mul3A_233, %add3A_234 : i32
      %add3A_236 = vector.broadcast %add3A_235 : i32 to vector<16xi32>
      %add3A_237 = arith.addi %add3A_236, %iota3A : vector<16xi32>
      %mul3A_238 = arith.constant 16 : i32
      %mul3A_239 = arith.muli %add3A_225, %mul3A_238 : i32
      %add3A_240 = arith.constant 32 : i32
      %add3A_241 = arith.addi %mul3A_239, %add3A_240 : i32
      %add3A_242 = vector.broadcast %add3A_241 : i32 to vector<16xi32>
      %add3A_243 = arith.addi %add3A_242, %iota3A : vector<16xi32>
      %mul3A_244 = arith.constant 16 : i32
      %mul3A_245 = arith.muli %add3A_225, %mul3A_244 : i32
      %add3A_246 = arith.constant 48 : i32
      %add3A_247 = arith.addi %mul3A_245, %add3A_246 : i32
      %add3A_248 = vector.broadcast %add3A_247 : i32 to vector<16xi32>
      %add3A_249 = arith.addi %add3A_248, %iota3A : vector<16xi32>
      %add3A_250 = arith.constant 0 : i32
      %add3A_251 = vector.broadcast %add3A_250 : i32 to vector<16xi32>
      %add3A_252 = arith.addi %broadcast_in_dim3A_52, %add3A_251 : vector<16xi32>
      %gather3A = tpu.vector_load_idx %arg4[%add3A_231, %add3A_252] : memref<512x20xi32, #tpu.memory_space<vmem>>[vector<16xi32>, vector<16xi32>], vector<16xi32>,
      %gather3A_253 = tpu.vector_load_idx %arg4[%add3A_237, %add3A_252] : memref<512x20xi32, #tpu.memory_space<vmem>>[vector<16xi32>, vector<16xi32>], vector<16xi32>,
      %gather3A_254 = tpu.vector_load_idx %arg4[%add3A_243, %add3A_252] : memref<512x20xi32, #tpu.memory_space<vmem>>[vector<16xi32>, vector<16xi32>], vector<16xi32>,
      %gather3A_255 = tpu.vector_load_idx %arg4[%add3A_249, %add3A_252] : memref<512x20xi32, #tpu.memory_space<vmem>>[vector<16xi32>, vector<16xi32>], vector<16xi32>,
      tpu.vector_store_idx %arg5[%add3A_231, %gather3A], %broadcast_in_dim3A_54 {add = true} : memref<512x128xf32, #tpu.memory_space<vmem>>[vector<16xi32>, vector<16xi32>], vector<16xf32>,
      tpu.vector_store_idx %arg5[%add3A_237, %gather3A_253], %broadcast_in_dim3A_54 {add = true} : memref<512x128xf32, #tpu.memory_space<vmem>>[vector<16xi32>, vector<16xi32>], vector<16xf32>,
      tpu.vector_store_idx %arg5[%add3A_243, %gather3A_254], %broadcast_in_dim3A_54 {add = true} : memref<512x128xf32, #tpu.memory_space<vmem>>[vector<16xi32>, vector<16xi32>], vector<16xf32>,
      tpu.vector_store_idx %arg5[%add3A_249, %gather3A_255], %broadcast_in_dim3A_54 {add = true} : memref<512x128xf32, #tpu.memory_space<vmem>>[vector<16xi32>, vector<16xi32>], vector<16xf32>,
      %add3A_256 = arith.constant 1 : i32
      %add3A_257 = vector.broadcast %add3A_256 : i32 to vector<16xi32>
      %add3A_258 = arith.addi %broadcast_in_dim3A_52, %add3A_257 : vector<16xi32>
      %gather3A_259 = tpu.vector_load_idx %arg4[%add3A_231, %add3A_258] : memref<512x20xi32, #tpu.memory_space<vmem>>[vector<16xi32>, vector<16xi32>], vector<16xi32>,
      %gather3A_260 = tpu.vector_load_idx %arg4[%add3A_237, %add3A_258] : memref<512x20xi32, #tpu.memory_space<vmem>>[vector<16xi32>, vector<16xi32>], vector<16xi32>,
      %gather3A_261 = tpu.vector_load_idx %arg4[%add3A_243, %add3A_258] : memref<512x20xi32, #tpu.memory_space<vmem>>[vector<16xi32>, vector<16xi32>], vector<16xi32>,
      %gather3A_262 = tpu.vector_load_idx %arg4[%add3A_249, %add3A_258] : memref<512x20xi32, #tpu.memory_space<vmem>>[vector<16xi32>, vector<16xi32>], vector<16xi32>,
      tpu.vector_store_idx %arg5[%add3A_231, %gather3A_259], %broadcast_in_dim3A_54 {add = true} : memref<512x128xf32, #tpu.memory_space<vmem>>[vector<16xi32>, vector<16xi32>], vector<16xf32>,
      tpu.vector_store_idx %arg5[%add3A_237, %gather3A_260], %broadcast_in_dim3A_54 {add = true} : memref<512x128xf32, #tpu.memory_space<vmem>>[vector<16xi32>, vector<16xi32>], vector<16xf32>,
      tpu.vector_store_idx %arg5[%add3A_243, %gather3A_261], %broadcast_in_dim3A_54 {add = true} : memref<512x128xf32, #tpu.memory_space<vmem>>[vector<16xi32>, vector<16xi32>], vector<16xf32>,
      tpu.vector_store_idx %arg5[%add3A_249, %gather3A_262], %broadcast_in_dim3A_54 {add = true} : memref<512x128xf32, #tpu.memory_space<vmem>>[vector<16xi32>, vector<16xi32>], vector<16xf32>,
      %add3A_263 = arith.constant 2 : i32
      %add3A_264 = vector.broadcast %add3A_263 : i32 to vector<16xi32>
      %add3A_265 = arith.addi %broadcast_in_dim3A_52, %add3A_264 : vector<16xi32>
      %gather3A_266 = tpu.vector_load_idx %arg4[%add3A_231, %add3A_265] : memref<512x20xi32, #tpu.memory_space<vmem>>[vector<16xi32>, vector<16xi32>], vector<16xi32>,
      %gather3A_267 = tpu.vector_load_idx %arg4[%add3A_237, %add3A_265] : memref<512x20xi32, #tpu.memory_space<vmem>>[vector<16xi32>, vector<16xi32>], vector<16xi32>,
      %gather3A_268 = tpu.vector_load_idx %arg4[%add3A_243, %add3A_265] : memref<512x20xi32, #tpu.memory_space<vmem>>[vector<16xi32>, vector<16xi32>], vector<16xi32>,
      %gather3A_269 = tpu.vector_load_idx %arg4[%add3A_249, %add3A_265] : memref<512x20xi32, #tpu.memory_space<vmem>>[vector<16xi32>, vector<16xi32>], vector<16xi32>,
      tpu.vector_store_idx %arg5[%add3A_231, %gather3A_266], %broadcast_in_dim3A_54 {add = true} : memref<512x128xf32, #tpu.memory_space<vmem>>[vector<16xi32>, vector<16xi32>], vector<16xf32>,
      tpu.vector_store_idx %arg5[%add3A_237, %gather3A_267], %broadcast_in_dim3A_54 {add = true} : memref<512x128xf32, #tpu.memory_space<vmem>>[vector<16xi32>, vector<16xi32>], vector<16xf32>,
      tpu.vector_store_idx %arg5[%add3A_243, %gather3A_268], %broadcast_in_dim3A_54 {add = true} : memref<512x128xf32, #tpu.memory_space<vmem>>[vector<16xi32>, vector<16xi32>], vector<16xf32>,
      tpu.vector_store_idx %arg5[%add3A_249, %gather3A_269], %broadcast_in_dim3A_54 {add = true} : memref<512x128xf32, #tpu.memory_space<vmem>>[vector<16xi32>, vector<16xi32>], vector<16xf32>,
      %add3A_270 = arith.constant 3 : i32
      %add3A_271 = vector.broadcast %add3A_270 : i32 to vector<16xi32>
      %add3A_272 = arith.addi %broadcast_in_dim3A_52, %add3A_271 : vector<16xi32>
      %gather3A_273 = tpu.vector_load_idx %arg4[%add3A_231, %add3A_272] : memref<512x20xi32, #tpu.memory_space<vmem>>[vector<16xi32>, vector<16xi32>], vector<16xi32>,
      %gather3A_274 = tpu.vector_load_idx %arg4[%add3A_237, %add3A_272] : memref<512x20xi32, #tpu.memory_space<vmem>>[vector<16xi32>, vector<16xi32>], vector<16xi32>,
      %gather3A_275 = tpu.vector_load_idx %arg4[%add3A_243, %add3A_272] : memref<512x20xi32, #tpu.memory_space<vmem>>[vector<16xi32>, vector<16xi32>], vector<16xi32>,
      %gather3A_276 = tpu.vector_load_idx %arg4[%add3A_249, %add3A_272] : memref<512x20xi32, #tpu.memory_space<vmem>>[vector<16xi32>, vector<16xi32>], vector<16xi32>,
      tpu.vector_store_idx %arg5[%add3A_231, %gather3A_273], %broadcast_in_dim3A_54 {add = true} : memref<512x128xf32, #tpu.memory_space<vmem>>[vector<16xi32>, vector<16xi32>], vector<16xf32>,
      tpu.vector_store_idx %arg5[%add3A_237, %gather3A_274], %broadcast_in_dim3A_54 {add = true} : memref<512x128xf32, #tpu.memory_space<vmem>>[vector<16xi32>, vector<16xi32>], vector<16xf32>,
      tpu.vector_store_idx %arg5[%add3A_243, %gather3A_275], %broadcast_in_dim3A_54 {add = true} : memref<512x128xf32, #tpu.memory_space<vmem>>[vector<16xi32>, vector<16xi32>], vector<16xf32>,
      tpu.vector_store_idx %arg5[%add3A_249, %gather3A_276], %broadcast_in_dim3A_54 {add = true} : memref<512x128xf32, #tpu.memory_space<vmem>>[vector<16xi32>, vector<16xi32>], vector<16xf32>,
      %add3A_277 = arith.constant 4 : i32
      %add3A_278 = vector.broadcast %add3A_277 : i32 to vector<16xi32>
      %add3A_279 = arith.addi %broadcast_in_dim3A_52, %add3A_278 : vector<16xi32>
      %gather3A_280 = tpu.vector_load_idx %arg4[%add3A_231, %add3A_279] : memref<512x20xi32, #tpu.memory_space<vmem>>[vector<16xi32>, vector<16xi32>], vector<16xi32>,
      %gather3A_281 = tpu.vector_load_idx %arg4[%add3A_237, %add3A_279] : memref<512x20xi32, #tpu.memory_space<vmem>>[vector<16xi32>, vector<16xi32>], vector<16xi32>,
      %gather3A_282 = tpu.vector_load_idx %arg4[%add3A_243, %add3A_279] : memref<512x20xi32, #tpu.memory_space<vmem>>[vector<16xi32>, vector<16xi32>], vector<16xi32>,
      %gather3A_283 = tpu.vector_load_idx %arg4[%add3A_249, %add3A_279] : memref<512x20xi32, #tpu.memory_space<vmem>>[vector<16xi32>, vector<16xi32>], vector<16xi32>,
      tpu.vector_store_idx %arg5[%add3A_231, %gather3A_280], %broadcast_in_dim3A_54 {add = true} : memref<512x128xf32, #tpu.memory_space<vmem>>[vector<16xi32>, vector<16xi32>], vector<16xf32>,
      tpu.vector_store_idx %arg5[%add3A_237, %gather3A_281], %broadcast_in_dim3A_54 {add = true} : memref<512x128xf32, #tpu.memory_space<vmem>>[vector<16xi32>, vector<16xi32>], vector<16xf32>,
      tpu.vector_store_idx %arg5[%add3A_243, %gather3A_282], %broadcast_in_dim3A_54 {add = true} : memref<512x128xf32, #tpu.memory_space<vmem>>[vector<16xi32>, vector<16xi32>], vector<16xf32>,
      tpu.vector_store_idx %arg5[%add3A_249, %gather3A_283], %broadcast_in_dim3A_54 {add = true} : memref<512x128xf32, #tpu.memory_space<vmem>>[vector<16xi32>, vector<16xi32>], vector<16xf32>,
      %add3A_284 = arith.constant 5 : i32
      %add3A_285 = vector.broadcast %add3A_284 : i32 to vector<16xi32>
      %add3A_286 = arith.addi %broadcast_in_dim3A_52, %add3A_285 : vector<16xi32>
      %gather3A_287 = tpu.vector_load_idx %arg4[%add3A_231, %add3A_286] : memref<512x20xi32, #tpu.memory_space<vmem>>[vector<16xi32>, vector<16xi32>], vector<16xi32>,
      %gather3A_288 = tpu.vector_load_idx %arg4[%add3A_237, %add3A_286] : memref<512x20xi32, #tpu.memory_space<vmem>>[vector<16xi32>, vector<16xi32>], vector<16xi32>,
      %gather3A_289 = tpu.vector_load_idx %arg4[%add3A_243, %add3A_286] : memref<512x20xi32, #tpu.memory_space<vmem>>[vector<16xi32>, vector<16xi32>], vector<16xi32>,
      %gather3A_290 = tpu.vector_load_idx %arg4[%add3A_249, %add3A_286] : memref<512x20xi32, #tpu.memory_space<vmem>>[vector<16xi32>, vector<16xi32>], vector<16xi32>,
      tpu.vector_store_idx %arg5[%add3A_231, %gather3A_287], %broadcast_in_dim3A_54 {add = true} : memref<512x128xf32, #tpu.memory_space<vmem>>[vector<16xi32>, vector<16xi32>], vector<16xf32>,
      tpu.vector_store_idx %arg5[%add3A_237, %gather3A_288], %broadcast_in_dim3A_54 {add = true} : memref<512x128xf32, #tpu.memory_space<vmem>>[vector<16xi32>, vector<16xi32>], vector<16xf32>,
      tpu.vector_store_idx %arg5[%add3A_243, %gather3A_289], %broadcast_in_dim3A_54 {add = true} : memref<512x128xf32, #tpu.memory_space<vmem>>[vector<16xi32>, vector<16xi32>], vector<16xf32>,
      tpu.vector_store_idx %arg5[%add3A_249, %gather3A_290], %broadcast_in_dim3A_54 {add = true} : memref<512x128xf32, #tpu.memory_space<vmem>>[vector<16xi32>, vector<16xi32>], vector<16xf32>,
      %add3A_291 = arith.constant 6 : i32
      %add3A_292 = vector.broadcast %add3A_291 : i32 to vector<16xi32>
      %add3A_293 = arith.addi %broadcast_in_dim3A_52, %add3A_292 : vector<16xi32>
      %gather3A_294 = tpu.vector_load_idx %arg4[%add3A_231, %add3A_293] : memref<512x20xi32, #tpu.memory_space<vmem>>[vector<16xi32>, vector<16xi32>], vector<16xi32>,
      %gather3A_295 = tpu.vector_load_idx %arg4[%add3A_237, %add3A_293] : memref<512x20xi32, #tpu.memory_space<vmem>>[vector<16xi32>, vector<16xi32>], vector<16xi32>,
      %gather3A_296 = tpu.vector_load_idx %arg4[%add3A_243, %add3A_293] : memref<512x20xi32, #tpu.memory_space<vmem>>[vector<16xi32>, vector<16xi32>], vector<16xi32>,
      %gather3A_297 = tpu.vector_load_idx %arg4[%add3A_249, %add3A_293] : memref<512x20xi32, #tpu.memory_space<vmem>>[vector<16xi32>, vector<16xi32>], vector<16xi32>,
      tpu.vector_store_idx %arg5[%add3A_231, %gather3A_294], %broadcast_in_dim3A_54 {add = true} : memref<512x128xf32, #tpu.memory_space<vmem>>[vector<16xi32>, vector<16xi32>], vector<16xf32>,
      tpu.vector_store_idx %arg5[%add3A_237, %gather3A_295], %broadcast_in_dim3A_54 {add = true} : memref<512x128xf32, #tpu.memory_space<vmem>>[vector<16xi32>, vector<16xi32>], vector<16xf32>,
      tpu.vector_store_idx %arg5[%add3A_243, %gather3A_296], %broadcast_in_dim3A_54 {add = true} : memref<512x128xf32, #tpu.memory_space<vmem>>[vector<16xi32>, vector<16xi32>], vector<16xf32>,
      tpu.vector_store_idx %arg5[%add3A_249, %gather3A_297], %broadcast_in_dim3A_54 {add = true} : memref<512x128xf32, #tpu.memory_space<vmem>>[vector<16xi32>, vector<16xi32>], vector<16xf32>,
      %add3A_298 = arith.constant 7 : i32
      %add3A_299 = vector.broadcast %add3A_298 : i32 to vector<16xi32>
      %add3A_300 = arith.addi %broadcast_in_dim3A_52, %add3A_299 : vector<16xi32>
      %gather3A_301 = tpu.vector_load_idx %arg4[%add3A_231, %add3A_300] : memref<512x20xi32, #tpu.memory_space<vmem>>[vector<16xi32>, vector<16xi32>], vector<16xi32>,
      %gather3A_302 = tpu.vector_load_idx %arg4[%add3A_237, %add3A_300] : memref<512x20xi32, #tpu.memory_space<vmem>>[vector<16xi32>, vector<16xi32>], vector<16xi32>,
      %gather3A_303 = tpu.vector_load_idx %arg4[%add3A_243, %add3A_300] : memref<512x20xi32, #tpu.memory_space<vmem>>[vector<16xi32>, vector<16xi32>], vector<16xi32>,
      %gather3A_304 = tpu.vector_load_idx %arg4[%add3A_249, %add3A_300] : memref<512x20xi32, #tpu.memory_space<vmem>>[vector<16xi32>, vector<16xi32>], vector<16xi32>,
      tpu.vector_store_idx %arg5[%add3A_231, %gather3A_301], %broadcast_in_dim3A_54 {add = true} : memref<512x128xf32, #tpu.memory_space<vmem>>[vector<16xi32>, vector<16xi32>], vector<16xf32>,
      tpu.vector_store_idx %arg5[%add3A_237, %gather3A_302], %broadcast_in_dim3A_54 {add = true} : memref<512x128xf32, #tpu.memory_space<vmem>>[vector<16xi32>, vector<16xi32>], vector<16xf32>,
      tpu.vector_store_idx %arg5[%add3A_243, %gather3A_303], %broadcast_in_dim3A_54 {add = true} : memref<512x128xf32, #tpu.memory_space<vmem>>[vector<16xi32>, vector<16xi32>], vector<16xf32>,
      tpu.vector_store_idx %arg5[%add3A_249, %gather3A_304], %broadcast_in_dim3A_54 {add = true} : memref<512x128xf32, #tpu.memory_space<vmem>>[vector<16xi32>, vector<16xi32>], vector<16xf32>,
      %add3A_305 = arith.constant 8 : i32
      %add3A_306 = vector.broadcast %add3A_305 : i32 to vector<16xi32>
      %add3A_307 = arith.addi %broadcast_in_dim3A_52, %add3A_306 : vector<16xi32>
      %gather3A_308 = tpu.vector_load_idx %arg4[%add3A_231, %add3A_307] : memref<512x20xi32, #tpu.memory_space<vmem>>[vector<16xi32>, vector<16xi32>], vector<16xi32>,
      %gather3A_309 = tpu.vector_load_idx %arg4[%add3A_237, %add3A_307] : memref<512x20xi32, #tpu.memory_space<vmem>>[vector<16xi32>, vector<16xi32>], vector<16xi32>,
      %gather3A_310 = tpu.vector_load_idx %arg4[%add3A_243, %add3A_307] : memref<512x20xi32, #tpu.memory_space<vmem>>[vector<16xi32>, vector<16xi32>], vector<16xi32>,
      %gather3A_311 = tpu.vector_load_idx %arg4[%add3A_249, %add3A_307] : memref<512x20xi32, #tpu.memory_space<vmem>>[vector<16xi32>, vector<16xi32>], vector<16xi32>,
      tpu.vector_store_idx %arg5[%add3A_231, %gather3A_308], %broadcast_in_dim3A_54 {add = true} : memref<512x128xf32, #tpu.memory_space<vmem>>[vector<16xi32>, vector<16xi32>], vector<16xf32>,
      tpu.vector_store_idx %arg5[%add3A_237, %gather3A_309], %broadcast_in_dim3A_54 {add = true} : memref<512x128xf32, #tpu.memory_space<vmem>>[vector<16xi32>, vector<16xi32>], vector<16xf32>,
      tpu.vector_store_idx %arg5[%add3A_243, %gather3A_310], %broadcast_in_dim3A_54 {add = true} : memref<512x128xf32, #tpu.memory_space<vmem>>[vector<16xi32>, vector<16xi32>], vector<16xf32>,
      tpu.vector_store_idx %arg5[%add3A_249, %gather3A_311], %broadcast_in_dim3A_54 {add = true} : memref<512x128xf32, #tpu.memory_space<vmem>>[vector<16xi32>, vector<16xi32>], vector<16xf32>,
      %add3A_312 = arith.constant 9 : i32
      %add3A_313 = vector.broadcast %add3A_312 : i32 to vector<16xi32>
      %add3A_314 = arith.addi %broadcast_in_dim3A_52, %add3A_313 : vector<16xi32>
      %gather3A_315 = tpu.vector_load_idx %arg4[%add3A_231, %add3A_314] : memref<512x20xi32, #tpu.memory_space<vmem>>[vector<16xi32>, vector<16xi32>], vector<16xi32>,
      %gather3A_316 = tpu.vector_load_idx %arg4[%add3A_237, %add3A_314] : memref<512x20xi32, #tpu.memory_space<vmem>>[vector<16xi32>, vector<16xi32>], vector<16xi32>,
      %gather3A_317 = tpu.vector_load_idx %arg4[%add3A_243, %add3A_314] : memref<512x20xi32, #tpu.memory_space<vmem>>[vector<16xi32>, vector<16xi32>], vector<16xi32>,
      %gather3A_318 = tpu.vector_load_idx %arg4[%add3A_249, %add3A_314] : memref<512x20xi32, #tpu.memory_space<vmem>>[vector<16xi32>, vector<16xi32>], vector<16xi32>,
      tpu.vector_store_idx %arg5[%add3A_231, %gather3A_315], %broadcast_in_dim3A_54 {add = true} : memref<512x128xf32, #tpu.memory_space<vmem>>[vector<16xi32>, vector<16xi32>], vector<16xf32>,
      tpu.vector_store_idx %arg5[%add3A_237, %gather3A_316], %broadcast_in_dim3A_54 {add = true} : memref<512x128xf32, #tpu.memory_space<vmem>>[vector<16xi32>, vector<16xi32>], vector<16xf32>,
      tpu.vector_store_idx %arg5[%add3A_243, %gather3A_317], %broadcast_in_dim3A_54 {add = true} : memref<512x128xf32, #tpu.memory_space<vmem>>[vector<16xi32>, vector<16xi32>], vector<16xf32>,
      tpu.vector_store_idx %arg5[%add3A_249, %gather3A_318], %broadcast_in_dim3A_54 {add = true} : memref<512x128xf32, #tpu.memory_space<vmem>>[vector<16xi32>, vector<16xi32>], vector<16xf32>,
      %add3A_319 = arith.constant 10 : i32
      %add3A_320 = vector.broadcast %add3A_319 : i32 to vector<16xi32>
      %add3A_321 = arith.addi %broadcast_in_dim3A_52, %add3A_320 : vector<16xi32>
      %gather3A_322 = tpu.vector_load_idx %arg4[%add3A_231, %add3A_321] : memref<512x20xi32, #tpu.memory_space<vmem>>[vector<16xi32>, vector<16xi32>], vector<16xi32>,
      %gather3A_323 = tpu.vector_load_idx %arg4[%add3A_237, %add3A_321] : memref<512x20xi32, #tpu.memory_space<vmem>>[vector<16xi32>, vector<16xi32>], vector<16xi32>,
      %gather3A_324 = tpu.vector_load_idx %arg4[%add3A_243, %add3A_321] : memref<512x20xi32, #tpu.memory_space<vmem>>[vector<16xi32>, vector<16xi32>], vector<16xi32>,
      %gather3A_325 = tpu.vector_load_idx %arg4[%add3A_249, %add3A_321] : memref<512x20xi32, #tpu.memory_space<vmem>>[vector<16xi32>, vector<16xi32>], vector<16xi32>,
      tpu.vector_store_idx %arg5[%add3A_231, %gather3A_322], %broadcast_in_dim3A_54 {add = true} : memref<512x128xf32, #tpu.memory_space<vmem>>[vector<16xi32>, vector<16xi32>], vector<16xf32>,
      tpu.vector_store_idx %arg5[%add3A_237, %gather3A_323], %broadcast_in_dim3A_54 {add = true} : memref<512x128xf32, #tpu.memory_space<vmem>>[vector<16xi32>, vector<16xi32>], vector<16xf32>,
      tpu.vector_store_idx %arg5[%add3A_243, %gather3A_324], %broadcast_in_dim3A_54 {add = true} : memref<512x128xf32, #tpu.memory_space<vmem>>[vector<16xi32>, vector<16xi32>], vector<16xf32>,
      tpu.vector_store_idx %arg5[%add3A_249, %gather3A_325], %broadcast_in_dim3A_54 {add = true} : memref<512x128xf32, #tpu.memory_space<vmem>>[vector<16xi32>, vector<16xi32>], vector<16xf32>,
      %add3A_326 = arith.constant 11 : i32
      %add3A_327 = vector.broadcast %add3A_326 : i32 to vector<16xi32>
      %add3A_328 = arith.addi %broadcast_in_dim3A_52, %add3A_327 : vector<16xi32>
      %gather3A_329 = tpu.vector_load_idx %arg4[%add3A_231, %add3A_328] : memref<512x20xi32, #tpu.memory_space<vmem>>[vector<16xi32>, vector<16xi32>], vector<16xi32>,
      %gather3A_330 = tpu.vector_load_idx %arg4[%add3A_237, %add3A_328] : memref<512x20xi32, #tpu.memory_space<vmem>>[vector<16xi32>, vector<16xi32>], vector<16xi32>,
      %gather3A_331 = tpu.vector_load_idx %arg4[%add3A_243, %add3A_328] : memref<512x20xi32, #tpu.memory_space<vmem>>[vector<16xi32>, vector<16xi32>], vector<16xi32>,
      %gather3A_332 = tpu.vector_load_idx %arg4[%add3A_249, %add3A_328] : memref<512x20xi32, #tpu.memory_space<vmem>>[vector<16xi32>, vector<16xi32>], vector<16xi32>,
      tpu.vector_store_idx %arg5[%add3A_231, %gather3A_329], %broadcast_in_dim3A_54 {add = true} : memref<512x128xf32, #tpu.memory_space<vmem>>[vector<16xi32>, vector<16xi32>], vector<16xf32>,
      tpu.vector_store_idx %arg5[%add3A_237, %gather3A_330], %broadcast_in_dim3A_54 {add = true} : memref<512x128xf32, #tpu.memory_space<vmem>>[vector<16xi32>, vector<16xi32>], vector<16xf32>,
      tpu.vector_store_idx %arg5[%add3A_243, %gather3A_331], %broadcast_in_dim3A_54 {add = true} : memref<512x128xf32, #tpu.memory_space<vmem>>[vector<16xi32>, vector<16xi32>], vector<16xf32>,
      tpu.vector_store_idx %arg5[%add3A_249, %gather3A_332], %broadcast_in_dim3A_54 {add = true} : memref<512x128xf32, #tpu.memory_space<vmem>>[vector<16xi32>, vector<16xi32>], vector<16xf32>,
      %add3A_333 = arith.constant 12 : i32
      %add3A_334 = vector.broadcast %add3A_333 : i32 to vector<16xi32>
      %add3A_335 = arith.addi %broadcast_in_dim3A_52, %add3A_334 : vector<16xi32>
      %gather3A_336 = tpu.vector_load_idx %arg4[%add3A_231, %add3A_335] : memref<512x20xi32, #tpu.memory_space<vmem>>[vector<16xi32>, vector<16xi32>], vector<16xi32>,
      %gather3A_337 = tpu.vector_load_idx %arg4[%add3A_237, %add3A_335] : memref<512x20xi32, #tpu.memory_space<vmem>>[vector<16xi32>, vector<16xi32>], vector<16xi32>,
      %gather3A_338 = tpu.vector_load_idx %arg4[%add3A_243, %add3A_335] : memref<512x20xi32, #tpu.memory_space<vmem>>[vector<16xi32>, vector<16xi32>], vector<16xi32>,
      %gather3A_339 = tpu.vector_load_idx %arg4[%add3A_249, %add3A_335] : memref<512x20xi32, #tpu.memory_space<vmem>>[vector<16xi32>, vector<16xi32>], vector<16xi32>,
      tpu.vector_store_idx %arg5[%add3A_231, %gather3A_336], %broadcast_in_dim3A_54 {add = true} : memref<512x128xf32, #tpu.memory_space<vmem>>[vector<16xi32>, vector<16xi32>], vector<16xf32>,
      tpu.vector_store_idx %arg5[%add3A_237, %gather3A_337], %broadcast_in_dim3A_54 {add = true} : memref<512x128xf32, #tpu.memory_space<vmem>>[vector<16xi32>, vector<16xi32>], vector<16xf32>,
      tpu.vector_store_idx %arg5[%add3A_243, %gather3A_338], %broadcast_in_dim3A_54 {add = true} : memref<512x128xf32, #tpu.memory_space<vmem>>[vector<16xi32>, vector<16xi32>], vector<16xf32>,
      tpu.vector_store_idx %arg5[%add3A_249, %gather3A_339], %broadcast_in_dim3A_54 {add = true} : memref<512x128xf32, #tpu.memory_space<vmem>>[vector<16xi32>, vector<16xi32>], vector<16xf32>,
      %add3A_340 = arith.constant 13 : i32
      %add3A_341 = vector.broadcast %add3A_340 : i32 to vector<16xi32>
      %add3A_342 = arith.addi %broadcast_in_dim3A_52, %add3A_341 : vector<16xi32>
      %gather3A_343 = tpu.vector_load_idx %arg4[%add3A_231, %add3A_342] : memref<512x20xi32, #tpu.memory_space<vmem>>[vector<16xi32>, vector<16xi32>], vector<16xi32>,
      %gather3A_344 = tpu.vector_load_idx %arg4[%add3A_237, %add3A_342] : memref<512x20xi32, #tpu.memory_space<vmem>>[vector<16xi32>, vector<16xi32>], vector<16xi32>,
      %gather3A_345 = tpu.vector_load_idx %arg4[%add3A_243, %add3A_342] : memref<512x20xi32, #tpu.memory_space<vmem>>[vector<16xi32>, vector<16xi32>], vector<16xi32>,
      %gather3A_346 = tpu.vector_load_idx %arg4[%add3A_249, %add3A_342] : memref<512x20xi32, #tpu.memory_space<vmem>>[vector<16xi32>, vector<16xi32>], vector<16xi32>,
      tpu.vector_store_idx %arg5[%add3A_231, %gather3A_343], %broadcast_in_dim3A_54 {add = true} : memref<512x128xf32, #tpu.memory_space<vmem>>[vector<16xi32>, vector<16xi32>], vector<16xf32>,
      tpu.vector_store_idx %arg5[%add3A_237, %gather3A_344], %broadcast_in_dim3A_54 {add = true} : memref<512x128xf32, #tpu.memory_space<vmem>>[vector<16xi32>, vector<16xi32>], vector<16xf32>,
      tpu.vector_store_idx %arg5[%add3A_243, %gather3A_345], %broadcast_in_dim3A_54 {add = true} : memref<512x128xf32, #tpu.memory_space<vmem>>[vector<16xi32>, vector<16xi32>], vector<16xf32>,
      tpu.vector_store_idx %arg5[%add3A_249, %gather3A_346], %broadcast_in_dim3A_54 {add = true} : memref<512x128xf32, #tpu.memory_space<vmem>>[vector<16xi32>, vector<16xi32>], vector<16xf32>,
      %add3A_347 = arith.constant 14 : i32
      %add3A_348 = vector.broadcast %add3A_347 : i32 to vector<16xi32>
      %add3A_349 = arith.addi %broadcast_in_dim3A_52, %add3A_348 : vector<16xi32>
      %gather3A_350 = tpu.vector_load_idx %arg4[%add3A_231, %add3A_349] : memref<512x20xi32, #tpu.memory_space<vmem>>[vector<16xi32>, vector<16xi32>], vector<16xi32>,
      %gather3A_351 = tpu.vector_load_idx %arg4[%add3A_237, %add3A_349] : memref<512x20xi32, #tpu.memory_space<vmem>>[vector<16xi32>, vector<16xi32>], vector<16xi32>,
      %gather3A_352 = tpu.vector_load_idx %arg4[%add3A_243, %add3A_349] : memref<512x20xi32, #tpu.memory_space<vmem>>[vector<16xi32>, vector<16xi32>], vector<16xi32>,
      %gather3A_353 = tpu.vector_load_idx %arg4[%add3A_249, %add3A_349] : memref<512x20xi32, #tpu.memory_space<vmem>>[vector<16xi32>, vector<16xi32>], vector<16xi32>,
      tpu.vector_store_idx %arg5[%add3A_231, %gather3A_350], %broadcast_in_dim3A_54 {add = true} : memref<512x128xf32, #tpu.memory_space<vmem>>[vector<16xi32>, vector<16xi32>], vector<16xf32>,
      tpu.vector_store_idx %arg5[%add3A_237, %gather3A_351], %broadcast_in_dim3A_54 {add = true} : memref<512x128xf32, #tpu.memory_space<vmem>>[vector<16xi32>, vector<16xi32>], vector<16xf32>,
      tpu.vector_store_idx %arg5[%add3A_243, %gather3A_352], %broadcast_in_dim3A_54 {add = true} : memref<512x128xf32, #tpu.memory_space<vmem>>[vector<16xi32>, vector<16xi32>], vector<16xf32>,
      tpu.vector_store_idx %arg5[%add3A_249, %gather3A_353], %broadcast_in_dim3A_54 {add = true} : memref<512x128xf32, #tpu.memory_space<vmem>>[vector<16xi32>, vector<16xi32>], vector<16xf32>,
      %add3A_354 = arith.constant 15 : i32
      %add3A_355 = vector.broadcast %add3A_354 : i32 to vector<16xi32>
      %add3A_356 = arith.addi %broadcast_in_dim3A_52, %add3A_355 : vector<16xi32>
      %gather3A_357 = tpu.vector_load_idx %arg4[%add3A_231, %add3A_356] : memref<512x20xi32, #tpu.memory_space<vmem>>[vector<16xi32>, vector<16xi32>], vector<16xi32>,
      %gather3A_358 = tpu.vector_load_idx %arg4[%add3A_237, %add3A_356] : memref<512x20xi32, #tpu.memory_space<vmem>>[vector<16xi32>, vector<16xi32>], vector<16xi32>,
      %gather3A_359 = tpu.vector_load_idx %arg4[%add3A_243, %add3A_356] : memref<512x20xi32, #tpu.memory_space<vmem>>[vector<16xi32>, vector<16xi32>], vector<16xi32>,
      %gather3A_360 = tpu.vector_load_idx %arg4[%add3A_249, %add3A_356] : memref<512x20xi32, #tpu.memory_space<vmem>>[vector<16xi32>, vector<16xi32>], vector<16xi32>,
      tpu.vector_store_idx %arg5[%add3A_231, %gather3A_357], %broadcast_in_dim3A_54 {add = true} : memref<512x128xf32, #tpu.memory_space<vmem>>[vector<16xi32>, vector<16xi32>], vector<16xf32>,
      tpu.vector_store_idx %arg5[%add3A_237, %gather3A_358], %broadcast_in_dim3A_54 {add = true} : memref<512x128xf32, #tpu.memory_space<vmem>>[vector<16xi32>, vector<16xi32>], vector<16xf32>,
      tpu.vector_store_idx %arg5[%add3A_243, %gather3A_359], %broadcast_in_dim3A_54 {add = true} : memref<512x128xf32, #tpu.memory_space<vmem>>[vector<16xi32>, vector<16xi32>], vector<16xf32>,
      tpu.vector_store_idx %arg5[%add3A_249, %gather3A_360], %broadcast_in_dim3A_54 {add = true} : memref<512x128xf32, #tpu.memory_space<vmem>>[vector<16xi32>, vector<16xi32>], vector<16xf32>,
      %add3A_361 = arith.constant 16 : i32
      %add3A_362 = vector.broadcast %add3A_361 : i32 to vector<16xi32>
      %add3A_363 = arith.addi %broadcast_in_dim3A_52, %add3A_362 : vector<16xi32>
      %gather3A_364 = tpu.vector_load_idx %arg4[%add3A_231, %add3A_363] : memref<512x20xi32, #tpu.memory_space<vmem>>[vector<16xi32>, vector<16xi32>], vector<16xi32>,
      %gather3A_365 = tpu.vector_load_idx %arg4[%add3A_237, %add3A_363] : memref<512x20xi32, #tpu.memory_space<vmem>>[vector<16xi32>, vector<16xi32>], vector<16xi32>,
      %gather3A_366 = tpu.vector_load_idx %arg4[%add3A_243, %add3A_363] : memref<512x20xi32, #tpu.memory_space<vmem>>[vector<16xi32>, vector<16xi32>], vector<16xi32>,
      %gather3A_367 = tpu.vector_load_idx %arg4[%add3A_249, %add3A_363] : memref<512x20xi32, #tpu.memory_space<vmem>>[vector<16xi32>, vector<16xi32>], vector<16xi32>,
      tpu.vector_store_idx %arg5[%add3A_231, %gather3A_364], %broadcast_in_dim3A_54 {add = true} : memref<512x128xf32, #tpu.memory_space<vmem>>[vector<16xi32>, vector<16xi32>], vector<16xf32>,
      tpu.vector_store_idx %arg5[%add3A_237, %gather3A_365], %broadcast_in_dim3A_54 {add = true} : memref<512x128xf32, #tpu.memory_space<vmem>>[vector<16xi32>, vector<16xi32>], vector<16xf32>,
      tpu.vector_store_idx %arg5[%add3A_243, %gather3A_366], %broadcast_in_dim3A_54 {add = true} : memref<512x128xf32, #tpu.memory_space<vmem>>[vector<16xi32>, vector<16xi32>], vector<16xf32>,
      tpu.vector_store_idx %arg5[%add3A_249, %gather3A_367], %broadcast_in_dim3A_54 {add = true} : memref<512x128xf32, #tpu.memory_space<vmem>>[vector<16xi32>, vector<16xi32>], vector<16xf32>,
      %add3A_368 = arith.constant 17 : i32
      %add3A_369 = vector.broadcast %add3A_368 : i32 to vector<16xi32>
      %add3A_370 = arith.addi %broadcast_in_dim3A_52, %add3A_369 : vector<16xi32>
      %gather3A_371 = tpu.vector_load_idx %arg4[%add3A_231, %add3A_370] : memref<512x20xi32, #tpu.memory_space<vmem>>[vector<16xi32>, vector<16xi32>], vector<16xi32>,
      %gather3A_372 = tpu.vector_load_idx %arg4[%add3A_237, %add3A_370] : memref<512x20xi32, #tpu.memory_space<vmem>>[vector<16xi32>, vector<16xi32>], vector<16xi32>,
      %gather3A_373 = tpu.vector_load_idx %arg4[%add3A_243, %add3A_370] : memref<512x20xi32, #tpu.memory_space<vmem>>[vector<16xi32>, vector<16xi32>], vector<16xi32>,
      %gather3A_374 = tpu.vector_load_idx %arg4[%add3A_249, %add3A_370] : memref<512x20xi32, #tpu.memory_space<vmem>>[vector<16xi32>, vector<16xi32>], vector<16xi32>,
      tpu.vector_store_idx %arg5[%add3A_231, %gather3A_371], %broadcast_in_dim3A_54 {add = true} : memref<512x128xf32, #tpu.memory_space<vmem>>[vector<16xi32>, vector<16xi32>], vector<16xf32>,
      tpu.vector_store_idx %arg5[%add3A_237, %gather3A_372], %broadcast_in_dim3A_54 {add = true} : memref<512x128xf32, #tpu.memory_space<vmem>>[vector<16xi32>, vector<16xi32>], vector<16xf32>,
      tpu.vector_store_idx %arg5[%add3A_243, %gather3A_373], %broadcast_in_dim3A_54 {add = true} : memref<512x128xf32, #tpu.memory_space<vmem>>[vector<16xi32>, vector<16xi32>], vector<16xf32>,
      tpu.vector_store_idx %arg5[%add3A_249, %gather3A_374], %broadcast_in_dim3A_54 {add = true} : memref<512x128xf32, #tpu.memory_space<vmem>>[vector<16xi32>, vector<16xi32>], vector<16xf32>,
      %add3A_375 = arith.constant 18 : i32
      %add3A_376 = vector.broadcast %add3A_375 : i32 to vector<16xi32>
      %add3A_377 = arith.addi %broadcast_in_dim3A_52, %add3A_376 : vector<16xi32>
      %gather3A_378 = tpu.vector_load_idx %arg4[%add3A_231, %add3A_377] : memref<512x20xi32, #tpu.memory_space<vmem>>[vector<16xi32>, vector<16xi32>], vector<16xi32>,
      %gather3A_379 = tpu.vector_load_idx %arg4[%add3A_237, %add3A_377] : memref<512x20xi32, #tpu.memory_space<vmem>>[vector<16xi32>, vector<16xi32>], vector<16xi32>,
      %gather3A_380 = tpu.vector_load_idx %arg4[%add3A_243, %add3A_377] : memref<512x20xi32, #tpu.memory_space<vmem>>[vector<16xi32>, vector<16xi32>], vector<16xi32>,
      %gather3A_381 = tpu.vector_load_idx %arg4[%add3A_249, %add3A_377] : memref<512x20xi32, #tpu.memory_space<vmem>>[vector<16xi32>, vector<16xi32>], vector<16xi32>,
      tpu.vector_store_idx %arg5[%add3A_231, %gather3A_378], %broadcast_in_dim3A_54 {add = true} : memref<512x128xf32, #tpu.memory_space<vmem>>[vector<16xi32>, vector<16xi32>], vector<16xf32>,
      tpu.vector_store_idx %arg5[%add3A_237, %gather3A_379], %broadcast_in_dim3A_54 {add = true} : memref<512x128xf32, #tpu.memory_space<vmem>>[vector<16xi32>, vector<16xi32>], vector<16xf32>,
      tpu.vector_store_idx %arg5[%add3A_243, %gather3A_380], %broadcast_in_dim3A_54 {add = true} : memref<512x128xf32, #tpu.memory_space<vmem>>[vector<16xi32>, vector<16xi32>], vector<16xf32>,
      tpu.vector_store_idx %arg5[%add3A_249, %gather3A_381], %broadcast_in_dim3A_54 {add = true} : memref<512x128xf32, #tpu.memory_space<vmem>>[vector<16xi32>, vector<16xi32>], vector<16xf32>,
      %add3A_382 = arith.constant 19 : i32
      %add3A_383 = vector.broadcast %add3A_382 : i32 to vector<16xi32>
      %add3A_384 = arith.addi %broadcast_in_dim3A_52, %add3A_383 : vector<16xi32>
      %gather3A_385 = tpu.vector_load_idx %arg4[%add3A_231, %add3A_384] : memref<512x20xi32, #tpu.memory_space<vmem>>[vector<16xi32>, vector<16xi32>], vector<16xi32>,
      %gather3A_386 = tpu.vector_load_idx %arg4[%add3A_237, %add3A_384] : memref<512x20xi32, #tpu.memory_space<vmem>>[vector<16xi32>, vector<16xi32>], vector<16xi32>,
      %gather3A_387 = tpu.vector_load_idx %arg4[%add3A_243, %add3A_384] : memref<512x20xi32, #tpu.memory_space<vmem>>[vector<16xi32>, vector<16xi32>], vector<16xi32>,
      %gather3A_388 = tpu.vector_load_idx %arg4[%add3A_249, %add3A_384] : memref<512x20xi32, #tpu.memory_space<vmem>>[vector<16xi32>, vector<16xi32>], vector<16xi32>,
      tpu.vector_store_idx %arg5[%add3A_231, %gather3A_385], %broadcast_in_dim3A_54 {add = true} : memref<512x128xf32, #tpu.memory_space<vmem>>[vector<16xi32>, vector<16xi32>], vector<16xf32>,
      tpu.vector_store_idx %arg5[%add3A_237, %gather3A_386], %broadcast_in_dim3A_54 {add = true} : memref<512x128xf32, #tpu.memory_space<vmem>>[vector<16xi32>, vector<16xi32>], vector<16xf32>,
      tpu.vector_store_idx %arg5[%add3A_243, %gather3A_387], %broadcast_in_dim3A_54 {add = true} : memref<512x128xf32, #tpu.memory_space<vmem>>[vector<16xi32>, vector<16xi32>], vector<16xf32>,
      tpu.vector_store_idx %arg5[%add3A_249, %gather3A_388], %broadcast_in_dim3A_54 {add = true} : memref<512x128xf32, #tpu.memory_space<vmem>>[vector<16xi32>, vector<16xi32>], vector<16xf32>,
    }
    %scan3A_104 = arith.constant 2 : i32
    %scan3A_105 = arith.constant 0 : i32
    %scan3A_106 = arith.constant 128 : i32
    %scan3A_107 = arith.addi %scan3A_105, %scan3A_106 : i32
    %scan3A_108 = arith.constant 1 : i32
    scf.for %scan3A_221 = %scan3A_105 to %scan3A_107 step %scan3A_108  : i32 {
      %mul3A_222 = arith.constant 1 : i32
      %mul3A_223 = arith.muli %scan3A_221, %mul3A_222 : i32
      %add3A_224 = arith.constant 256 : i32
      %add3A_225 = arith.addi %add3A_224, %mul3A_223 : i32
      %swap3A = arith.index_cast %add3A_225 : i32 to index
      %swap3A_226 = arith.constant 0 : index
      %swap3A_227 = tpu.vector_load %arg5[%swap3A, %swap3A_226] {strides = array<i32>} : memref<512x128xf32, #tpu.memory_space<vmem>>, vector<16xf32>,
      tpu.vector_store %arg5[%swap3A, %swap3A_226], %broadcast_in_dim3A_50 {strides = array<i32>} : memref<512x128xf32, #tpu.memory_space<vmem>>, vector<16xf32>,
      %swap3A_228 = arith.index_cast %add3A_225 : i32 to index
      %swap3A_229 = arith.constant 16 : index
      %swap3A_230 = tpu.vector_load %arg5[%swap3A_228, %swap3A_229] {strides = array<i32>} : memref<512x128xf32, #tpu.memory_space<vmem>>, vector<16xf32>,
      tpu.vector_store %arg5[%swap3A_228, %swap3A_229], %broadcast_in_dim3A_50 {strides = array<i32>} : memref<512x128xf32, #tpu.memory_space<vmem>>, vector<16xf32>,
      %swap3A_231 = arith.index_cast %add3A_225 : i32 to index
      %swap3A_232 = arith.constant 32 : index
      %swap3A_233 = tpu.vector_load %arg5[%swap3A_231, %swap3A_232] {strides = array<i32>} : memref<512x128xf32, #tpu.memory_space<vmem>>, vector<16xf32>,
      tpu.vector_store %arg5[%swap3A_231, %swap3A_232], %broadcast_in_dim3A_50 {strides = array<i32>} : memref<512x128xf32, #tpu.memory_space<vmem>>, vector<16xf32>,
      %swap3A_234 = arith.index_cast %add3A_225 : i32 to index
      %swap3A_235 = arith.constant 48 : index
      %swap3A_236 = tpu.vector_load %arg5[%swap3A_234, %swap3A_235] {strides = array<i32>} : memref<512x128xf32, #tpu.memory_space<vmem>>, vector<16xf32>,
      tpu.vector_store %arg5[%swap3A_234, %swap3A_235], %broadcast_in_dim3A_50 {strides = array<i32>} : memref<512x128xf32, #tpu.memory_space<vmem>>, vector<16xf32>,
      %swap3A_237 = arith.index_cast %add3A_225 : i32 to index
      %swap3A_238 = arith.constant 64 : index
      %swap3A_239 = tpu.vector_load %arg5[%swap3A_237, %swap3A_238] {strides = array<i32>} : memref<512x128xf32, #tpu.memory_space<vmem>>, vector<16xf32>,
      tpu.vector_store %arg5[%swap3A_237, %swap3A_238], %broadcast_in_dim3A_50 {strides = array<i32>} : memref<512x128xf32, #tpu.memory_space<vmem>>, vector<16xf32>,
      %swap3A_240 = arith.index_cast %add3A_225 : i32 to index
      %swap3A_241 = arith.constant 80 : index
      %swap3A_242 = tpu.vector_load %arg5[%swap3A_240, %swap3A_241] {strides = array<i32>} : memref<512x128xf32, #tpu.memory_space<vmem>>, vector<16xf32>,
      tpu.vector_store %arg5[%swap3A_240, %swap3A_241], %broadcast_in_dim3A_50 {strides = array<i32>} : memref<512x128xf32, #tpu.memory_space<vmem>>, vector<16xf32>,
      %swap3A_243 = arith.index_cast %add3A_225 : i32 to index
      %swap3A_244 = arith.constant 96 : index
      %swap3A_245 = tpu.vector_load %arg5[%swap3A_243, %swap3A_244] {strides = array<i32>} : memref<512x128xf32, #tpu.memory_space<vmem>>, vector<16xf32>,
      tpu.vector_store %arg5[%swap3A_243, %swap3A_244], %broadcast_in_dim3A_50 {strides = array<i32>} : memref<512x128xf32, #tpu.memory_space<vmem>>, vector<16xf32>,
      %swap3A_246 = arith.index_cast %add3A_225 : i32 to index
      %swap3A_247 = arith.constant 112 : index
      %swap3A_248 = tpu.vector_load %arg5[%swap3A_246, %swap3A_247] {strides = array<i32>} : memref<512x128xf32, #tpu.memory_space<vmem>>, vector<16xf32>,
      tpu.vector_store %arg5[%swap3A_246, %swap3A_247], %broadcast_in_dim3A_50 {strides = array<i32>} : memref<512x128xf32, #tpu.memory_space<vmem>>, vector<16xf32>,
    }
    %scan3A_109 = arith.constant 128 : i32
    %add3A_110 = arith.constant 128 : i32
    %add3A_111 = arith.addi %mul3A_2, %add3A_110 : i32
    %dma_start3A_112 = arith.constant 128 : i32
    %dma_start3A_113 = arith.constant 0 : i32
    %dma_start3A_114 = tpu.memref_slice %arg5[%dma_start3A_112, %dma_start3A_113] : memref<512x128xf32, #tpu.memory_space<vmem>> -> memref<128x128xf32, #tpu.memory_space<vmem>>
    %dma_start3A_115 = arith.constant 0 : i32
    %dma_start3A_116 = tpu.memref_slice %arg3[%add3A_111, %dma_start3A_115] : memref<16384x128xf32, #tpu.memory_space<hbm>> -> memref<128x128xf32, #tpu.memory_space<hbm>>
    %dma_start3A_117 = arith.constant 0 : i32
    %dma_start3A_118 = tpu.memref_slice %arg3[%add3A_111, %dma_start3A_117] : memref<16384x128xf32, #tpu.memory_space<hbm>> -> memref<128x128xf32, #tpu.memory_space<hbm>>
    %dma_start3A_119 = arith.constant 128 : i32
    %dma_start3A_120 = arith.constant 0 : i32
    %dma_start3A_121 = tpu.memref_slice %arg5[%dma_start3A_119, %dma_start3A_120] : memref<512x128xf32, #tpu.memory_space<vmem>> -> memref<128x128xf32, #tpu.memory_space<vmem>>
    tpu.enqueue_dma source(%dma_start3A_121 : memref<128x128xf32, #tpu.memory_space<vmem>>) target(%dma_start3A_118 : memref<128x128xf32, #tpu.memory_space<hbm>>) target_semaphore(%arg10 : memref<!tpu.dma_semaphore, #tpu.memory_space<semaphore_mem>>)
    %dma_wait3A_122 = arith.constant 256 : i32
    %dma_wait3A_123 = arith.constant 0 : i32
    %dma_wait3A_124 = tpu.memref_slice %arg4[%dma_wait3A_122, %dma_wait3A_123] : memref<512x20xi32, #tpu.memory_space<vmem>> -> memref<128x20xi32, #tpu.memory_space<vmem>>
    %dma_wait3A_125 = arith.constant 0 : i32
    %dma_wait3A_126 = tpu.memref_slice %arg2[%add3A_27, %dma_wait3A_125] : memref<16384x20xi32, #tpu.memory_space<hbm>> -> memref<128x20xi32, #tpu.memory_space<hbm>>
    %dma_wait3A_127 = arith.constant 256 : i32
    %dma_wait3A_128 = arith.constant 0 : i32
    %dma_wait3A_129 = tpu.memref_slice %arg4[%dma_wait3A_127, %dma_wait3A_128] : memref<512x20xi32, #tpu.memory_space<vmem>> -> memref<128x20xi32, #tpu.memory_space<vmem>>
    %dma_wait3A_130 = arith.constant 0 : i32
    %dma_wait3A_131 = tpu.memref_slice %arg2[%add3A_27, %dma_wait3A_130] : memref<16384x20xi32, #tpu.memory_space<hbm>> -> memref<128x20xi32, #tpu.memory_space<hbm>>
    tpu.wait_dma2 semaphore(%arg8 : memref<!tpu.dma_semaphore, #tpu.memory_space<semaphore_mem>>) src(%dma_wait3A_131 : memref<128x20xi32, #tpu.memory_space<hbm>>) dst(%dma_wait3A_129 : memref<128x20xi32, #tpu.memory_space<vmem>>)
    %scan3A_132 = arith.constant 0 : i32
    %scan3A_133 = arith.constant 2 : i32
    %scan3A_134 = arith.addi %scan3A_132, %scan3A_133 : i32
    %scan3A_135 = arith.constant 1 : i32
    scf.for %scan3A_221 = %scan3A_132 to %scan3A_134 step %scan3A_135  : i32 {
      %mul3A_222 = arith.constant 4 : i32
      %mul3A_223 = arith.muli %scan3A_221, %mul3A_222 : i32
      %add3A_224 = arith.constant 16 : i32
      %add3A_225 = arith.addi %add3A_224, %mul3A_223 : i32
      %mul3A_226 = arith.constant 16 : i32
      %mul3A_227 = arith.muli %add3A_225, %mul3A_226 : i32
      %add3A_228 = arith.constant 0 : i32
      %add3A_229 = arith.addi %mul3A_227, %add3A_228 : i32
      %add3A_230 = vector.broadcast %add3A_229 : i32 to vector<16xi32>
      %add3A_231 = arith.addi %add3A_230, %iota3A : vector<16xi32>
      %mul3A_232 = arith.constant 16 : i32
      %mul3A_233 = arith.muli %add3A_225, %mul3A_232 : i32
      %add3A_234 = arith.constant 16 : i32
      %add3A_235 = arith.addi %mul3A_233, %add3A_234 : i32
      %add3A_236 = vector.broadcast %add3A_235 : i32 to vector<16xi32>
      %add3A_237 = arith.addi %add3A_236, %iota3A : vector<16xi32>
      %mul3A_238 = arith.constant 16 : i32
      %mul3A_239 = arith.muli %add3A_225, %mul3A_238 : i32
      %add3A_240 = arith.constant 32 : i32
      %add3A_241 = arith.addi %mul3A_239, %add3A_240 : i32
      %add3A_242 = vector.broadcast %add3A_241 : i32 to vector<16xi32>
      %add3A_243 = arith.addi %add3A_242, %iota3A : vector<16xi32>
      %mul3A_244 = arith.constant 16 : i32
      %mul3A_245 = arith.muli %add3A_225, %mul3A_244 : i32
      %add3A_246 = arith.constant 48 : i32
      %add3A_247 = arith.addi %mul3A_245, %add3A_246 : i32
      %add3A_248 = vector.broadcast %add3A_247 : i32 to vector<16xi32>
      %add3A_249 = arith.addi %add3A_248, %iota3A : vector<16xi32>
      %add3A_250 = arith.constant 0 : i32
      %add3A_251 = vector.broadcast %add3A_250 : i32 to vector<16xi32>
      %add3A_252 = arith.addi %broadcast_in_dim3A_52, %add3A_251 : vector<16xi32>
      %gather3A = tpu.vector_load_idx %arg4[%add3A_231, %add3A_252] : memref<512x20xi32, #tpu.memory_space<vmem>>[vector<16xi32>, vector<16xi32>], vector<16xi32>,
      %gather3A_253 = tpu.vector_load_idx %arg4[%add3A_237, %add3A_252] : memref<512x20xi32, #tpu.memory_space<vmem>>[vector<16xi32>, vector<16xi32>], vector<16xi32>,
      %gather3A_254 = tpu.vector_load_idx %arg4[%add3A_243, %add3A_252] : memref<512x20xi32, #tpu.memory_space<vmem>>[vector<16xi32>, vector<16xi32>], vector<16xi32>,
      %gather3A_255 = tpu.vector_load_idx %arg4[%add3A_249, %add3A_252] : memref<512x20xi32, #tpu.memory_space<vmem>>[vector<16xi32>, vector<16xi32>], vector<16xi32>,
      tpu.vector_store_idx %arg5[%add3A_231, %gather3A], %broadcast_in_dim3A_54 {add = true} : memref<512x128xf32, #tpu.memory_space<vmem>>[vector<16xi32>, vector<16xi32>], vector<16xf32>,
      tpu.vector_store_idx %arg5[%add3A_237, %gather3A_253], %broadcast_in_dim3A_54 {add = true} : memref<512x128xf32, #tpu.memory_space<vmem>>[vector<16xi32>, vector<16xi32>], vector<16xf32>,
      tpu.vector_store_idx %arg5[%add3A_243, %gather3A_254], %broadcast_in_dim3A_54 {add = true} : memref<512x128xf32, #tpu.memory_space<vmem>>[vector<16xi32>, vector<16xi32>], vector<16xf32>,
      tpu.vector_store_idx %arg5[%add3A_249, %gather3A_255], %broadcast_in_dim3A_54 {add = true} : memref<512x128xf32, #tpu.memory_space<vmem>>[vector<16xi32>, vector<16xi32>], vector<16xf32>,
      %add3A_256 = arith.constant 1 : i32
      %add3A_257 = vector.broadcast %add3A_256 : i32 to vector<16xi32>
      %add3A_258 = arith.addi %broadcast_in_dim3A_52, %add3A_257 : vector<16xi32>
      %gather3A_259 = tpu.vector_load_idx %arg4[%add3A_231, %add3A_258] : memref<512x20xi32, #tpu.memory_space<vmem>>[vector<16xi32>, vector<16xi32>], vector<16xi32>,
      %gather3A_260 = tpu.vector_load_idx %arg4[%add3A_237, %add3A_258] : memref<512x20xi32, #tpu.memory_space<vmem>>[vector<16xi32>, vector<16xi32>], vector<16xi32>,
      %gather3A_261 = tpu.vector_load_idx %arg4[%add3A_243, %add3A_258] : memref<512x20xi32, #tpu.memory_space<vmem>>[vector<16xi32>, vector<16xi32>], vector<16xi32>,
      %gather3A_262 = tpu.vector_load_idx %arg4[%add3A_249, %add3A_258] : memref<512x20xi32, #tpu.memory_space<vmem>>[vector<16xi32>, vector<16xi32>], vector<16xi32>,
      tpu.vector_store_idx %arg5[%add3A_231, %gather3A_259], %broadcast_in_dim3A_54 {add = true} : memref<512x128xf32, #tpu.memory_space<vmem>>[vector<16xi32>, vector<16xi32>], vector<16xf32>,
      tpu.vector_store_idx %arg5[%add3A_237, %gather3A_260], %broadcast_in_dim3A_54 {add = true} : memref<512x128xf32, #tpu.memory_space<vmem>>[vector<16xi32>, vector<16xi32>], vector<16xf32>,
      tpu.vector_store_idx %arg5[%add3A_243, %gather3A_261], %broadcast_in_dim3A_54 {add = true} : memref<512x128xf32, #tpu.memory_space<vmem>>[vector<16xi32>, vector<16xi32>], vector<16xf32>,
      tpu.vector_store_idx %arg5[%add3A_249, %gather3A_262], %broadcast_in_dim3A_54 {add = true} : memref<512x128xf32, #tpu.memory_space<vmem>>[vector<16xi32>, vector<16xi32>], vector<16xf32>,
      %add3A_263 = arith.constant 2 : i32
      %add3A_264 = vector.broadcast %add3A_263 : i32 to vector<16xi32>
      %add3A_265 = arith.addi %broadcast_in_dim3A_52, %add3A_264 : vector<16xi32>
      %gather3A_266 = tpu.vector_load_idx %arg4[%add3A_231, %add3A_265] : memref<512x20xi32, #tpu.memory_space<vmem>>[vector<16xi32>, vector<16xi32>], vector<16xi32>,
      %gather3A_267 = tpu.vector_load_idx %arg4[%add3A_237, %add3A_265] : memref<512x20xi32, #tpu.memory_space<vmem>>[vector<16xi32>, vector<16xi32>], vector<16xi32>,
      %gather3A_268 = tpu.vector_load_idx %arg4[%add3A_243, %add3A_265] : memref<512x20xi32, #tpu.memory_space<vmem>>[vector<16xi32>, vector<16xi32>], vector<16xi32>,
      %gather3A_269 = tpu.vector_load_idx %arg4[%add3A_249, %add3A_265] : memref<512x20xi32, #tpu.memory_space<vmem>>[vector<16xi32>, vector<16xi32>], vector<16xi32>,
      tpu.vector_store_idx %arg5[%add3A_231, %gather3A_266], %broadcast_in_dim3A_54 {add = true} : memref<512x128xf32, #tpu.memory_space<vmem>>[vector<16xi32>, vector<16xi32>], vector<16xf32>,
      tpu.vector_store_idx %arg5[%add3A_237, %gather3A_267], %broadcast_in_dim3A_54 {add = true} : memref<512x128xf32, #tpu.memory_space<vmem>>[vector<16xi32>, vector<16xi32>], vector<16xf32>,
      tpu.vector_store_idx %arg5[%add3A_243, %gather3A_268], %broadcast_in_dim3A_54 {add = true} : memref<512x128xf32, #tpu.memory_space<vmem>>[vector<16xi32>, vector<16xi32>], vector<16xf32>,
      tpu.vector_store_idx %arg5[%add3A_249, %gather3A_269], %broadcast_in_dim3A_54 {add = true} : memref<512x128xf32, #tpu.memory_space<vmem>>[vector<16xi32>, vector<16xi32>], vector<16xf32>,
      %add3A_270 = arith.constant 3 : i32
      %add3A_271 = vector.broadcast %add3A_270 : i32 to vector<16xi32>
      %add3A_272 = arith.addi %broadcast_in_dim3A_52, %add3A_271 : vector<16xi32>
      %gather3A_273 = tpu.vector_load_idx %arg4[%add3A_231, %add3A_272] : memref<512x20xi32, #tpu.memory_space<vmem>>[vector<16xi32>, vector<16xi32>], vector<16xi32>,
      %gather3A_274 = tpu.vector_load_idx %arg4[%add3A_237, %add3A_272] : memref<512x20xi32, #tpu.memory_space<vmem>>[vector<16xi32>, vector<16xi32>], vector<16xi32>,
      %gather3A_275 = tpu.vector_load_idx %arg4[%add3A_243, %add3A_272] : memref<512x20xi32, #tpu.memory_space<vmem>>[vector<16xi32>, vector<16xi32>], vector<16xi32>,
      %gather3A_276 = tpu.vector_load_idx %arg4[%add3A_249, %add3A_272] : memref<512x20xi32, #tpu.memory_space<vmem>>[vector<16xi32>, vector<16xi32>], vector<16xi32>,
      tpu.vector_store_idx %arg5[%add3A_231, %gather3A_273], %broadcast_in_dim3A_54 {add = true} : memref<512x128xf32, #tpu.memory_space<vmem>>[vector<16xi32>, vector<16xi32>], vector<16xf32>,
      tpu.vector_store_idx %arg5[%add3A_237, %gather3A_274], %broadcast_in_dim3A_54 {add = true} : memref<512x128xf32, #tpu.memory_space<vmem>>[vector<16xi32>, vector<16xi32>], vector<16xf32>,
      tpu.vector_store_idx %arg5[%add3A_243, %gather3A_275], %broadcast_in_dim3A_54 {add = true} : memref<512x128xf32, #tpu.memory_space<vmem>>[vector<16xi32>, vector<16xi32>], vector<16xf32>,
      tpu.vector_store_idx %arg5[%add3A_249, %gather3A_276], %broadcast_in_dim3A_54 {add = true} : memref<512x128xf32, #tpu.memory_space<vmem>>[vector<16xi32>, vector<16xi32>], vector<16xf32>,
      %add3A_277 = arith.constant 4 : i32
      %add3A_278 = vector.broadcast %add3A_277 : i32 to vector<16xi32>
      %add3A_279 = arith.addi %broadcast_in_dim3A_52, %add3A_278 : vector<16xi32>
      %gather3A_280 = tpu.vector_load_idx %arg4[%add3A_231, %add3A_279] : memref<512x20xi32, #tpu.memory_space<vmem>>[vector<16xi32>, vector<16xi32>], vector<16xi32>,
      %gather3A_281 = tpu.vector_load_idx %arg4[%add3A_237, %add3A_279] : memref<512x20xi32, #tpu.memory_space<vmem>>[vector<16xi32>, vector<16xi32>], vector<16xi32>,
      %gather3A_282 = tpu.vector_load_idx %arg4[%add3A_243, %add3A_279] : memref<512x20xi32, #tpu.memory_space<vmem>>[vector<16xi32>, vector<16xi32>], vector<16xi32>,
      %gather3A_283 = tpu.vector_load_idx %arg4[%add3A_249, %add3A_279] : memref<512x20xi32, #tpu.memory_space<vmem>>[vector<16xi32>, vector<16xi32>], vector<16xi32>,
      tpu.vector_store_idx %arg5[%add3A_231, %gather3A_280], %broadcast_in_dim3A_54 {add = true} : memref<512x128xf32, #tpu.memory_space<vmem>>[vector<16xi32>, vector<16xi32>], vector<16xf32>,
      tpu.vector_store_idx %arg5[%add3A_237, %gather3A_281], %broadcast_in_dim3A_54 {add = true} : memref<512x128xf32, #tpu.memory_space<vmem>>[vector<16xi32>, vector<16xi32>], vector<16xf32>,
      tpu.vector_store_idx %arg5[%add3A_243, %gather3A_282], %broadcast_in_dim3A_54 {add = true} : memref<512x128xf32, #tpu.memory_space<vmem>>[vector<16xi32>, vector<16xi32>], vector<16xf32>,
      tpu.vector_store_idx %arg5[%add3A_249, %gather3A_283], %broadcast_in_dim3A_54 {add = true} : memref<512x128xf32, #tpu.memory_space<vmem>>[vector<16xi32>, vector<16xi32>], vector<16xf32>,
      %add3A_284 = arith.constant 5 : i32
      %add3A_285 = vector.broadcast %add3A_284 : i32 to vector<16xi32>
      %add3A_286 = arith.addi %broadcast_in_dim3A_52, %add3A_285 : vector<16xi32>
      %gather3A_287 = tpu.vector_load_idx %arg4[%add3A_231, %add3A_286] : memref<512x20xi32, #tpu.memory_space<vmem>>[vector<16xi32>, vector<16xi32>], vector<16xi32>,
      %gather3A_288 = tpu.vector_load_idx %arg4[%add3A_237, %add3A_286] : memref<512x20xi32, #tpu.memory_space<vmem>>[vector<16xi32>, vector<16xi32>], vector<16xi32>,
      %gather3A_289 = tpu.vector_load_idx %arg4[%add3A_243, %add3A_286] : memref<512x20xi32, #tpu.memory_space<vmem>>[vector<16xi32>, vector<16xi32>], vector<16xi32>,
      %gather3A_290 = tpu.vector_load_idx %arg4[%add3A_249, %add3A_286] : memref<512x20xi32, #tpu.memory_space<vmem>>[vector<16xi32>, vector<16xi32>], vector<16xi32>,
      tpu.vector_store_idx %arg5[%add3A_231, %gather3A_287], %broadcast_in_dim3A_54 {add = true} : memref<512x128xf32, #tpu.memory_space<vmem>>[vector<16xi32>, vector<16xi32>], vector<16xf32>,
      tpu.vector_store_idx %arg5[%add3A_237, %gather3A_288], %broadcast_in_dim3A_54 {add = true} : memref<512x128xf32, #tpu.memory_space<vmem>>[vector<16xi32>, vector<16xi32>], vector<16xf32>,
      tpu.vector_store_idx %arg5[%add3A_243, %gather3A_289], %broadcast_in_dim3A_54 {add = true} : memref<512x128xf32, #tpu.memory_space<vmem>>[vector<16xi32>, vector<16xi32>], vector<16xf32>,
      tpu.vector_store_idx %arg5[%add3A_249, %gather3A_290], %broadcast_in_dim3A_54 {add = true} : memref<512x128xf32, #tpu.memory_space<vmem>>[vector<16xi32>, vector<16xi32>], vector<16xf32>,
      %add3A_291 = arith.constant 6 : i32
      %add3A_292 = vector.broadcast %add3A_291 : i32 to vector<16xi32>
      %add3A_293 = arith.addi %broadcast_in_dim3A_52, %add3A_292 : vector<16xi32>
      %gather3A_294 = tpu.vector_load_idx %arg4[%add3A_231, %add3A_293] : memref<512x20xi32, #tpu.memory_space<vmem>>[vector<16xi32>, vector<16xi32>], vector<16xi32>,
      %gather3A_295 = tpu.vector_load_idx %arg4[%add3A_237, %add3A_293] : memref<512x20xi32, #tpu.memory_space<vmem>>[vector<16xi32>, vector<16xi32>], vector<16xi32>,
      %gather3A_296 = tpu.vector_load_idx %arg4[%add3A_243, %add3A_293] : memref<512x20xi32, #tpu.memory_space<vmem>>[vector<16xi32>, vector<16xi32>], vector<16xi32>,
      %gather3A_297 = tpu.vector_load_idx %arg4[%add3A_249, %add3A_293] : memref<512x20xi32, #tpu.memory_space<vmem>>[vector<16xi32>, vector<16xi32>], vector<16xi32>,
      tpu.vector_store_idx %arg5[%add3A_231, %gather3A_294], %broadcast_in_dim3A_54 {add = true} : memref<512x128xf32, #tpu.memory_space<vmem>>[vector<16xi32>, vector<16xi32>], vector<16xf32>,
      tpu.vector_store_idx %arg5[%add3A_237, %gather3A_295], %broadcast_in_dim3A_54 {add = true} : memref<512x128xf32, #tpu.memory_space<vmem>>[vector<16xi32>, vector<16xi32>], vector<16xf32>,
      tpu.vector_store_idx %arg5[%add3A_243, %gather3A_296], %broadcast_in_dim3A_54 {add = true} : memref<512x128xf32, #tpu.memory_space<vmem>>[vector<16xi32>, vector<16xi32>], vector<16xf32>,
      tpu.vector_store_idx %arg5[%add3A_249, %gather3A_297], %broadcast_in_dim3A_54 {add = true} : memref<512x128xf32, #tpu.memory_space<vmem>>[vector<16xi32>, vector<16xi32>], vector<16xf32>,
      %add3A_298 = arith.constant 7 : i32
      %add3A_299 = vector.broadcast %add3A_298 : i32 to vector<16xi32>
      %add3A_300 = arith.addi %broadcast_in_dim3A_52, %add3A_299 : vector<16xi32>
      %gather3A_301 = tpu.vector_load_idx %arg4[%add3A_231, %add3A_300] : memref<512x20xi32, #tpu.memory_space<vmem>>[vector<16xi32>, vector<16xi32>], vector<16xi32>,
      %gather3A_302 = tpu.vector_load_idx %arg4[%add3A_237, %add3A_300] : memref<512x20xi32, #tpu.memory_space<vmem>>[vector<16xi32>, vector<16xi32>], vector<16xi32>,
      %gather3A_303 = tpu.vector_load_idx %arg4[%add3A_243, %add3A_300] : memref<512x20xi32, #tpu.memory_space<vmem>>[vector<16xi32>, vector<16xi32>], vector<16xi32>,
      %gather3A_304 = tpu.vector_load_idx %arg4[%add3A_249, %add3A_300] : memref<512x20xi32, #tpu.memory_space<vmem>>[vector<16xi32>, vector<16xi32>], vector<16xi32>,
      tpu.vector_store_idx %arg5[%add3A_231, %gather3A_301], %broadcast_in_dim3A_54 {add = true} : memref<512x128xf32, #tpu.memory_space<vmem>>[vector<16xi32>, vector<16xi32>], vector<16xf32>,
      tpu.vector_store_idx %arg5[%add3A_237, %gather3A_302], %broadcast_in_dim3A_54 {add = true} : memref<512x128xf32, #tpu.memory_space<vmem>>[vector<16xi32>, vector<16xi32>], vector<16xf32>,
      tpu.vector_store_idx %arg5[%add3A_243, %gather3A_303], %broadcast_in_dim3A_54 {add = true} : memref<512x128xf32, #tpu.memory_space<vmem>>[vector<16xi32>, vector<16xi32>], vector<16xf32>,
      tpu.vector_store_idx %arg5[%add3A_249, %gather3A_304], %broadcast_in_dim3A_54 {add = true} : memref<512x128xf32, #tpu.memory_space<vmem>>[vector<16xi32>, vector<16xi32>], vector<16xf32>,
      %add3A_305 = arith.constant 8 : i32
      %add3A_306 = vector.broadcast %add3A_305 : i32 to vector<16xi32>
      %add3A_307 = arith.addi %broadcast_in_dim3A_52, %add3A_306 : vector<16xi32>
      %gather3A_308 = tpu.vector_load_idx %arg4[%add3A_231, %add3A_307] : memref<512x20xi32, #tpu.memory_space<vmem>>[vector<16xi32>, vector<16xi32>], vector<16xi32>,
      %gather3A_309 = tpu.vector_load_idx %arg4[%add3A_237, %add3A_307] : memref<512x20xi32, #tpu.memory_space<vmem>>[vector<16xi32>, vector<16xi32>], vector<16xi32>,
      %gather3A_310 = tpu.vector_load_idx %arg4[%add3A_243, %add3A_307] : memref<512x20xi32, #tpu.memory_space<vmem>>[vector<16xi32>, vector<16xi32>], vector<16xi32>,
      %gather3A_311 = tpu.vector_load_idx %arg4[%add3A_249, %add3A_307] : memref<512x20xi32, #tpu.memory_space<vmem>>[vector<16xi32>, vector<16xi32>], vector<16xi32>,
      tpu.vector_store_idx %arg5[%add3A_231, %gather3A_308], %broadcast_in_dim3A_54 {add = true} : memref<512x128xf32, #tpu.memory_space<vmem>>[vector<16xi32>, vector<16xi32>], vector<16xf32>,
      tpu.vector_store_idx %arg5[%add3A_237, %gather3A_309], %broadcast_in_dim3A_54 {add = true} : memref<512x128xf32, #tpu.memory_space<vmem>>[vector<16xi32>, vector<16xi32>], vector<16xf32>,
      tpu.vector_store_idx %arg5[%add3A_243, %gather3A_310], %broadcast_in_dim3A_54 {add = true} : memref<512x128xf32, #tpu.memory_space<vmem>>[vector<16xi32>, vector<16xi32>], vector<16xf32>,
      tpu.vector_store_idx %arg5[%add3A_249, %gather3A_311], %broadcast_in_dim3A_54 {add = true} : memref<512x128xf32, #tpu.memory_space<vmem>>[vector<16xi32>, vector<16xi32>], vector<16xf32>,
      %add3A_312 = arith.constant 9 : i32
      %add3A_313 = vector.broadcast %add3A_312 : i32 to vector<16xi32>
      %add3A_314 = arith.addi %broadcast_in_dim3A_52, %add3A_313 : vector<16xi32>
      %gather3A_315 = tpu.vector_load_idx %arg4[%add3A_231, %add3A_314] : memref<512x20xi32, #tpu.memory_space<vmem>>[vector<16xi32>, vector<16xi32>], vector<16xi32>,
      %gather3A_316 = tpu.vector_load_idx %arg4[%add3A_237, %add3A_314] : memref<512x20xi32, #tpu.memory_space<vmem>>[vector<16xi32>, vector<16xi32>], vector<16xi32>,
      %gather3A_317 = tpu.vector_load_idx %arg4[%add3A_243, %add3A_314] : memref<512x20xi32, #tpu.memory_space<vmem>>[vector<16xi32>, vector<16xi32>], vector<16xi32>,
      %gather3A_318 = tpu.vector_load_idx %arg4[%add3A_249, %add3A_314] : memref<512x20xi32, #tpu.memory_space<vmem>>[vector<16xi32>, vector<16xi32>], vector<16xi32>,
      tpu.vector_store_idx %arg5[%add3A_231, %gather3A_315], %broadcast_in_dim3A_54 {add = true} : memref<512x128xf32, #tpu.memory_space<vmem>>[vector<16xi32>, vector<16xi32>], vector<16xf32>,
      tpu.vector_store_idx %arg5[%add3A_237, %gather3A_316], %broadcast_in_dim3A_54 {add = true} : memref<512x128xf32, #tpu.memory_space<vmem>>[vector<16xi32>, vector<16xi32>], vector<16xf32>,
      tpu.vector_store_idx %arg5[%add3A_243, %gather3A_317], %broadcast_in_dim3A_54 {add = true} : memref<512x128xf32, #tpu.memory_space<vmem>>[vector<16xi32>, vector<16xi32>], vector<16xf32>,
      tpu.vector_store_idx %arg5[%add3A_249, %gather3A_318], %broadcast_in_dim3A_54 {add = true} : memref<512x128xf32, #tpu.memory_space<vmem>>[vector<16xi32>, vector<16xi32>], vector<16xf32>,
      %add3A_319 = arith.constant 10 : i32
      %add3A_320 = vector.broadcast %add3A_319 : i32 to vector<16xi32>
      %add3A_321 = arith.addi %broadcast_in_dim3A_52, %add3A_320 : vector<16xi32>
      %gather3A_322 = tpu.vector_load_idx %arg4[%add3A_231, %add3A_321] : memref<512x20xi32, #tpu.memory_space<vmem>>[vector<16xi32>, vector<16xi32>], vector<16xi32>,
      %gather3A_323 = tpu.vector_load_idx %arg4[%add3A_237, %add3A_321] : memref<512x20xi32, #tpu.memory_space<vmem>>[vector<16xi32>, vector<16xi32>], vector<16xi32>,
      %gather3A_324 = tpu.vector_load_idx %arg4[%add3A_243, %add3A_321] : memref<512x20xi32, #tpu.memory_space<vmem>>[vector<16xi32>, vector<16xi32>], vector<16xi32>,
      %gather3A_325 = tpu.vector_load_idx %arg4[%add3A_249, %add3A_321] : memref<512x20xi32, #tpu.memory_space<vmem>>[vector<16xi32>, vector<16xi32>], vector<16xi32>,
      tpu.vector_store_idx %arg5[%add3A_231, %gather3A_322], %broadcast_in_dim3A_54 {add = true} : memref<512x128xf32, #tpu.memory_space<vmem>>[vector<16xi32>, vector<16xi32>], vector<16xf32>,
      tpu.vector_store_idx %arg5[%add3A_237, %gather3A_323], %broadcast_in_dim3A_54 {add = true} : memref<512x128xf32, #tpu.memory_space<vmem>>[vector<16xi32>, vector<16xi32>], vector<16xf32>,
      tpu.vector_store_idx %arg5[%add3A_243, %gather3A_324], %broadcast_in_dim3A_54 {add = true} : memref<512x128xf32, #tpu.memory_space<vmem>>[vector<16xi32>, vector<16xi32>], vector<16xf32>,
      tpu.vector_store_idx %arg5[%add3A_249, %gather3A_325], %broadcast_in_dim3A_54 {add = true} : memref<512x128xf32, #tpu.memory_space<vmem>>[vector<16xi32>, vector<16xi32>], vector<16xf32>,
      %add3A_326 = arith.constant 11 : i32
      %add3A_327 = vector.broadcast %add3A_326 : i32 to vector<16xi32>
      %add3A_328 = arith.addi %broadcast_in_dim3A_52, %add3A_327 : vector<16xi32>
      %gather3A_329 = tpu.vector_load_idx %arg4[%add3A_231, %add3A_328] : memref<512x20xi32, #tpu.memory_space<vmem>>[vector<16xi32>, vector<16xi32>], vector<16xi32>,
      %gather3A_330 = tpu.vector_load_idx %arg4[%add3A_237, %add3A_328] : memref<512x20xi32, #tpu.memory_space<vmem>>[vector<16xi32>, vector<16xi32>], vector<16xi32>,
      %gather3A_331 = tpu.vector_load_idx %arg4[%add3A_243, %add3A_328] : memref<512x20xi32, #tpu.memory_space<vmem>>[vector<16xi32>, vector<16xi32>], vector<16xi32>,
      %gather3A_332 = tpu.vector_load_idx %arg4[%add3A_249, %add3A_328] : memref<512x20xi32, #tpu.memory_space<vmem>>[vector<16xi32>, vector<16xi32>], vector<16xi32>,
      tpu.vector_store_idx %arg5[%add3A_231, %gather3A_329], %broadcast_in_dim3A_54 {add = true} : memref<512x128xf32, #tpu.memory_space<vmem>>[vector<16xi32>, vector<16xi32>], vector<16xf32>,
      tpu.vector_store_idx %arg5[%add3A_237, %gather3A_330], %broadcast_in_dim3A_54 {add = true} : memref<512x128xf32, #tpu.memory_space<vmem>>[vector<16xi32>, vector<16xi32>], vector<16xf32>,
      tpu.vector_store_idx %arg5[%add3A_243, %gather3A_331], %broadcast_in_dim3A_54 {add = true} : memref<512x128xf32, #tpu.memory_space<vmem>>[vector<16xi32>, vector<16xi32>], vector<16xf32>,
      tpu.vector_store_idx %arg5[%add3A_249, %gather3A_332], %broadcast_in_dim3A_54 {add = true} : memref<512x128xf32, #tpu.memory_space<vmem>>[vector<16xi32>, vector<16xi32>], vector<16xf32>,
      %add3A_333 = arith.constant 12 : i32
      %add3A_334 = vector.broadcast %add3A_333 : i32 to vector<16xi32>
      %add3A_335 = arith.addi %broadcast_in_dim3A_52, %add3A_334 : vector<16xi32>
      %gather3A_336 = tpu.vector_load_idx %arg4[%add3A_231, %add3A_335] : memref<512x20xi32, #tpu.memory_space<vmem>>[vector<16xi32>, vector<16xi32>], vector<16xi32>,
      %gather3A_337 = tpu.vector_load_idx %arg4[%add3A_237, %add3A_335] : memref<512x20xi32, #tpu.memory_space<vmem>>[vector<16xi32>, vector<16xi32>], vector<16xi32>,
      %gather3A_338 = tpu.vector_load_idx %arg4[%add3A_243, %add3A_335] : memref<512x20xi32, #tpu.memory_space<vmem>>[vector<16xi32>, vector<16xi32>], vector<16xi32>,
      %gather3A_339 = tpu.vector_load_idx %arg4[%add3A_249, %add3A_335] : memref<512x20xi32, #tpu.memory_space<vmem>>[vector<16xi32>, vector<16xi32>], vector<16xi32>,
      tpu.vector_store_idx %arg5[%add3A_231, %gather3A_336], %broadcast_in_dim3A_54 {add = true} : memref<512x128xf32, #tpu.memory_space<vmem>>[vector<16xi32>, vector<16xi32>], vector<16xf32>,
      tpu.vector_store_idx %arg5[%add3A_237, %gather3A_337], %broadcast_in_dim3A_54 {add = true} : memref<512x128xf32, #tpu.memory_space<vmem>>[vector<16xi32>, vector<16xi32>], vector<16xf32>,
      tpu.vector_store_idx %arg5[%add3A_243, %gather3A_338], %broadcast_in_dim3A_54 {add = true} : memref<512x128xf32, #tpu.memory_space<vmem>>[vector<16xi32>, vector<16xi32>], vector<16xf32>,
      tpu.vector_store_idx %arg5[%add3A_249, %gather3A_339], %broadcast_in_dim3A_54 {add = true} : memref<512x128xf32, #tpu.memory_space<vmem>>[vector<16xi32>, vector<16xi32>], vector<16xf32>,
      %add3A_340 = arith.constant 13 : i32
      %add3A_341 = vector.broadcast %add3A_340 : i32 to vector<16xi32>
      %add3A_342 = arith.addi %broadcast_in_dim3A_52, %add3A_341 : vector<16xi32>
      %gather3A_343 = tpu.vector_load_idx %arg4[%add3A_231, %add3A_342] : memref<512x20xi32, #tpu.memory_space<vmem>>[vector<16xi32>, vector<16xi32>], vector<16xi32>,
      %gather3A_344 = tpu.vector_load_idx %arg4[%add3A_237, %add3A_342] : memref<512x20xi32, #tpu.memory_space<vmem>>[vector<16xi32>, vector<16xi32>], vector<16xi32>,
      %gather3A_345 = tpu.vector_load_idx %arg4[%add3A_243, %add3A_342] : memref<512x20xi32, #tpu.memory_space<vmem>>[vector<16xi32>, vector<16xi32>], vector<16xi32>,
      %gather3A_346 = tpu.vector_load_idx %arg4[%add3A_249, %add3A_342] : memref<512x20xi32, #tpu.memory_space<vmem>>[vector<16xi32>, vector<16xi32>], vector<16xi32>,
      tpu.vector_store_idx %arg5[%add3A_231, %gather3A_343], %broadcast_in_dim3A_54 {add = true} : memref<512x128xf32, #tpu.memory_space<vmem>>[vector<16xi32>, vector<16xi32>], vector<16xf32>,
      tpu.vector_store_idx %arg5[%add3A_237, %gather3A_344], %broadcast_in_dim3A_54 {add = true} : memref<512x128xf32, #tpu.memory_space<vmem>>[vector<16xi32>, vector<16xi32>], vector<16xf32>,
      tpu.vector_store_idx %arg5[%add3A_243, %gather3A_345], %broadcast_in_dim3A_54 {add = true} : memref<512x128xf32, #tpu.memory_space<vmem>>[vector<16xi32>, vector<16xi32>], vector<16xf32>,
      tpu.vector_store_idx %arg5[%add3A_249, %gather3A_346], %broadcast_in_dim3A_54 {add = true} : memref<512x128xf32, #tpu.memory_space<vmem>>[vector<16xi32>, vector<16xi32>], vector<16xf32>,
      %add3A_347 = arith.constant 14 : i32
      %add3A_348 = vector.broadcast %add3A_347 : i32 to vector<16xi32>
      %add3A_349 = arith.addi %broadcast_in_dim3A_52, %add3A_348 : vector<16xi32>
      %gather3A_350 = tpu.vector_load_idx %arg4[%add3A_231, %add3A_349] : memref<512x20xi32, #tpu.memory_space<vmem>>[vector<16xi32>, vector<16xi32>], vector<16xi32>,
      %gather3A_351 = tpu.vector_load_idx %arg4[%add3A_237, %add3A_349] : memref<512x20xi32, #tpu.memory_space<vmem>>[vector<16xi32>, vector<16xi32>], vector<16xi32>,
      %gather3A_352 = tpu.vector_load_idx %arg4[%add3A_243, %add3A_349] : memref<512x20xi32, #tpu.memory_space<vmem>>[vector<16xi32>, vector<16xi32>], vector<16xi32>,
      %gather3A_353 = tpu.vector_load_idx %arg4[%add3A_249, %add3A_349] : memref<512x20xi32, #tpu.memory_space<vmem>>[vector<16xi32>, vector<16xi32>], vector<16xi32>,
      tpu.vector_store_idx %arg5[%add3A_231, %gather3A_350], %broadcast_in_dim3A_54 {add = true} : memref<512x128xf32, #tpu.memory_space<vmem>>[vector<16xi32>, vector<16xi32>], vector<16xf32>,
      tpu.vector_store_idx %arg5[%add3A_237, %gather3A_351], %broadcast_in_dim3A_54 {add = true} : memref<512x128xf32, #tpu.memory_space<vmem>>[vector<16xi32>, vector<16xi32>], vector<16xf32>,
      tpu.vector_store_idx %arg5[%add3A_243, %gather3A_352], %broadcast_in_dim3A_54 {add = true} : memref<512x128xf32, #tpu.memory_space<vmem>>[vector<16xi32>, vector<16xi32>], vector<16xf32>,
      tpu.vector_store_idx %arg5[%add3A_249, %gather3A_353], %broadcast_in_dim3A_54 {add = true} : memref<512x128xf32, #tpu.memory_space<vmem>>[vector<16xi32>, vector<16xi32>], vector<16xf32>,
      %add3A_354 = arith.constant 15 : i32
      %add3A_355 = vector.broadcast %add3A_354 : i32 to vector<16xi32>
      %add3A_356 = arith.addi %broadcast_in_dim3A_52, %add3A_355 : vector<16xi32>
      %gather3A_357 = tpu.vector_load_idx %arg4[%add3A_231, %add3A_356] : memref<512x20xi32, #tpu.memory_space<vmem>>[vector<16xi32>, vector<16xi32>], vector<16xi32>,
      %gather3A_358 = tpu.vector_load_idx %arg4[%add3A_237, %add3A_356] : memref<512x20xi32, #tpu.memory_space<vmem>>[vector<16xi32>, vector<16xi32>], vector<16xi32>,
      %gather3A_359 = tpu.vector_load_idx %arg4[%add3A_243, %add3A_356] : memref<512x20xi32, #tpu.memory_space<vmem>>[vector<16xi32>, vector<16xi32>], vector<16xi32>,
      %gather3A_360 = tpu.vector_load_idx %arg4[%add3A_249, %add3A_356] : memref<512x20xi32, #tpu.memory_space<vmem>>[vector<16xi32>, vector<16xi32>], vector<16xi32>,
      tpu.vector_store_idx %arg5[%add3A_231, %gather3A_357], %broadcast_in_dim3A_54 {add = true} : memref<512x128xf32, #tpu.memory_space<vmem>>[vector<16xi32>, vector<16xi32>], vector<16xf32>,
      tpu.vector_store_idx %arg5[%add3A_237, %gather3A_358], %broadcast_in_dim3A_54 {add = true} : memref<512x128xf32, #tpu.memory_space<vmem>>[vector<16xi32>, vector<16xi32>], vector<16xf32>,
      tpu.vector_store_idx %arg5[%add3A_243, %gather3A_359], %broadcast_in_dim3A_54 {add = true} : memref<512x128xf32, #tpu.memory_space<vmem>>[vector<16xi32>, vector<16xi32>], vector<16xf32>,
      tpu.vector_store_idx %arg5[%add3A_249, %gather3A_360], %broadcast_in_dim3A_54 {add = true} : memref<512x128xf32, #tpu.memory_space<vmem>>[vector<16xi32>, vector<16xi32>], vector<16xf32>,
      %add3A_361 = arith.constant 16 : i32
      %add3A_362 = vector.broadcast %add3A_361 : i32 to vector<16xi32>
      %add3A_363 = arith.addi %broadcast_in_dim3A_52, %add3A_362 : vector<16xi32>
      %gather3A_364 = tpu.vector_load_idx %arg4[%add3A_231, %add3A_363] : memref<512x20xi32, #tpu.memory_space<vmem>>[vector<16xi32>, vector<16xi32>], vector<16xi32>,
      %gather3A_365 = tpu.vector_load_idx %arg4[%add3A_237, %add3A_363] : memref<512x20xi32, #tpu.memory_space<vmem>>[vector<16xi32>, vector<16xi32>], vector<16xi32>,
      %gather3A_366 = tpu.vector_load_idx %arg4[%add3A_243, %add3A_363] : memref<512x20xi32, #tpu.memory_space<vmem>>[vector<16xi32>, vector<16xi32>], vector<16xi32>,
      %gather3A_367 = tpu.vector_load_idx %arg4[%add3A_249, %add3A_363] : memref<512x20xi32, #tpu.memory_space<vmem>>[vector<16xi32>, vector<16xi32>], vector<16xi32>,
      tpu.vector_store_idx %arg5[%add3A_231, %gather3A_364], %broadcast_in_dim3A_54 {add = true} : memref<512x128xf32, #tpu.memory_space<vmem>>[vector<16xi32>, vector<16xi32>], vector<16xf32>,
      tpu.vector_store_idx %arg5[%add3A_237, %gather3A_365], %broadcast_in_dim3A_54 {add = true} : memref<512x128xf32, #tpu.memory_space<vmem>>[vector<16xi32>, vector<16xi32>], vector<16xf32>,
      tpu.vector_store_idx %arg5[%add3A_243, %gather3A_366], %broadcast_in_dim3A_54 {add = true} : memref<512x128xf32, #tpu.memory_space<vmem>>[vector<16xi32>, vector<16xi32>], vector<16xf32>,
      tpu.vector_store_idx %arg5[%add3A_249, %gather3A_367], %broadcast_in_dim3A_54 {add = true} : memref<512x128xf32, #tpu.memory_space<vmem>>[vector<16xi32>, vector<16xi32>], vector<16xf32>,
      %add3A_368 = arith.constant 17 : i32
      %add3A_369 = vector.broadcast %add3A_368 : i32 to vector<16xi32>
      %add3A_370 = arith.addi %broadcast_in_dim3A_52, %add3A_369 : vector<16xi32>
      %gather3A_371 = tpu.vector_load_idx %arg4[%add3A_231, %add3A_370] : memref<512x20xi32, #tpu.memory_space<vmem>>[vector<16xi32>, vector<16xi32>], vector<16xi32>,
      %gather3A_372 = tpu.vector_load_idx %arg4[%add3A_237, %add3A_370] : memref<512x20xi32, #tpu.memory_space<vmem>>[vector<16xi32>, vector<16xi32>], vector<16xi32>,
      %gather3A_373 = tpu.vector_load_idx %arg4[%add3A_243, %add3A_370] : memref<512x20xi32, #tpu.memory_space<vmem>>[vector<16xi32>, vector<16xi32>], vector<16xi32>,
      %gather3A_374 = tpu.vector_load_idx %arg4[%add3A_249, %add3A_370] : memref<512x20xi32, #tpu.memory_space<vmem>>[vector<16xi32>, vector<16xi32>], vector<16xi32>,
      tpu.vector_store_idx %arg5[%add3A_231, %gather3A_371], %broadcast_in_dim3A_54 {add = true} : memref<512x128xf32, #tpu.memory_space<vmem>>[vector<16xi32>, vector<16xi32>], vector<16xf32>,
      tpu.vector_store_idx %arg5[%add3A_237, %gather3A_372], %broadcast_in_dim3A_54 {add = true} : memref<512x128xf32, #tpu.memory_space<vmem>>[vector<16xi32>, vector<16xi32>], vector<16xf32>,
      tpu.vector_store_idx %arg5[%add3A_243, %gather3A_373], %broadcast_in_dim3A_54 {add = true} : memref<512x128xf32, #tpu.memory_space<vmem>>[vector<16xi32>, vector<16xi32>], vector<16xf32>,
      tpu.vector_store_idx %arg5[%add3A_249, %gather3A_374], %broadcast_in_dim3A_54 {add = true} : memref<512x128xf32, #tpu.memory_space<vmem>>[vector<16xi32>, vector<16xi32>], vector<16xf32>,
      %add3A_375 = arith.constant 18 : i32
      %add3A_376 = vector.broadcast %add3A_375 : i32 to vector<16xi32>
      %add3A_377 = arith.addi %broadcast_in_dim3A_52, %add3A_376 : vector<16xi32>
      %gather3A_378 = tpu.vector_load_idx %arg4[%add3A_231, %add3A_377] : memref<512x20xi32, #tpu.memory_space<vmem>>[vector<16xi32>, vector<16xi32>], vector<16xi32>,
      %gather3A_379 = tpu.vector_load_idx %arg4[%add3A_237, %add3A_377] : memref<512x20xi32, #tpu.memory_space<vmem>>[vector<16xi32>, vector<16xi32>], vector<16xi32>,
      %gather3A_380 = tpu.vector_load_idx %arg4[%add3A_243, %add3A_377] : memref<512x20xi32, #tpu.memory_space<vmem>>[vector<16xi32>, vector<16xi32>], vector<16xi32>,
      %gather3A_381 = tpu.vector_load_idx %arg4[%add3A_249, %add3A_377] : memref<512x20xi32, #tpu.memory_space<vmem>>[vector<16xi32>, vector<16xi32>], vector<16xi32>,
      tpu.vector_store_idx %arg5[%add3A_231, %gather3A_378], %broadcast_in_dim3A_54 {add = true} : memref<512x128xf32, #tpu.memory_space<vmem>>[vector<16xi32>, vector<16xi32>], vector<16xf32>,
      tpu.vector_store_idx %arg5[%add3A_237, %gather3A_379], %broadcast_in_dim3A_54 {add = true} : memref<512x128xf32, #tpu.memory_space<vmem>>[vector<16xi32>, vector<16xi32>], vector<16xf32>,
      tpu.vector_store_idx %arg5[%add3A_243, %gather3A_380], %broadcast_in_dim3A_54 {add = true} : memref<512x128xf32, #tpu.memory_space<vmem>>[vector<16xi32>, vector<16xi32>], vector<16xf32>,
      tpu.vector_store_idx %arg5[%add3A_249, %gather3A_381], %broadcast_in_dim3A_54 {add = true} : memref<512x128xf32, #tpu.memory_space<vmem>>[vector<16xi32>, vector<16xi32>], vector<16xf32>,
      %add3A_382 = arith.constant 19 : i32
      %add3A_383 = vector.broadcast %add3A_382 : i32 to vector<16xi32>
      %add3A_384 = arith.addi %broadcast_in_dim3A_52, %add3A_383 : vector<16xi32>
      %gather3A_385 = tpu.vector_load_idx %arg4[%add3A_231, %add3A_384] : memref<512x20xi32, #tpu.memory_space<vmem>>[vector<16xi32>, vector<16xi32>], vector<16xi32>,
      %gather3A_386 = tpu.vector_load_idx %arg4[%add3A_237, %add3A_384] : memref<512x20xi32, #tpu.memory_space<vmem>>[vector<16xi32>, vector<16xi32>], vector<16xi32>,
      %gather3A_387 = tpu.vector_load_idx %arg4[%add3A_243, %add3A_384] : memref<512x20xi32, #tpu.memory_space<vmem>>[vector<16xi32>, vector<16xi32>], vector<16xi32>,
      %gather3A_388 = tpu.vector_load_idx %arg4[%add3A_249, %add3A_384] : memref<512x20xi32, #tpu.memory_space<vmem>>[vector<16xi32>, vector<16xi32>], vector<16xi32>,
      tpu.vector_store_idx %arg5[%add3A_231, %gather3A_385], %broadcast_in_dim3A_54 {add = true} : memref<512x128xf32, #tpu.memory_space<vmem>>[vector<16xi32>, vector<16xi32>], vector<16xf32>,
      tpu.vector_store_idx %arg5[%add3A_237, %gather3A_386], %broadcast_in_dim3A_54 {add = true} : memref<512x128xf32, #tpu.memory_space<vmem>>[vector<16xi32>, vector<16xi32>], vector<16xf32>,
      tpu.vector_store_idx %arg5[%add3A_243, %gather3A_387], %broadcast_in_dim3A_54 {add = true} : memref<512x128xf32, #tpu.memory_space<vmem>>[vector<16xi32>, vector<16xi32>], vector<16xf32>,
      tpu.vector_store_idx %arg5[%add3A_249, %gather3A_388], %broadcast_in_dim3A_54 {add = true} : memref<512x128xf32, #tpu.memory_space<vmem>>[vector<16xi32>, vector<16xi32>], vector<16xf32>,
    }
    %scan3A_136 = arith.constant 2 : i32
    %scan3A_137 = arith.constant 0 : i32
    %scan3A_138 = arith.constant 128 : i32
    %scan3A_139 = arith.addi %scan3A_137, %scan3A_138 : i32
    %scan3A_140 = arith.constant 1 : i32
    scf.for %scan3A_221 = %scan3A_137 to %scan3A_139 step %scan3A_140  : i32 {
      %mul3A_222 = arith.constant 1 : i32
      %mul3A_223 = arith.muli %scan3A_221, %mul3A_222 : i32
      %add3A_224 = arith.constant 384 : i32
      %add3A_225 = arith.addi %add3A_224, %mul3A_223 : i32
      %swap3A = arith.index_cast %add3A_225 : i32 to index
      %swap3A_226 = arith.constant 0 : index
      %swap3A_227 = tpu.vector_load %arg5[%swap3A, %swap3A_226] {strides = array<i32>} : memref<512x128xf32, #tpu.memory_space<vmem>>, vector<16xf32>,
      tpu.vector_store %arg5[%swap3A, %swap3A_226], %broadcast_in_dim3A_50 {strides = array<i32>} : memref<512x128xf32, #tpu.memory_space<vmem>>, vector<16xf32>,
      %swap3A_228 = arith.index_cast %add3A_225 : i32 to index
      %swap3A_229 = arith.constant 16 : index
      %swap3A_230 = tpu.vector_load %arg5[%swap3A_228, %swap3A_229] {strides = array<i32>} : memref<512x128xf32, #tpu.memory_space<vmem>>, vector<16xf32>,
      tpu.vector_store %arg5[%swap3A_228, %swap3A_229], %broadcast_in_dim3A_50 {strides = array<i32>} : memref<512x128xf32, #tpu.memory_space<vmem>>, vector<16xf32>,
      %swap3A_231 = arith.index_cast %add3A_225 : i32 to index
      %swap3A_232 = arith.constant 32 : index
      %swap3A_233 = tpu.vector_load %arg5[%swap3A_231, %swap3A_232] {strides = array<i32>} : memref<512x128xf32, #tpu.memory_space<vmem>>, vector<16xf32>,
      tpu.vector_store %arg5[%swap3A_231, %swap3A_232], %broadcast_in_dim3A_50 {strides = array<i32>} : memref<512x128xf32, #tpu.memory_space<vmem>>, vector<16xf32>,
      %swap3A_234 = arith.index_cast %add3A_225 : i32 to index
      %swap3A_235 = arith.constant 48 : index
      %swap3A_236 = tpu.vector_load %arg5[%swap3A_234, %swap3A_235] {strides = array<i32>} : memref<512x128xf32, #tpu.memory_space<vmem>>, vector<16xf32>,
      tpu.vector_store %arg5[%swap3A_234, %swap3A_235], %broadcast_in_dim3A_50 {strides = array<i32>} : memref<512x128xf32, #tpu.memory_space<vmem>>, vector<16xf32>,
      %swap3A_237 = arith.index_cast %add3A_225 : i32 to index
      %swap3A_238 = arith.constant 64 : index
      %swap3A_239 = tpu.vector_load %arg5[%swap3A_237, %swap3A_238] {strides = array<i32>} : memref<512x128xf32, #tpu.memory_space<vmem>>, vector<16xf32>,
      tpu.vector_store %arg5[%swap3A_237, %swap3A_238], %broadcast_in_dim3A_50 {strides = array<i32>} : memref<512x128xf32, #tpu.memory_space<vmem>>, vector<16xf32>,
      %swap3A_240 = arith.index_cast %add3A_225 : i32 to index
      %swap3A_241 = arith.constant 80 : index
      %swap3A_242 = tpu.vector_load %arg5[%swap3A_240, %swap3A_241] {strides = array<i32>} : memref<512x128xf32, #tpu.memory_space<vmem>>, vector<16xf32>,
      tpu.vector_store %arg5[%swap3A_240, %swap3A_241], %broadcast_in_dim3A_50 {strides = array<i32>} : memref<512x128xf32, #tpu.memory_space<vmem>>, vector<16xf32>,
      %swap3A_243 = arith.index_cast %add3A_225 : i32 to index
      %swap3A_244 = arith.constant 96 : index
      %swap3A_245 = tpu.vector_load %arg5[%swap3A_243, %swap3A_244] {strides = array<i32>} : memref<512x128xf32, #tpu.memory_space<vmem>>, vector<16xf32>,
      tpu.vector_store %arg5[%swap3A_243, %swap3A_244], %broadcast_in_dim3A_50 {strides = array<i32>} : memref<512x128xf32, #tpu.memory_space<vmem>>, vector<16xf32>,
      %swap3A_246 = arith.index_cast %add3A_225 : i32 to index
      %swap3A_247 = arith.constant 112 : index
      %swap3A_248 = tpu.vector_load %arg5[%swap3A_246, %swap3A_247] {strides = array<i32>} : memref<512x128xf32, #tpu.memory_space<vmem>>, vector<16xf32>,
      tpu.vector_store %arg5[%swap3A_246, %swap3A_247], %broadcast_in_dim3A_50 {strides = array<i32>} : memref<512x128xf32, #tpu.memory_space<vmem>>, vector<16xf32>,
    }
    %scan3A_141 = arith.constant 128 : i32
    %add3A_142 = arith.constant 256 : i32
    %add3A_143 = arith.addi %mul3A_2, %add3A_142 : i32
    %dma_start3A_144 = arith.constant 256 : i32
    %dma_start3A_145 = arith.constant 0 : i32
    %dma_start3A_146 = tpu.memref_slice %arg5[%dma_start3A_144, %dma_start3A_145] : memref<512x128xf32, #tpu.memory_space<vmem>> -> memref<128x128xf32, #tpu.memory_space<vmem>>
    %dma_start3A_147 = arith.constant 0 : i32
    %dma_start3A_148 = tpu.memref_slice %arg3[%add3A_143, %dma_start3A_147] : memref<16384x128xf32, #tpu.memory_space<hbm>> -> memref<128x128xf32, #tpu.memory_space<hbm>>
    %dma_start3A_149 = arith.constant 0 : i32
    %dma_start3A_150 = tpu.memref_slice %arg3[%add3A_143, %dma_start3A_149] : memref<16384x128xf32, #tpu.memory_space<hbm>> -> memref<128x128xf32, #tpu.memory_space<hbm>>
    %dma_start3A_151 = arith.constant 256 : i32
    %dma_start3A_152 = arith.constant 0 : i32
    %dma_start3A_153 = tpu.memref_slice %arg5[%dma_start3A_151, %dma_start3A_152] : memref<512x128xf32, #tpu.memory_space<vmem>> -> memref<128x128xf32, #tpu.memory_space<vmem>>
    tpu.enqueue_dma source(%dma_start3A_153 : memref<128x128xf32, #tpu.memory_space<vmem>>) target(%dma_start3A_150 : memref<128x128xf32, #tpu.memory_space<hbm>>) target_semaphore(%arg10 : memref<!tpu.dma_semaphore, #tpu.memory_space<semaphore_mem>>)
    %dma_wait3A_154 = arith.constant 384 : i32
    %dma_wait3A_155 = arith.constant 0 : i32
    %dma_wait3A_156 = tpu.memref_slice %arg4[%dma_wait3A_154, %dma_wait3A_155] : memref<512x20xi32, #tpu.memory_space<vmem>> -> memref<128x20xi32, #tpu.memory_space<vmem>>
    %dma_wait3A_157 = arith.constant 0 : i32
    %dma_wait3A_158 = tpu.memref_slice %arg2[%add3A_39, %dma_wait3A_157] : memref<16384x20xi32, #tpu.memory_space<hbm>> -> memref<128x20xi32, #tpu.memory_space<hbm>>
    %dma_wait3A_159 = arith.constant 384 : i32
    %dma_wait3A_160 = arith.constant 0 : i32
    %dma_wait3A_161 = tpu.memref_slice %arg4[%dma_wait3A_159, %dma_wait3A_160] : memref<512x20xi32, #tpu.memory_space<vmem>> -> memref<128x20xi32, #tpu.memory_space<vmem>>
    %dma_wait3A_162 = arith.constant 0 : i32
    %dma_wait3A_163 = tpu.memref_slice %arg2[%add3A_39, %dma_wait3A_162] : memref<16384x20xi32, #tpu.memory_space<hbm>> -> memref<128x20xi32, #tpu.memory_space<hbm>>
    tpu.wait_dma2 semaphore(%arg9 : memref<!tpu.dma_semaphore, #tpu.memory_space<semaphore_mem>>) src(%dma_wait3A_163 : memref<128x20xi32, #tpu.memory_space<hbm>>) dst(%dma_wait3A_161 : memref<128x20xi32, #tpu.memory_space<vmem>>)
    %scan3A_164 = arith.constant 0 : i32
    %scan3A_165 = arith.constant 2 : i32
    %scan3A_166 = arith.addi %scan3A_164, %scan3A_165 : i32
    %scan3A_167 = arith.constant 1 : i32
    scf.for %scan3A_221 = %scan3A_164 to %scan3A_166 step %scan3A_167  : i32 {
      %mul3A_222 = arith.constant 4 : i32
      %mul3A_223 = arith.muli %scan3A_221, %mul3A_222 : i32
      %add3A_224 = arith.constant 24 : i32
      %add3A_225 = arith.addi %add3A_224, %mul3A_223 : i32
      %mul3A_226 = arith.constant 16 : i32
      %mul3A_227 = arith.muli %add3A_225, %mul3A_226 : i32
      %add3A_228 = arith.constant 0 : i32
      %add3A_229 = arith.addi %mul3A_227, %add3A_228 : i32
      %add3A_230 = vector.broadcast %add3A_229 : i32 to vector<16xi32>
      %add3A_231 = arith.addi %add3A_230, %iota3A : vector<16xi32>
      %mul3A_232 = arith.constant 16 : i32
      %mul3A_233 = arith.muli %add3A_225, %mul3A_232 : i32
      %add3A_234 = arith.constant 16 : i32
      %add3A_235 = arith.addi %mul3A_233, %add3A_234 : i32
      %add3A_236 = vector.broadcast %add3A_235 : i32 to vector<16xi32>
      %add3A_237 = arith.addi %add3A_236, %iota3A : vector<16xi32>
      %mul3A_238 = arith.constant 16 : i32
      %mul3A_239 = arith.muli %add3A_225, %mul3A_238 : i32
      %add3A_240 = arith.constant 32 : i32
      %add3A_241 = arith.addi %mul3A_239, %add3A_240 : i32
      %add3A_242 = vector.broadcast %add3A_241 : i32 to vector<16xi32>
      %add3A_243 = arith.addi %add3A_242, %iota3A : vector<16xi32>
      %mul3A_244 = arith.constant 16 : i32
      %mul3A_245 = arith.muli %add3A_225, %mul3A_244 : i32
      %add3A_246 = arith.constant 48 : i32
      %add3A_247 = arith.addi %mul3A_245, %add3A_246 : i32
      %add3A_248 = vector.broadcast %add3A_247 : i32 to vector<16xi32>
      %add3A_249 = arith.addi %add3A_248, %iota3A : vector<16xi32>
      %add3A_250 = arith.constant 0 : i32
      %add3A_251 = vector.broadcast %add3A_250 : i32 to vector<16xi32>
      %add3A_252 = arith.addi %broadcast_in_dim3A_52, %add3A_251 : vector<16xi32>
      %gather3A = tpu.vector_load_idx %arg4[%add3A_231, %add3A_252] : memref<512x20xi32, #tpu.memory_space<vmem>>[vector<16xi32>, vector<16xi32>], vector<16xi32>,
      %gather3A_253 = tpu.vector_load_idx %arg4[%add3A_237, %add3A_252] : memref<512x20xi32, #tpu.memory_space<vmem>>[vector<16xi32>, vector<16xi32>], vector<16xi32>,
      %gather3A_254 = tpu.vector_load_idx %arg4[%add3A_243, %add3A_252] : memref<512x20xi32, #tpu.memory_space<vmem>>[vector<16xi32>, vector<16xi32>], vector<16xi32>,
      %gather3A_255 = tpu.vector_load_idx %arg4[%add3A_249, %add3A_252] : memref<512x20xi32, #tpu.memory_space<vmem>>[vector<16xi32>, vector<16xi32>], vector<16xi32>,
      tpu.vector_store_idx %arg5[%add3A_231, %gather3A], %broadcast_in_dim3A_54 {add = true} : memref<512x128xf32, #tpu.memory_space<vmem>>[vector<16xi32>, vector<16xi32>], vector<16xf32>,
      tpu.vector_store_idx %arg5[%add3A_237, %gather3A_253], %broadcast_in_dim3A_54 {add = true} : memref<512x128xf32, #tpu.memory_space<vmem>>[vector<16xi32>, vector<16xi32>], vector<16xf32>,
      tpu.vector_store_idx %arg5[%add3A_243, %gather3A_254], %broadcast_in_dim3A_54 {add = true} : memref<512x128xf32, #tpu.memory_space<vmem>>[vector<16xi32>, vector<16xi32>], vector<16xf32>,
      tpu.vector_store_idx %arg5[%add3A_249, %gather3A_255], %broadcast_in_dim3A_54 {add = true} : memref<512x128xf32, #tpu.memory_space<vmem>>[vector<16xi32>, vector<16xi32>], vector<16xf32>,
      %add3A_256 = arith.constant 1 : i32
      %add3A_257 = vector.broadcast %add3A_256 : i32 to vector<16xi32>
      %add3A_258 = arith.addi %broadcast_in_dim3A_52, %add3A_257 : vector<16xi32>
      %gather3A_259 = tpu.vector_load_idx %arg4[%add3A_231, %add3A_258] : memref<512x20xi32, #tpu.memory_space<vmem>>[vector<16xi32>, vector<16xi32>], vector<16xi32>,
      %gather3A_260 = tpu.vector_load_idx %arg4[%add3A_237, %add3A_258] : memref<512x20xi32, #tpu.memory_space<vmem>>[vector<16xi32>, vector<16xi32>], vector<16xi32>,
      %gather3A_261 = tpu.vector_load_idx %arg4[%add3A_243, %add3A_258] : memref<512x20xi32, #tpu.memory_space<vmem>>[vector<16xi32>, vector<16xi32>], vector<16xi32>,
      %gather3A_262 = tpu.vector_load_idx %arg4[%add3A_249, %add3A_258] : memref<512x20xi32, #tpu.memory_space<vmem>>[vector<16xi32>, vector<16xi32>], vector<16xi32>,
      tpu.vector_store_idx %arg5[%add3A_231, %gather3A_259], %broadcast_in_dim3A_54 {add = true} : memref<512x128xf32, #tpu.memory_space<vmem>>[vector<16xi32>, vector<16xi32>], vector<16xf32>,
      tpu.vector_store_idx %arg5[%add3A_237, %gather3A_260], %broadcast_in_dim3A_54 {add = true} : memref<512x128xf32, #tpu.memory_space<vmem>>[vector<16xi32>, vector<16xi32>], vector<16xf32>,
      tpu.vector_store_idx %arg5[%add3A_243, %gather3A_261], %broadcast_in_dim3A_54 {add = true} : memref<512x128xf32, #tpu.memory_space<vmem>>[vector<16xi32>, vector<16xi32>], vector<16xf32>,
      tpu.vector_store_idx %arg5[%add3A_249, %gather3A_262], %broadcast_in_dim3A_54 {add = true} : memref<512x128xf32, #tpu.memory_space<vmem>>[vector<16xi32>, vector<16xi32>], vector<16xf32>,
      %add3A_263 = arith.constant 2 : i32
      %add3A_264 = vector.broadcast %add3A_263 : i32 to vector<16xi32>
      %add3A_265 = arith.addi %broadcast_in_dim3A_52, %add3A_264 : vector<16xi32>
      %gather3A_266 = tpu.vector_load_idx %arg4[%add3A_231, %add3A_265] : memref<512x20xi32, #tpu.memory_space<vmem>>[vector<16xi32>, vector<16xi32>], vector<16xi32>,
      %gather3A_267 = tpu.vector_load_idx %arg4[%add3A_237, %add3A_265] : memref<512x20xi32, #tpu.memory_space<vmem>>[vector<16xi32>, vector<16xi32>], vector<16xi32>,
      %gather3A_268 = tpu.vector_load_idx %arg4[%add3A_243, %add3A_265] : memref<512x20xi32, #tpu.memory_space<vmem>>[vector<16xi32>, vector<16xi32>], vector<16xi32>,
      %gather3A_269 = tpu.vector_load_idx %arg4[%add3A_249, %add3A_265] : memref<512x20xi32, #tpu.memory_space<vmem>>[vector<16xi32>, vector<16xi32>], vector<16xi32>,
      tpu.vector_store_idx %arg5[%add3A_231, %gather3A_266], %broadcast_in_dim3A_54 {add = true} : memref<512x128xf32, #tpu.memory_space<vmem>>[vector<16xi32>, vector<16xi32>], vector<16xf32>,
      tpu.vector_store_idx %arg5[%add3A_237, %gather3A_267], %broadcast_in_dim3A_54 {add = true} : memref<512x128xf32, #tpu.memory_space<vmem>>[vector<16xi32>, vector<16xi32>], vector<16xf32>,
      tpu.vector_store_idx %arg5[%add3A_243, %gather3A_268], %broadcast_in_dim3A_54 {add = true} : memref<512x128xf32, #tpu.memory_space<vmem>>[vector<16xi32>, vector<16xi32>], vector<16xf32>,
      tpu.vector_store_idx %arg5[%add3A_249, %gather3A_269], %broadcast_in_dim3A_54 {add = true} : memref<512x128xf32, #tpu.memory_space<vmem>>[vector<16xi32>, vector<16xi32>], vector<16xf32>,
      %add3A_270 = arith.constant 3 : i32
      %add3A_271 = vector.broadcast %add3A_270 : i32 to vector<16xi32>
      %add3A_272 = arith.addi %broadcast_in_dim3A_52, %add3A_271 : vector<16xi32>
      %gather3A_273 = tpu.vector_load_idx %arg4[%add3A_231, %add3A_272] : memref<512x20xi32, #tpu.memory_space<vmem>>[vector<16xi32>, vector<16xi32>], vector<16xi32>,
      %gather3A_274 = tpu.vector_load_idx %arg4[%add3A_237, %add3A_272] : memref<512x20xi32, #tpu.memory_space<vmem>>[vector<16xi32>, vector<16xi32>], vector<16xi32>,
      %gather3A_275 = tpu.vector_load_idx %arg4[%add3A_243, %add3A_272] : memref<512x20xi32, #tpu.memory_space<vmem>>[vector<16xi32>, vector<16xi32>], vector<16xi32>,
      %gather3A_276 = tpu.vector_load_idx %arg4[%add3A_249, %add3A_272] : memref<512x20xi32, #tpu.memory_space<vmem>>[vector<16xi32>, vector<16xi32>], vector<16xi32>,
      tpu.vector_store_idx %arg5[%add3A_231, %gather3A_273], %broadcast_in_dim3A_54 {add = true} : memref<512x128xf32, #tpu.memory_space<vmem>>[vector<16xi32>, vector<16xi32>], vector<16xf32>,
      tpu.vector_store_idx %arg5[%add3A_237, %gather3A_274], %broadcast_in_dim3A_54 {add = true} : memref<512x128xf32, #tpu.memory_space<vmem>>[vector<16xi32>, vector<16xi32>], vector<16xf32>,
      tpu.vector_store_idx %arg5[%add3A_243, %gather3A_275], %broadcast_in_dim3A_54 {add = true} : memref<512x128xf32, #tpu.memory_space<vmem>>[vector<16xi32>, vector<16xi32>], vector<16xf32>,
      tpu.vector_store_idx %arg5[%add3A_249, %gather3A_276], %broadcast_in_dim3A_54 {add = true} : memref<512x128xf32, #tpu.memory_space<vmem>>[vector<16xi32>, vector<16xi32>], vector<16xf32>,
      %add3A_277 = arith.constant 4 : i32
      %add3A_278 = vector.broadcast %add3A_277 : i32 to vector<16xi32>
      %add3A_279 = arith.addi %broadcast_in_dim3A_52, %add3A_278 : vector<16xi32>
      %gather3A_280 = tpu.vector_load_idx %arg4[%add3A_231, %add3A_279] : memref<512x20xi32, #tpu.memory_space<vmem>>[vector<16xi32>, vector<16xi32>], vector<16xi32>,
      %gather3A_281 = tpu.vector_load_idx %arg4[%add3A_237, %add3A_279] : memref<512x20xi32, #tpu.memory_space<vmem>>[vector<16xi32>, vector<16xi32>], vector<16xi32>,
      %gather3A_282 = tpu.vector_load_idx %arg4[%add3A_243, %add3A_279] : memref<512x20xi32, #tpu.memory_space<vmem>>[vector<16xi32>, vector<16xi32>], vector<16xi32>,
      %gather3A_283 = tpu.vector_load_idx %arg4[%add3A_249, %add3A_279] : memref<512x20xi32, #tpu.memory_space<vmem>>[vector<16xi32>, vector<16xi32>], vector<16xi32>,
      tpu.vector_store_idx %arg5[%add3A_231, %gather3A_280], %broadcast_in_dim3A_54 {add = true} : memref<512x128xf32, #tpu.memory_space<vmem>>[vector<16xi32>, vector<16xi32>], vector<16xf32>,
      tpu.vector_store_idx %arg5[%add3A_237, %gather3A_281], %broadcast_in_dim3A_54 {add = true} : memref<512x128xf32, #tpu.memory_space<vmem>>[vector<16xi32>, vector<16xi32>], vector<16xf32>,
      tpu.vector_store_idx %arg5[%add3A_243, %gather3A_282], %broadcast_in_dim3A_54 {add = true} : memref<512x128xf32, #tpu.memory_space<vmem>>[vector<16xi32>, vector<16xi32>], vector<16xf32>,
      tpu.vector_store_idx %arg5[%add3A_249, %gather3A_283], %broadcast_in_dim3A_54 {add = true} : memref<512x128xf32, #tpu.memory_space<vmem>>[vector<16xi32>, vector<16xi32>], vector<16xf32>,
      %add3A_284 = arith.constant 5 : i32
      %add3A_285 = vector.broadcast %add3A_284 : i32 to vector<16xi32>
      %add3A_286 = arith.addi %broadcast_in_dim3A_52, %add3A_285 : vector<16xi32>
      %gather3A_287 = tpu.vector_load_idx %arg4[%add3A_231, %add3A_286] : memref<512x20xi32, #tpu.memory_space<vmem>>[vector<16xi32>, vector<16xi32>], vector<16xi32>,
      %gather3A_288 = tpu.vector_load_idx %arg4[%add3A_237, %add3A_286] : memref<512x20xi32, #tpu.memory_space<vmem>>[vector<16xi32>, vector<16xi32>], vector<16xi32>,
      %gather3A_289 = tpu.vector_load_idx %arg4[%add3A_243, %add3A_286] : memref<512x20xi32, #tpu.memory_space<vmem>>[vector<16xi32>, vector<16xi32>], vector<16xi32>,
      %gather3A_290 = tpu.vector_load_idx %arg4[%add3A_249, %add3A_286] : memref<512x20xi32, #tpu.memory_space<vmem>>[vector<16xi32>, vector<16xi32>], vector<16xi32>,
      tpu.vector_store_idx %arg5[%add3A_231, %gather3A_287], %broadcast_in_dim3A_54 {add = true} : memref<512x128xf32, #tpu.memory_space<vmem>>[vector<16xi32>, vector<16xi32>], vector<16xf32>,
      tpu.vector_store_idx %arg5[%add3A_237, %gather3A_288], %broadcast_in_dim3A_54 {add = true} : memref<512x128xf32, #tpu.memory_space<vmem>>[vector<16xi32>, vector<16xi32>], vector<16xf32>,
      tpu.vector_store_idx %arg5[%add3A_243, %gather3A_289], %broadcast_in_dim3A_54 {add = true} : memref<512x128xf32, #tpu.memory_space<vmem>>[vector<16xi32>, vector<16xi32>], vector<16xf32>,
      tpu.vector_store_idx %arg5[%add3A_249, %gather3A_290], %broadcast_in_dim3A_54 {add = true} : memref<512x128xf32, #tpu.memory_space<vmem>>[vector<16xi32>, vector<16xi32>], vector<16xf32>,
      %add3A_291 = arith.constant 6 : i32
      %add3A_292 = vector.broadcast %add3A_291 : i32 to vector<16xi32>
      %add3A_293 = arith.addi %broadcast_in_dim3A_52, %add3A_292 : vector<16xi32>
      %gather3A_294 = tpu.vector_load_idx %arg4[%add3A_231, %add3A_293] : memref<512x20xi32, #tpu.memory_space<vmem>>[vector<16xi32>, vector<16xi32>], vector<16xi32>,
      %gather3A_295 = tpu.vector_load_idx %arg4[%add3A_237, %add3A_293] : memref<512x20xi32, #tpu.memory_space<vmem>>[vector<16xi32>, vector<16xi32>], vector<16xi32>,
      %gather3A_296 = tpu.vector_load_idx %arg4[%add3A_243, %add3A_293] : memref<512x20xi32, #tpu.memory_space<vmem>>[vector<16xi32>, vector<16xi32>], vector<16xi32>,
      %gather3A_297 = tpu.vector_load_idx %arg4[%add3A_249, %add3A_293] : memref<512x20xi32, #tpu.memory_space<vmem>>[vector<16xi32>, vector<16xi32>], vector<16xi32>,
      tpu.vector_store_idx %arg5[%add3A_231, %gather3A_294], %broadcast_in_dim3A_54 {add = true} : memref<512x128xf32, #tpu.memory_space<vmem>>[vector<16xi32>, vector<16xi32>], vector<16xf32>,
      tpu.vector_store_idx %arg5[%add3A_237, %gather3A_295], %broadcast_in_dim3A_54 {add = true} : memref<512x128xf32, #tpu.memory_space<vmem>>[vector<16xi32>, vector<16xi32>], vector<16xf32>,
      tpu.vector_store_idx %arg5[%add3A_243, %gather3A_296], %broadcast_in_dim3A_54 {add = true} : memref<512x128xf32, #tpu.memory_space<vmem>>[vector<16xi32>, vector<16xi32>], vector<16xf32>,
      tpu.vector_store_idx %arg5[%add3A_249, %gather3A_297], %broadcast_in_dim3A_54 {add = true} : memref<512x128xf32, #tpu.memory_space<vmem>>[vector<16xi32>, vector<16xi32>], vector<16xf32>,
      %add3A_298 = arith.constant 7 : i32
      %add3A_299 = vector.broadcast %add3A_298 : i32 to vector<16xi32>
      %add3A_300 = arith.addi %broadcast_in_dim3A_52, %add3A_299 : vector<16xi32>
      %gather3A_301 = tpu.vector_load_idx %arg4[%add3A_231, %add3A_300] : memref<512x20xi32, #tpu.memory_space<vmem>>[vector<16xi32>, vector<16xi32>], vector<16xi32>,
      %gather3A_302 = tpu.vector_load_idx %arg4[%add3A_237, %add3A_300] : memref<512x20xi32, #tpu.memory_space<vmem>>[vector<16xi32>, vector<16xi32>], vector<16xi32>,
      %gather3A_303 = tpu.vector_load_idx %arg4[%add3A_243, %add3A_300] : memref<512x20xi32, #tpu.memory_space<vmem>>[vector<16xi32>, vector<16xi32>], vector<16xi32>,
      %gather3A_304 = tpu.vector_load_idx %arg4[%add3A_249, %add3A_300] : memref<512x20xi32, #tpu.memory_space<vmem>>[vector<16xi32>, vector<16xi32>], vector<16xi32>,
      tpu.vector_store_idx %arg5[%add3A_231, %gather3A_301], %broadcast_in_dim3A_54 {add = true} : memref<512x128xf32, #tpu.memory_space<vmem>>[vector<16xi32>, vector<16xi32>], vector<16xf32>,
      tpu.vector_store_idx %arg5[%add3A_237, %gather3A_302], %broadcast_in_dim3A_54 {add = true} : memref<512x128xf32, #tpu.memory_space<vmem>>[vector<16xi32>, vector<16xi32>], vector<16xf32>,
      tpu.vector_store_idx %arg5[%add3A_243, %gather3A_303], %broadcast_in_dim3A_54 {add = true} : memref<512x128xf32, #tpu.memory_space<vmem>>[vector<16xi32>, vector<16xi32>], vector<16xf32>,
      tpu.vector_store_idx %arg5[%add3A_249, %gather3A_304], %broadcast_in_dim3A_54 {add = true} : memref<512x128xf32, #tpu.memory_space<vmem>>[vector<16xi32>, vector<16xi32>], vector<16xf32>,
      %add3A_305 = arith.constant 8 : i32
      %add3A_306 = vector.broadcast %add3A_305 : i32 to vector<16xi32>
      %add3A_307 = arith.addi %broadcast_in_dim3A_52, %add3A_306 : vector<16xi32>
      %gather3A_308 = tpu.vector_load_idx %arg4[%add3A_231, %add3A_307] : memref<512x20xi32, #tpu.memory_space<vmem>>[vector<16xi32>, vector<16xi32>], vector<16xi32>,
      %gather3A_309 = tpu.vector_load_idx %arg4[%add3A_237, %add3A_307] : memref<512x20xi32, #tpu.memory_space<vmem>>[vector<16xi32>, vector<16xi32>], vector<16xi32>,
      %gather3A_310 = tpu.vector_load_idx %arg4[%add3A_243, %add3A_307] : memref<512x20xi32, #tpu.memory_space<vmem>>[vector<16xi32>, vector<16xi32>], vector<16xi32>,
      %gather3A_311 = tpu.vector_load_idx %arg4[%add3A_249, %add3A_307] : memref<512x20xi32, #tpu.memory_space<vmem>>[vector<16xi32>, vector<16xi32>], vector<16xi32>,
      tpu.vector_store_idx %arg5[%add3A_231, %gather3A_308], %broadcast_in_dim3A_54 {add = true} : memref<512x128xf32, #tpu.memory_space<vmem>>[vector<16xi32>, vector<16xi32>], vector<16xf32>,
      tpu.vector_store_idx %arg5[%add3A_237, %gather3A_309], %broadcast_in_dim3A_54 {add = true} : memref<512x128xf32, #tpu.memory_space<vmem>>[vector<16xi32>, vector<16xi32>], vector<16xf32>,
      tpu.vector_store_idx %arg5[%add3A_243, %gather3A_310], %broadcast_in_dim3A_54 {add = true} : memref<512x128xf32, #tpu.memory_space<vmem>>[vector<16xi32>, vector<16xi32>], vector<16xf32>,
      tpu.vector_store_idx %arg5[%add3A_249, %gather3A_311], %broadcast_in_dim3A_54 {add = true} : memref<512x128xf32, #tpu.memory_space<vmem>>[vector<16xi32>, vector<16xi32>], vector<16xf32>,
      %add3A_312 = arith.constant 9 : i32
      %add3A_313 = vector.broadcast %add3A_312 : i32 to vector<16xi32>
      %add3A_314 = arith.addi %broadcast_in_dim3A_52, %add3A_313 : vector<16xi32>
      %gather3A_315 = tpu.vector_load_idx %arg4[%add3A_231, %add3A_314] : memref<512x20xi32, #tpu.memory_space<vmem>>[vector<16xi32>, vector<16xi32>], vector<16xi32>,
      %gather3A_316 = tpu.vector_load_idx %arg4[%add3A_237, %add3A_314] : memref<512x20xi32, #tpu.memory_space<vmem>>[vector<16xi32>, vector<16xi32>], vector<16xi32>,
      %gather3A_317 = tpu.vector_load_idx %arg4[%add3A_243, %add3A_314] : memref<512x20xi32, #tpu.memory_space<vmem>>[vector<16xi32>, vector<16xi32>], vector<16xi32>,
      %gather3A_318 = tpu.vector_load_idx %arg4[%add3A_249, %add3A_314] : memref<512x20xi32, #tpu.memory_space<vmem>>[vector<16xi32>, vector<16xi32>], vector<16xi32>,
      tpu.vector_store_idx %arg5[%add3A_231, %gather3A_315], %broadcast_in_dim3A_54 {add = true} : memref<512x128xf32, #tpu.memory_space<vmem>>[vector<16xi32>, vector<16xi32>], vector<16xf32>,
      tpu.vector_store_idx %arg5[%add3A_237, %gather3A_316], %broadcast_in_dim3A_54 {add = true} : memref<512x128xf32, #tpu.memory_space<vmem>>[vector<16xi32>, vector<16xi32>], vector<16xf32>,
      tpu.vector_store_idx %arg5[%add3A_243, %gather3A_317], %broadcast_in_dim3A_54 {add = true} : memref<512x128xf32, #tpu.memory_space<vmem>>[vector<16xi32>, vector<16xi32>], vector<16xf32>,
      tpu.vector_store_idx %arg5[%add3A_249, %gather3A_318], %broadcast_in_dim3A_54 {add = true} : memref<512x128xf32, #tpu.memory_space<vmem>>[vector<16xi32>, vector<16xi32>], vector<16xf32>,
      %add3A_319 = arith.constant 10 : i32
      %add3A_320 = vector.broadcast %add3A_319 : i32 to vector<16xi32>
      %add3A_321 = arith.addi %broadcast_in_dim3A_52, %add3A_320 : vector<16xi32>
      %gather3A_322 = tpu.vector_load_idx %arg4[%add3A_231, %add3A_321] : memref<512x20xi32, #tpu.memory_space<vmem>>[vector<16xi32>, vector<16xi32>], vector<16xi32>,
      %gather3A_323 = tpu.vector_load_idx %arg4[%add3A_237, %add3A_321] : memref<512x20xi32, #tpu.memory_space<vmem>>[vector<16xi32>, vector<16xi32>], vector<16xi32>,
      %gather3A_324 = tpu.vector_load_idx %arg4[%add3A_243, %add3A_321] : memref<512x20xi32, #tpu.memory_space<vmem>>[vector<16xi32>, vector<16xi32>], vector<16xi32>,
      %gather3A_325 = tpu.vector_load_idx %arg4[%add3A_249, %add3A_321] : memref<512x20xi32, #tpu.memory_space<vmem>>[vector<16xi32>, vector<16xi32>], vector<16xi32>,
      tpu.vector_store_idx %arg5[%add3A_231, %gather3A_322], %broadcast_in_dim3A_54 {add = true} : memref<512x128xf32, #tpu.memory_space<vmem>>[vector<16xi32>, vector<16xi32>], vector<16xf32>,
      tpu.vector_store_idx %arg5[%add3A_237, %gather3A_323], %broadcast_in_dim3A_54 {add = true} : memref<512x128xf32, #tpu.memory_space<vmem>>[vector<16xi32>, vector<16xi32>], vector<16xf32>,
      tpu.vector_store_idx %arg5[%add3A_243, %gather3A_324], %broadcast_in_dim3A_54 {add = true} : memref<512x128xf32, #tpu.memory_space<vmem>>[vector<16xi32>, vector<16xi32>], vector<16xf32>,
      tpu.vector_store_idx %arg5[%add3A_249, %gather3A_325], %broadcast_in_dim3A_54 {add = true} : memref<512x128xf32, #tpu.memory_space<vmem>>[vector<16xi32>, vector<16xi32>], vector<16xf32>,
      %add3A_326 = arith.constant 11 : i32
      %add3A_327 = vector.broadcast %add3A_326 : i32 to vector<16xi32>
      %add3A_328 = arith.addi %broadcast_in_dim3A_52, %add3A_327 : vector<16xi32>
      %gather3A_329 = tpu.vector_load_idx %arg4[%add3A_231, %add3A_328] : memref<512x20xi32, #tpu.memory_space<vmem>>[vector<16xi32>, vector<16xi32>], vector<16xi32>,
      %gather3A_330 = tpu.vector_load_idx %arg4[%add3A_237, %add3A_328] : memref<512x20xi32, #tpu.memory_space<vmem>>[vector<16xi32>, vector<16xi32>], vector<16xi32>,
      %gather3A_331 = tpu.vector_load_idx %arg4[%add3A_243, %add3A_328] : memref<512x20xi32, #tpu.memory_space<vmem>>[vector<16xi32>, vector<16xi32>], vector<16xi32>,
      %gather3A_332 = tpu.vector_load_idx %arg4[%add3A_249, %add3A_328] : memref<512x20xi32, #tpu.memory_space<vmem>>[vector<16xi32>, vector<16xi32>], vector<16xi32>,
      tpu.vector_store_idx %arg5[%add3A_231, %gather3A_329], %broadcast_in_dim3A_54 {add = true} : memref<512x128xf32, #tpu.memory_space<vmem>>[vector<16xi32>, vector<16xi32>], vector<16xf32>,
      tpu.vector_store_idx %arg5[%add3A_237, %gather3A_330], %broadcast_in_dim3A_54 {add = true} : memref<512x128xf32, #tpu.memory_space<vmem>>[vector<16xi32>, vector<16xi32>], vector<16xf32>,
      tpu.vector_store_idx %arg5[%add3A_243, %gather3A_331], %broadcast_in_dim3A_54 {add = true} : memref<512x128xf32, #tpu.memory_space<vmem>>[vector<16xi32>, vector<16xi32>], vector<16xf32>,
      tpu.vector_store_idx %arg5[%add3A_249, %gather3A_332], %broadcast_in_dim3A_54 {add = true} : memref<512x128xf32, #tpu.memory_space<vmem>>[vector<16xi32>, vector<16xi32>], vector<16xf32>,
      %add3A_333 = arith.constant 12 : i32
      %add3A_334 = vector.broadcast %add3A_333 : i32 to vector<16xi32>
      %add3A_335 = arith.addi %broadcast_in_dim3A_52, %add3A_334 : vector<16xi32>
      %gather3A_336 = tpu.vector_load_idx %arg4[%add3A_231, %add3A_335] : memref<512x20xi32, #tpu.memory_space<vmem>>[vector<16xi32>, vector<16xi32>], vector<16xi32>,
      %gather3A_337 = tpu.vector_load_idx %arg4[%add3A_237, %add3A_335] : memref<512x20xi32, #tpu.memory_space<vmem>>[vector<16xi32>, vector<16xi32>], vector<16xi32>,
      %gather3A_338 = tpu.vector_load_idx %arg4[%add3A_243, %add3A_335] : memref<512x20xi32, #tpu.memory_space<vmem>>[vector<16xi32>, vector<16xi32>], vector<16xi32>,
      %gather3A_339 = tpu.vector_load_idx %arg4[%add3A_249, %add3A_335] : memref<512x20xi32, #tpu.memory_space<vmem>>[vector<16xi32>, vector<16xi32>], vector<16xi32>,
      tpu.vector_store_idx %arg5[%add3A_231, %gather3A_336], %broadcast_in_dim3A_54 {add = true} : memref<512x128xf32, #tpu.memory_space<vmem>>[vector<16xi32>, vector<16xi32>], vector<16xf32>,
      tpu.vector_store_idx %arg5[%add3A_237, %gather3A_337], %broadcast_in_dim3A_54 {add = true} : memref<512x128xf32, #tpu.memory_space<vmem>>[vector<16xi32>, vector<16xi32>], vector<16xf32>,
      tpu.vector_store_idx %arg5[%add3A_243, %gather3A_338], %broadcast_in_dim3A_54 {add = true} : memref<512x128xf32, #tpu.memory_space<vmem>>[vector<16xi32>, vector<16xi32>], vector<16xf32>,
      tpu.vector_store_idx %arg5[%add3A_249, %gather3A_339], %broadcast_in_dim3A_54 {add = true} : memref<512x128xf32, #tpu.memory_space<vmem>>[vector<16xi32>, vector<16xi32>], vector<16xf32>,
      %add3A_340 = arith.constant 13 : i32
      %add3A_341 = vector.broadcast %add3A_340 : i32 to vector<16xi32>
      %add3A_342 = arith.addi %broadcast_in_dim3A_52, %add3A_341 : vector<16xi32>
      %gather3A_343 = tpu.vector_load_idx %arg4[%add3A_231, %add3A_342] : memref<512x20xi32, #tpu.memory_space<vmem>>[vector<16xi32>, vector<16xi32>], vector<16xi32>,
      %gather3A_344 = tpu.vector_load_idx %arg4[%add3A_237, %add3A_342] : memref<512x20xi32, #tpu.memory_space<vmem>>[vector<16xi32>, vector<16xi32>], vector<16xi32>,
      %gather3A_345 = tpu.vector_load_idx %arg4[%add3A_243, %add3A_342] : memref<512x20xi32, #tpu.memory_space<vmem>>[vector<16xi32>, vector<16xi32>], vector<16xi32>,
      %gather3A_346 = tpu.vector_load_idx %arg4[%add3A_249, %add3A_342] : memref<512x20xi32, #tpu.memory_space<vmem>>[vector<16xi32>, vector<16xi32>], vector<16xi32>,
      tpu.vector_store_idx %arg5[%add3A_231, %gather3A_343], %broadcast_in_dim3A_54 {add = true} : memref<512x128xf32, #tpu.memory_space<vmem>>[vector<16xi32>, vector<16xi32>], vector<16xf32>,
      tpu.vector_store_idx %arg5[%add3A_237, %gather3A_344], %broadcast_in_dim3A_54 {add = true} : memref<512x128xf32, #tpu.memory_space<vmem>>[vector<16xi32>, vector<16xi32>], vector<16xf32>,
      tpu.vector_store_idx %arg5[%add3A_243, %gather3A_345], %broadcast_in_dim3A_54 {add = true} : memref<512x128xf32, #tpu.memory_space<vmem>>[vector<16xi32>, vector<16xi32>], vector<16xf32>,
      tpu.vector_store_idx %arg5[%add3A_249, %gather3A_346], %broadcast_in_dim3A_54 {add = true} : memref<512x128xf32, #tpu.memory_space<vmem>>[vector<16xi32>, vector<16xi32>], vector<16xf32>,
      %add3A_347 = arith.constant 14 : i32
      %add3A_348 = vector.broadcast %add3A_347 : i32 to vector<16xi32>
      %add3A_349 = arith.addi %broadcast_in_dim3A_52, %add3A_348 : vector<16xi32>
      %gather3A_350 = tpu.vector_load_idx %arg4[%add3A_231, %add3A_349] : memref<512x20xi32, #tpu.memory_space<vmem>>[vector<16xi32>, vector<16xi32>], vector<16xi32>,
      %gather3A_351 = tpu.vector_load_idx %arg4[%add3A_237, %add3A_349] : memref<512x20xi32, #tpu.memory_space<vmem>>[vector<16xi32>, vector<16xi32>], vector<16xi32>,
      %gather3A_352 = tpu.vector_load_idx %arg4[%add3A_243, %add3A_349] : memref<512x20xi32, #tpu.memory_space<vmem>>[vector<16xi32>, vector<16xi32>], vector<16xi32>,
      %gather3A_353 = tpu.vector_load_idx %arg4[%add3A_249, %add3A_349] : memref<512x20xi32, #tpu.memory_space<vmem>>[vector<16xi32>, vector<16xi32>], vector<16xi32>,
      tpu.vector_store_idx %arg5[%add3A_231, %gather3A_350], %broadcast_in_dim3A_54 {add = true} : memref<512x128xf32, #tpu.memory_space<vmem>>[vector<16xi32>, vector<16xi32>], vector<16xf32>,
      tpu.vector_store_idx %arg5[%add3A_237, %gather3A_351], %broadcast_in_dim3A_54 {add = true} : memref<512x128xf32, #tpu.memory_space<vmem>>[vector<16xi32>, vector<16xi32>], vector<16xf32>,
      tpu.vector_store_idx %arg5[%add3A_243, %gather3A_352], %broadcast_in_dim3A_54 {add = true} : memref<512x128xf32, #tpu.memory_space<vmem>>[vector<16xi32>, vector<16xi32>], vector<16xf32>,
      tpu.vector_store_idx %arg5[%add3A_249, %gather3A_353], %broadcast_in_dim3A_54 {add = true} : memref<512x128xf32, #tpu.memory_space<vmem>>[vector<16xi32>, vector<16xi32>], vector<16xf32>,
      %add3A_354 = arith.constant 15 : i32
      %add3A_355 = vector.broadcast %add3A_354 : i32 to vector<16xi32>
      %add3A_356 = arith.addi %broadcast_in_dim3A_52, %add3A_355 : vector<16xi32>
      %gather3A_357 = tpu.vector_load_idx %arg4[%add3A_231, %add3A_356] : memref<512x20xi32, #tpu.memory_space<vmem>>[vector<16xi32>, vector<16xi32>], vector<16xi32>,
      %gather3A_358 = tpu.vector_load_idx %arg4[%add3A_237, %add3A_356] : memref<512x20xi32, #tpu.memory_space<vmem>>[vector<16xi32>, vector<16xi32>], vector<16xi32>,
      %gather3A_359 = tpu.vector_load_idx %arg4[%add3A_243, %add3A_356] : memref<512x20xi32, #tpu.memory_space<vmem>>[vector<16xi32>, vector<16xi32>], vector<16xi32>,
      %gather3A_360 = tpu.vector_load_idx %arg4[%add3A_249, %add3A_356] : memref<512x20xi32, #tpu.memory_space<vmem>>[vector<16xi32>, vector<16xi32>], vector<16xi32>,
      tpu.vector_store_idx %arg5[%add3A_231, %gather3A_357], %broadcast_in_dim3A_54 {add = true} : memref<512x128xf32, #tpu.memory_space<vmem>>[vector<16xi32>, vector<16xi32>], vector<16xf32>,
      tpu.vector_store_idx %arg5[%add3A_237, %gather3A_358], %broadcast_in_dim3A_54 {add = true} : memref<512x128xf32, #tpu.memory_space<vmem>>[vector<16xi32>, vector<16xi32>], vector<16xf32>,
      tpu.vector_store_idx %arg5[%add3A_243, %gather3A_359], %broadcast_in_dim3A_54 {add = true} : memref<512x128xf32, #tpu.memory_space<vmem>>[vector<16xi32>, vector<16xi32>], vector<16xf32>,
      tpu.vector_store_idx %arg5[%add3A_249, %gather3A_360], %broadcast_in_dim3A_54 {add = true} : memref<512x128xf32, #tpu.memory_space<vmem>>[vector<16xi32>, vector<16xi32>], vector<16xf32>,
      %add3A_361 = arith.constant 16 : i32
      %add3A_362 = vector.broadcast %add3A_361 : i32 to vector<16xi32>
      %add3A_363 = arith.addi %broadcast_in_dim3A_52, %add3A_362 : vector<16xi32>
      %gather3A_364 = tpu.vector_load_idx %arg4[%add3A_231, %add3A_363] : memref<512x20xi32, #tpu.memory_space<vmem>>[vector<16xi32>, vector<16xi32>], vector<16xi32>,
      %gather3A_365 = tpu.vector_load_idx %arg4[%add3A_237, %add3A_363] : memref<512x20xi32, #tpu.memory_space<vmem>>[vector<16xi32>, vector<16xi32>], vector<16xi32>,
      %gather3A_366 = tpu.vector_load_idx %arg4[%add3A_243, %add3A_363] : memref<512x20xi32, #tpu.memory_space<vmem>>[vector<16xi32>, vector<16xi32>], vector<16xi32>,
      %gather3A_367 = tpu.vector_load_idx %arg4[%add3A_249, %add3A_363] : memref<512x20xi32, #tpu.memory_space<vmem>>[vector<16xi32>, vector<16xi32>], vector<16xi32>,
      tpu.vector_store_idx %arg5[%add3A_231, %gather3A_364], %broadcast_in_dim3A_54 {add = true} : memref<512x128xf32, #tpu.memory_space<vmem>>[vector<16xi32>, vector<16xi32>], vector<16xf32>,
      tpu.vector_store_idx %arg5[%add3A_237, %gather3A_365], %broadcast_in_dim3A_54 {add = true} : memref<512x128xf32, #tpu.memory_space<vmem>>[vector<16xi32>, vector<16xi32>], vector<16xf32>,
      tpu.vector_store_idx %arg5[%add3A_243, %gather3A_366], %broadcast_in_dim3A_54 {add = true} : memref<512x128xf32, #tpu.memory_space<vmem>>[vector<16xi32>, vector<16xi32>], vector<16xf32>,
      tpu.vector_store_idx %arg5[%add3A_249, %gather3A_367], %broadcast_in_dim3A_54 {add = true} : memref<512x128xf32, #tpu.memory_space<vmem>>[vector<16xi32>, vector<16xi32>], vector<16xf32>,
      %add3A_368 = arith.constant 17 : i32
      %add3A_369 = vector.broadcast %add3A_368 : i32 to vector<16xi32>
      %add3A_370 = arith.addi %broadcast_in_dim3A_52, %add3A_369 : vector<16xi32>
      %gather3A_371 = tpu.vector_load_idx %arg4[%add3A_231, %add3A_370] : memref<512x20xi32, #tpu.memory_space<vmem>>[vector<16xi32>, vector<16xi32>], vector<16xi32>,
      %gather3A_372 = tpu.vector_load_idx %arg4[%add3A_237, %add3A_370] : memref<512x20xi32, #tpu.memory_space<vmem>>[vector<16xi32>, vector<16xi32>], vector<16xi32>,
      %gather3A_373 = tpu.vector_load_idx %arg4[%add3A_243, %add3A_370] : memref<512x20xi32, #tpu.memory_space<vmem>>[vector<16xi32>, vector<16xi32>], vector<16xi32>,
      %gather3A_374 = tpu.vector_load_idx %arg4[%add3A_249, %add3A_370] : memref<512x20xi32, #tpu.memory_space<vmem>>[vector<16xi32>, vector<16xi32>], vector<16xi32>,
      tpu.vector_store_idx %arg5[%add3A_231, %gather3A_371], %broadcast_in_dim3A_54 {add = true} : memref<512x128xf32, #tpu.memory_space<vmem>>[vector<16xi32>, vector<16xi32>], vector<16xf32>,
      tpu.vector_store_idx %arg5[%add3A_237, %gather3A_372], %broadcast_in_dim3A_54 {add = true} : memref<512x128xf32, #tpu.memory_space<vmem>>[vector<16xi32>, vector<16xi32>], vector<16xf32>,
      tpu.vector_store_idx %arg5[%add3A_243, %gather3A_373], %broadcast_in_dim3A_54 {add = true} : memref<512x128xf32, #tpu.memory_space<vmem>>[vector<16xi32>, vector<16xi32>], vector<16xf32>,
      tpu.vector_store_idx %arg5[%add3A_249, %gather3A_374], %broadcast_in_dim3A_54 {add = true} : memref<512x128xf32, #tpu.memory_space<vmem>>[vector<16xi32>, vector<16xi32>], vector<16xf32>,
      %add3A_375 = arith.constant 18 : i32
      %add3A_376 = vector.broadcast %add3A_375 : i32 to vector<16xi32>
      %add3A_377 = arith.addi %broadcast_in_dim3A_52, %add3A_376 : vector<16xi32>
      %gather3A_378 = tpu.vector_load_idx %arg4[%add3A_231, %add3A_377] : memref<512x20xi32, #tpu.memory_space<vmem>>[vector<16xi32>, vector<16xi32>], vector<16xi32>,
      %gather3A_379 = tpu.vector_load_idx %arg4[%add3A_237, %add3A_377] : memref<512x20xi32, #tpu.memory_space<vmem>>[vector<16xi32>, vector<16xi32>], vector<16xi32>,
      %gather3A_380 = tpu.vector_load_idx %arg4[%add3A_243, %add3A_377] : memref<512x20xi32, #tpu.memory_space<vmem>>[vector<16xi32>, vector<16xi32>], vector<16xi32>,
      %gather3A_381 = tpu.vector_load_idx %arg4[%add3A_249, %add3A_377] : memref<512x20xi32, #tpu.memory_space<vmem>>[vector<16xi32>, vector<16xi32>], vector<16xi32>,
      tpu.vector_store_idx %arg5[%add3A_231, %gather3A_378], %broadcast_in_dim3A_54 {add = true} : memref<512x128xf32, #tpu.memory_space<vmem>>[vector<16xi32>, vector<16xi32>], vector<16xf32>,
      tpu.vector_store_idx %arg5[%add3A_237, %gather3A_379], %broadcast_in_dim3A_54 {add = true} : memref<512x128xf32, #tpu.memory_space<vmem>>[vector<16xi32>, vector<16xi32>], vector<16xf32>,
      tpu.vector_store_idx %arg5[%add3A_243, %gather3A_380], %broadcast_in_dim3A_54 {add = true} : memref<512x128xf32, #tpu.memory_space<vmem>>[vector<16xi32>, vector<16xi32>], vector<16xf32>,
      tpu.vector_store_idx %arg5[%add3A_249, %gather3A_381], %broadcast_in_dim3A_54 {add = true} : memref<512x128xf32, #tpu.memory_space<vmem>>[vector<16xi32>, vector<16xi32>], vector<16xf32>,
      %add3A_382 = arith.constant 19 : i32
      %add3A_383 = vector.broadcast %add3A_382 : i32 to vector<16xi32>
      %add3A_384 = arith.addi %broadcast_in_dim3A_52, %add3A_383 : vector<16xi32>
      %gather3A_385 = tpu.vector_load_idx %arg4[%add3A_231, %add3A_384] : memref<512x20xi32, #tpu.memory_space<vmem>>[vector<16xi32>, vector<16xi32>], vector<16xi32>,
      %gather3A_386 = tpu.vector_load_idx %arg4[%add3A_237, %add3A_384] : memref<512x20xi32, #tpu.memory_space<vmem>>[vector<16xi32>, vector<16xi32>], vector<16xi32>,
      %gather3A_387 = tpu.vector_load_idx %arg4[%add3A_243, %add3A_384] : memref<512x20xi32, #tpu.memory_space<vmem>>[vector<16xi32>, vector<16xi32>], vector<16xi32>,
      %gather3A_388 = tpu.vector_load_idx %arg4[%add3A_249, %add3A_384] : memref<512x20xi32, #tpu.memory_space<vmem>>[vector<16xi32>, vector<16xi32>], vector<16xi32>,
      tpu.vector_store_idx %arg5[%add3A_231, %gather3A_385], %broadcast_in_dim3A_54 {add = true} : memref<512x128xf32, #tpu.memory_space<vmem>>[vector<16xi32>, vector<16xi32>], vector<16xf32>,
      tpu.vector_store_idx %arg5[%add3A_237, %gather3A_386], %broadcast_in_dim3A_54 {add = true} : memref<512x128xf32, #tpu.memory_space<vmem>>[vector<16xi32>, vector<16xi32>], vector<16xf32>,
      tpu.vector_store_idx %arg5[%add3A_243, %gather3A_387], %broadcast_in_dim3A_54 {add = true} : memref<512x128xf32, #tpu.memory_space<vmem>>[vector<16xi32>, vector<16xi32>], vector<16xf32>,
      tpu.vector_store_idx %arg5[%add3A_249, %gather3A_388], %broadcast_in_dim3A_54 {add = true} : memref<512x128xf32, #tpu.memory_space<vmem>>[vector<16xi32>, vector<16xi32>], vector<16xf32>,
    }
    %scan3A_168 = arith.constant 2 : i32
    %add3A_169 = arith.constant 384 : i32
    %add3A_170 = arith.addi %mul3A_2, %add3A_169 : i32
    %dma_start3A_171 = arith.constant 384 : i32
    %dma_start3A_172 = arith.constant 0 : i32
    %dma_start3A_173 = tpu.memref_slice %arg5[%dma_start3A_171, %dma_start3A_172] : memref<512x128xf32, #tpu.memory_space<vmem>> -> memref<128x128xf32, #tpu.memory_space<vmem>>
    %dma_start3A_174 = arith.constant 0 : i32
    %dma_start3A_175 = tpu.memref_slice %arg3[%add3A_170, %dma_start3A_174] : memref<16384x128xf32, #tpu.memory_space<hbm>> -> memref<128x128xf32, #tpu.memory_space<hbm>>
    %dma_start3A_176 = arith.constant 0 : i32
    %dma_start3A_177 = tpu.memref_slice %arg3[%add3A_170, %dma_start3A_176] : memref<16384x128xf32, #tpu.memory_space<hbm>> -> memref<128x128xf32, #tpu.memory_space<hbm>>
    %dma_start3A_178 = arith.constant 384 : i32
    %dma_start3A_179 = arith.constant 0 : i32
    %dma_start3A_180 = tpu.memref_slice %arg5[%dma_start3A_178, %dma_start3A_179] : memref<512x128xf32, #tpu.memory_space<vmem>> -> memref<128x128xf32, #tpu.memory_space<vmem>>
    tpu.enqueue_dma source(%dma_start3A_180 : memref<128x128xf32, #tpu.memory_space<vmem>>) target(%dma_start3A_177 : memref<128x128xf32, #tpu.memory_space<hbm>>) target_semaphore(%arg10 : memref<!tpu.dma_semaphore, #tpu.memory_space<semaphore_mem>>)
    %dma_wait3A_181 = arith.constant 0 : i32
    %dma_wait3A_182 = arith.constant 0 : i32
    %dma_wait3A_183 = tpu.memref_slice %arg5[%dma_wait3A_181, %dma_wait3A_182] : memref<512x128xf32, #tpu.memory_space<vmem>> -> memref<128x128xf32, #tpu.memory_space<vmem>>
    %dma_wait3A_184 = arith.constant 0 : i32
    %dma_wait3A_185 = tpu.memref_slice %arg3[%add3A_79, %dma_wait3A_184] : memref<16384x128xf32, #tpu.memory_space<hbm>> -> memref<128x128xf32, #tpu.memory_space<hbm>>
    %dma_wait3A_186 = arith.constant 0 : i32
    %dma_wait3A_187 = tpu.memref_slice %arg3[%add3A_79, %dma_wait3A_186] : memref<16384x128xf32, #tpu.memory_space<hbm>> -> memref<128x128xf32, #tpu.memory_space<hbm>>
    %dma_wait3A_188 = arith.constant 0 : i32
    %dma_wait3A_189 = arith.constant 0 : i32
    %dma_wait3A_190 = tpu.memref_slice %arg5[%dma_wait3A_188, %dma_wait3A_189] : memref<512x128xf32, #tpu.memory_space<vmem>> -> memref<128x128xf32, #tpu.memory_space<vmem>>
    tpu.wait_dma2 semaphore(%arg10 : memref<!tpu.dma_semaphore, #tpu.memory_space<semaphore_mem>>) src(%dma_wait3A_190 : memref<128x128xf32, #tpu.memory_space<vmem>>) dst(%dma_wait3A_187 : memref<128x128xf32, #tpu.memory_space<hbm>>)
    %dma_wait3A_191 = arith.constant 128 : i32
    %dma_wait3A_192 = arith.constant 0 : i32
    %dma_wait3A_193 = tpu.memref_slice %arg5[%dma_wait3A_191, %dma_wait3A_192] : memref<512x128xf32, #tpu.memory_space<vmem>> -> memref<128x128xf32, #tpu.memory_space<vmem>>
    %dma_wait3A_194 = arith.constant 0 : i32
    %dma_wait3A_195 = tpu.memref_slice %arg3[%add3A_111, %dma_wait3A_194] : memref<16384x128xf32, #tpu.memory_space<hbm>> -> memref<128x128xf32, #tpu.memory_space<hbm>>
    %dma_wait3A_196 = arith.constant 0 : i32
    %dma_wait3A_197 = tpu.memref_slice %arg3[%add3A_111, %dma_wait3A_196] : memref<16384x128xf32, #tpu.memory_space<hbm>> -> memref<128x128xf32, #tpu.memory_space<hbm>>
    %dma_wait3A_198 = arith.constant 128 : i32
    %dma_wait3A_199 = arith.constant 0 : i32
    %dma_wait3A_200 = tpu.memref_slice %arg5[%dma_wait3A_198, %dma_wait3A_199] : memref<512x128xf32, #tpu.memory_space<vmem>> -> memref<128x128xf32, #tpu.memory_space<vmem>>
    tpu.wait_dma2 semaphore(%arg10 : memref<!tpu.dma_semaphore, #tpu.memory_space<semaphore_mem>>) src(%dma_wait3A_200 : memref<128x128xf32, #tpu.memory_space<vmem>>) dst(%dma_wait3A_197 : memref<128x128xf32, #tpu.memory_space<hbm>>)
    %dma_wait3A_201 = arith.constant 256 : i32
    %dma_wait3A_202 = arith.constant 0 : i32
    %dma_wait3A_203 = tpu.memref_slice %arg5[%dma_wait3A_201, %dma_wait3A_202] : memref<512x128xf32, #tpu.memory_space<vmem>> -> memref<128x128xf32, #tpu.memory_space<vmem>>
    %dma_wait3A_204 = arith.constant 0 : i32
    %dma_wait3A_205 = tpu.memref_slice %arg3[%add3A_143, %dma_wait3A_204] : memref<16384x128xf32, #tpu.memory_space<hbm>> -> memref<128x128xf32, #tpu.memory_space<hbm>>
    %dma_wait3A_206 = arith.constant 0 : i32
    %dma_wait3A_207 = tpu.memref_slice %arg3[%add3A_143, %dma_wait3A_206] : memref<16384x128xf32, #tpu.memory_space<hbm>> -> memref<128x128xf32, #tpu.memory_space<hbm>>
    %dma_wait3A_208 = arith.constant 256 : i32
    %dma_wait3A_209 = arith.constant 0 : i32
    %dma_wait3A_210 = tpu.memref_slice %arg5[%dma_wait3A_208, %dma_wait3A_209] : memref<512x128xf32, #tpu.memory_space<vmem>> -> memref<128x128xf32, #tpu.memory_space<vmem>>
    tpu.wait_dma2 semaphore(%arg10 : memref<!tpu.dma_semaphore, #tpu.memory_space<semaphore_mem>>) src(%dma_wait3A_210 : memref<128x128xf32, #tpu.memory_space<vmem>>) dst(%dma_wait3A_207 : memref<128x128xf32, #tpu.memory_space<hbm>>)
    %dma_wait3A_211 = arith.constant 384 : i32
    %dma_wait3A_212 = arith.constant 0 : i32
    %dma_wait3A_213 = tpu.memref_slice %arg5[%dma_wait3A_211, %dma_wait3A_212] : memref<512x128xf32, #tpu.memory_space<vmem>> -> memref<128x128xf32, #tpu.memory_space<vmem>>
    %dma_wait3A_214 = arith.constant 0 : i32
    %dma_wait3A_215 = tpu.memref_slice %arg3[%add3A_170, %dma_wait3A_214] : memref<16384x128xf32, #tpu.memory_space<hbm>> -> memref<128x128xf32, #tpu.memory_space<hbm>>
    %dma_wait3A_216 = arith.constant 0 : i32
    %dma_wait3A_217 = tpu.memref_slice %arg3[%add3A_170, %dma_wait3A_216] : memref<16384x128xf32, #tpu.memory_space<hbm>> -> memref<128x128xf32, #tpu.memory_space<hbm>>
    %dma_wait3A_218 = arith.constant 384 : i32
    %dma_wait3A_219 = arith.constant 0 : i32
    %dma_wait3A_220 = tpu.memref_slice %arg5[%dma_wait3A_218, %dma_wait3A_219] : memref<512x128xf32, #tpu.memory_space<vmem>> -> memref<128x128xf32, #tpu.memory_space<vmem>>
    tpu.wait_dma2 semaphore(%arg10 : memref<!tpu.dma_semaphore, #tpu.memory_space<semaphore_mem>>) src(%dma_wait3A_220 : memref<128x128xf32, #tpu.memory_space<vmem>>) dst(%dma_wait3A_217 : memref<128x128xf32, #tpu.memory_space<hbm>>)
    return
  }
}

module attributes {stable_mosaic.version = 14 : i64} {
  func.func @body(%arg0: i32, %arg1: memref<8192x128xf32, #tpu.memory_space<vmem>>, %arg2: memref<52x128xf32, #tpu.memory_space<vmem>>, %arg3: memref<13x128xf32, #tpu.memory_space<vmem>>, %arg4: memref<4x128xf32, #tpu.memory_space<vmem>>, %arg5: memref<8192x128xf32, #tpu.memory_space<vmem>>, %arg6: memref<128x128xbf16, #tpu.memory_space<vmem>>, %arg7: memref<128x128xbf16, #tpu.memory_space<vmem>>) attributes {dimension_semantics = [#tpu.dimension_semantics<arbitrary>], iteration_bounds = array<i64: 2>, scalar_prefetch = 0 : i64, scratch_operands = 2 : i64, tpu.core_type = #tpu.core_type<tc>, window_params = [{transform_indices = @transform_0, window_bounds = array<i64: 8192, 128>}, {pipeline_mode = #tpu.pipeline_mode<synchronous>, transform_indices = @transform_1, window_bounds = array<i64: 52, 128>}, {pipeline_mode = #tpu.pipeline_mode<synchronous>, transform_indices = @transform_2, window_bounds = array<i64: 13, 128>}, {pipeline_mode = #tpu.pipeline_mode<synchronous>, transform_indices = @transform_3, window_bounds = array<i64: 4, 128>}, {transform_indices = @transform_4, window_bounds = array<i64: 8192, 128>}]} {
    %eq3A = arith.constant 0 : i32
    %eq3A_0 = arith.cmpi eq, %arg0, %eq3A : i32
    %convert_element_type3A = arith.extui %eq3A_0 : i1 to i32
    %cond3A = arith.constant 0 : i32
    %cond3A_1 = arith.cmpi ne, %convert_element_type3A, %cond3A : i32
    scf.if %cond3A_1 {
      %iota3A = tpu.iota {dimensions = array<i32: 0>} : vector<128x52xi32>
      %iota3A_16 = tpu.iota {dimensions = array<i32: 1>} : vector<128x52xi32>
      %eq3A_17 = arith.cmpi eq, %iota3A, %iota3A_16 : vector<128x52xi32>
      %convert_element_type3A_18 = arith.extui %eq3A_17 : vector<128x52xi1> to vector<128x52xi32>
      %convert_element_type3A_19 = arith.sitofp %convert_element_type3A_18 : vector<128x52xi32> to vector<128x52xf32>
      %iota3A_20 = tpu.iota {dimensions = array<i32: 0>} : vector<128x13xi32>
      %iota3A_21 = tpu.iota {dimensions = array<i32: 1>} : vector<128x13xi32>
      %jit3A = arith.constant 4 : i32
      %div3A = vector.broadcast %jit3A : i32 to vector<128x13xi32>
      %div3A_22 = arith.divsi %iota3A_20, %div3A : vector<128x13xi32>
      %sign3A = arith.constant 0 : i32
      %sign3A_23 = vector.broadcast %sign3A : i32 to vector<128x13xi32>
      %sign3A_24 = arith.cmpi sgt, %iota3A_20, %sign3A_23 : vector<128x13xi32>
      %sign3A_25 = arith.extui %sign3A_24 : vector<128x13xi1> to vector<128x13xi32>
      %sign3A_26 = arith.constant 0 : i32
      %sign3A_27 = vector.broadcast %sign3A_26 : i32 to vector<128x13xi32>
      %sign3A_28 = arith.cmpi slt, %iota3A_20, %sign3A_27 : vector<128x13xi32>
      %sign3A_29 = arith.extui %sign3A_28 : vector<128x13xi1> to vector<128x13xi32>
      %sign3A_30 = arith.subi %sign3A_25, %sign3A_29 : vector<128x13xi32>
      %sign3A_31 = arith.constant 0 : i32
      %sign3A_32 = arith.cmpi sgt, %jit3A, %sign3A_31 : i32
      %sign3A_33 = arith.extui %sign3A_32 : i1 to i32
      %sign3A_34 = arith.constant 0 : i32
      %sign3A_35 = arith.cmpi slt, %jit3A, %sign3A_34 : i32
      %sign3A_36 = arith.extui %sign3A_35 : i1 to i32
      %sign3A_37 = arith.subi %sign3A_33, %sign3A_36 : i32
      %ne3A = vector.broadcast %sign3A_37 : i32 to vector<128x13xi32>
      %ne3A_38 = arith.cmpi ne, %sign3A_30, %ne3A : vector<128x13xi32>
      %rem3A = vector.broadcast %jit3A : i32 to vector<128x13xi32>
      %rem3A_39 = arith.remsi %iota3A_20, %rem3A : vector<128x13xi32>
      %ne3A_40 = arith.constant 0 : i32
      %ne3A_41 = vector.broadcast %ne3A_40 : i32 to vector<128x13xi32>
      %ne3A_42 = arith.cmpi ne, %rem3A_39, %ne3A_41 : vector<128x13xi32>
      %and3A = arith.andi %ne3A_38, %ne3A_42 : vector<128x13xi1>
      %sub3A = arith.constant 1 : i32
      %sub3A_43 = vector.broadcast %sub3A : i32 to vector<128x13xi32>
      %sub3A_44 = arith.subi %div3A_22, %sub3A_43 : vector<128x13xi32>
      %select_n3A = arith.select %and3A, %sub3A_44, %div3A_22 : vector<128x13xi1>, vector<128x13xi32>
      %eq3A_45 = arith.cmpi eq, %select_n3A, %iota3A_21 : vector<128x13xi32>
      %convert_element_type3A_46 = arith.extui %eq3A_45 : vector<128x13xi1> to vector<128x13xi32>
      %convert_element_type3A_47 = arith.sitofp %convert_element_type3A_46 : vector<128x13xi32> to vector<128x13xf32>
      %iota3A_48 = tpu.iota {dimensions = array<i32: 0>} : vector<128x4xi32>
      %iota3A_49 = tpu.iota {dimensions = array<i32: 1>} : vector<128x4xi32>
      %jit3A_50 = arith.constant 4 : i32
      %eq3A_51 = arith.constant 0 : i32
      %eq3A_52 = arith.cmpi eq, %jit3A_50, %eq3A_51 : i32
      %jit3A_53 = arith.constant 1 : i32
      %select_n3A_54 = arith.select %eq3A_52, %jit3A_53, %jit3A_50 : i32
      %rem3A_55 = vector.broadcast %select_n3A_54 : i32 to vector<128x4xi32>
      %rem3A_56 = arith.remsi %iota3A_48, %rem3A_55 : vector<128x4xi32>
      %ne3A_57 = arith.constant 0 : i32
      %ne3A_58 = vector.broadcast %ne3A_57 : i32 to vector<128x4xi32>
      %ne3A_59 = arith.cmpi ne, %rem3A_56, %ne3A_58 : vector<128x4xi32>
      %lt3A = arith.constant 0 : i32
      %lt3A_60 = vector.broadcast %lt3A : i32 to vector<128x4xi32>
      %lt3A_61 = arith.cmpi slt, %rem3A_56, %lt3A_60 : vector<128x4xi32>
      %lt3A_62 = arith.constant 0 : i32
      %lt3A_63 = arith.cmpi slt, %select_n3A_54, %lt3A_62 : i32
      %ne3A_64 = vector.broadcast %lt3A_63 : i1 to vector<128x4xi1>
      %ne3A_65 = vector.broadcast %ne3A_64 : vector<128x4xi1> to vector<128x4xi1>
      %ne3A_66 = arith.xori %lt3A_61, %ne3A_65 : vector<128x4xi1>
      %and3A_67 = arith.andi %ne3A_66, %ne3A_59 : vector<128x4xi1>
      %add3A_68 = vector.broadcast %select_n3A_54 : i32 to vector<128x4xi32>
      %add3A_69 = arith.addi %rem3A_56, %add3A_68 : vector<128x4xi32>
      %select_n3A_70 = arith.select %and3A_67, %add3A_69, %rem3A_56 : vector<128x4xi1>, vector<128x4xi32>
      %eq3A_71 = arith.cmpi eq, %select_n3A_70, %iota3A_49 : vector<128x4xi32>
      %lt3A_72 = arith.constant 52 : i32
      %lt3A_73 = vector.broadcast %lt3A_72 : i32 to vector<128x4xi32>
      %lt3A_74 = arith.cmpi slt, %iota3A_48, %lt3A_73 : vector<128x4xi32>
      %and3A_75 = arith.andi %eq3A_71, %lt3A_74 : vector<128x4xi1>
      %convert_element_type3A_76 = arith.extui %and3A_75 : vector<128x4xi1> to vector<128x4xi32>
      %convert_element_type3A_77 = arith.sitofp %convert_element_type3A_76 : vector<128x4xi32> to vector<128x4xf32>
      %get3A_78 = arith.constant 0 : index
      %get3A_79 = arith.constant 0 : index
      %get3A_80 = vector.load %arg2[%get3A_78, %get3A_79] : memref<52x128xf32, #tpu.memory_space<vmem>>, vector<52x128xf32>
      %dot_general3A_81 = arith.constant dense<0.000000e+00> : vector<128x128xf32>
      %dot_general3A_82 = tpu.matmul %convert_element_type3A_19, %get3A_80, %dot_general3A_81 {dimension_numbers = #tpu.dot_dimension_numbers<[1], [0], [0], [1], [0, 0, 1, 1], [], []>, transpose_lhs_hint = false} : vector<128x52xf32>, vector<52x128xf32>, vector<128x128xf32> -> vector<128x128xf32>
      %get3A_83 = arith.constant 0 : index
      %get3A_84 = arith.constant 0 : index
      %get3A_85 = vector.load %arg3[%get3A_83, %get3A_84] : memref<13x128xf32, #tpu.memory_space<vmem>>, vector<13x128xf32>
      %dot_general3A_86 = arith.constant dense<0.000000e+00> : vector<128x128xf32>
      %dot_general3A_87 = tpu.matmul %convert_element_type3A_47, %get3A_85, %dot_general3A_86 {dimension_numbers = #tpu.dot_dimension_numbers<[1], [0], [0], [1], [0, 0, 1, 1], [], []>, transpose_lhs_hint = false} : vector<128x13xf32>, vector<13x128xf32>, vector<128x128xf32> -> vector<128x128xf32>
      %add3A_88 = arith.addf %dot_general3A_82, %dot_general3A_87 : vector<128x128xf32>
      %get3A_89 = arith.constant 0 : index
      %get3A_90 = arith.constant 0 : index
      %get3A_91 = vector.load %arg4[%get3A_89, %get3A_90] : memref<4x128xf32, #tpu.memory_space<vmem>>, vector<4x128xf32>
      %dot_general3A_92 = arith.constant dense<0.000000e+00> : vector<128x128xf32>
      %dot_general3A_93 = tpu.matmul %convert_element_type3A_77, %get3A_91, %dot_general3A_92 {dimension_numbers = #tpu.dot_dimension_numbers<[1], [0], [0], [1], [0, 0, 1, 1], [], []>, transpose_lhs_hint = false} : vector<128x4xf32>, vector<4x128xf32>, vector<128x128xf32> -> vector<128x128xf32>
      %add3A_94 = arith.addf %add3A_88, %dot_general3A_93 : vector<128x128xf32>
      %convert_element_type3A_95 = arith.truncf %add3A_94 : vector<128x128xf32> to vector<128x128xbf16>
      %swap3A_96 = arith.constant 0 : index
      %swap3A_97 = arith.constant 0 : index
      %swap3A_98 = vector.load %arg6[%swap3A_96, %swap3A_97] : memref<128x128xbf16, #tpu.memory_space<vmem>>, vector<128x128xbf16>
      tpu.vector_store %arg6[%swap3A_96, %swap3A_97], %convert_element_type3A_95 {strides = array<i32>} : memref<128x128xbf16, #tpu.memory_space<vmem>>, vector<128x128xbf16>,
      %convert_element_type3A_99 = arith.extf %convert_element_type3A_95 : vector<128x128xbf16> to vector<128x128xf32>
      %sub3A_100 = arith.subf %add3A_94, %convert_element_type3A_99 : vector<128x128xf32>
      %convert_element_type3A_101 = arith.truncf %sub3A_100 : vector<128x128xf32> to vector<128x128xbf16>
      %swap3A_102 = arith.constant 0 : index
      %swap3A_103 = arith.constant 0 : index
      %swap3A_104 = vector.load %arg7[%swap3A_102, %swap3A_103] : memref<128x128xbf16, #tpu.memory_space<vmem>>, vector<128x128xbf16>
      tpu.vector_store %arg7[%swap3A_102, %swap3A_103], %convert_element_type3A_101 {strides = array<i32>} : memref<128x128xbf16, #tpu.memory_space<vmem>>, vector<128x128xbf16>,
    } else {
    }
    %get3A = arith.constant 0 : index
    %get3A_2 = arith.constant 0 : index
    %get3A_3 = vector.load %arg1[%get3A, %get3A_2] : memref<8192x128xf32, #tpu.memory_space<vmem>>, vector<8192x128xf32>
    %convert_element_type3A_4 = arith.truncf %get3A_3 : vector<8192x128xf32> to vector<8192x128xbf16>
    %get3A_5 = arith.constant 0 : index
    %get3A_6 = arith.constant 0 : index
    %get3A_7 = vector.load %arg6[%get3A_5, %get3A_6] : memref<128x128xbf16, #tpu.memory_space<vmem>>, vector<128x128xbf16>
    %dot_general3A = arith.constant dense<0.000000e+00> : vector<8192x128xf32>
    %dot_general3A_8 = tpu.matmul %convert_element_type3A_4, %get3A_7, %dot_general3A {dimension_numbers = #tpu.dot_dimension_numbers<[1], [0], [0], [1], [0, 0, 1, 1], [], []>, transpose_lhs_hint = false} : vector<8192x128xbf16>, vector<128x128xbf16>, vector<8192x128xf32> -> vector<8192x128xf32>
    %get3A_9 = arith.constant 0 : index
    %get3A_10 = arith.constant 0 : index
    %get3A_11 = vector.load %arg7[%get3A_9, %get3A_10] : memref<128x128xbf16, #tpu.memory_space<vmem>>, vector<128x128xbf16>
    %dot_general3A_12 = arith.constant dense<0.000000e+00> : vector<8192x128xf32>
    %dot_general3A_13 = tpu.matmul %convert_element_type3A_4, %get3A_11, %dot_general3A_12 {dimension_numbers = #tpu.dot_dimension_numbers<[1], [0], [0], [1], [0, 0, 1, 1], [], []>, transpose_lhs_hint = false} : vector<8192x128xbf16>, vector<128x128xbf16>, vector<8192x128xf32> -> vector<8192x128xf32>
    %add3A = arith.addf %dot_general3A_8, %dot_general3A_13 : vector<8192x128xf32>
    %swap3A = arith.constant 0 : index
    %swap3A_14 = arith.constant 0 : index
    %swap3A_15 = vector.load %arg5[%swap3A, %swap3A_14] : memref<8192x128xf32, #tpu.memory_space<vmem>>, vector<8192x128xf32>
    tpu.vector_store %arg5[%swap3A, %swap3A_14], %add3A {strides = array<i32>} : memref<8192x128xf32, #tpu.memory_space<vmem>>, vector<8192x128xf32>,
    return
  }
  func.func @transform_0(%arg0: i32) -> (i32, i32) {
    %c0_i32 = arith.constant 0 : i32
    %c0_i32_0 = arith.constant 0 : i32
    return %arg0, %c0_i32 : i32, i32
  }
  func.func @transform_1(%arg0: i32) -> (i32, i32) {
    %c0_i32 = arith.constant 0 : i32
    %c0_i32_0 = arith.constant 0 : i32
    %c0_i32_1 = arith.constant 0 : i32
    return %c0_i32, %c0_i32_0 : i32, i32
  }
  func.func @transform_2(%arg0: i32) -> (i32, i32) {
    %c0_i32 = arith.constant 0 : i32
    %c0_i32_0 = arith.constant 0 : i32
    %c0_i32_1 = arith.constant 0 : i32
    return %c0_i32, %c0_i32_0 : i32, i32
  }
  func.func @transform_3(%arg0: i32) -> (i32, i32) {
    %c0_i32 = arith.constant 0 : i32
    %c0_i32_0 = arith.constant 0 : i32
    %c0_i32_1 = arith.constant 0 : i32
    return %c0_i32, %c0_i32_0 : i32, i32
  }
  func.func @transform_4(%arg0: i32) -> (i32, i32) {
    %c0_i32 = arith.constant 0 : i32
    %c0_i32_0 = arith.constant 0 : i32
    return %arg0, %c0_i32 : i32, i32
  }
}

</mosaic_0001>

<sc_bundles>
// kernel: kernel.4.cloned.1.call-start
scs
__scs_entry_jumppad:
0x0: {  	(pc) =	sbr.rel $0x88, $3  }
0x1: {  	(tag) =	ssettag $0x0;
	lr =	simm.s32 $0x1  }
0x2: {  	[smem:$0x3F9D] =	sst lr;
	_ =	strace $0xD0000000  }
0x3: {  	_ = 	snop  }
0x4: {  	_ = 	snop  }
0x5: {  	_ = 	snop  }
0x6: {  	_ = 	snop  }
0x7: {  	_ = 	snop  }
__scs_overlays_trampoline_lowered:
0x8: {  	[smem:$0x3FAC] =	sst s0  }
0x9: {  	[smem:$0x3FAD] =	sst s1  }
0xa: {  	[smem:$0x3FAE] =	sst s2  }
0xb: {  	[smem:$0x3FAF] =	sst s3  }
0xc: {  	[smem:$0x3FB0] =	sst s4  }
0xd: {  	[smem:$0x3FB1] =	sst s5  }
0xe: {  	[smem:$0x3FB2] =	sst s6  }
0xf: {  	[smem:$0x3FB3] =	sst s7  }
0x10: {  	[smem:$0x3FB4] =	sst s8  }
0x11: {  	[smem:$0x3FB5] =	sst s9;
	s0 =	simm.s32 @!p0 $0x0  }
0x12: {  	s1 =	sld [smem:$0x3F9B];
	s0 =	simm.s32 @p0 $0x1  }
0x13: {  	[smem:$0x3FB6] =	sst s0;
	s0 =	simm.s32 @!p1 $0x0  }
0x14: {  	s2 =	sld [smem:$0x3F9A];
	s0 =	simm.s32 @p1 $0x1  }
0x15: {  	[smem:$0x3FB7] =	sst s0;
	s0 =	simm.s32 @!p2 $0x0  }
0x16: {  	s3 =	sld [smem:$0x3FDB];
	s0 =	simm.s32 @p2 $0x1  }
0x17: {  	s4 =	simm.s32 $0x1BF5;
	[smem:$0x3FB9] =	sst s0  }
0x18: {  	s0 =	sld [smem:$0x3F9C];
	_ =	swait.ge [sflag:s4], $0x0  }
0x19: {  	s7 =	sld [smem:$0x3F9D]  }
0x1a: {  	s8 =	sadd.s32 $0xFFFFE003, lr  }
0x1b: {  	s9 =	sadd.s32 $0xFFFFFEF7, lr;
	s5 =	simm.s32 $0xFFFFFFFF;
	p2 =	slt.u32 s8, $0xFFFFF086  }
0x1c: {  	p1 =	slt.u32 s9, $0xF7A;
	s5 =	simm.s32 @!p2 $0x0  }
0x1d: {  	s5 =	simm.s32 @p1 $0x1;
	p0 =	seq.s32 s7, s2  }
0x1e: {  	s7 =	smul.u32 @!p0 $0xF7A, s2;
	p2 =	seq.s32 @!p0 s5, $0x0  }
0x1f: {  	s9 =	smul.u32 $0xF7A, s1;
	s8 =	simm.s32 @!p0 $0x1BF5;
	p2 =	por !p2, p0  }
0x20: {  	[sflag:s8] =	ssyncset.s32 @!p0 $0xFFFFF086;
	s6 =	sadd.s32 @!p0 s3, s7;
	s7 =	simm.s32 @!p0 $0x108  }
0x21: {  	s3 =	sadd.s32 s3, s9;
	s6 =	sadd.s32 @!p0 $0x88, s6;
	s7 =	simm.s32 @p2 $0x1082  }
0x22: {  	[simem:s7], [sflag:s8] =	dma.local @!p0 [hbm:s6], $0xF7A  }
0x23: {  	s9 =	sor.u32 $0xD0000000, s2;
	s6 =	simm.s32 $0x108;
	_ =	swait.ge @!p0 [sflag:s8], $0x0  }
0x24: {  	s3 =	sadd.s32 $0x88, s3;
	s6 =	simm.s32 @!p1 $0x1082;
	[sflag:s4] =	ssyncset.s32 $0xFFFFF086  }
0x25: {  	[simem:s6], [sflag:s4] =	dma.local [hbm:s3], $0xF7A  }
0x26: {  	[smem:$0x3F9D] =	sst s1;
	(tag) =	ssettag s2;
	_ =	strace s9  }
0x27: {  	s1 =	sld [smem:$0x3FAD]  }
0x28: {  	s2 =	sld [smem:$0x3FAE]  }
0x29: {  	s4 =	sld [smem:$0x3FB0]  }
0x2a: {  	p0 =	seq.s32 s5, $0x0;
	s5 =	sld [smem:$0x3FB1]  }
0x2b: {  	s6 =	sld [smem:$0x3FB2]  }
0x2c: {  	s7 =	sld [smem:$0x3FB3]  }
0x2d: {  	s3 =	simm.s32 $0x108;
	s8 =	sld [smem:$0x3FB4]  }
0x2e: {  	s3 =	simm.s32 @!p0 $0x1082;
	s9 =	sld [smem:$0x3FB5]  }
0x2f: {  	lr =	sadd.s32 s0, s3;
	s0 =	sld [smem:$0x3FAC]  }
0x30: {  	s3 =	sld [smem:$0x3FAF]  }
0x31: {  	[smem:$0x3FB8] =	sst s10  }
0x32: {  	s10 =	sld [smem:$0x3FB6];
	_ =	sdelay $0x3  }
0x33: {  	p0 =	seq.s32 s10, $0x1;
	s10 =	sld [smem:$0x3FB8];
	_ =	sdelay $0x3  }
0x34: {  	[smem:$0x3FB8] =	sst s10  }
0x35: {  	s10 =	sld [smem:$0x3FB7];
	_ =	sdelay $0x3  }
0x36: {  	p1 =	seq.s32 s10, $0x1;
	s10 =	sld [smem:$0x3FB8];
	_ =	sdelay $0x3  }
0x37: {  	[smem:$0x3FB8] =	sst s10  }
0x38: {  	s10 =	sld [smem:$0x3FB9]  }
0x39: {  	_ = 	snop;
	(pc) =	sbr.ind lr, $3  }
0x3a: {  	_ = 	snop  }
0x3b: {  	_ = 	snop  }
0x3c: {  	p2 =	seq.s32 s10, $0x1;
	s10 =	sld [smem:$0x3FB8]  }
0x3d: {  	_ =	shalt  }
0x3e: {  	_ =	shalt  }
0x3f: {  	_ =	shalt  }
0x40: {  	_ =	shalt  }
0x41: {  	_ =	shalt  }
0x42: {  	_ =	shalt  }
0x43: {  	_ =	shalt  }
0x44: {  	_ =	shalt  }
0x45: {  	_ =	shalt  }
0x46: {  	_ =	shalt  }
0x47: {  	_ =	shalt  }
0x48: {  	_ =	shalt  }
0x49: {  	_ =	shalt  }
0x4a: {  	_ =	shalt  }
0x4b: {  	_ =	shalt  }
0x4c: {  	_ =	shalt  }
0x4d: {  	_ =	shalt  }
0x4e: {  	_ =	shalt  }
0x4f: {  	_ =	shalt  }
0x50: {  	_ =	shalt  }
0x51: {  	_ =	shalt  }
0x52: {  	_ =	shalt  }
0x53: {  	_ =	shalt  }
0x54: {  	_ =	shalt  }
0x55: {  	_ =	shalt  }
0x56: {  	_ =	shalt  }
0x57: {  	_ =	shalt  }
0x58: {  	_ =	shalt  }
0x59: {  	_ =	shalt  }
0x5a: {  	_ =	shalt  }
0x5b: {  	_ =	shalt  }
0x5c: {  	_ =	shalt  }
0x5d: {  	_ =	shalt  }
0x5e: {  	_ =	shalt  }
0x5f: {  	_ =	shalt  }
0x60: {  	_ =	shalt  }
0x61: {  	_ =	shalt  }
0x62: {  	_ =	shalt  }
0x63: {  	_ =	shalt  }
0x64: {  	_ =	shalt  }
0x65: {  	_ =	shalt  }
0x66: {  	_ =	shalt  }
0x67: {  	_ =	shalt  }
0x68: {  	_ =	shalt  }
0x69: {  	_ =	shalt  }
0x6a: {  	_ =	shalt  }
0x6b: {  	_ =	shalt  }
0x6c: {  	_ =	shalt  }
0x6d: {  	_ =	shalt  }
0x6e: {  	_ =	shalt  }
0x6f: {  	_ =	shalt  }
0x70: {  	_ =	shalt  }
0x71: {  	_ =	shalt  }
0x72: {  	_ =	shalt  }
0x73: {  	_ =	shalt  }
0x74: {  	_ =	shalt  }
0x75: {  	_ =	shalt  }
0x76: {  	_ =	shalt  }
0x77: {  	_ =	shalt  }
0x78: {  	_ =	shalt  }
0x79: {  	_ =	shalt  }
0x7a: {  	_ =	shalt  }
0x7b: {  	_ =	shalt  }
0x7c: {  	_ =	shalt  }
0x7d: {  	_ =	shalt  }
0x7e: {  	_ =	shalt  }
0x7f: {  	_ =	shalt  }
0x80: {  	_ =	shalt  }
0x81: {  	_ =	shalt  }
0x82: {  	_ =	shalt  }
0x83: {  	_ =	shalt  }
0x84: {  	_ =	shalt  }
0x85: {  	_ =	shalt  }
0x86: {  	_ =	shalt  }
0x87: {  	_ =	shalt  }
.Lfunc_end0:
.L_simem_size_0:
called_computation_lowered:
.L_overlay_start_0:
0x88: {  	s2 =	sld [smem:$0x3FD9]  }
0x89: {  	s3 =	sld [smem:$0x3FFE];
	_ =	sdelay $0x1  }
0x8a: {  	s1 =	srdreg.scid  }
0x8b: {  	s0 =	sand.u32 $0x1, s1  }
0x8c: {  	s17 =	sshll.u32 s0, $0xA;
	s2 =	sadd.s32 s3, s2  }
0x8d: {  	s2 =	sadd.s32 s2, s17  }
0x8e: {  	[smem:$0x3FC4] =	sst s2  }
0x8f: {  	_ = 	snop  }
0x90: {  	s2 =	sld [smem:$0x3FD0];
	(tm) =	ssettm $0x1  }
0x91: {  	s18 =	sld [smem:$0x3FFB];
	_ =	sdelay $0x3  }
0x92: {  	_ =	strace s18  }
0x93: {  	s3 =	sld [smem:$0x3FFC];
	_ =	sdelay $0x3  }
0x94: {  	_ =	strace s3  }
0x95: {  	s3 =	sld [smem:$0x3FFD];
	_ =	sdelay $0x3  }
0x96: {  	_ =	strace s3  }
0x97: {  	_ =	strace $0x8FFFFFFF  }
0x98: {  	s19 =	sld [smem:$0x3FDB];
	_ =	sdelay $0x1  }
0x99: {  	s4 =	simm.s32 $_scs_section_size  }
0x9a: {  	s5 =	simm.s32 $_size__tile_overlayer_lowered;
	s6 =	simm.s32 $_tile_overlayer_lowered  }
0x9b: {  	s22 =	simm.s32 $0x1BFF;
	s21 =	sshll.u32 s6, $0x1;
	s3 =	sadd.s32 s4, s19  }
0x9c: {  	s7 =	simm.s32 $0x0;
	s20 =	sshll.u32 s5, $0x1;
	s5 =	sadd.s32 s21, s3  }
0x9d: {  	[timem:s7], [sflag:s22] =	dma.local [hbm:s5], s20  }
0x9e: {  	_ =	swait.ge [sflag:s22], s20  }
0x9f: {  	s4 =	ssub.s32 $0x0, s20;
	[sflag:s22] =	ssyncset.done $0x0  }
0xa0: {  	[sflag:s22] =	ssyncadd.s32 s4;
	_ =	sdelay $0x1  }
0xa1: {  	s23 =	simm.s32 $0x1B8B  }
0xa2: {  	_ =	swait.ge [sflag:s23], $0x1  }
0xa3: {  	[sflag:s23] =	ssyncset.done $0x0  }
0xa4: {  	s25 =	simm.s32 $0x1B8E;
	s24 =	sld [smem:$0x3FFE];
	[sflag:s23] =	ssyncadd.s32 $0xFFFFFFFF  }
0xa5: {  	s26 =	simm.s32 $execute0_lowered;
	[smem:$0x3FD2] =	sst s25  }
0xa6: {  	s5 =	sshll.u32 s26, $0x1;
	_ =	strace $0x80000046;
	[dreg:$0x1] =	wrdreg $0xFFFFFFFF  }
0xa7: {  	s28 =	simm.s32 $_size_execute0_lowered;
	s3 =	sadd.s32 s3, s5;
	[dreg:$0x0] =	wrdreg $0x0  }
0xa8: {  	s5 =	sshll.u32 s28, $0x1;
	[dreg:$0x2] =	wrdreg s3  }
0xa9: {  	[dreg:$0x3] =	wrdreg s5  }
0xaa: {  	[dreg:$0x4] =	wrdreg $0xC0  }
0xab: {  	_ =	task [dreg:s7], $0x5FFFF  }
0xac: {  	[dreg:$0x1] =	wrdreg $0xFFFFFFFF  }
0xad: {  	[dreg:$0x0] =	wrdreg $0x60  }
0xae: {  	[dreg:$0x2] =	wrdreg s2  }
0xaf: {  	[dreg:$0x3] =	wrdreg s24  }
0xb0: {  	[dreg:$0x4] =	wrdreg $0x9  }
0xb1: {  	_ =	task.clear_ibuf [dreg:s7], $0x5FFFF;
	_ =	strace $0x90000046  }
0xb2: {  	s29 =	simm.s32 $0x9;
	_ =	strace $0x80000048  }
0xb3: {  	_ =	swait.ge [sflag:s29], $0x1  }
0xb4: {  	[sflag:s29] =	ssyncadd.s32 $0xFFFFFFFF  }
0xb5: {  	_ =	strace $0x90000048  }
0xb6: {  	_ =	sfence  }
0xb7: {  	s30 =	sld [smem:$0x0];
	_ =	sdelay $0x2  }
0xb8: {  	s31 =	sshll.u32 s1, $0xD;
	s1 =	sshrl.u32 s1, $0x2  }
0xb9: {  	s3 =	sand.u32 $0x4000, s31;
	s1 =	sadd.s32 s1, s30  }
0xba: {  	s0 =	sor.u32 s3, s0;
	s1 =	sshll.u32 s1, $0x11  }
0xbb: {  	s0 =	sor.u32 s1, s0  }
0xbc: {  	s0 =	sadd.s32 $0x8F2B, s0  }
0xbd: {  	[sflag:s0] =	ssyncadd.remote.s32 $0x1  }
0xbe: {  	_ =	sfence.sel $0xFFFF  }
0xbf: {  	[dreg:$0x0] =	wrdreg $0xFFFFFFFF;
	(pc) =	sbr.abs _section_cstart, $3  }
0xc0: {  	[dreg:$0x1] =	wrdreg $0xFFFFFFFF  }
0xc1: {  	_ =	task.clear_ibuf [dreg:s7], $0x2FFFF;
	_ =	strace $0x9FFFFFFF  }
0xc2: {  	(tm) =	ssettm $0x7FFFFFFF  }
0xc3: {  	_ =	shalt  }
tec
execute0_lowered:
.L_overlay_start_1:
0x0: {  	(tag) =	ssettag $0x1  }
0x1: {  	s6 =	rddreg [dreg:$0x0]  }
0x2: {  	s3 =	rddreg [dreg:$0x1]  }
0x3: {  	s0 =	rddreg [dreg:$0x2];
	s2 =	simm.s32 $0x0;
	s4 =	srdreg.scid  }
0x4: {  	s1 =	stileid.u32;
	s13 =	simm.s32 $0x8000;
	s14 =	simm.s32 $0xC000  }
0x5: {  	s15 =	simm.s32 $0x1;
	s16 =	simm.s32 $0x10000;
	s17 =	simm.s32 $0x2  }
0x6: {  	s18 =	simm.s32 $0x14000;
	s19 =	simm.s32 $0x3;
	s20 =	simm.s32 $0x18000  }
0x7: {  	s21 =	simm.s32 $0x4;
	s22 =	simm.s32 $0x1C000;
	s23 =	simm.s32 $0x5  }
0x8: {  	s24 =	simm.s32 $0x0;
	[smem:$0x7FF] =	sst s2;
	s4 =	sand.u32 $0x1, s4  }
0x9: {  	s7 =	sshll.u32 s1, $0xE;
	s5 =	ssub.s32 $0x2, s4;
	s4 =	sshll.u32 s4, $0xD  }
0xa: {  	s10 =	sadd.s32 $0xC00, s3;
	s8 =	sshrl.u32 s5, $0x1;
	s7 =	sor.u32 s4, s7  }
0xb: {  	_ =	strace $0x80000047;
	s11 =	ssub.s32 s5, s8;
	s3 =	sadd.s32 s6, s7  }
0xc: {  	s31 =	sor.u32 $0x800, s7;
	s9 =	sor.u32 $0x1000, s7;
	s12 =	sor.u32 $0x1800, s7  }
0xd: {  	s7 =	sadd.s32 s10, s7;
	s4 =	sadd.s32 s6, s31;
	s5 =	sadd.s32 s6, s9  }
0xe: {  	v1 =	vlaneseq.u32;
	s6 =	sadd.s32 s6, s12;
	s8 =	sadd.s32 s10, s31;
	s9 =	sadd.s32 s10, s9  }
0xf: {  	v0 =	vimm.f32 $0.0e+00;
	v2 =	vimm.f32 $1.000000000e+00;
	v1 =	vmul.u32 $0x80, v1;
	s10 =	sadd.s32 s10, s12;
	s11 =	smax.u32 s11, $0x1;
	s12 =	simm.s32 $0x4000  }
.LBB2_1:
0x10: {  	[tilespmem:s2], [sflag:$0x1] =	stream.linear.gather [hbm4b:s3+s2], $0x4000, $0x38;
	v63 =	vld [tilespmem:$0x0]  }
0x11: {  	_ = 	snop  }
0x12: {  	[tilespmem:s12], [sflag:$0x2] =	stream.linear.gather [hbm4b:s4+s2], $0x4000, $0x38;
	v63 =	vld [tilespmem:$0x0]  }
0x13: {  	_ = 	snop  }
0x14: {  	[tilespmem:s13], [sflag:$0x3] =	stream.linear.gather [hbm4b:s5+s2], $0x4000, $0x38;
	v63 =	vld [tilespmem:$0x0]  }
0x15: {  	s25 =	simm.s32 $0x0;
	s26 =	simm.s32 $0x200  }
0x16: {  	[tilespmem:s14], [sflag:$0x4] =	stream.linear.gather [hbm4b:s6+s2], $0x4000, $0x38;
	v63 =	vld [tilespmem:$0x0]  }
.LBB2_2:
0x17: {  	p0 =	sne.s32 s26, $0xFE00;
	[tilespmem:s25+$0x10070] =	vst v0  }
0x18: {  	[tilespmem:s25+$0x10000] =	vst v0  }
0x19: {  	[tilespmem:s25+$0x10010] =	vst v0  }
.Ltmp0:
0x1a: {  	[tilespmem:s25+$0x10020] =	vst v0;
	(pc) =	sbr.rel @p0 .LBB2_2-.Ltmp0, $4  }
0x1b: {  	[tilespmem:s25+$0x10030] =	vst v0  }
0x1c: {  	[tilespmem:s25+$0x10040] =	vst v0  }
0x1d: {  	[tilespmem:s25+$0x10050] =	vst v0  }
0x1e: {  	[tilespmem:s25+$0x10060] =	vst v0;
	s25 =	sshra.s32 s26, $0x2;
	s26 =	sadd.s32 $0x200, s26  }
0x1f: {  	[tilespmem:s25+$0x10070] =	vst v0  }
0x20: {  	[tilespmem:s25+$0x10000] =	vst v0  }
0x21: {  	[tilespmem:s25+$0x10010] =	vst v0  }
0x22: {  	[tilespmem:s25+$0x10020] =	vst v0  }
0x23: {  	[tilespmem:s25+$0x10030] =	vst v0  }
0x24: {  	[tilespmem:s25+$0x10040] =	vst v0  }
0x25: {  	[tilespmem:s25+$0x10050] =	vst v0  }
0x26: {  	[tilespmem:s25+$0x10060] =	vst v0  }
0x27: {  	_ =	swait.ge [sflag:s15], $0x4000  }
0x28: {  	s25 =	simm.s32 $0x0;
	[sflag:s15] =	ssyncset.done $0x0  }
0x29: {  	p0 =	por $0x1, $0x1;
	s26 =	simm.s32 $0x0;
	[sflag:s15] =	ssyncadd.s32 $0xFFFFC000  }
.LBB2_4:
0x2a: {  	v3 =	vmov s26;
	s28 =	sor.u32 $0x10, s26  }
0x2b: {  	v3 =	vshll.u32 v3, $0x7;
	v4 =	vmov s28  }
0x2c: {  	s30 =	sor.u32 $0x20, s26;
	v4 =	vshll.u32 v4, $0x7;
	v6 =	vor.u32 v1, v3  }
0x2d: {  	s31 =	sor.u32 $0x30, s26;
	v3 =	vmov s30;
	v5 =	vor.u32 v1, v4  }
0x2e: {  	v51 =	vmov s31;
	v3 =	vshll.u32 v3, $0x7  }
0x2f: {  	v7 =	vshll.u32 v51, $0x7;
	v4 =	vor.u32 v1, v3  }
0x30: {  	v3 =	vor.u32 v1, v7  }
0x31: {  	v52 =	vld.idx.msk [tilespmem:v6+s25+$0x0], $0xffff  }
0x32: {  	v8 =	vld.idx.msk [tilespmem:v5+s25+$0x0], $0xffff;
	_ =	sdelay $0x1  }
0x33: {  	v9 =	vld.idx.msk [tilespmem:v4+s25+$0x0], $0xffff  }
0x34: {  	v10 =	vld.idx.msk [tilespmem:v3+s25+$0x0], $0xffff;
	_ =	sdelay $0x1  }
0x35: {  	v11 =	vand.u32 $0xFFFFFF80, v52;
	v7 =	vand.u32 $0x7F, v52;
	v12 =	vand.u32 $0xFFFFFF80, v8  }
0x36: {  	v11 =	vadd.s32 v6, v11;
	v8 =	vand.u32 $0x7F, v8;
	v12 =	vadd.s32 v5, v12  }
0x37: {  	v7 =	vor.u32 v7, v11;
	v53 =	vand.u32 $0xFFFFFF80, v9;
	v9 =	vand.u32 $0x7F, v9  }
0x38: {  	v54 =	vand.u32 $0xFFFFFF80, v10;
	v8 =	vor.u32 v8, v12;
	v11 =	vadd.s32 v4, v53  }
0x39: {  	v10 =	vand.u32 $0x7F, v10;
	v55 =	vadd.s32 v3, v54;
	v9 =	vor.u32 v9, v11  }
0x3a: {  	v10 =	vor.u32 v10, v55  }
0x3b: {  	v56 =	vor.u32 $0x1, v6  }
0x3c: {  	v57 =	vor.u32 $0x1, v5;
	[tilespmem:v7+s16+$0x0] =	vst.idx.add.f32.msk $0xffff, v2  }
0x3d: {  	v58 =	vor.u32 $0x1, v4;
	[tilespmem:v8+s16+$0x0] =	vst.idx.add.f32.msk $0xffff, v2  }
0x3e: {  	[tilespmem:v9+s16+$0x0] =	vst.idx.add.f32.msk $0xffff, v2  }
0x3f: {  	v59 =	vor.u32 $0x1, v3;
	[tilespmem:v10+s16+$0x0] =	vst.idx.add.f32.msk $0xffff, v2  }
0x40: {  	v10 =	vld.idx.msk [tilespmem:v56+s25+$0x0], $0xffff  }
0x41: {  	v7 =	vld.idx.msk [tilespmem:v57+s25+$0x0], $0xffff  }
0x42: {  	v8 =	vld.idx.msk [tilespmem:v58+s25+$0x0], $0xffff;
	_ =	sdelay $0x1  }
0x43: {  	v9 =	vld.idx.msk [tilespmem:v59+s25+$0x0], $0xffff;
	_ =	sdelay $0x1  }
0x44: {  	v11 =	vand.u32 $0xFFFFFF80, v10;
	v10 =	vand.u32 $0x7F, v10;
	v60 =	vand.u32 $0xFFFFFF80, v7  }
0x45: {  	v7 =	vand.u32 $0x7F, v7;
	v61 =	vand.u32 $0xFFFFFF80, v8;
	v11 =	vadd.s32 v6, v11  }
0x46: {  	v8 =	vand.u32 $0x7F, v8;
	v12 =	vadd.s32 v5, v60;
	v10 =	vor.u32 v10, v11  }
0x47: {  	v62 =	vand.u32 $0xFFFFFF80, v9;
	v7 =	vor.u32 v7, v12;
	v11 =	vadd.s32 v4, v61  }
0x48: {  	v9 =	vand.u32 $0x7F, v9;
	v15 =	vadd.s32 v3, v62;
	v8 =	vor.u32 v8, v11  }
0x49: {  	v9 =	vor.u32 v9, v15  }
0x4a: {  	v16 =	vor.u32 $0x2, v6  }
0x4b: {  	v17 =	vor.u32 $0x2, v5;
	[tilespmem:v10+s16+$0x0] =	vst.idx.add.f32.msk $0xffff, v2  }
0x4c: {  	v18 =	vor.u32 $0x2, v4;
	[tilespmem:v7+s16+$0x0] =	vst.idx.add.f32.msk $0xffff, v2  }
0x4d: {  	[tilespmem:v8+s16+$0x0] =	vst.idx.add.f32.msk $0xffff, v2  }
0x4e: {  	v19 =	vor.u32 $0x2, v3;
	[tilespmem:v9+s16+$0x0] =	vst.idx.add.f32.msk $0xffff, v2  }
0x4f: {  	v9 =	vld.idx.msk [tilespmem:v16+s25+$0x0], $0xffff  }
0x50: {  	v10 =	vld.idx.msk [tilespmem:v17+s25+$0x0], $0xffff  }
0x51: {  	v7 =	vld.idx.msk [tilespmem:v18+s25+$0x0], $0xffff;
	_ =	sdelay $0x1  }
0x52: {  	v8 =	vld.idx.msk [tilespmem:v19+s25+$0x0], $0xffff;
	_ =	sdelay $0x1  }
0x53: {  	v11 =	vand.u32 $0xFFFFFF80, v9;
	v9 =	vand.u32 $0x7F, v9;
	v20 =	vand.u32 $0xFFFFFF80, v10  }
0x54: {  	v10 =	vand.u32 $0x7F, v10;
	v21 =	vand.u32 $0xFFFFFF80, v7;
	v11 =	vadd.s32 v6, v11  }
0x55: {  	v7 =	vand.u32 $0x7F, v7;
	v12 =	vadd.s32 v5, v20;
	v9 =	vor.u32 v9, v11  }
0x56: {  	v22 =	vand.u32 $0xFFFFFF80, v8;
	v10 =	vor.u32 v10, v12;
	v11 =	vadd.s32 v4, v21  }
0x57: {  	v8 =	vand.u32 $0x7F, v8;
	v23 =	vadd.s32 v3, v22;
	v7 =	vor.u32 v7, v11  }
0x58: {  	v8 =	vor.u32 v8, v23  }
0x59: {  	v24 =	vor.u32 $0x3, v6  }
0x5a: {  	v25 =	vor.u32 $0x3, v5;
	[tilespmem:v9+s16+$0x0] =	vst.idx.add.f32.msk $0xffff, v2  }
0x5b: {  	v26 =	vor.u32 $0x3, v4;
	[tilespmem:v10+s16+$0x0] =	vst.idx.add.f32.msk $0xffff, v2  }
0x5c: {  	[tilespmem:v7+s16+$0x0] =	vst.idx.add.f32.msk $0xffff, v2  }
0x5d: {  	v27 =	vor.u32 $0x3, v3;
	[tilespmem:v8+s16+$0x0] =	vst.idx.add.f32.msk $0xffff, v2  }
0x5e: {  	v10 =	vld.idx.msk [tilespmem:v24+s25+$0x0], $0xffff  }
0x5f: {  	v9 =	vld.idx.msk [tilespmem:v25+s25+$0x0], $0xffff  }
0x60: {  	v7 =	vld.idx.msk [tilespmem:v26+s25+$0x0], $0xffff;
	_ =	sdelay $0x1  }
0x61: {  	v8 =	vld.idx.msk [tilespmem:v27+s25+$0x0], $0xffff;
	_ =	sdelay $0x1  }
0x62: {  	v11 =	vand.u32 $0xFFFFFF80, v10;
	v10 =	vand.u32 $0x7F, v10;
	v28 =	vand.u32 $0xFFFFFF80, v9  }
0x63: {  	v9 =	vand.u32 $0x7F, v9;
	v29 =	vand.u32 $0xFFFFFF80, v7;
	v11 =	vadd.s32 v6, v11  }
0x64: {  	v7 =	vand.u32 $0x7F, v7;
	v12 =	vadd.s32 v5, v28;
	v10 =	vor.u32 v10, v11  }
0x65: {  	v30 =	vand.u32 $0xFFFFFF80, v8;
	v9 =	vor.u32 v9, v12;
	v11 =	vadd.s32 v4, v29  }
0x66: {  	v8 =	vand.u32 $0x7F, v8;
	v31 =	vadd.s32 v3, v30;
	v7 =	vor.u32 v7, v11  }
0x67: {  	v8 =	vor.u32 v8, v31  }
0x68: {  	v32 =	vor.u32 $0x4, v6  }
0x69: {  	v33 =	vor.u32 $0x4, v5;
	[tilespmem:v10+s16+$0x0] =	vst.idx.add.f32.msk $0xffff, v2  }
0x6a: {  	v34 =	vor.u32 $0x4, v4;
	[tilespmem:v9+s16+$0x0] =	vst.idx.add.f32.msk $0xffff, v2  }
0x6b: {  	[tilespmem:v7+s16+$0x0] =	vst.idx.add.f32.msk $0xffff, v2  }
0x6c: {  	v35 =	vor.u32 $0x4, v3;
	[tilespmem:v8+s16+$0x0] =	vst.idx.add.f32.msk $0xffff, v2  }
0x6d: {  	v9 =	vld.idx.msk [tilespmem:v32+s25+$0x0], $0xffff  }
0x6e: {  	v10 =	vld.idx.msk [tilespmem:v33+s25+$0x0], $0xffff  }
0x6f: {  	v7 =	vld.idx.msk [tilespmem:v34+s25+$0x0], $0xffff;
	_ =	sdelay $0x1  }
0x70: {  	v8 =	vld.idx.msk [tilespmem:v35+s25+$0x0], $0xffff;
	_ =	sdelay $0x1  }
0x71: {  	v11 =	vand.u32 $0xFFFFFF80, v9;
	v9 =	vand.u32 $0x7F, v9;
	v36 =	vand.u32 $0xFFFFFF80, v10  }
0x72: {  	v10 =	vand.u32 $0x7F, v10;
	v37 =	vand.u32 $0xFFFFFF80, v7;
	v11 =	vadd.s32 v6, v11  }
0x73: {  	v7 =	vand.u32 $0x7F, v7;
	v12 =	vadd.s32 v5, v36;
	v9 =	vor.u32 v9, v11  }
0x74: {  	v38 =	vand.u32 $0xFFFFFF80, v8;
	v10 =	vor.u32 v10, v12;
	v11 =	vadd.s32 v4, v37  }
0x75: {  	v8 =	vand.u32 $0x7F, v8;
	v39 =	vadd.s32 v3, v38;
	v7 =	vor.u32 v7, v11  }
0x76: {  	v8 =	vor.u32 v8, v39  }
0x77: {  	v40 =	vor.u32 $0x5, v6  }
0x78: {  	v41 =	vor.u32 $0x5, v5;
	[tilespmem:v9+s16+$0x0] =	vst.idx.add.f32.msk $0xffff, v2  }
0x79: {  	v42 =	vor.u32 $0x5, v4;
	[tilespmem:v10+s16+$0x0] =	vst.idx.add.f32.msk $0xffff, v2  }
0x7a: {  	[tilespmem:v7+s16+$0x0] =	vst.idx.add.f32.msk $0xffff, v2  }
0x7b: {  	v43 =	vor.u32 $0x5, v3;
	[tilespmem:v8+s16+$0x0] =	vst.idx.add.f32.msk $0xffff, v2  }
0x7c: {  	v10 =	vld.idx.msk [tilespmem:v40+s25+$0x0], $0xffff  }
0x7d: {  	v9 =	vld.idx.msk [tilespmem:v41+s25+$0x0], $0xffff  }
0x7e: {  	v7 =	vld.idx.msk [tilespmem:v42+s25+$0x0], $0xffff;
	_ =	sdelay $0x1  }
0x7f: {  	v8 =	vld.idx.msk [tilespmem:v43+s25+$0x0], $0xffff;
	_ =	sdelay $0x1  }
0x80: {  	v11 =	vand.u32 $0xFFFFFF80, v10;
	v10 =	vand.u32 $0x7F, v10;
	v44 =	vand.u32 $0xFFFFFF80, v9  }
0x81: {  	v9 =	vand.u32 $0x7F, v9;
	v45 =	vand.u32 $0xFFFFFF80, v7;
	v11 =	vadd.s32 v6, v11  }
0x82: {  	v7 =	vand.u32 $0x7F, v7;
	v12 =	vadd.s32 v5, v44;
	v10 =	vor.u32 v10, v11  }
0x83: {  	v46 =	vand.u32 $0xFFFFFF80, v8;
	v9 =	vor.u32 v9, v12;
	v11 =	vadd.s32 v4, v45  }
0x84: {  	v8 =	vand.u32 $0x7F, v8;
	v47 =	vadd.s32 v3, v46;
	v7 =	vor.u32 v7, v11  }
0x85: {  	v8 =	vor.u32 v8, v47  }
0x86: {  	v48 =	vor.u32 $0x6, v6  }
0x87: {  	v49 =	vor.u32 $0x6, v5;
	[tilespmem:v10+s16+$0x0] =	vst.idx.add.f32.msk $0xffff, v2  }
0x88: {  	v50 =	vor.u32 $0x6, v4;
	[tilespmem:v9+s16+$0x0] =	vst.idx.add.f32.msk $0xffff, v2  }
0x89: {  	[tilespmem:v7+s16+$0x0] =	vst.idx.add.f32.msk $0xffff, v2  }
0x8a: {  	v51 =	vor.u32 $0x6, v3;
	[tilespmem:v8+s16+$0x0] =	vst.idx.add.f32.msk $0xffff, v2  }
0x8b: {  	v9 =	vld.idx.msk [tilespmem:v48+s25+$0x0], $0xffff  }
0x8c: {  	v10 =	vld.idx.msk [tilespmem:v49+s25+$0x0], $0xffff  }
0x8d: {  	v7 =	vld.idx.msk [tilespmem:v50+s25+$0x0], $0xffff;
	_ =	sdelay $0x1  }
0x8e: {  	v8 =	vld.idx.msk [tilespmem:v51+s25+$0x0], $0xffff;
	_ =	sdelay $0x1  }
0x8f: {  	v11 =	vand.u32 $0xFFFFFF80, v9;
	v9 =	vand.u32 $0x7F, v9;
	v52 =	vand.u32 $0xFFFFFF80, v10  }
0x90: {  	v10 =	vand.u32 $0x7F, v10;
	v53 =	vand.u32 $0xFFFFFF80, v7;
	v11 =	vadd.s32 v6, v11  }
0x91: {  	v7 =	vand.u32 $0x7F, v7;
	v12 =	vadd.s32 v5, v52;
	v9 =	vor.u32 v9, v11  }
0x92: {  	v54 =	vand.u32 $0xFFFFFF80, v8;
	v10 =	vor.u32 v10, v12;
	v11 =	vadd.s32 v4, v53  }
0x93: {  	v8 =	vand.u32 $0x7F, v8;
	v55 =	vadd.s32 v3, v54;
	v7 =	vor.u32 v7, v11  }
0x94: {  	v8 =	vor.u32 v8, v55  }
0x95: {  	v56 =	vor.u32 $0x7, v6  }
0x96: {  	v57 =	vor.u32 $0x7, v5;
	[tilespmem:v9+s16+$0x0] =	vst.idx.add.f32.msk $0xffff, v2  }
0x97: {  	v58 =	vor.u32 $0x7, v4;
	[tilespmem:v10+s16+$0x0] =	vst.idx.add.f32.msk $0xffff, v2  }
0x98: {  	[tilespmem:v7+s16+$0x0] =	vst.idx.add.f32.msk $0xffff, v2  }
0x99: {  	v59 =	vor.u32 $0x7, v3;
	[tilespmem:v8+s16+$0x0] =	vst.idx.add.f32.msk $0xffff, v2  }
0x9a: {  	v10 =	vld.idx.msk [tilespmem:v56+s25+$0x0], $0xffff  }
0x9b: {  	v9 =	vld.idx.msk [tilespmem:v57+s25+$0x0], $0xffff  }
0x9c: {  	v7 =	vld.idx.msk [tilespmem:v58+s25+$0x0], $0xffff;
	_ =	sdelay $0x1  }
0x9d: {  	v8 =	vld.idx.msk [tilespmem:v59+s25+$0x0], $0xffff;
	_ =	sdelay $0x1  }
0x9e: {  	v11 =	vand.u32 $0xFFFFFF80, v10;
	v10 =	vand.u32 $0x7F, v10;
	v60 =	vand.u32 $0xFFFFFF80, v9  }
0x9f: {  	v9 =	vand.u32 $0x7F, v9;
	v61 =	vand.u32 $0xFFFFFF80, v7;
	v11 =	vadd.s32 v6, v11  }
0xa0: {  	v7 =	vand.u32 $0x7F, v7;
	v12 =	vadd.s32 v5, v60;
	v10 =	vor.u32 v10, v11  }
0xa1: {  	v62 =	vand.u32 $0xFFFFFF80, v8;
	v9 =	vor.u32 v9, v12;
	v11 =	vadd.s32 v4, v61  }
0xa2: {  	v8 =	vand.u32 $0x7F, v8;
	v15 =	vadd.s32 v3, v62;
	v7 =	vor.u32 v7, v11  }
0xa3: {  	v8 =	vor.u32 v8, v15  }
0xa4: {  	v16 =	vor.u32 $0x8, v6  }
0xa5: {  	v17 =	vor.u32 $0x8, v5;
	[tilespmem:v10+s16+$0x0] =	vst.idx.add.f32.msk $0xffff, v2  }
0xa6: {  	v18 =	vor.u32 $0x8, v4;
	[tilespmem:v9+s16+$0x0] =	vst.idx.add.f32.msk $0xffff, v2  }
0xa7: {  	[tilespmem:v7+s16+$0x0] =	vst.idx.add.f32.msk $0xffff, v2  }
0xa8: {  	v19 =	vor.u32 $0x8, v3;
	[tilespmem:v8+s16+$0x0] =	vst.idx.add.f32.msk $0xffff, v2  }
0xa9: {  	v9 =	vld.idx.msk [tilespmem:v16+s25+$0x0], $0xffff  }
0xaa: {  	v10 =	vld.idx.msk [tilespmem:v17+s25+$0x0], $0xffff  }
0xab: {  	v7 =	vld.idx.msk [tilespmem:v18+s25+$0x0], $0xffff;
	_ =	sdelay $0x1  }
0xac: {  	v8 =	vld.idx.msk [tilespmem:v19+s25+$0x0], $0xffff;
	_ =	sdelay $0x1  }
0xad: {  	v11 =	vand.u32 $0xFFFFFF80, v9;
	v9 =	vand.u32 $0x7F, v9;
	v20 =	vand.u32 $0xFFFFFF80, v10  }
0xae: {  	v10 =	vand.u32 $0x7F, v10;
	v21 =	vand.u32 $0xFFFFFF80, v7;
	v11 =	vadd.s32 v6, v11  }
0xaf: {  	v7 =	vand.u32 $0x7F, v7;
	v12 =	vadd.s32 v5, v20;
	v9 =	vor.u32 v9, v11  }
0xb0: {  	v22 =	vand.u32 $0xFFFFFF80, v8;
	v10 =	vor.u32 v10, v12;
	v11 =	vadd.s32 v4, v21  }
0xb1: {  	v8 =	vand.u32 $0x7F, v8;
	v23 =	vadd.s32 v3, v22;
	v7 =	vor.u32 v7, v11  }
0xb2: {  	v8 =	vor.u32 v8, v23  }
0xb3: {  	v24 =	vor.u32 $0x9, v6  }
0xb4: {  	v25 =	vor.u32 $0x9, v5;
	[tilespmem:v9+s16+$0x0] =	vst.idx.add.f32.msk $0xffff, v2  }
0xb5: {  	v26 =	vor.u32 $0x9, v4;
	[tilespmem:v10+s16+$0x0] =	vst.idx.add.f32.msk $0xffff, v2  }
0xb6: {  	[tilespmem:v7+s16+$0x0] =	vst.idx.add.f32.msk $0xffff, v2  }
0xb7: {  	v27 =	vor.u32 $0x9, v3;
	[tilespmem:v8+s16+$0x0] =	vst.idx.add.f32.msk $0xffff, v2  }
0xb8: {  	v10 =	vld.idx.msk [tilespmem:v24+s25+$0x0], $0xffff  }
0xb9: {  	v9 =	vld.idx.msk [tilespmem:v25+s25+$0x0], $0xffff  }
0xba: {  	v7 =	vld.idx.msk [tilespmem:v26+s25+$0x0], $0xffff;
	_ =	sdelay $0x1  }
0xbb: {  	v8 =	vld.idx.msk [tilespmem:v27+s25+$0x0], $0xffff;
	_ =	sdelay $0x1  }
0xbc: {  	v11 =	vand.u32 $0xFFFFFF80, v10;
	v10 =	vand.u32 $0x7F, v10;
	v28 =	vand.u32 $0xFFFFFF80, v9  }
0xbd: {  	v9 =	vand.u32 $0x7F, v9;
	v29 =	vand.u32 $0xFFFFFF80, v7;
	v11 =	vadd.s32 v6, v11  }
0xbe: {  	v7 =	vand.u32 $0x7F, v7;
	v12 =	vadd.s32 v5, v28;
	v10 =	vor.u32 v10, v11  }
0xbf: {  	v30 =	vand.u32 $0xFFFFFF80, v8;
	v9 =	vor.u32 v9, v12;
	v11 =	vadd.s32 v4, v29  }
0xc0: {  	v8 =	vand.u32 $0x7F, v8;
	v31 =	vadd.s32 v3, v30;
	v7 =	vor.u32 v7, v11  }
0xc1: {  	v8 =	vor.u32 v8, v31  }
0xc2: {  	v32 =	vor.u32 $0xA, v6  }
0xc3: {  	v33 =	vor.u32 $0xA, v5;
	[tilespmem:v10+s16+$0x0] =	vst.idx.add.f32.msk $0xffff, v2  }
0xc4: {  	v34 =	vor.u32 $0xA, v4;
	[tilespmem:v9+s16+$0x0] =	vst.idx.add.f32.msk $0xffff, v2  }
0xc5: {  	[tilespmem:v7+s16+$0x0] =	vst.idx.add.f32.msk $0xffff, v2  }
0xc6: {  	v35 =	vor.u32 $0xA, v3;
	[tilespmem:v8+s16+$0x0] =	vst.idx.add.f32.msk $0xffff, v2  }
0xc7: {  	v9 =	vld.idx.msk [tilespmem:v32+s25+$0x0], $0xffff  }
0xc8: {  	v10 =	vld.idx.msk [tilespmem:v33+s25+$0x0], $0xffff  }
0xc9: {  	v7 =	vld.idx.msk [tilespmem:v34+s25+$0x0], $0xffff;
	_ =	sdelay $0x1  }
0xca: {  	v8 =	vld.idx.msk [tilespmem:v35+s25+$0x0], $0xffff;
	_ =	sdelay $0x1  }
0xcb: {  	v11 =	vand.u32 $0xFFFFFF80, v9;
	v9 =	vand.u32 $0x7F, v9;
	v36 =	vand.u32 $0xFFFFFF80, v10  }
0xcc: {  	v10 =	vand.u32 $0x7F, v10;
	v37 =	vand.u32 $0xFFFFFF80, v7;
	v11 =	vadd.s32 v6, v11  }
0xcd: {  	v7 =	vand.u32 $0x7F, v7;
	v12 =	vadd.s32 v5, v36;
	v9 =	vor.u32 v9, v11  }
0xce: {  	v38 =	vand.u32 $0xFFFFFF80, v8;
	v10 =	vor.u32 v10, v12;
	v11 =	vadd.s32 v4, v37  }
0xcf: {  	v8 =	vand.u32 $0x7F, v8;
	v39 =	vadd.s32 v3, v38;
	v7 =	vor.u32 v7, v11  }
0xd0: {  	v8 =	vor.u32 v8, v39  }
0xd1: {  	v40 =	vor.u32 $0xB, v6  }
0xd2: {  	v41 =	vor.u32 $0xB, v5;
	[tilespmem:v9+s16+$0x0] =	vst.idx.add.f32.msk $0xffff, v2  }
0xd3: {  	v42 =	vor.u32 $0xB, v4;
	[tilespmem:v10+s16+$0x0] =	vst.idx.add.f32.msk $0xffff, v2  }
0xd4: {  	[tilespmem:v7+s16+$0x0] =	vst.idx.add.f32.msk $0xffff, v2  }
0xd5: {  	v43 =	vor.u32 $0xB, v3;
	[tilespmem:v8+s16+$0x0] =	vst.idx.add.f32.msk $0xffff, v2  }
0xd6: {  	v10 =	vld.idx.msk [tilespmem:v40+s25+$0x0], $0xffff  }
0xd7: {  	v9 =	vld.idx.msk [tilespmem:v41+s25+$0x0], $0xffff  }
0xd8: {  	v7 =	vld.idx.msk [tilespmem:v42+s25+$0x0], $0xffff;
	_ =	sdelay $0x1  }
0xd9: {  	v8 =	vld.idx.msk [tilespmem:v43+s25+$0x0], $0xffff;
	_ =	sdelay $0x1  }
0xda: {  	v11 =	vand.u32 $0xFFFFFF80, v10;
	v10 =	vand.u32 $0x7F, v10;
	v44 =	vand.u32 $0xFFFFFF80, v9  }
0xdb: {  	v9 =	vand.u32 $0x7F, v9;
	v45 =	vand.u32 $0xFFFFFF80, v7;
	v11 =	vadd.s32 v6, v11  }
0xdc: {  	v7 =	vand.u32 $0x7F, v7;
	v12 =	vadd.s32 v5, v44;
	v10 =	vor.u32 v10, v11  }
0xdd: {  	v46 =	vand.u32 $0xFFFFFF80, v8;
	v9 =	vor.u32 v9, v12;
	v11 =	vadd.s32 v4, v45  }
0xde: {  	v8 =	vand.u32 $0x7F, v8;
	v47 =	vadd.s32 v3, v46;
	v7 =	vor.u32 v7, v11  }
0xdf: {  	v8 =	vor.u32 v8, v47  }
0xe0: {  	v48 =	vor.u32 $0xC, v6  }
0xe1: {  	v49 =	vor.u32 $0xC, v5;
	[tilespmem:v10+s16+$0x0] =	vst.idx.add.f32.msk $0xffff, v2  }
0xe2: {  	v50 =	vor.u32 $0xC, v4;
	[tilespmem:v9+s16+$0x0] =	vst.idx.add.f32.msk $0xffff, v2  }
0xe3: {  	[tilespmem:v7+s16+$0x0] =	vst.idx.add.f32.msk $0xffff, v2  }
0xe4: {  	v51 =	vor.u32 $0xC, v3;
	[tilespmem:v8+s16+$0x0] =	vst.idx.add.f32.msk $0xffff, v2  }
0xe5: {  	v9 =	vld.idx.msk [tilespmem:v48+s25+$0x0], $0xffff  }
0xe6: {  	v10 =	vld.idx.msk [tilespmem:v49+s25+$0x0], $0xffff  }
0xe7: {  	v7 =	vld.idx.msk [tilespmem:v50+s25+$0x0], $0xffff;
	_ =	sdelay $0x1  }
0xe8: {  	v8 =	vld.idx.msk [tilespmem:v51+s25+$0x0], $0xffff;
	_ =	sdelay $0x1  }
0xe9: {  	v11 =	vand.u32 $0xFFFFFF80, v9;
	v9 =	vand.u32 $0x7F, v9;
	v52 =	vand.u32 $0xFFFFFF80, v10  }
0xea: {  	v10 =	vand.u32 $0x7F, v10;
	v53 =	vand.u32 $0xFFFFFF80, v7;
	v11 =	vadd.s32 v6, v11  }
0xeb: {  	v7 =	vand.u32 $0x7F, v7;
	v12 =	vadd.s32 v5, v52;
	v9 =	vor.u32 v9, v11  }
0xec: {  	v54 =	vand.u32 $0xFFFFFF80, v8;
	v10 =	vor.u32 v10, v12;
	v11 =	vadd.s32 v4, v53  }
0xed: {  	v8 =	vand.u32 $0x7F, v8;
	v55 =	vadd.s32 v3, v54;
	v7 =	vor.u32 v7, v11  }
0xee: {  	v8 =	vor.u32 v8, v55  }
0xef: {  	v56 =	vor.u32 $0xD, v6  }
0xf0: {  	v57 =	vor.u32 $0xD, v5;
	[tilespmem:v9+s16+$0x0] =	vst.idx.add.f32.msk $0xffff, v2  }
0xf1: {  	v58 =	vor.u32 $0xD, v4;
	[tilespmem:v10+s16+$0x0] =	vst.idx.add.f32.msk $0xffff, v2  }
0xf2: {  	[tilespmem:v7+s16+$0x0] =	vst.idx.add.f32.msk $0xffff, v2  }
0xf3: {  	v59 =	vor.u32 $0xD, v3;
	[tilespmem:v8+s16+$0x0] =	vst.idx.add.f32.msk $0xffff, v2  }
0xf4: {  	v10 =	vld.idx.msk [tilespmem:v56+s25+$0x0], $0xffff  }
0xf5: {  	v9 =	vld.idx.msk [tilespmem:v57+s25+$0x0], $0xffff  }
0xf6: {  	v7 =	vld.idx.msk [tilespmem:v58+s25+$0x0], $0xffff;
	_ =	sdelay $0x1  }
0xf7: {  	v8 =	vld.idx.msk [tilespmem:v59+s25+$0x0], $0xffff;
	_ =	sdelay $0x1  }
0xf8: {  	v11 =	vand.u32 $0xFFFFFF80, v10;
	v10 =	vand.u32 $0x7F, v10;
	v60 =	vand.u32 $0xFFFFFF80, v9  }
0xf9: {  	v9 =	vand.u32 $0x7F, v9;
	v61 =	vand.u32 $0xFFFFFF80, v7;
	v11 =	vadd.s32 v6, v11  }
0xfa: {  	v7 =	vand.u32 $0x7F, v7;
	v12 =	vadd.s32 v5, v60;
	v10 =	vor.u32 v10, v11  }
0xfb: {  	v62 =	vand.u32 $0xFFFFFF80, v8;
	v9 =	vor.u32 v9, v12;
	v11 =	vadd.s32 v4, v61  }
0xfc: {  	v8 =	vand.u32 $0x7F, v8;
	v14 =	vadd.s32 v3, v62;
	v7 =	vor.u32 v7, v11  }
0xfd: {  	v8 =	vor.u32 v8, v14  }
0xfe: {  	v15 =	vor.u32 $0xE, v6  }
0xff: {  	v16 =	vor.u32 $0xE, v5;
	[tilespmem:v10+s16+$0x0] =	vst.idx.add.f32.msk $0xffff, v2  }
0x100: {  	v17 =	vor.u32 $0xE, v4;
	[tilespmem:v9+s16+$0x0] =	vst.idx.add.f32.msk $0xffff, v2  }
0x101: {  	[tilespmem:v7+s16+$0x0] =	vst.idx.add.f32.msk $0xffff, v2  }
0x102: {  	v18 =	vor.u32 $0xE, v3;
	[tilespmem:v8+s16+$0x0] =	vst.idx.add.f32.msk $0xffff, v2  }
0x103: {  	v9 =	vld.idx.msk [tilespmem:v15+s25+$0x0], $0xffff  }
0x104: {  	v10 =	vld.idx.msk [tilespmem:v16+s25+$0x0], $0xffff  }
0x105: {  	v7 =	vld.idx.msk [tilespmem:v17+s25+$0x0], $0xffff;
	_ =	sdelay $0x1  }
0x106: {  	v8 =	vld.idx.msk [tilespmem:v18+s25+$0x0], $0xffff;
	_ =	sdelay $0x1  }
0x107: {  	v11 =	vand.u32 $0xFFFFFF80, v9;
	v9 =	vand.u32 $0x7F, v9;
	v19 =	vand.u32 $0xFFFFFF80, v10  }
0x108: {  	v10 =	vand.u32 $0x7F, v10;
	v20 =	vand.u32 $0xFFFFFF80, v7;
	v11 =	vadd.s32 v6, v11  }
0x109: {  	v7 =	vand.u32 $0x7F, v7;
	v12 =	vadd.s32 v5, v19;
	v9 =	vor.u32 v9, v11  }
0x10a: {  	v21 =	vand.u32 $0xFFFFFF80, v8;
	v10 =	vor.u32 v10, v12;
	v11 =	vadd.s32 v4, v20  }
0x10b: {  	v8 =	vand.u32 $0x7F, v8;
	v22 =	vadd.s32 v3, v21;
	v7 =	vor.u32 v7, v11  }
0x10c: {  	v8 =	vor.u32 v8, v22  }
0x10d: {  	v23 =	vor.u32 $0xF, v6  }
0x10e: {  	v24 =	vor.u32 $0xF, v5;
	[tilespmem:v9+s16+$0x0] =	vst.idx.add.f32.msk $0xffff, v2  }
0x10f: {  	v25 =	vor.u32 $0xF, v4;
	[tilespmem:v10+s16+$0x0] =	vst.idx.add.f32.msk $0xffff, v2  }
0x110: {  	[tilespmem:v7+s16+$0x0] =	vst.idx.add.f32.msk $0xffff, v2  }
0x111: {  	v26 =	vor.u32 $0xF, v3;
	[tilespmem:v8+s16+$0x0] =	vst.idx.add.f32.msk $0xffff, v2  }
0x112: {  	v10 =	vld.idx.msk [tilespmem:v23+s25+$0x0], $0xffff  }
0x113: {  	v9 =	vld.idx.msk [tilespmem:v24+s25+$0x0], $0xffff  }
0x114: {  	v7 =	vld.idx.msk [tilespmem:v25+s25+$0x0], $0xffff;
	_ =	sdelay $0x1  }
0x115: {  	v8 =	vld.idx.msk [tilespmem:v26+s25+$0x0], $0xffff;
	_ =	sdelay $0x1  }
0x116: {  	v11 =	vand.u32 $0xFFFFFF80, v10;
	v10 =	vand.u32 $0x7F, v10;
	v27 =	vand.u32 $0xFFFFFF80, v9  }
0x117: {  	v9 =	vand.u32 $0x7F, v9;
	v28 =	vand.u32 $0xFFFFFF80, v7;
	v11 =	vadd.s32 v6, v11  }
0x118: {  	v7 =	vand.u32 $0x7F, v7;
	v12 =	vadd.s32 v5, v27;
	v10 =	vor.u32 v10, v11  }
0x119: {  	v29 =	vand.u32 $0xFFFFFF80, v8;
	v9 =	vor.u32 v9, v12;
	v11 =	vadd.s32 v4, v28  }
0x11a: {  	v8 =	vand.u32 $0x7F, v8;
	v30 =	vadd.s32 v3, v29;
	v7 =	vor.u32 v7, v11  }
0x11b: {  	v8 =	vor.u32 v8, v30  }
0x11c: {  	v31 =	vor.u32 $0x10, v6  }
0x11d: {  	v32 =	vor.u32 $0x10, v5;
	[tilespmem:v10+s16+$0x0] =	vst.idx.add.f32.msk $0xffff, v2  }
0x11e: {  	v33 =	vor.u32 $0x10, v4;
	[tilespmem:v9+s16+$0x0] =	vst.idx.add.f32.msk $0xffff, v2  }
0x11f: {  	[tilespmem:v7+s16+$0x0] =	vst.idx.add.f32.msk $0xffff, v2  }
0x120: {  	v34 =	vor.u32 $0x10, v3;
	[tilespmem:v8+s16+$0x0] =	vst.idx.add.f32.msk $0xffff, v2  }
0x121: {  	v9 =	vld.idx.msk [tilespmem:v31+s25+$0x0], $0xffff  }
0x122: {  	v10 =	vld.idx.msk [tilespmem:v32+s25+$0x0], $0xffff  }
0x123: {  	v7 =	vld.idx.msk [tilespmem:v33+s25+$0x0], $0xffff;
	_ =	sdelay $0x1  }
0x124: {  	v8 =	vld.idx.msk [tilespmem:v34+s25+$0x0], $0xffff;
	_ =	sdelay $0x1  }
0x125: {  	v11 =	vand.u32 $0xFFFFFF80, v9;
	v9 =	vand.u32 $0x7F, v9;
	v35 =	vand.u32 $0xFFFFFF80, v10  }
0x126: {  	v10 =	vand.u32 $0x7F, v10;
	v36 =	vand.u32 $0xFFFFFF80, v7;
	v11 =	vadd.s32 v6, v11  }
0x127: {  	v7 =	vand.u32 $0x7F, v7;
	v12 =	vadd.s32 v5, v35;
	v9 =	vor.u32 v9, v11  }
0x128: {  	v37 =	vand.u32 $0xFFFFFF80, v8;
	v10 =	vor.u32 v10, v12;
	v11 =	vadd.s32 v4, v36  }
0x129: {  	v8 =	vand.u32 $0x7F, v8;
	v38 =	vadd.s32 v3, v37;
	v7 =	vor.u32 v7, v11  }
0x12a: {  	v8 =	vor.u32 v8, v38  }
0x12b: {  	v39 =	vor.u32 $0x11, v6  }
0x12c: {  	v40 =	vor.u32 $0x11, v5;
	[tilespmem:v9+s16+$0x0] =	vst.idx.add.f32.msk $0xffff, v2  }
0x12d: {  	v41 =	vor.u32 $0x11, v4;
	[tilespmem:v10+s16+$0x0] =	vst.idx.add.f32.msk $0xffff, v2  }
0x12e: {  	[tilespmem:v7+s16+$0x0] =	vst.idx.add.f32.msk $0xffff, v2  }
0x12f: {  	v42 =	vor.u32 $0x11, v3;
	[tilespmem:v8+s16+$0x0] =	vst.idx.add.f32.msk $0xffff, v2  }
0x130: {  	v10 =	vld.idx.msk [tilespmem:v39+s25+$0x0], $0xffff  }
0x131: {  	v9 =	vld.idx.msk [tilespmem:v40+s25+$0x0], $0xffff  }
0x132: {  	v7 =	vld.idx.msk [tilespmem:v41+s25+$0x0], $0xffff;
	_ =	sdelay $0x1  }
0x133: {  	v8 =	vld.idx.msk [tilespmem:v42+s25+$0x0], $0xffff;
	_ =	sdelay $0x1  }
0x134: {  	v11 =	vand.u32 $0xFFFFFF80, v10;
	v10 =	vand.u32 $0x7F, v10;
	v43 =	vand.u32 $0xFFFFFF80, v9  }
0x135: {  	v9 =	vand.u32 $0x7F, v9;
	v44 =	vand.u32 $0xFFFFFF80, v7;
	v11 =	vadd.s32 v6, v11  }
0x136: {  	v7 =	vand.u32 $0x7F, v7;
	v12 =	vadd.s32 v5, v43;
	v10 =	vor.u32 v10, v11  }
0x137: {  	v45 =	vand.u32 $0xFFFFFF80, v8;
	v9 =	vor.u32 v9, v12;
	v11 =	vadd.s32 v4, v44  }
0x138: {  	v8 =	vand.u32 $0x7F, v8;
	v46 =	vadd.s32 v3, v45;
	v7 =	vor.u32 v7, v11  }
0x139: {  	v8 =	vor.u32 v8, v46  }
0x13a: {  	v47 =	vor.u32 $0x12, v6  }
0x13b: {  	v48 =	vor.u32 $0x12, v5;
	[tilespmem:v10+s16+$0x0] =	vst.idx.add.f32.msk $0xffff, v2  }
0x13c: {  	v49 =	vor.u32 $0x12, v4;
	[tilespmem:v9+s16+$0x0] =	vst.idx.add.f32.msk $0xffff, v2  }
0x13d: {  	[tilespmem:v7+s16+$0x0] =	vst.idx.add.f32.msk $0xffff, v2  }
0x13e: {  	v50 =	vor.u32 $0x12, v3;
	[tilespmem:v8+s16+$0x0] =	vst.idx.add.f32.msk $0xffff, v2  }
0x13f: {  	v9 =	vld.idx.msk [tilespmem:v47+s25+$0x0], $0xffff  }
0x140: {  	v10 =	vld.idx.msk [tilespmem:v48+s25+$0x0], $0xffff  }
0x141: {  	v7 =	vld.idx.msk [tilespmem:v49+s25+$0x0], $0xffff;
	_ =	sdelay $0x1  }
0x142: {  	v8 =	vld.idx.msk [tilespmem:v50+s25+$0x0], $0xffff;
	_ =	sdelay $0x1  }
0x143: {  	v11 =	vand.u32 $0xFFFFFF80, v9;
	v9 =	vand.u32 $0x7F, v9;
	v51 =	vand.u32 $0xFFFFFF80, v10  }
0x144: {  	v10 =	vand.u32 $0x7F, v10;
	v52 =	vand.u32 $0xFFFFFF80, v7;
	v11 =	vadd.s32 v6, v11  }
0x145: {  	v7 =	vand.u32 $0x7F, v7;
	v12 =	vadd.s32 v5, v51;
	v9 =	vor.u32 v9, v11  }
0x146: {  	v53 =	vand.u32 $0xFFFFFF80, v8;
	v10 =	vor.u32 v10, v12;
	v11 =	vadd.s32 v4, v52  }
0x147: {  	v8 =	vand.u32 $0x7F, v8;
	v54 =	vadd.s32 v3, v53;
	v7 =	vor.u32 v7, v11  }
0x148: {  	v8 =	vor.u32 v8, v54  }
0x149: {  	v55 =	vor.u32 $0x13, v6  }
0x14a: {  	v56 =	vor.u32 $0x13, v5;
	[tilespmem:v9+s16+$0x0] =	vst.idx.add.f32.msk $0xffff, v2  }
0x14b: {  	v57 =	vor.u32 $0x13, v4;
	[tilespmem:v10+s16+$0x0] =	vst.idx.add.f32.msk $0xffff, v2  }
0x14c: {  	[tilespmem:v7+s16+$0x0] =	vst.idx.add.f32.msk $0xffff, v2  }
0x14d: {  	v58 =	vor.u32 $0x13, v3;
	[tilespmem:v8+s16+$0x0] =	vst.idx.add.f32.msk $0xffff, v2  }
0x14e: {  	v10 =	vld.idx.msk [tilespmem:v55+s25+$0x0], $0xffff  }
0x14f: {  	v9 =	vld.idx.msk [tilespmem:v56+s25+$0x0], $0xffff  }
0x150: {  	v7 =	vld.idx.msk [tilespmem:v57+s25+$0x0], $0xffff;
	_ =	sdelay $0x1  }
0x151: {  	v8 =	vld.idx.msk [tilespmem:v58+s25+$0x0], $0xffff;
	_ =	sdelay $0x1  }
0x152: {  	v11 =	vand.u32 $0xFFFFFF80, v10;
	v59 =	vand.u32 $0xFFFFFF80, v9;
	v10 =	vand.u32 $0x7F, v10  }
0x153: {  	v9 =	vand.u32 $0x7F, v9;
	v60 =	vand.u32 $0xFFFFFF80, v7;
	v6 =	vadd.s32 v6, v11  }
0x154: {  	v7 =	vand.u32 $0x7F, v7;
	v5 =	vadd.s32 v5, v59;
	v6 =	vor.u32 v10, v6  }
0x155: {  	v61 =	vand.u32 $0xFFFFFF80, v8;
	v4 =	vadd.s32 v4, v60;
	v5 =	vor.u32 v9, v5  }
0x156: {  	v62 =	vand.u32 $0x7F, v8;
	v3 =	vadd.s32 v3, v61;
	v4 =	vor.u32 v7, v4  }
0x157: {  	p1 =	por p0, p0;
	v3 =	vor.u32 v62, v3  }
.Ltmp1:
0x158: {  	_ = 	snop;
	(pc) =	sbr.rel @p1 .LBB2_4-.Ltmp1, $4  }
0x159: {  	[tilespmem:v6+s16+$0x0] =	vst.idx.add.f32.msk $0xffff, v2  }
0x15a: {  	[tilespmem:v5+s16+$0x0] =	vst.idx.add.f32.msk $0xffff, v2  }
0x15b: {  	[tilespmem:v4+s16+$0x0] =	vst.idx.add.f32.msk $0xffff, v2  }
0x15c: {  	s26 =	simm.s32 $0x40;
	p0 =	por $0x0, $0x0;
	[tilespmem:v3+s16+$0x0] =	vst.idx.add.f32.msk $0xffff, v2  }
0x15d: {  	s26 =	sshra.s32 s25, $0x2;
	s25 =	sadd.s32 $0x200, s25  }
.LBB2_6:
0x15e: {  	p0 =	sne.s32 s25, $0xFE00;
	[tilespmem:s26+$0x14070] =	vst v0  }
0x15f: {  	[tilespmem:s26+$0x14000] =	vst v0  }
0x160: {  	[tilespmem:s26+$0x14010] =	vst v0  }
.Ltmp2:
0x161: {  	[tilespmem:s26+$0x14020] =	vst v0;
	(pc) =	sbr.rel @p0 .LBB2_6-.Ltmp2, $4  }
0x162: {  	[tilespmem:s26+$0x14030] =	vst v0  }
0x163: {  	[tilespmem:s26+$0x14040] =	vst v0  }
0x164: {  	[tilespmem:s26+$0x14050] =	vst v0  }
0x165: {  	[tilespmem:s26+$0x14060] =	vst v0;
	s26 =	sshra.s32 s25, $0x2;
	s25 =	sadd.s32 $0x200, s25  }
0x166: {  	[tilespmem:s26+$0x14070] =	vst v0  }
0x167: {  	[tilespmem:s26+$0x14000] =	vst v0  }
0x168: {  	[tilespmem:s26+$0x14010] =	vst v0  }
0x169: {  	[tilespmem:s26+$0x14020] =	vst v0  }
0x16a: {  	[tilespmem:s26+$0x14030] =	vst v0  }
0x16b: {  	[tilespmem:s26+$0x14040] =	vst v0  }
0x16c: {  	[tilespmem:s26+$0x14050] =	vst v0  }
0x16d: {  	[tilespmem:s26+$0x14060] =	vst v0;
	s25 =	simm.s32 $0x0  }
0x16e: {  	[hbm4b:s7+s25] =	stream.linear.scatter [tilespmem:s16], [sflag:$0x5], $0x4000, $0x38;
	v63 =	vld [tilespmem:$0x0]  }
0x16f: {  	_ =	swait.ge [sflag:s17], $0x4000  }
0x170: {  	[sflag:s17] =	ssyncset.done $0x0  }
0x171: {  	p0 =	por $0x1, $0x1;
	s26 =	simm.s32 $0x0;
	[sflag:s17] =	ssyncadd.s32 $0xFFFFC000  }
.LBB2_8:
0x172: {  	s28 =	sor.u32 $0x80, s26  }
0x173: {  	s29 =	sor.u32 $0x90, s26;
	v3 =	vmov s28  }
0x174: {  	v4 =	vmov s29;
	v3 =	vshll.u32 v3, $0x7  }
0x175: {  	s30 =	sor.u32 $0xA0, s26;
	v4 =	vshll.u32 v4, $0x7;
	v6 =	vor.u32 v1, v3  }
0x176: {  	s31 =	sor.u32 $0xB0, s26;
	v3 =	vmov s30;
	v5 =	vor.u32 v1, v4  }
0x177: {  	v51 =	vmov s31;
	v3 =	vshll.u32 v3, $0x7  }
0x178: {  	v7 =	vshll.u32 v51, $0x7;
	v4 =	vor.u32 v1, v3  }
0x179: {  	v3 =	vor.u32 v1, v7  }
0x17a: {  	v52 =	vld.idx.msk [tilespmem:v6+s25+$0x0], $0xffff  }
0x17b: {  	v8 =	vld.idx.msk [tilespmem:v5+s25+$0x0], $0xffff;
	_ =	sdelay $0x1  }
0x17c: {  	v9 =	vld.idx.msk [tilespmem:v4+s25+$0x0], $0xffff  }
0x17d: {  	v10 =	vld.idx.msk [tilespmem:v3+s25+$0x0], $0xffff;
	_ =	sdelay $0x1  }
0x17e: {  	v11 =	vand.u32 $0xFFFFFF80, v52;
	v7 =	vand.u32 $0x7F, v52;
	v12 =	vand.u32 $0xFFFFFF80, v8  }
0x17f: {  	v8 =	vand.u32 $0x7F, v8;
	v11 =	vadd.s32 v6, v11;
	v12 =	vadd.s32 v5, v12  }
0x180: {  	v7 =	vor.u32 v7, v11;
	v8 =	vor.u32 v8, v12;
	v53 =	vand.u32 $0xFFFFFF80, v9  }
0x181: {  	v9 =	vand.u32 $0x7F, v9;
	v54 =	vand.u32 $0xFFFFFF80, v10;
	v11 =	vadd.s32 v4, v53  }
0x182: {  	v10 =	vand.u32 $0x7F, v10;
	v55 =	vadd.s32 v3, v54;
	v9 =	vor.u32 v9, v11  }
0x183: {  	v10 =	vor.u32 v10, v55  }
0x184: {  	v56 =	vor.u32 $0x1, v6  }
0x185: {  	v57 =	vor.u32 $0x1, v5;
	[tilespmem:v7+s16+$0x0] =	vst.idx.add.f32.msk $0xffff, v2  }
0x186: {  	v58 =	vor.u32 $0x1, v4;
	[tilespmem:v8+s16+$0x0] =	vst.idx.add.f32.msk $0xffff, v2  }
0x187: {  	[tilespmem:v9+s16+$0x0] =	vst.idx.add.f32.msk $0xffff, v2  }
0x188: {  	v59 =	vor.u32 $0x1, v3;
	[tilespmem:v10+s16+$0x0] =	vst.idx.add.f32.msk $0xffff, v2  }
0x189: {  	v10 =	vld.idx.msk [tilespmem:v56+s25+$0x0], $0xffff  }
0x18a: {  	v7 =	vld.idx.msk [tilespmem:v57+s25+$0x0], $0xffff  }
0x18b: {  	v8 =	vld.idx.msk [tilespmem:v58+s25+$0x0], $0xffff;
	_ =	sdelay $0x1  }
0x18c: {  	v9 =	vld.idx.msk [tilespmem:v59+s25+$0x0], $0xffff;
	_ =	sdelay $0x1  }
0x18d: {  	v11 =	vand.u32 $0xFFFFFF80, v10;
	v10 =	vand.u32 $0x7F, v10;
	v60 =	vand.u32 $0xFFFFFF80, v7  }
0x18e: {  	v7 =	vand.u32 $0x7F, v7;
	v61 =	vand.u32 $0xFFFFFF80, v8;
	v11 =	vadd.s32 v6, v11  }
0x18f: {  	v8 =	vand.u32 $0x7F, v8;
	v12 =	vadd.s32 v5, v60;
	v10 =	vor.u32 v10, v11  }
0x190: {  	v62 =	vand.u32 $0xFFFFFF80, v9;
	v7 =	vor.u32 v7, v12;
	v11 =	vadd.s32 v4, v61  }
0x191: {  	v9 =	vand.u32 $0x7F, v9;
	v15 =	vadd.s32 v3, v62;
	v8 =	vor.u32 v8, v11  }
0x192: {  	v9 =	vor.u32 v9, v15  }
0x193: {  	v16 =	vor.u32 $0x2, v6  }
0x194: {  	v17 =	vor.u32 $0x2, v5;
	[tilespmem:v10+s16+$0x0] =	vst.idx.add.f32.msk $0xffff, v2  }
0x195: {  	v18 =	vor.u32 $0x2, v4;
	[tilespmem:v7+s16+$0x0] =	vst.idx.add.f32.msk $0xffff, v2  }
0x196: {  	[tilespmem:v8+s16+$0x0] =	vst.idx.add.f32.msk $0xffff, v2  }
0x197: {  	v19 =	vor.u32 $0x2, v3;
	[tilespmem:v9+s16+$0x0] =	vst.idx.add.f32.msk $0xffff, v2  }
0x198: {  	v9 =	vld.idx.msk [tilespmem:v16+s25+$0x0], $0xffff  }
0x199: {  	v10 =	vld.idx.msk [tilespmem:v17+s25+$0x0], $0xffff  }
0x19a: {  	v7 =	vld.idx.msk [tilespmem:v18+s25+$0x0], $0xffff;
	_ =	sdelay $0x1  }
0x19b: {  	v8 =	vld.idx.msk [tilespmem:v19+s25+$0x0], $0xffff;
	_ =	sdelay $0x1  }
0x19c: {  	v11 =	vand.u32 $0xFFFFFF80, v9;
	v9 =	vand.u32 $0x7F, v9;
	v20 =	vand.u32 $0xFFFFFF80, v10  }
0x19d: {  	v10 =	vand.u32 $0x7F, v10;
	v21 =	vand.u32 $0xFFFFFF80, v7;
	v11 =	vadd.s32 v6, v11  }
0x19e: {  	v7 =	vand.u32 $0x7F, v7;
	v12 =	vadd.s32 v5, v20;
	v9 =	vor.u32 v9, v11  }
0x19f: {  	v22 =	vand.u32 $0xFFFFFF80, v8;
	v10 =	vor.u32 v10, v12;
	v11 =	vadd.s32 v4, v21  }
0x1a0: {  	v8 =	vand.u32 $0x7F, v8;
	v23 =	vadd.s32 v3, v22;
	v7 =	vor.u32 v7, v11  }
0x1a1: {  	v8 =	vor.u32 v8, v23  }
0x1a2: {  	v24 =	vor.u32 $0x3, v6  }
0x1a3: {  	v25 =	vor.u32 $0x3, v5;
	[tilespmem:v9+s16+$0x0] =	vst.idx.add.f32.msk $0xffff, v2  }
0x1a4: {  	v26 =	vor.u32 $0x3, v4;
	[tilespmem:v10+s16+$0x0] =	vst.idx.add.f32.msk $0xffff, v2  }
0x1a5: {  	[tilespmem:v7+s16+$0x0] =	vst.idx.add.f32.msk $0xffff, v2  }
0x1a6: {  	v27 =	vor.u32 $0x3, v3;
	[tilespmem:v8+s16+$0x0] =	vst.idx.add.f32.msk $0xffff, v2  }
0x1a7: {  	v10 =	vld.idx.msk [tilespmem:v24+s25+$0x0], $0xffff  }
0x1a8: {  	v9 =	vld.idx.msk [tilespmem:v25+s25+$0x0], $0xffff  }
0x1a9: {  	v7 =	vld.idx.msk [tilespmem:v26+s25+$0x0], $0xffff;
	_ =	sdelay $0x1  }
0x1aa: {  	v8 =	vld.idx.msk [tilespmem:v27+s25+$0x0], $0xffff;
	_ =	sdelay $0x1  }
0x1ab: {  	v11 =	vand.u32 $0xFFFFFF80, v10;
	v10 =	vand.u32 $0x7F, v10;
	v28 =	vand.u32 $0xFFFFFF80, v9  }
0x1ac: {  	v9 =	vand.u32 $0x7F, v9;
	v29 =	vand.u32 $0xFFFFFF80, v7;
	v11 =	vadd.s32 v6, v11  }
0x1ad: {  	v7 =	vand.u32 $0x7F, v7;
	v12 =	vadd.s32 v5, v28;
	v10 =	vor.u32 v10, v11  }
0x1ae: {  	v30 =	vand.u32 $0xFFFFFF80, v8;
	v9 =	vor.u32 v9, v12;
	v11 =	vadd.s32 v4, v29  }
0x1af: {  	v8 =	vand.u32 $0x7F, v8;
	v31 =	vadd.s32 v3, v30;
	v7 =	vor.u32 v7, v11  }
0x1b0: {  	v8 =	vor.u32 v8, v31  }
0x1b1: {  	v32 =	vor.u32 $0x4, v6  }
0x1b2: {  	v33 =	vor.u32 $0x4, v5;
	[tilespmem:v10+s16+$0x0] =	vst.idx.add.f32.msk $0xffff, v2  }
0x1b3: {  	v34 =	vor.u32 $0x4, v4;
	[tilespmem:v9+s16+$0x0] =	vst.idx.add.f32.msk $0xffff, v2  }
0x1b4: {  	[tilespmem:v7+s16+$0x0] =	vst.idx.add.f32.msk $0xffff, v2  }
0x1b5: {  	v35 =	vor.u32 $0x4, v3;
	[tilespmem:v8+s16+$0x0] =	vst.idx.add.f32.msk $0xffff, v2  }
0x1b6: {  	v9 =	vld.idx.msk [tilespmem:v32+s25+$0x0], $0xffff  }
0x1b7: {  	v10 =	vld.idx.msk [tilespmem:v33+s25+$0x0], $0xffff  }
0x1b8: {  	v7 =	vld.idx.msk [tilespmem:v34+s25+$0x0], $0xffff;
	_ =	sdelay $0x1  }
0x1b9: {  	v8 =	vld.idx.msk [tilespmem:v35+s25+$0x0], $0xffff;
	_ =	sdelay $0x1  }
0x1ba: {  	v11 =	vand.u32 $0xFFFFFF80, v9;
	v9 =	vand.u32 $0x7F, v9;
	v36 =	vand.u32 $0xFFFFFF80, v10  }
0x1bb: {  	v10 =	vand.u32 $0x7F, v10;
	v37 =	vand.u32 $0xFFFFFF80, v7;
	v11 =	vadd.s32 v6, v11  }
0x1bc: {  	v7 =	vand.u32 $0x7F, v7;
	v12 =	vadd.s32 v5, v36;
	v9 =	vor.u32 v9, v11  }
0x1bd: {  	v38 =	vand.u32 $0xFFFFFF80, v8;
	v10 =	vor.u32 v10, v12;
	v11 =	vadd.s32 v4, v37  }
0x1be: {  	v8 =	vand.u32 $0x7F, v8;
	v39 =	vadd.s32 v3, v38;
	v7 =	vor.u32 v7, v11  }
0x1bf: {  	v8 =	vor.u32 v8, v39  }
0x1c0: {  	v40 =	vor.u32 $0x5, v6  }
0x1c1: {  	v41 =	vor.u32 $0x5, v5;
	[tilespmem:v9+s16+$0x0] =	vst.idx.add.f32.msk $0xffff, v2  }
0x1c2: {  	v42 =	vor.u32 $0x5, v4;
	[tilespmem:v10+s16+$0x0] =	vst.idx.add.f32.msk $0xffff, v2  }
0x1c3: {  	[tilespmem:v7+s16+$0x0] =	vst.idx.add.f32.msk $0xffff, v2  }
0x1c4: {  	v43 =	vor.u32 $0x5, v3;
	[tilespmem:v8+s16+$0x0] =	vst.idx.add.f32.msk $0xffff, v2  }
0x1c5: {  	v10 =	vld.idx.msk [tilespmem:v40+s25+$0x0], $0xffff  }
0x1c6: {  	v9 =	vld.idx.msk [tilespmem:v41+s25+$0x0], $0xffff  }
0x1c7: {  	v7 =	vld.idx.msk [tilespmem:v42+s25+$0x0], $0xffff;
	_ =	sdelay $0x1  }
0x1c8: {  	v8 =	vld.idx.msk [tilespmem:v43+s25+$0x0], $0xffff;
	_ =	sdelay $0x1  }
0x1c9: {  	v11 =	vand.u32 $0xFFFFFF80, v10;
	v10 =	vand.u32 $0x7F, v10;
	v44 =	vand.u32 $0xFFFFFF80, v9  }
0x1ca: {  	v9 =	vand.u32 $0x7F, v9;
	v45 =	vand.u32 $0xFFFFFF80, v7;
	v11 =	vadd.s32 v6, v11  }
0x1cb: {  	v7 =	vand.u32 $0x7F, v7;
	v12 =	vadd.s32 v5, v44;
	v10 =	vor.u32 v10, v11  }
0x1cc: {  	v46 =	vand.u32 $0xFFFFFF80, v8;
	v9 =	vor.u32 v9, v12;
	v11 =	vadd.s32 v4, v45  }
0x1cd: {  	v8 =	vand.u32 $0x7F, v8;
	v47 =	vadd.s32 v3, v46;
	v7 =	vor.u32 v7, v11  }
0x1ce: {  	v8 =	vor.u32 v8, v47  }
0x1cf: {  	v48 =	vor.u32 $0x6, v6  }
0x1d0: {  	v49 =	vor.u32 $0x6, v5;
	[tilespmem:v10+s16+$0x0] =	vst.idx.add.f32.msk $0xffff, v2  }
0x1d1: {  	v50 =	vor.u32 $0x6, v4;
	[tilespmem:v9+s16+$0x0] =	vst.idx.add.f32.msk $0xffff, v2  }
0x1d2: {  	[tilespmem:v7+s16+$0x0] =	vst.idx.add.f32.msk $0xffff, v2  }
0x1d3: {  	v51 =	vor.u32 $0x6, v3;
	[tilespmem:v8+s16+$0x0] =	vst.idx.add.f32.msk $0xffff, v2  }
0x1d4: {  	v9 =	vld.idx.msk [tilespmem:v48+s25+$0x0], $0xffff  }
0x1d5: {  	v10 =	vld.idx.msk [tilespmem:v49+s25+$0x0], $0xffff  }
0x1d6: {  	v7 =	vld.idx.msk [tilespmem:v50+s25+$0x0], $0xffff;
	_ =	sdelay $0x1  }
0x1d7: {  	v8 =	vld.idx.msk [tilespmem:v51+s25+$0x0], $0xffff;
	_ =	sdelay $0x1  }
0x1d8: {  	v11 =	vand.u32 $0xFFFFFF80, v9;
	v9 =	vand.u32 $0x7F, v9;
	v52 =	vand.u32 $0xFFFFFF80, v10  }
0x1d9: {  	v10 =	vand.u32 $0x7F, v10;
	v53 =	vand.u32 $0xFFFFFF80, v7;
	v11 =	vadd.s32 v6, v11  }
0x1da: {  	v7 =	vand.u32 $0x7F, v7;
	v12 =	vadd.s32 v5, v52;
	v9 =	vor.u32 v9, v11  }
0x1db: {  	v54 =	vand.u32 $0xFFFFFF80, v8;
	v10 =	vor.u32 v10, v12;
	v11 =	vadd.s32 v4, v53  }
0x1dc: {  	v8 =	vand.u32 $0x7F, v8;
	v55 =	vadd.s32 v3, v54;
	v7 =	vor.u32 v7, v11  }
0x1dd: {  	v8 =	vor.u32 v8, v55  }
0x1de: {  	v56 =	vor.u32 $0x7, v6  }
0x1df: {  	v57 =	vor.u32 $0x7, v5;
	[tilespmem:v9+s16+$0x0] =	vst.idx.add.f32.msk $0xffff, v2  }
0x1e0: {  	v58 =	vor.u32 $0x7, v4;
	[tilespmem:v10+s16+$0x0] =	vst.idx.add.f32.msk $0xffff, v2  }
0x1e1: {  	[tilespmem:v7+s16+$0x0] =	vst.idx.add.f32.msk $0xffff, v2  }
0x1e2: {  	v59 =	vor.u32 $0x7, v3;
	[tilespmem:v8+s16+$0x0] =	vst.idx.add.f32.msk $0xffff, v2  }
0x1e3: {  	v10 =	vld.idx.msk [tilespmem:v56+s25+$0x0], $0xffff  }
0x1e4: {  	v9 =	vld.idx.msk [tilespmem:v57+s25+$0x0], $0xffff  }
0x1e5: {  	v7 =	vld.idx.msk [tilespmem:v58+s25+$0x0], $0xffff;
	_ =	sdelay $0x1  }
0x1e6: {  	v8 =	vld.idx.msk [tilespmem:v59+s25+$0x0], $0xffff;
	_ =	sdelay $0x1  }
0x1e7: {  	v11 =	vand.u32 $0xFFFFFF80, v10;
	v10 =	vand.u32 $0x7F, v10;
	v60 =	vand.u32 $0xFFFFFF80, v9  }
0x1e8: {  	v9 =	vand.u32 $0x7F, v9;
	v61 =	vand.u32 $0xFFFFFF80, v7;
	v11 =	vadd.s32 v6, v11  }
0x1e9: {  	v7 =	vand.u32 $0x7F, v7;
	v12 =	vadd.s32 v5, v60;
	v10 =	vor.u32 v10, v11  }
0x1ea: {  	v62 =	vand.u32 $0xFFFFFF80, v8;
	v9 =	vor.u32 v9, v12;
	v11 =	vadd.s32 v4, v61  }
0x1eb: {  	v8 =	vand.u32 $0x7F, v8;
	v15 =	vadd.s32 v3, v62;
	v7 =	vor.u32 v7, v11  }
0x1ec: {  	v8 =	vor.u32 v8, v15  }
0x1ed: {  	v16 =	vor.u32 $0x8, v6  }
0x1ee: {  	v17 =	vor.u32 $0x8, v5;
	[tilespmem:v10+s16+$0x0] =	vst.idx.add.f32.msk $0xffff, v2  }
0x1ef: {  	v18 =	vor.u32 $0x8, v4;
	[tilespmem:v9+s16+$0x0] =	vst.idx.add.f32.msk $0xffff, v2  }
0x1f0: {  	[tilespmem:v7+s16+$0x0] =	vst.idx.add.f32.msk $0xffff, v2  }
0x1f1: {  	v19 =	vor.u32 $0x8, v3;
	[tilespmem:v8+s16+$0x0] =	vst.idx.add.f32.msk $0xffff, v2  }
0x1f2: {  	v9 =	vld.idx.msk [tilespmem:v16+s25+$0x0], $0xffff  }
0x1f3: {  	v10 =	vld.idx.msk [tilespmem:v17+s25+$0x0], $0xffff  }
0x1f4: {  	v7 =	vld.idx.msk [tilespmem:v18+s25+$0x0], $0xffff;
	_ =	sdelay $0x1  }
0x1f5: {  	v8 =	vld.idx.msk [tilespmem:v19+s25+$0x0], $0xffff;
	_ =	sdelay $0x1  }
0x1f6: {  	v11 =	vand.u32 $0xFFFFFF80, v9;
	v9 =	vand.u32 $0x7F, v9;
	v20 =	vand.u32 $0xFFFFFF80, v10  }
0x1f7: {  	v10 =	vand.u32 $0x7F, v10;
	v21 =	vand.u32 $0xFFFFFF80, v7;
	v11 =	vadd.s32 v6, v11  }
0x1f8: {  	v7 =	vand.u32 $0x7F, v7;
	v12 =	vadd.s32 v5, v20;
	v9 =	vor.u32 v9, v11  }
0x1f9: {  	v22 =	vand.u32 $0xFFFFFF80, v8;
	v10 =	vor.u32 v10, v12;
	v11 =	vadd.s32 v4, v21  }
0x1fa: {  	v8 =	vand.u32 $0x7F, v8;
	v23 =	vadd.s32 v3, v22;
	v7 =	vor.u32 v7, v11  }
0x1fb: {  	v8 =	vor.u32 v8, v23  }
0x1fc: {  	v24 =	vor.u32 $0x9, v6  }
0x1fd: {  	v25 =	vor.u32 $0x9, v5;
	[tilespmem:v9+s16+$0x0] =	vst.idx.add.f32.msk $0xffff, v2  }
0x1fe: {  	v26 =	vor.u32 $0x9, v4;
	[tilespmem:v10+s16+$0x0] =	vst.idx.add.f32.msk $0xffff, v2  }
0x1ff: {  	[tilespmem:v7+s16+$0x0] =	vst.idx.add.f32.msk $0xffff, v2  }
0x200: {  	v27 =	vor.u32 $0x9, v3;
	[tilespmem:v8+s16+$0x0] =	vst.idx.add.f32.msk $0xffff, v2  }
0x201: {  	v10 =	vld.idx.msk [tilespmem:v24+s25+$0x0], $0xffff  }
0x202: {  	v9 =	vld.idx.msk [tilespmem:v25+s25+$0x0], $0xffff  }
0x203: {  	v7 =	vld.idx.msk [tilespmem:v26+s25+$0x0], $0xffff;
	_ =	sdelay $0x1  }
0x204: {  	v8 =	vld.idx.msk [tilespmem:v27+s25+$0x0], $0xffff;
	_ =	sdelay $0x1  }
0x205: {  	v11 =	vand.u32 $0xFFFFFF80, v10;
	v10 =	vand.u32 $0x7F, v10;
	v28 =	vand.u32 $0xFFFFFF80, v9  }
0x206: {  	v9 =	vand.u32 $0x7F, v9;
	v29 =	vand.u32 $0xFFFFFF80, v7;
	v11 =	vadd.s32 v6, v11  }
0x207: {  	v7 =	vand.u32 $0x7F, v7;
	v12 =	vadd.s32 v5, v28;
	v10 =	vor.u32 v10, v11  }
0x208: {  	v30 =	vand.u32 $0xFFFFFF80, v8;
	v9 =	vor.u32 v9, v12;
	v11 =	vadd.s32 v4, v29  }
0x209: {  	v8 =	vand.u32 $0x7F, v8;
	v31 =	vadd.s32 v3, v30;
	v7 =	vor.u32 v7, v11  }
0x20a: {  	v8 =	vor.u32 v8, v31  }
0x20b: {  	v32 =	vor.u32 $0xA, v6  }
0x20c: {  	v33 =	vor.u32 $0xA, v5;
	[tilespmem:v10+s16+$0x0] =	vst.idx.add.f32.msk $0xffff, v2  }
0x20d: {  	v34 =	vor.u32 $0xA, v4;
	[tilespmem:v9+s16+$0x0] =	vst.idx.add.f32.msk $0xffff, v2  }
0x20e: {  	[tilespmem:v7+s16+$0x0] =	vst.idx.add.f32.msk $0xffff, v2  }
0x20f: {  	v35 =	vor.u32 $0xA, v3;
	[tilespmem:v8+s16+$0x0] =	vst.idx.add.f32.msk $0xffff, v2  }
0x210: {  	v9 =	vld.idx.msk [tilespmem:v32+s25+$0x0], $0xffff  }
0x211: {  	v10 =	vld.idx.msk [tilespmem:v33+s25+$0x0], $0xffff  }
0x212: {  	v7 =	vld.idx.msk [tilespmem:v34+s25+$0x0], $0xffff;
	_ =	sdelay $0x1  }
0x213: {  	v8 =	vld.idx.msk [tilespmem:v35+s25+$0x0], $0xffff;
	_ =	sdelay $0x1  }
0x214: {  	v11 =	vand.u32 $0xFFFFFF80, v9;
	v9 =	vand.u32 $0x7F, v9;
	v36 =	vand.u32 $0xFFFFFF80, v10  }
0x215: {  	v10 =	vand.u32 $0x7F, v10;
	v37 =	vand.u32 $0xFFFFFF80, v7;
	v11 =	vadd.s32 v6, v11  }
0x216: {  	v7 =	vand.u32 $0x7F, v7;
	v12 =	vadd.s32 v5, v36;
	v9 =	vor.u32 v9, v11  }
0x217: {  	v38 =	vand.u32 $0xFFFFFF80, v8;
	v10 =	vor.u32 v10, v12;
	v11 =	vadd.s32 v4, v37  }
0x218: {  	v8 =	vand.u32 $0x7F, v8;
	v39 =	vadd.s32 v3, v38;
	v7 =	vor.u32 v7, v11  }
0x219: {  	v8 =	vor.u32 v8, v39  }
0x21a: {  	v40 =	vor.u32 $0xB, v6  }
0x21b: {  	v41 =	vor.u32 $0xB, v5;
	[tilespmem:v9+s16+$0x0] =	vst.idx.add.f32.msk $0xffff, v2  }
0x21c: {  	v42 =	vor.u32 $0xB, v4;
	[tilespmem:v10+s16+$0x0] =	vst.idx.add.f32.msk $0xffff, v2  }
0x21d: {  	[tilespmem:v7+s16+$0x0] =	vst.idx.add.f32.msk $0xffff, v2  }
0x21e: {  	v43 =	vor.u32 $0xB, v3;
	[tilespmem:v8+s16+$0x0] =	vst.idx.add.f32.msk $0xffff, v2  }
0x21f: {  	v10 =	vld.idx.msk [tilespmem:v40+s25+$0x0], $0xffff  }
0x220: {  	v9 =	vld.idx.msk [tilespmem:v41+s25+$0x0], $0xffff  }
0x221: {  	v7 =	vld.idx.msk [tilespmem:v42+s25+$0x0], $0xffff;
	_ =	sdelay $0x1  }
0x222: {  	v8 =	vld.idx.msk [tilespmem:v43+s25+$0x0], $0xffff;
	_ =	sdelay $0x1  }
0x223: {  	v11 =	vand.u32 $0xFFFFFF80, v10;
	v10 =	vand.u32 $0x7F, v10;
	v44 =	vand.u32 $0xFFFFFF80, v9  }
0x224: {  	v9 =	vand.u32 $0x7F, v9;
	v45 =	vand.u32 $0xFFFFFF80, v7;
	v11 =	vadd.s32 v6, v11  }
0x225: {  	v7 =	vand.u32 $0x7F, v7;
	v12 =	vadd.s32 v5, v44;
	v10 =	vor.u32 v10, v11  }
0x226: {  	v46 =	vand.u32 $0xFFFFFF80, v8;
	v9 =	vor.u32 v9, v12;
	v11 =	vadd.s32 v4, v45  }
0x227: {  	v8 =	vand.u32 $0x7F, v8;
	v47 =	vadd.s32 v3, v46;
	v7 =	vor.u32 v7, v11  }
0x228: {  	v8 =	vor.u32 v8, v47  }
0x229: {  	v48 =	vor.u32 $0xC, v6  }
0x22a: {  	v49 =	vor.u32 $0xC, v5;
	[tilespmem:v10+s16+$0x0] =	vst.idx.add.f32.msk $0xffff, v2  }
0x22b: {  	v50 =	vor.u32 $0xC, v4;
	[tilespmem:v9+s16+$0x0] =	vst.idx.add.f32.msk $0xffff, v2  }
0x22c: {  	[tilespmem:v7+s16+$0x0] =	vst.idx.add.f32.msk $0xffff, v2  }
0x22d: {  	v51 =	vor.u32 $0xC, v3;
	[tilespmem:v8+s16+$0x0] =	vst.idx.add.f32.msk $0xffff, v2  }
0x22e: {  	v9 =	vld.idx.msk [tilespmem:v48+s25+$0x0], $0xffff  }
0x22f: {  	v10 =	vld.idx.msk [tilespmem:v49+s25+$0x0], $0xffff  }
0x230: {  	v7 =	vld.idx.msk [tilespmem:v50+s25+$0x0], $0xffff;
	_ =	sdelay $0x1  }
0x231: {  	v8 =	vld.idx.msk [tilespmem:v51+s25+$0x0], $0xffff;
	_ =	sdelay $0x1  }
0x232: {  	v11 =	vand.u32 $0xFFFFFF80, v9;
	v9 =	vand.u32 $0x7F, v9;
	v52 =	vand.u32 $0xFFFFFF80, v10  }
0x233: {  	v10 =	vand.u32 $0x7F, v10;
	v53 =	vand.u32 $0xFFFFFF80, v7;
	v11 =	vadd.s32 v6, v11  }
0x234: {  	v7 =	vand.u32 $0x7F, v7;
	v12 =	vadd.s32 v5, v52;
	v9 =	vor.u32 v9, v11  }
0x235: {  	v54 =	vand.u32 $0xFFFFFF80, v8;
	v10 =	vor.u32 v10, v12;
	v11 =	vadd.s32 v4, v53  }
0x236: {  	v8 =	vand.u32 $0x7F, v8;
	v55 =	vadd.s32 v3, v54;
	v7 =	vor.u32 v7, v11  }
0x237: {  	v8 =	vor.u32 v8, v55  }
0x238: {  	v56 =	vor.u32 $0xD, v6  }
0x239: {  	v57 =	vor.u32 $0xD, v5;
	[tilespmem:v9+s16+$0x0] =	vst.idx.add.f32.msk $0xffff, v2  }
0x23a: {  	v58 =	vor.u32 $0xD, v4;
	[tilespmem:v10+s16+$0x0] =	vst.idx.add.f32.msk $0xffff, v2  }
0x23b: {  	[tilespmem:v7+s16+$0x0] =	vst.idx.add.f32.msk $0xffff, v2  }
0x23c: {  	v59 =	vor.u32 $0xD, v3;
	[tilespmem:v8+s16+$0x0] =	vst.idx.add.f32.msk $0xffff, v2  }
0x23d: {  	v10 =	vld.idx.msk [tilespmem:v56+s25+$0x0], $0xffff  }
0x23e: {  	v9 =	vld.idx.msk [tilespmem:v57+s25+$0x0], $0xffff  }
0x23f: {  	v7 =	vld.idx.msk [tilespmem:v58+s25+$0x0], $0xffff;
	_ =	sdelay $0x1  }
0x240: {  	v8 =	vld.idx.msk [tilespmem:v59+s25+$0x0], $0xffff;
	_ =	sdelay $0x1  }
0x241: {  	v11 =	vand.u32 $0xFFFFFF80, v10;
	v10 =	vand.u32 $0x7F, v10;
	v60 =	vand.u32 $0xFFFFFF80, v9  }
0x242: {  	v9 =	vand.u32 $0x7F, v9;
	v61 =	vand.u32 $0xFFFFFF80, v7;
	v11 =	vadd.s32 v6, v11  }
0x243: {  	v7 =	vand.u32 $0x7F, v7;
	v12 =	vadd.s32 v5, v60;
	v10 =	vor.u32 v10, v11  }
0x244: {  	v62 =	vand.u32 $0xFFFFFF80, v8;
	v9 =	vor.u32 v9, v12;
	v11 =	vadd.s32 v4, v61  }
0x245: {  	v8 =	vand.u32 $0x7F, v8;
	v14 =	vadd.s32 v3, v62;
	v7 =	vor.u32 v7, v11  }
0x246: {  	v8 =	vor.u32 v8, v14  }
0x247: {  	v15 =	vor.u32 $0xE, v6  }
0x248: {  	v16 =	vor.u32 $0xE, v5;
	[tilespmem:v10+s16+$0x0] =	vst.idx.add.f32.msk $0xffff, v2  }
0x249: {  	v17 =	vor.u32 $0xE, v4;
	[tilespmem:v9+s16+$0x0] =	vst.idx.add.f32.msk $0xffff, v2  }
0x24a: {  	[tilespmem:v7+s16+$0x0] =	vst.idx.add.f32.msk $0xffff, v2  }
0x24b: {  	v18 =	vor.u32 $0xE, v3;
	[tilespmem:v8+s16+$0x0] =	vst.idx.add.f32.msk $0xffff, v2  }
0x24c: {  	v9 =	vld.idx.msk [tilespmem:v15+s25+$0x0], $0xffff  }
0x24d: {  	v10 =	vld.idx.msk [tilespmem:v16+s25+$0x0], $0xffff  }
0x24e: {  	v7 =	vld.idx.msk [tilespmem:v17+s25+$0x0], $0xffff;
	_ =	sdelay $0x1  }
0x24f: {  	v8 =	vld.idx.msk [tilespmem:v18+s25+$0x0], $0xffff;
	_ =	sdelay $0x1  }
0x250: {  	v11 =	vand.u32 $0xFFFFFF80, v9;
	v9 =	vand.u32 $0x7F, v9;
	v19 =	vand.u32 $0xFFFFFF80, v10  }
0x251: {  	v10 =	vand.u32 $0x7F, v10;
	v20 =	vand.u32 $0xFFFFFF80, v7;
	v11 =	vadd.s32 v6, v11  }
0x252: {  	v7 =	vand.u32 $0x7F, v7;
	v12 =	vadd.s32 v5, v19;
	v9 =	vor.u32 v9, v11  }
0x253: {  	v21 =	vand.u32 $0xFFFFFF80, v8;
	v10 =	vor.u32 v10, v12;
	v11 =	vadd.s32 v4, v20  }
0x254: {  	v8 =	vand.u32 $0x7F, v8;
	v22 =	vadd.s32 v3, v21;
	v7 =	vor.u32 v7, v11  }
0x255: {  	v8 =	vor.u32 v8, v22  }
0x256: {  	v23 =	vor.u32 $0xF, v6  }
0x257: {  	v24 =	vor.u32 $0xF, v5;
	[tilespmem:v9+s16+$0x0] =	vst.idx.add.f32.msk $0xffff, v2  }
0x258: {  	v25 =	vor.u32 $0xF, v4;
	[tilespmem:v10+s16+$0x0] =	vst.idx.add.f32.msk $0xffff, v2  }
0x259: {  	[tilespmem:v7+s16+$0x0] =	vst.idx.add.f32.msk $0xffff, v2  }
0x25a: {  	v26 =	vor.u32 $0xF, v3;
	[tilespmem:v8+s16+$0x0] =	vst.idx.add.f32.msk $0xffff, v2  }
0x25b: {  	v10 =	vld.idx.msk [tilespmem:v23+s25+$0x0], $0xffff  }
0x25c: {  	v9 =	vld.idx.msk [tilespmem:v24+s25+$0x0], $0xffff  }
0x25d: {  	v7 =	vld.idx.msk [tilespmem:v25+s25+$0x0], $0xffff;
	_ =	sdelay $0x1  }
0x25e: {  	v8 =	vld.idx.msk [tilespmem:v26+s25+$0x0], $0xffff;
	_ =	sdelay $0x1  }
0x25f: {  	v11 =	vand.u32 $0xFFFFFF80, v10;
	v10 =	vand.u32 $0x7F, v10;
	v27 =	vand.u32 $0xFFFFFF80, v9  }
0x260: {  	v9 =	vand.u32 $0x7F, v9;
	v28 =	vand.u32 $0xFFFFFF80, v7;
	v11 =	vadd.s32 v6, v11  }
0x261: {  	v7 =	vand.u32 $0x7F, v7;
	v12 =	vadd.s32 v5, v27;
	v10 =	vor.u32 v10, v11  }
0x262: {  	v29 =	vand.u32 $0xFFFFFF80, v8;
	v9 =	vor.u32 v9, v12;
	v11 =	vadd.s32 v4, v28  }
0x263: {  	v8 =	vand.u32 $0x7F, v8;
	v30 =	vadd.s32 v3, v29;
	v7 =	vor.u32 v7, v11  }
0x264: {  	v8 =	vor.u32 v8, v30  }
0x265: {  	v31 =	vor.u32 $0x10, v6  }
0x266: {  	v32 =	vor.u32 $0x10, v5;
	[tilespmem:v10+s16+$0x0] =	vst.idx.add.f32.msk $0xffff, v2  }
0x267: {  	v33 =	vor.u32 $0x10, v4;
	[tilespmem:v9+s16+$0x0] =	vst.idx.add.f32.msk $0xffff, v2  }
0x268: {  	[tilespmem:v7+s16+$0x0] =	vst.idx.add.f32.msk $0xffff, v2  }
0x269: {  	v34 =	vor.u32 $0x10, v3;
	[tilespmem:v8+s16+$0x0] =	vst.idx.add.f32.msk $0xffff, v2  }
0x26a: {  	v9 =	vld.idx.msk [tilespmem:v31+s25+$0x0], $0xffff  }
0x26b: {  	v10 =	vld.idx.msk [tilespmem:v32+s25+$0x0], $0xffff  }
0x26c: {  	v7 =	vld.idx.msk [tilespmem:v33+s25+$0x0], $0xffff;
	_ =	sdelay $0x1  }
0x26d: {  	v8 =	vld.idx.msk [tilespmem:v34+s25+$0x0], $0xffff;
	_ =	sdelay $0x1  }
0x26e: {  	v11 =	vand.u32 $0xFFFFFF80, v9;
	v9 =	vand.u32 $0x7F, v9;
	v35 =	vand.u32 $0xFFFFFF80, v10  }
0x26f: {  	v10 =	vand.u32 $0x7F, v10;
	v36 =	vand.u32 $0xFFFFFF80, v7;
	v11 =	vadd.s32 v6, v11  }
0x270: {  	v7 =	vand.u32 $0x7F, v7;
	v12 =	vadd.s32 v5, v35;
	v9 =	vor.u32 v9, v11  }
0x271: {  	v37 =	vand.u32 $0xFFFFFF80, v8;
	v10 =	vor.u32 v10, v12;
	v11 =	vadd.s32 v4, v36  }
0x272: {  	v8 =	vand.u32 $0x7F, v8;
	v38 =	vadd.s32 v3, v37;
	v7 =	vor.u32 v7, v11  }
0x273: {  	v8 =	vor.u32 v8, v38  }
0x274: {  	v39 =	vor.u32 $0x11, v6  }
0x275: {  	v40 =	vor.u32 $0x11, v5;
	[tilespmem:v9+s16+$0x0] =	vst.idx.add.f32.msk $0xffff, v2  }
0x276: {  	v41 =	vor.u32 $0x11, v4;
	[tilespmem:v10+s16+$0x0] =	vst.idx.add.f32.msk $0xffff, v2  }
0x277: {  	[tilespmem:v7+s16+$0x0] =	vst.idx.add.f32.msk $0xffff, v2  }
0x278: {  	v42 =	vor.u32 $0x11, v3;
	[tilespmem:v8+s16+$0x0] =	vst.idx.add.f32.msk $0xffff, v2  }
0x279: {  	v10 =	vld.idx.msk [tilespmem:v39+s25+$0x0], $0xffff  }
0x27a: {  	v9 =	vld.idx.msk [tilespmem:v40+s25+$0x0], $0xffff  }
0x27b: {  	v7 =	vld.idx.msk [tilespmem:v41+s25+$0x0], $0xffff;
	_ =	sdelay $0x1  }
0x27c: {  	v8 =	vld.idx.msk [tilespmem:v42+s25+$0x0], $0xffff;
	_ =	sdelay $0x1  }
0x27d: {  	v11 =	vand.u32 $0xFFFFFF80, v10;
	v10 =	vand.u32 $0x7F, v10;
	v43 =	vand.u32 $0xFFFFFF80, v9  }
0x27e: {  	v9 =	vand.u32 $0x7F, v9;
	v44 =	vand.u32 $0xFFFFFF80, v7;
	v11 =	vadd.s32 v6, v11  }
0x27f: {  	v7 =	vand.u32 $0x7F, v7;
	v12 =	vadd.s32 v5, v43;
	v10 =	vor.u32 v10, v11  }
0x280: {  	v45 =	vand.u32 $0xFFFFFF80, v8;
	v9 =	vor.u32 v9, v12;
	v11 =	vadd.s32 v4, v44  }
0x281: {  	v8 =	vand.u32 $0x7F, v8;
	v46 =	vadd.s32 v3, v45;
	v7 =	vor.u32 v7, v11  }
0x282: {  	v8 =	vor.u32 v8, v46  }
0x283: {  	v47 =	vor.u32 $0x12, v6  }
0x284: {  	v48 =	vor.u32 $0x12, v5;
	[tilespmem:v10+s16+$0x0] =	vst.idx.add.f32.msk $0xffff, v2  }
0x285: {  	v49 =	vor.u32 $0x12, v4;
	[tilespmem:v9+s16+$0x0] =	vst.idx.add.f32.msk $0xffff, v2  }
0x286: {  	[tilespmem:v7+s16+$0x0] =	vst.idx.add.f32.msk $0xffff, v2  }
0x287: {  	v50 =	vor.u32 $0x12, v3;
	[tilespmem:v8+s16+$0x0] =	vst.idx.add.f32.msk $0xffff, v2  }
0x288: {  	v9 =	vld.idx.msk [tilespmem:v47+s25+$0x0], $0xffff  }
0x289: {  	v10 =	vld.idx.msk [tilespmem:v48+s25+$0x0], $0xffff  }
0x28a: {  	v7 =	vld.idx.msk [tilespmem:v49+s25+$0x0], $0xffff;
	_ =	sdelay $0x1  }
0x28b: {  	v8 =	vld.idx.msk [tilespmem:v50+s25+$0x0], $0xffff;
	_ =	sdelay $0x1  }
0x28c: {  	v11 =	vand.u32 $0xFFFFFF80, v9;
	v9 =	vand.u32 $0x7F, v9;
	v51 =	vand.u32 $0xFFFFFF80, v10  }
0x28d: {  	v10 =	vand.u32 $0x7F, v10;
	v52 =	vand.u32 $0xFFFFFF80, v7;
	v11 =	vadd.s32 v6, v11  }
0x28e: {  	v7 =	vand.u32 $0x7F, v7;
	v12 =	vadd.s32 v5, v51;
	v9 =	vor.u32 v9, v11  }
0x28f: {  	v53 =	vand.u32 $0xFFFFFF80, v8;
	v10 =	vor.u32 v10, v12;
	v11 =	vadd.s32 v4, v52  }
0x290: {  	v8 =	vand.u32 $0x7F, v8;
	v54 =	vadd.s32 v3, v53;
	v7 =	vor.u32 v7, v11  }
0x291: {  	v8 =	vor.u32 v8, v54  }
0x292: {  	v55 =	vor.u32 $0x13, v6  }
0x293: {  	v56 =	vor.u32 $0x13, v5;
	[tilespmem:v9+s16+$0x0] =	vst.idx.add.f32.msk $0xffff, v2  }
0x294: {  	v57 =	vor.u32 $0x13, v4;
	[tilespmem:v10+s16+$0x0] =	vst.idx.add.f32.msk $0xffff, v2  }
0x295: {  	[tilespmem:v7+s16+$0x0] =	vst.idx.add.f32.msk $0xffff, v2  }
0x296: {  	v58 =	vor.u32 $0x13, v3;
	[tilespmem:v8+s16+$0x0] =	vst.idx.add.f32.msk $0xffff, v2  }
0x297: {  	v10 =	vld.idx.msk [tilespmem:v55+s25+$0x0], $0xffff  }
0x298: {  	v9 =	vld.idx.msk [tilespmem:v56+s25+$0x0], $0xffff  }
0x299: {  	v7 =	vld.idx.msk [tilespmem:v57+s25+$0x0], $0xffff;
	_ =	sdelay $0x1  }
0x29a: {  	v8 =	vld.idx.msk [tilespmem:v58+s25+$0x0], $0xffff;
	_ =	sdelay $0x1  }
0x29b: {  	v11 =	vand.u32 $0xFFFFFF80, v10;
	v59 =	vand.u32 $0xFFFFFF80, v9;
	v10 =	vand.u32 $0x7F, v10  }
0x29c: {  	v9 =	vand.u32 $0x7F, v9;
	v60 =	vand.u32 $0xFFFFFF80, v7;
	v6 =	vadd.s32 v6, v11  }
0x29d: {  	v7 =	vand.u32 $0x7F, v7;
	v5 =	vadd.s32 v5, v59;
	v6 =	vor.u32 v10, v6  }
0x29e: {  	v61 =	vand.u32 $0xFFFFFF80, v8;
	v4 =	vadd.s32 v4, v60;
	v5 =	vor.u32 v9, v5  }
0x29f: {  	v62 =	vand.u32 $0x7F, v8;
	v3 =	vadd.s32 v3, v61;
	v4 =	vor.u32 v7, v4  }
0x2a0: {  	p1 =	por p0, p0;
	v3 =	vor.u32 v62, v3  }
.Ltmp3:
0x2a1: {  	_ = 	snop;
	(pc) =	sbr.rel @p1 .LBB2_8-.Ltmp3, $4  }
0x2a2: {  	[tilespmem:v6+s16+$0x0] =	vst.idx.add.f32.msk $0xffff, v2  }
0x2a3: {  	[tilespmem:v5+s16+$0x0] =	vst.idx.add.f32.msk $0xffff, v2  }
0x2a4: {  	[tilespmem:v4+s16+$0x0] =	vst.idx.add.f32.msk $0xffff, v2  }
0x2a5: {  	s26 =	simm.s32 $0x40;
	p0 =	por $0x0, $0x0;
	[tilespmem:v3+s16+$0x0] =	vst.idx.add.f32.msk $0xffff, v2  }
0x2a6: {  	s26 =	sshra.s32 s25, $0x2;
	s25 =	sadd.s32 $0x200, s25  }
.LBB2_10:
0x2a7: {  	p0 =	sne.s32 s25, $0xFE00;
	[tilespmem:s26+$0x18070] =	vst v0  }
0x2a8: {  	[tilespmem:s26+$0x18000] =	vst v0  }
0x2a9: {  	[tilespmem:s26+$0x18010] =	vst v0  }
.Ltmp4:
0x2aa: {  	[tilespmem:s26+$0x18020] =	vst v0;
	(pc) =	sbr.rel @p0 .LBB2_10-.Ltmp4, $4  }
0x2ab: {  	[tilespmem:s26+$0x18030] =	vst v0  }
0x2ac: {  	[tilespmem:s26+$0x18040] =	vst v0  }
0x2ad: {  	[tilespmem:s26+$0x18050] =	vst v0  }
0x2ae: {  	[tilespmem:s26+$0x18060] =	vst v0;
	s26 =	sshra.s32 s25, $0x2;
	s25 =	sadd.s32 $0x200, s25  }
0x2af: {  	[tilespmem:s26+$0x18070] =	vst v0  }
0x2b0: {  	[tilespmem:s26+$0x18000] =	vst v0  }
0x2b1: {  	[tilespmem:s26+$0x18010] =	vst v0  }
0x2b2: {  	[tilespmem:s26+$0x18020] =	vst v0  }
0x2b3: {  	[tilespmem:s26+$0x18030] =	vst v0  }
0x2b4: {  	[tilespmem:s26+$0x18040] =	vst v0  }
0x2b5: {  	[tilespmem:s26+$0x18050] =	vst v0  }
0x2b6: {  	[tilespmem:s26+$0x18060] =	vst v0;
	s25 =	simm.s32 $0x0  }
0x2b7: {  	[hbm4b:s8+s25] =	stream.linear.scatter [tilespmem:s18], [sflag:$0x5], $0x4000, $0x38;
	v63 =	vld [tilespmem:$0x0]  }
0x2b8: {  	_ =	swait.ge [sflag:s19], $0x4000  }
0x2b9: {  	[sflag:s19] =	ssyncset.done $0x0  }
0x2ba: {  	p0 =	por $0x1, $0x1;
	s26 =	simm.s32 $0x0;
	[sflag:s19] =	ssyncadd.s32 $0xFFFFC000  }
.LBB2_12:
0x2bb: {  	s28 =	sor.u32 $0x100, s26  }
0x2bc: {  	s29 =	sor.u32 $0x110, s26;
	v3 =	vmov s28  }
0x2bd: {  	v4 =	vmov s29;
	v3 =	vshll.u32 v3, $0x7  }
0x2be: {  	s30 =	sor.u32 $0x120, s26;
	v4 =	vshll.u32 v4, $0x7;
	v6 =	vor.u32 v1, v3  }
0x2bf: {  	s31 =	sor.u32 $0x130, s26;
	v3 =	vmov s30;
	v5 =	vor.u32 v1, v4  }
0x2c0: {  	v51 =	vmov s31;
	v3 =	vshll.u32 v3, $0x7  }
0x2c1: {  	v7 =	vshll.u32 v51, $0x7;
	v4 =	vor.u32 v1, v3  }
0x2c2: {  	v3 =	vor.u32 v1, v7  }
0x2c3: {  	v52 =	vld.idx.msk [tilespmem:v6+s25+$0x0], $0xffff  }
0x2c4: {  	v8 =	vld.idx.msk [tilespmem:v5+s25+$0x0], $0xffff;
	_ =	sdelay $0x1  }
0x2c5: {  	v9 =	vld.idx.msk [tilespmem:v4+s25+$0x0], $0xffff  }
0x2c6: {  	v10 =	vld.idx.msk [tilespmem:v3+s25+$0x0], $0xffff;
	_ =	sdelay $0x1  }
0x2c7: {  	v11 =	vand.u32 $0xFFFFFF80, v52;
	v7 =	vand.u32 $0x7F, v52;
	v12 =	vand.u32 $0xFFFFFF80, v8  }
0x2c8: {  	v8 =	vand.u32 $0x7F, v8;
	v11 =	vadd.s32 v6, v11;
	v12 =	vadd.s32 v5, v12  }
0x2c9: {  	v7 =	vor.u32 v7, v11;
	v8 =	vor.u32 v8, v12;
	v53 =	vand.u32 $0xFFFFFF80, v9  }
0x2ca: {  	v9 =	vand.u32 $0x7F, v9;
	v54 =	vand.u32 $0xFFFFFF80, v10;
	v11 =	vadd.s32 v4, v53  }
0x2cb: {  	v10 =	vand.u32 $0x7F, v10;
	v55 =	vadd.s32 v3, v54;
	v9 =	vor.u32 v9, v11  }
0x2cc: {  	v10 =	vor.u32 v10, v55  }
0x2cd: {  	v56 =	vor.u32 $0x1, v6  }
0x2ce: {  	v57 =	vor.u32 $0x1, v5;
	[tilespmem:v7+s16+$0x0] =	vst.idx.add.f32.msk $0xffff, v2  }
0x2cf: {  	v58 =	vor.u32 $0x1, v4;
	[tilespmem:v8+s16+$0x0] =	vst.idx.add.f32.msk $0xffff, v2  }
0x2d0: {  	[tilespmem:v9+s16+$0x0] =	vst.idx.add.f32.msk $0xffff, v2  }
0x2d1: {  	v59 =	vor.u32 $0x1, v3;
	[tilespmem:v10+s16+$0x0] =	vst.idx.add.f32.msk $0xffff, v2  }
0x2d2: {  	v10 =	vld.idx.msk [tilespmem:v56+s25+$0x0], $0xffff  }
0x2d3: {  	v7 =	vld.idx.msk [tilespmem:v57+s25+$0x0], $0xffff  }
0x2d4: {  	v8 =	vld.idx.msk [tilespmem:v58+s25+$0x0], $0xffff;
	_ =	sdelay $0x1  }
0x2d5: {  	v9 =	vld.idx.msk [tilespmem:v59+s25+$0x0], $0xffff;
	_ =	sdelay $0x1  }
0x2d6: {  	v11 =	vand.u32 $0xFFFFFF80, v10;
	v10 =	vand.u32 $0x7F, v10;
	v60 =	vand.u32 $0xFFFFFF80, v7  }
0x2d7: {  	v7 =	vand.u32 $0x7F, v7;
	v61 =	vand.u32 $0xFFFFFF80, v8;
	v11 =	vadd.s32 v6, v11  }
0x2d8: {  	v8 =	vand.u32 $0x7F, v8;
	v12 =	vadd.s32 v5, v60;
	v10 =	vor.u32 v10, v11  }
0x2d9: {  	v62 =	vand.u32 $0xFFFFFF80, v9;
	v7 =	vor.u32 v7, v12;
	v11 =	vadd.s32 v4, v61  }
0x2da: {  	v9 =	vand.u32 $0x7F, v9;
	v15 =	vadd.s32 v3, v62;
	v8 =	vor.u32 v8, v11  }
0x2db: {  	v9 =	vor.u32 v9, v15  }
0x2dc: {  	v16 =	vor.u32 $0x2, v6  }
0x2dd: {  	v17 =	vor.u32 $0x2, v5;
	[tilespmem:v10+s16+$0x0] =	vst.idx.add.f32.msk $0xffff, v2  }
0x2de: {  	v18 =	vor.u32 $0x2, v4;
	[tilespmem:v7+s16+$0x0] =	vst.idx.add.f32.msk $0xffff, v2  }
0x2df: {  	[tilespmem:v8+s16+$0x0] =	vst.idx.add.f32.msk $0xffff, v2  }
0x2e0: {  	v19 =	vor.u32 $0x2, v3;
	[tilespmem:v9+s16+$0x0] =	vst.idx.add.f32.msk $0xffff, v2  }
0x2e1: {  	v9 =	vld.idx.msk [tilespmem:v16+s25+$0x0], $0xffff  }
0x2e2: {  	v10 =	vld.idx.msk [tilespmem:v17+s25+$0x0], $0xffff  }
0x2e3: {  	v7 =	vld.idx.msk [tilespmem:v18+s25+$0x0], $0xffff;
	_ =	sdelay $0x1  }
0x2e4: {  	v8 =	vld.idx.msk [tilespmem:v19+s25+$0x0], $0xffff;
	_ =	sdelay $0x1  }
0x2e5: {  	v11 =	vand.u32 $0xFFFFFF80, v9;
	v9 =	vand.u32 $0x7F, v9;
	v20 =	vand.u32 $0xFFFFFF80, v10  }
0x2e6: {  	v10 =	vand.u32 $0x7F, v10;
	v21 =	vand.u32 $0xFFFFFF80, v7;
	v11 =	vadd.s32 v6, v11  }
0x2e7: {  	v7 =	vand.u32 $0x7F, v7;
	v12 =	vadd.s32 v5, v20;
	v9 =	vor.u32 v9, v11  }
0x2e8: {  	v22 =	vand.u32 $0xFFFFFF80, v8;
	v10 =	vor.u32 v10, v12;
	v11 =	vadd.s32 v4, v21  }
0x2e9: {  	v8 =	vand.u32 $0x7F, v8;
	v23 =	vadd.s32 v3, v22;
	v7 =	vor.u32 v7, v11  }
0x2ea: {  	v8 =	vor.u32 v8, v23  }
0x2eb: {  	v24 =	vor.u32 $0x3, v6  }
0x2ec: {  	v25 =	vor.u32 $0x3, v5;
	[tilespmem:v9+s16+$0x0] =	vst.idx.add.f32.msk $0xffff, v2  }
0x2ed: {  	v26 =	vor.u32 $0x3, v4;
	[tilespmem:v10+s16+$0x0] =	vst.idx.add.f32.msk $0xffff, v2  }
0x2ee: {  	[tilespmem:v7+s16+$0x0] =	vst.idx.add.f32.msk $0xffff, v2  }
0x2ef: {  	v27 =	vor.u32 $0x3, v3;
	[tilespmem:v8+s16+$0x0] =	vst.idx.add.f32.msk $0xffff, v2  }
0x2f0: {  	v10 =	vld.idx.msk [tilespmem:v24+s25+$0x0], $0xffff  }
0x2f1: {  	v9 =	vld.idx.msk [tilespmem:v25+s25+$0x0], $0xffff  }
0x2f2: {  	v7 =	vld.idx.msk [tilespmem:v26+s25+$0x0], $0xffff;
	_ =	sdelay $0x1  }
0x2f3: {  	v8 =	vld.idx.msk [tilespmem:v27+s25+$0x0], $0xffff;
	_ =	sdelay $0x1  }
0x2f4: {  	v11 =	vand.u32 $0xFFFFFF80, v10;
	v10 =	vand.u32 $0x7F, v10;
	v28 =	vand.u32 $0xFFFFFF80, v9  }
0x2f5: {  	v9 =	vand.u32 $0x7F, v9;
	v29 =	vand.u32 $0xFFFFFF80, v7;
	v11 =	vadd.s32 v6, v11  }
0x2f6: {  	v7 =	vand.u32 $0x7F, v7;
	v12 =	vadd.s32 v5, v28;
	v10 =	vor.u32 v10, v11  }
0x2f7: {  	v30 =	vand.u32 $0xFFFFFF80, v8;
	v9 =	vor.u32 v9, v12;
	v11 =	vadd.s32 v4, v29  }
0x2f8: {  	v8 =	vand.u32 $0x7F, v8;
	v31 =	vadd.s32 v3, v30;
	v7 =	vor.u32 v7, v11  }
0x2f9: {  	v8 =	vor.u32 v8, v31  }
0x2fa: {  	v32 =	vor.u32 $0x4, v6  }
0x2fb: {  	v33 =	vor.u32 $0x4, v5;
	[tilespmem:v10+s16+$0x0] =	vst.idx.add.f32.msk $0xffff, v2  }
0x2fc: {  	v34 =	vor.u32 $0x4, v4;
	[tilespmem:v9+s16+$0x0] =	vst.idx.add.f32.msk $0xffff, v2  }
0x2fd: {  	[tilespmem:v7+s16+$0x0] =	vst.idx.add.f32.msk $0xffff, v2  }
0x2fe: {  	v35 =	vor.u32 $0x4, v3;
	[tilespmem:v8+s16+$0x0] =	vst.idx.add.f32.msk $0xffff, v2  }
0x2ff: {  	v9 =	vld.idx.msk [tilespmem:v32+s25+$0x0], $0xffff  }
0x300: {  	v10 =	vld.idx.msk [tilespmem:v33+s25+$0x0], $0xffff  }
0x301: {  	v7 =	vld.idx.msk [tilespmem:v34+s25+$0x0], $0xffff;
	_ =	sdelay $0x1  }
0x302: {  	v8 =	vld.idx.msk [tilespmem:v35+s25+$0x0], $0xffff;
	_ =	sdelay $0x1  }
0x303: {  	v11 =	vand.u32 $0xFFFFFF80, v9;
	v9 =	vand.u32 $0x7F, v9;
	v36 =	vand.u32 $0xFFFFFF80, v10  }
0x304: {  	v10 =	vand.u32 $0x7F, v10;
	v37 =	vand.u32 $0xFFFFFF80, v7;
	v11 =	vadd.s32 v6, v11  }
0x305: {  	v7 =	vand.u32 $0x7F, v7;
	v12 =	vadd.s32 v5, v36;
	v9 =	vor.u32 v9, v11  }
0x306: {  	v38 =	vand.u32 $0xFFFFFF80, v8;
	v10 =	vor.u32 v10, v12;
	v11 =	vadd.s32 v4, v37  }
0x307: {  	v8 =	vand.u32 $0x7F, v8;
	v39 =	vadd.s32 v3, v38;
	v7 =	vor.u32 v7, v11  }
0x308: {  	v8 =	vor.u32 v8, v39  }
0x309: {  	v40 =	vor.u32 $0x5, v6  }
0x30a: {  	v41 =	vor.u32 $0x5, v5;
	[tilespmem:v9+s16+$0x0] =	vst.idx.add.f32.msk $0xffff, v2  }
0x30b: {  	v42 =	vor.u32 $0x5, v4;
	[tilespmem:v10+s16+$0x0] =	vst.idx.add.f32.msk $0xffff, v2  }
0x30c: {  	[tilespmem:v7+s16+$0x0] =	vst.idx.add.f32.msk $0xffff, v2  }
0x30d: {  	v43 =	vor.u32 $0x5, v3;
	[tilespmem:v8+s16+$0x0] =	vst.idx.add.f32.msk $0xffff, v2  }
0x30e: {  	v10 =	vld.idx.msk [tilespmem:v40+s25+$0x0], $0xffff  }
0x30f: {  	v9 =	vld.idx.msk [tilespmem:v41+s25+$0x0], $0xffff  }
0x310: {  	v7 =	vld.idx.msk [tilespmem:v42+s25+$0x0], $0xffff;
	_ =	sdelay $0x1  }
0x311: {  	v8 =	vld.idx.msk [tilespmem:v43+s25+$0x0], $0xffff;
	_ =	sdelay $0x1  }
0x312: {  	v11 =	vand.u32 $0xFFFFFF80, v10;
	v10 =	vand.u32 $0x7F, v10;
	v44 =	vand.u32 $0xFFFFFF80, v9  }
0x313: {  	v9 =	vand.u32 $0x7F, v9;
	v45 =	vand.u32 $0xFFFFFF80, v7;
	v11 =	vadd.s32 v6, v11  }
0x314: {  	v7 =	vand.u32 $0x7F, v7;
	v12 =	vadd.s32 v5, v44;
	v10 =	vor.u32 v10, v11  }
0x315: {  	v46 =	vand.u32 $0xFFFFFF80, v8;
	v9 =	vor.u32 v9, v12;
	v11 =	vadd.s32 v4, v45  }
0x316: {  	v8 =	vand.u32 $0x7F, v8;
	v47 =	vadd.s32 v3, v46;
	v7 =	vor.u32 v7, v11  }
0x317: {  	v8 =	vor.u32 v8, v47  }
0x318: {  	v48 =	vor.u32 $0x6, v6  }
0x319: {  	v49 =	vor.u32 $0x6, v5;
	[tilespmem:v10+s16+$0x0] =	vst.idx.add.f32.msk $0xffff, v2  }
0x31a: {  	v50 =	vor.u32 $0x6, v4;
	[tilespmem:v9+s16+$0x0] =	vst.idx.add.f32.msk $0xffff, v2  }
0x31b: {  	[tilespmem:v7+s16+$0x0] =	vst.idx.add.f32.msk $0xffff, v2  }
0x31c: {  	v51 =	vor.u32 $0x6, v3;
	[tilespmem:v8+s16+$0x0] =	vst.idx.add.f32.msk $0xffff, v2  }
0x31d: {  	v9 =	vld.idx.msk [tilespmem:v48+s25+$0x0], $0xffff  }
0x31e: {  	v10 =	vld.idx.msk [tilespmem:v49+s25+$0x0], $0xffff  }
0x31f: {  	v7 =	vld.idx.msk [tilespmem:v50+s25+$0x0], $0xffff;
	_ =	sdelay $0x1  }
0x320: {  	v8 =	vld.idx.msk [tilespmem:v51+s25+$0x0], $0xffff;
	_ =	sdelay $0x1  }
0x321: {  	v11 =	vand.u32 $0xFFFFFF80, v9;
	v9 =	vand.u32 $0x7F, v9;
	v52 =	vand.u32 $0xFFFFFF80, v10  }
0x322: {  	v10 =	vand.u32 $0x7F, v10;
	v53 =	vand.u32 $0xFFFFFF80, v7;
	v11 =	vadd.s32 v6, v11  }
0x323: {  	v7 =	vand.u32 $0x7F, v7;
	v12 =	vadd.s32 v5, v52;
	v9 =	vor.u32 v9, v11  }
0x324: {  	v54 =	vand.u32 $0xFFFFFF80, v8;
	v10 =	vor.u32 v10, v12;
	v11 =	vadd.s32 v4, v53  }
0x325: {  	v8 =	vand.u32 $0x7F, v8;
	v55 =	vadd.s32 v3, v54;
	v7 =	vor.u32 v7, v11  }
0x326: {  	v8 =	vor.u32 v8, v55  }
0x327: {  	v56 =	vor.u32 $0x7, v6  }
0x328: {  	v57 =	vor.u32 $0x7, v5;
	[tilespmem:v9+s16+$0x0] =	vst.idx.add.f32.msk $0xffff, v2  }
0x329: {  	v58 =	vor.u32 $0x7, v4;
	[tilespmem:v10+s16+$0x0] =	vst.idx.add.f32.msk $0xffff, v2  }
0x32a: {  	[tilespmem:v7+s16+$0x0] =	vst.idx.add.f32.msk $0xffff, v2  }
0x32b: {  	v59 =	vor.u32 $0x7, v3;
	[tilespmem:v8+s16+$0x0] =	vst.idx.add.f32.msk $0xffff, v2  }
0x32c: {  	v10 =	vld.idx.msk [tilespmem:v56+s25+$0x0], $0xffff  }
0x32d: {  	v9 =	vld.idx.msk [tilespmem:v57+s25+$0x0], $0xffff  }
0x32e: {  	v7 =	vld.idx.msk [tilespmem:v58+s25+$0x0], $0xffff;
	_ =	sdelay $0x1  }
0x32f: {  	v8 =	vld.idx.msk [tilespmem:v59+s25+$0x0], $0xffff;
	_ =	sdelay $0x1  }
0x330: {  	v11 =	vand.u32 $0xFFFFFF80, v10;
	v10 =	vand.u32 $0x7F, v10;
	v60 =	vand.u32 $0xFFFFFF80, v9  }
0x331: {  	v9 =	vand.u32 $0x7F, v9;
	v61 =	vand.u32 $0xFFFFFF80, v7;
	v11 =	vadd.s32 v6, v11  }
0x332: {  	v7 =	vand.u32 $0x7F, v7;
	v12 =	vadd.s32 v5, v60;
	v10 =	vor.u32 v10, v11  }
0x333: {  	v62 =	vand.u32 $0xFFFFFF80, v8;
	v9 =	vor.u32 v9, v12;
	v11 =	vadd.s32 v4, v61  }
0x334: {  	v8 =	vand.u32 $0x7F, v8;
	v15 =	vadd.s32 v3, v62;
	v7 =	vor.u32 v7, v11  }
0x335: {  	v8 =	vor.u32 v8, v15  }
0x336: {  	v16 =	vor.u32 $0x8, v6  }
0x337: {  	v17 =	vor.u32 $0x8, v5;
	[tilespmem:v10+s16+$0x0] =	vst.idx.add.f32.msk $0xffff, v2  }
0x338: {  	v18 =	vor.u32 $0x8, v4;
	[tilespmem:v9+s16+$0x0] =	vst.idx.add.f32.msk $0xffff, v2  }
0x339: {  	[tilespmem:v7+s16+$0x0] =	vst.idx.add.f32.msk $0xffff, v2  }
0x33a: {  	v19 =	vor.u32 $0x8, v3;
	[tilespmem:v8+s16+$0x0] =	vst.idx.add.f32.msk $0xffff, v2  }
0x33b: {  	v9 =	vld.idx.msk [tilespmem:v16+s25+$0x0], $0xffff  }
0x33c: {  	v10 =	vld.idx.msk [tilespmem:v17+s25+$0x0], $0xffff  }
0x33d: {  	v7 =	vld.idx.msk [tilespmem:v18+s25+$0x0], $0xffff;
	_ =	sdelay $0x1  }
0x33e: {  	v8 =	vld.idx.msk [tilespmem:v19+s25+$0x0], $0xffff;
	_ =	sdelay $0x1  }
0x33f: {  	v11 =	vand.u32 $0xFFFFFF80, v9;
	v9 =	vand.u32 $0x7F, v9;
	v20 =	vand.u32 $0xFFFFFF80, v10  }
0x340: {  	v10 =	vand.u32 $0x7F, v10;
	v21 =	vand.u32 $0xFFFFFF80, v7;
	v11 =	vadd.s32 v6, v11  }
0x341: {  	v7 =	vand.u32 $0x7F, v7;
	v12 =	vadd.s32 v5, v20;
	v9 =	vor.u32 v9, v11  }
0x342: {  	v22 =	vand.u32 $0xFFFFFF80, v8;
	v10 =	vor.u32 v10, v12;
	v11 =	vadd.s32 v4, v21  }
0x343: {  	v8 =	vand.u32 $0x7F, v8;
	v23 =	vadd.s32 v3, v22;
	v7 =	vor.u32 v7, v11  }
0x344: {  	v8 =	vor.u32 v8, v23  }
0x345: {  	v24 =	vor.u32 $0x9, v6  }
0x346: {  	v25 =	vor.u32 $0x9, v5;
	[tilespmem:v9+s16+$0x0] =	vst.idx.add.f32.msk $0xffff, v2  }
0x347: {  	v26 =	vor.u32 $0x9, v4;
	[tilespmem:v10+s16+$0x0] =	vst.idx.add.f32.msk $0xffff, v2  }
0x348: {  	[tilespmem:v7+s16+$0x0] =	vst.idx.add.f32.msk $0xffff, v2  }
0x349: {  	v27 =	vor.u32 $0x9, v3;
	[tilespmem:v8+s16+$0x0] =	vst.idx.add.f32.msk $0xffff, v2  }
0x34a: {  	v10 =	vld.idx.msk [tilespmem:v24+s25+$0x0], $0xffff  }
0x34b: {  	v9 =	vld.idx.msk [tilespmem:v25+s25+$0x0], $0xffff  }
0x34c: {  	v7 =	vld.idx.msk [tilespmem:v26+s25+$0x0], $0xffff;
	_ =	sdelay $0x1  }
0x34d: {  	v8 =	vld.idx.msk [tilespmem:v27+s25+$0x0], $0xffff;
	_ =	sdelay $0x1  }
0x34e: {  	v11 =	vand.u32 $0xFFFFFF80, v10;
	v10 =	vand.u32 $0x7F, v10;
	v28 =	vand.u32 $0xFFFFFF80, v9  }
0x34f: {  	v9 =	vand.u32 $0x7F, v9;
	v29 =	vand.u32 $0xFFFFFF80, v7;
	v11 =	vadd.s32 v6, v11  }
0x350: {  	v7 =	vand.u32 $0x7F, v7;
	v12 =	vadd.s32 v5, v28;
	v10 =	vor.u32 v10, v11  }
0x351: {  	v30 =	vand.u32 $0xFFFFFF80, v8;
	v9 =	vor.u32 v9, v12;
	v11 =	vadd.s32 v4, v29  }
0x352: {  	v8 =	vand.u32 $0x7F, v8;
	v31 =	vadd.s32 v3, v30;
	v7 =	vor.u32 v7, v11  }
0x353: {  	v8 =	vor.u32 v8, v31  }
0x354: {  	v32 =	vor.u32 $0xA, v6  }
0x355: {  	v33 =	vor.u32 $0xA, v5;
	[tilespmem:v10+s16+$0x0] =	vst.idx.add.f32.msk $0xffff, v2  }
0x356: {  	v34 =	vor.u32 $0xA, v4;
	[tilespmem:v9+s16+$0x0] =	vst.idx.add.f32.msk $0xffff, v2  }
0x357: {  	[tilespmem:v7+s16+$0x0] =	vst.idx.add.f32.msk $0xffff, v2  }
0x358: {  	v35 =	vor.u32 $0xA, v3;
	[tilespmem:v8+s16+$0x0] =	vst.idx.add.f32.msk $0xffff, v2  }
0x359: {  	v9 =	vld.idx.msk [tilespmem:v32+s25+$0x0], $0xffff  }
0x35a: {  	v10 =	vld.idx.msk [tilespmem:v33+s25+$0x0], $0xffff  }
0x35b: {  	v7 =	vld.idx.msk [tilespmem:v34+s25+$0x0], $0xffff;
	_ =	sdelay $0x1  }
0x35c: {  	v8 =	vld.idx.msk [tilespmem:v35+s25+$0x0], $0xffff;
	_ =	sdelay $0x1  }
0x35d: {  	v11 =	vand.u32 $0xFFFFFF80, v9;
	v9 =	vand.u32 $0x7F, v9;
	v36 =	vand.u32 $0xFFFFFF80, v10  }
0x35e: {  	v10 =	vand.u32 $0x7F, v10;
	v37 =	vand.u32 $0xFFFFFF80, v7;
	v11 =	vadd.s32 v6, v11  }
0x35f: {  	v7 =	vand.u32 $0x7F, v7;
	v12 =	vadd.s32 v5, v36;
	v9 =	vor.u32 v9, v11  }
0x360: {  	v38 =	vand.u32 $0xFFFFFF80, v8;
	v10 =	vor.u32 v10, v12;
	v11 =	vadd.s32 v4, v37  }
0x361: {  	v8 =	vand.u32 $0x7F, v8;
	v39 =	vadd.s32 v3, v38;
	v7 =	vor.u32 v7, v11  }
0x362: {  	v8 =	vor.u32 v8, v39  }
0x363: {  	v40 =	vor.u32 $0xB, v6  }
0x364: {  	v41 =	vor.u32 $0xB, v5;
	[tilespmem:v9+s16+$0x0] =	vst.idx.add.f32.msk $0xffff, v2  }
0x365: {  	v42 =	vor.u32 $0xB, v4;
	[tilespmem:v10+s16+$0x0] =	vst.idx.add.f32.msk $0xffff, v2  }
0x366: {  	[tilespmem:v7+s16+$0x0] =	vst.idx.add.f32.msk $0xffff, v2  }
0x367: {  	v43 =	vor.u32 $0xB, v3;
	[tilespmem:v8+s16+$0x0] =	vst.idx.add.f32.msk $0xffff, v2  }
0x368: {  	v10 =	vld.idx.msk [tilespmem:v40+s25+$0x0], $0xffff  }
0x369: {  	v9 =	vld.idx.msk [tilespmem:v41+s25+$0x0], $0xffff  }
0x36a: {  	v7 =	vld.idx.msk [tilespmem:v42+s25+$0x0], $0xffff;
	_ =	sdelay $0x1  }
0x36b: {  	v8 =	vld.idx.msk [tilespmem:v43+s25+$0x0], $0xffff;
	_ =	sdelay $0x1  }
0x36c: {  	v11 =	vand.u32 $0xFFFFFF80, v10;
	v10 =	vand.u32 $0x7F, v10;
	v44 =	vand.u32 $0xFFFFFF80, v9  }
0x36d: {  	v9 =	vand.u32 $0x7F, v9;
	v45 =	vand.u32 $0xFFFFFF80, v7;
	v11 =	vadd.s32 v6, v11  }
0x36e: {  	v7 =	vand.u32 $0x7F, v7;
	v12 =	vadd.s32 v5, v44;
	v10 =	vor.u32 v10, v11  }
0x36f: {  	v46 =	vand.u32 $0xFFFFFF80, v8;
	v9 =	vor.u32 v9, v12;
	v11 =	vadd.s32 v4, v45  }
0x370: {  	v8 =	vand.u32 $0x7F, v8;
	v47 =	vadd.s32 v3, v46;
	v7 =	vor.u32 v7, v11  }
0x371: {  	v8 =	vor.u32 v8, v47  }
0x372: {  	v48 =	vor.u32 $0xC, v6  }
0x373: {  	v49 =	vor.u32 $0xC, v5;
	[tilespmem:v10+s16+$0x0] =	vst.idx.add.f32.msk $0xffff, v2  }
0x374: {  	v50 =	vor.u32 $0xC, v4;
	[tilespmem:v9+s16+$0x0] =	vst.idx.add.f32.msk $0xffff, v2  }
0x375: {  	[tilespmem:v7+s16+$0x0] =	vst.idx.add.f32.msk $0xffff, v2  }
0x376: {  	v51 =	vor.u32 $0xC, v3;
	[tilespmem:v8+s16+$0x0] =	vst.idx.add.f32.msk $0xffff, v2  }
0x377: {  	v9 =	vld.idx.msk [tilespmem:v48+s25+$0x0], $0xffff  }
0x378: {  	v10 =	vld.idx.msk [tilespmem:v49+s25+$0x0], $0xffff  }
0x379: {  	v7 =	vld.idx.msk [tilespmem:v50+s25+$0x0], $0xffff;
	_ =	sdelay $0x1  }
0x37a: {  	v8 =	vld.idx.msk [tilespmem:v51+s25+$0x0], $0xffff;
	_ =	sdelay $0x1  }
0x37b: {  	v11 =	vand.u32 $0xFFFFFF80, v9;
	v9 =	vand.u32 $0x7F, v9;
	v52 =	vand.u32 $0xFFFFFF80, v10  }
0x37c: {  	v10 =	vand.u32 $0x7F, v10;
	v53 =	vand.u32 $0xFFFFFF80, v7;
	v11 =	vadd.s32 v6, v11  }
0x37d: {  	v7 =	vand.u32 $0x7F, v7;
	v12 =	vadd.s32 v5, v52;
	v9 =	vor.u32 v9, v11  }
0x37e: {  	v54 =	vand.u32 $0xFFFFFF80, v8;
	v10 =	vor.u32 v10, v12;
	v11 =	vadd.s32 v4, v53  }
0x37f: {  	v8 =	vand.u32 $0x7F, v8;
	v55 =	vadd.s32 v3, v54;
	v7 =	vor.u32 v7, v11  }
0x380: {  	v8 =	vor.u32 v8, v55  }
0x381: {  	v56 =	vor.u32 $0xD, v6  }
0x382: {  	v57 =	vor.u32 $0xD, v5;
	[tilespmem:v9+s16+$0x0] =	vst.idx.add.f32.msk $0xffff, v2  }
0x383: {  	v58 =	vor.u32 $0xD, v4;
	[tilespmem:v10+s16+$0x0] =	vst.idx.add.f32.msk $0xffff, v2  }
0x384: {  	[tilespmem:v7+s16+$0x0] =	vst.idx.add.f32.msk $0xffff, v2  }
0x385: {  	v59 =	vor.u32 $0xD, v3;
	[tilespmem:v8+s16+$0x0] =	vst.idx.add.f32.msk $0xffff, v2  }
0x386: {  	v10 =	vld.idx.msk [tilespmem:v56+s25+$0x0], $0xffff  }
0x387: {  	v9 =	vld.idx.msk [tilespmem:v57+s25+$0x0], $0xffff  }
0x388: {  	v7 =	vld.idx.msk [tilespmem:v58+s25+$0x0], $0xffff;
	_ =	sdelay $0x1  }
0x389: {  	v8 =	vld.idx.msk [tilespmem:v59+s25+$0x0], $0xffff;
	_ =	sdelay $0x1  }
0x38a: {  	v11 =	vand.u32 $0xFFFFFF80, v10;
	v10 =	vand.u32 $0x7F, v10;
	v60 =	vand.u32 $0xFFFFFF80, v9  }
0x38b: {  	v9 =	vand.u32 $0x7F, v9;
	v61 =	vand.u32 $0xFFFFFF80, v7;
	v11 =	vadd.s32 v6, v11  }
0x38c: {  	v7 =	vand.u32 $0x7F, v7;
	v12 =	vadd.s32 v5, v60;
	v10 =	vor.u32 v10, v11  }
0x38d: {  	v62 =	vand.u32 $0xFFFFFF80, v8;
	v9 =	vor.u32 v9, v12;
	v11 =	vadd.s32 v4, v61  }
0x38e: {  	v8 =	vand.u32 $0x7F, v8;
	v14 =	vadd.s32 v3, v62;
	v7 =	vor.u32 v7, v11  }
0x38f: {  	v8 =	vor.u32 v8, v14  }
0x390: {  	v15 =	vor.u32 $0xE, v6  }
0x391: {  	v16 =	vor.u32 $0xE, v5;
	[tilespmem:v10+s16+$0x0] =	vst.idx.add.f32.msk $0xffff, v2  }
0x392: {  	v17 =	vor.u32 $0xE, v4;
	[tilespmem:v9+s16+$0x0] =	vst.idx.add.f32.msk $0xffff, v2  }
0x393: {  	[tilespmem:v7+s16+$0x0] =	vst.idx.add.f32.msk $0xffff, v2  }
0x394: {  	v18 =	vor.u32 $0xE, v3;
	[tilespmem:v8+s16+$0x0] =	vst.idx.add.f32.msk $0xffff, v2  }
0x395: {  	v9 =	vld.idx.msk [tilespmem:v15+s25+$0x0], $0xffff  }
0x396: {  	v10 =	vld.idx.msk [tilespmem:v16+s25+$0x0], $0xffff  }
0x397: {  	v7 =	vld.idx.msk [tilespmem:v17+s25+$0x0], $0xffff;
	_ =	sdelay $0x1  }
0x398: {  	v8 =	vld.idx.msk [tilespmem:v18+s25+$0x0], $0xffff;
	_ =	sdelay $0x1  }
0x399: {  	v11 =	vand.u32 $0xFFFFFF80, v9;
	v9 =	vand.u32 $0x7F, v9;
	v19 =	vand.u32 $0xFFFFFF80, v10  }
0x39a: {  	v10 =	vand.u32 $0x7F, v10;
	v20 =	vand.u32 $0xFFFFFF80, v7;
	v11 =	vadd.s32 v6, v11  }
0x39b: {  	v7 =	vand.u32 $0x7F, v7;
	v12 =	vadd.s32 v5, v19;
	v9 =	vor.u32 v9, v11  }
0x39c: {  	v21 =	vand.u32 $0xFFFFFF80, v8;
	v10 =	vor.u32 v10, v12;
	v11 =	vadd.s32 v4, v20  }
0x39d: {  	v8 =	vand.u32 $0x7F, v8;
	v22 =	vadd.s32 v3, v21;
	v7 =	vor.u32 v7, v11  }
0x39e: {  	v8 =	vor.u32 v8, v22  }
0x39f: {  	v23 =	vor.u32 $0xF, v6  }
0x3a0: {  	v24 =	vor.u32 $0xF, v5;
	[tilespmem:v9+s16+$0x0] =	vst.idx.add.f32.msk $0xffff, v2  }
0x3a1: {  	v25 =	vor.u32 $0xF, v4;
	[tilespmem:v10+s16+$0x0] =	vst.idx.add.f32.msk $0xffff, v2  }
0x3a2: {  	[tilespmem:v7+s16+$0x0] =	vst.idx.add.f32.msk $0xffff, v2  }
0x3a3: {  	v26 =	vor.u32 $0xF, v3;
	[tilespmem:v8+s16+$0x0] =	vst.idx.add.f32.msk $0xffff, v2  }
0x3a4: {  	v10 =	vld.idx.msk [tilespmem:v23+s25+$0x0], $0xffff  }
0x3a5: {  	v9 =	vld.idx.msk [tilespmem:v24+s25+$0x0], $0xffff  }
0x3a6: {  	v7 =	vld.idx.msk [tilespmem:v25+s25+$0x0], $0xffff;
	_ =	sdelay $0x1  }
0x3a7: {  	v8 =	vld.idx.msk [tilespmem:v26+s25+$0x0], $0xffff;
	_ =	sdelay $0x1  }
0x3a8: {  	v11 =	vand.u32 $0xFFFFFF80, v10;
	v10 =	vand.u32 $0x7F, v10;
	v27 =	vand.u32 $0xFFFFFF80, v9  }
0x3a9: {  	v9 =	vand.u32 $0x7F, v9;
	v28 =	vand.u32 $0xFFFFFF80, v7;
	v11 =	vadd.s32 v6, v11  }
0x3aa: {  	v7 =	vand.u32 $0x7F, v7;
	v12 =	vadd.s32 v5, v27;
	v10 =	vor.u32 v10, v11  }
0x3ab: {  	v29 =	vand.u32 $0xFFFFFF80, v8;
	v9 =	vor.u32 v9, v12;
	v11 =	vadd.s32 v4, v28  }
0x3ac: {  	v8 =	vand.u32 $0x7F, v8;
	v30 =	vadd.s32 v3, v29;
	v7 =	vor.u32 v7, v11  }
0x3ad: {  	v8 =	vor.u32 v8, v30  }
0x3ae: {  	v31 =	vor.u32 $0x10, v6  }
0x3af: {  	v32 =	vor.u32 $0x10, v5;
	[tilespmem:v10+s16+$0x0] =	vst.idx.add.f32.msk $0xffff, v2  }
0x3b0: {  	v33 =	vor.u32 $0x10, v4;
	[tilespmem:v9+s16+$0x0] =	vst.idx.add.f32.msk $0xffff, v2  }
0x3b1: {  	[tilespmem:v7+s16+$0x0] =	vst.idx.add.f32.msk $0xffff, v2  }
0x3b2: {  	v34 =	vor.u32 $0x10, v3;
	[tilespmem:v8+s16+$0x0] =	vst.idx.add.f32.msk $0xffff, v2  }
0x3b3: {  	v9 =	vld.idx.msk [tilespmem:v31+s25+$0x0], $0xffff  }
0x3b4: {  	v10 =	vld.idx.msk [tilespmem:v32+s25+$0x0], $0xffff  }
0x3b5: {  	v7 =	vld.idx.msk [tilespmem:v33+s25+$0x0], $0xffff;
	_ =	sdelay $0x1  }
0x3b6: {  	v8 =	vld.idx.msk [tilespmem:v34+s25+$0x0], $0xffff;
	_ =	sdelay $0x1  }
0x3b7: {  	v11 =	vand.u32 $0xFFFFFF80, v9;
	v9 =	vand.u32 $0x7F, v9;
	v35 =	vand.u32 $0xFFFFFF80, v10  }
0x3b8: {  	v10 =	vand.u32 $0x7F, v10;
	v36 =	vand.u32 $0xFFFFFF80, v7;
	v11 =	vadd.s32 v6, v11  }
0x3b9: {  	v7 =	vand.u32 $0x7F, v7;
	v12 =	vadd.s32 v5, v35;
	v9 =	vor.u32 v9, v11  }
0x3ba: {  	v37 =	vand.u32 $0xFFFFFF80, v8;
	v10 =	vor.u32 v10, v12;
	v11 =	vadd.s32 v4, v36  }
0x3bb: {  	v8 =	vand.u32 $0x7F, v8;
	v38 =	vadd.s32 v3, v37;
	v7 =	vor.u32 v7, v11  }
0x3bc: {  	v8 =	vor.u32 v8, v38  }
0x3bd: {  	v39 =	vor.u32 $0x11, v6  }
0x3be: {  	v40 =	vor.u32 $0x11, v5;
	[tilespmem:v9+s16+$0x0] =	vst.idx.add.f32.msk $0xffff, v2  }
0x3bf: {  	v41 =	vor.u32 $0x11, v4;
	[tilespmem:v10+s16+$0x0] =	vst.idx.add.f32.msk $0xffff, v2  }
0x3c0: {  	[tilespmem:v7+s16+$0x0] =	vst.idx.add.f32.msk $0xffff, v2  }
0x3c1: {  	v42 =	vor.u32 $0x11, v3;
	[tilespmem:v8+s16+$0x0] =	vst.idx.add.f32.msk $0xffff, v2  }
0x3c2: {  	v10 =	vld.idx.msk [tilespmem:v39+s25+$0x0], $0xffff  }
0x3c3: {  	v9 =	vld.idx.msk [tilespmem:v40+s25+$0x0], $0xffff  }
0x3c4: {  	v7 =	vld.idx.msk [tilespmem:v41+s25+$0x0], $0xffff;
	_ =	sdelay $0x1  }
0x3c5: {  	v8 =	vld.idx.msk [tilespmem:v42+s25+$0x0], $0xffff;
	_ =	sdelay $0x1  }
0x3c6: {  	v11 =	vand.u32 $0xFFFFFF80, v10;
	v10 =	vand.u32 $0x7F, v10;
	v43 =	vand.u32 $0xFFFFFF80, v9  }
0x3c7: {  	v9 =	vand.u32 $0x7F, v9;
	v44 =	vand.u32 $0xFFFFFF80, v7;
	v11 =	vadd.s32 v6, v11  }
0x3c8: {  	v7 =	vand.u32 $0x7F, v7;
	v12 =	vadd.s32 v5, v43;
	v10 =	vor.u32 v10, v11  }
0x3c9: {  	v45 =	vand.u32 $0xFFFFFF80, v8;
	v9 =	vor.u32 v9, v12;
	v11 =	vadd.s32 v4, v44  }
0x3ca: {  	v8 =	vand.u32 $0x7F, v8;
	v46 =	vadd.s32 v3, v45;
	v7 =	vor.u32 v7, v11  }
0x3cb: {  	v8 =	vor.u32 v8, v46  }
0x3cc: {  	v47 =	vor.u32 $0x12, v6  }
0x3cd: {  	v48 =	vor.u32 $0x12, v5;
	[tilespmem:v10+s16+$0x0] =	vst.idx.add.f32.msk $0xffff, v2  }
0x3ce: {  	v49 =	vor.u32 $0x12, v4;
	[tilespmem:v9+s16+$0x0] =	vst.idx.add.f32.msk $0xffff, v2  }
0x3cf: {  	[tilespmem:v7+s16+$0x0] =	vst.idx.add.f32.msk $0xffff, v2  }
0x3d0: {  	v50 =	vor.u32 $0x12, v3;
	[tilespmem:v8+s16+$0x0] =	vst.idx.add.f32.msk $0xffff, v2  }
0x3d1: {  	v9 =	vld.idx.msk [tilespmem:v47+s25+$0x0], $0xffff  }
0x3d2: {  	v10 =	vld.idx.msk [tilespmem:v48+s25+$0x0], $0xffff  }
0x3d3: {  	v7 =	vld.idx.msk [tilespmem:v49+s25+$0x0], $0xffff;
	_ =	sdelay $0x1  }
0x3d4: {  	v8 =	vld.idx.msk [tilespmem:v50+s25+$0x0], $0xffff;
	_ =	sdelay $0x1  }
0x3d5: {  	v11 =	vand.u32 $0xFFFFFF80, v9;
	v9 =	vand.u32 $0x7F, v9;
	v51 =	vand.u32 $0xFFFFFF80, v10  }
0x3d6: {  	v10 =	vand.u32 $0x7F, v10;
	v52 =	vand.u32 $0xFFFFFF80, v7;
	v11 =	vadd.s32 v6, v11  }
0x3d7: {  	v7 =	vand.u32 $0x7F, v7;
	v12 =	vadd.s32 v5, v51;
	v9 =	vor.u32 v9, v11  }
0x3d8: {  	v53 =	vand.u32 $0xFFFFFF80, v8;
	v10 =	vor.u32 v10, v12;
	v11 =	vadd.s32 v4, v52  }
0x3d9: {  	v8 =	vand.u32 $0x7F, v8;
	v54 =	vadd.s32 v3, v53;
	v7 =	vor.u32 v7, v11  }
0x3da: {  	v8 =	vor.u32 v8, v54  }
0x3db: {  	v55 =	vor.u32 $0x13, v6  }
0x3dc: {  	v56 =	vor.u32 $0x13, v5;
	[tilespmem:v9+s16+$0x0] =	vst.idx.add.f32.msk $0xffff, v2  }
0x3dd: {  	v57 =	vor.u32 $0x13, v4;
	[tilespmem:v10+s16+$0x0] =	vst.idx.add.f32.msk $0xffff, v2  }
0x3de: {  	[tilespmem:v7+s16+$0x0] =	vst.idx.add.f32.msk $0xffff, v2  }
0x3df: {  	v58 =	vor.u32 $0x13, v3;
	[tilespmem:v8+s16+$0x0] =	vst.idx.add.f32.msk $0xffff, v2  }
0x3e0: {  	v10 =	vld.idx.msk [tilespmem:v55+s25+$0x0], $0xffff  }
0x3e1: {  	v9 =	vld.idx.msk [tilespmem:v56+s25+$0x0], $0xffff  }
0x3e2: {  	v7 =	vld.idx.msk [tilespmem:v57+s25+$0x0], $0xffff;
	_ =	sdelay $0x1  }
0x3e3: {  	v8 =	vld.idx.msk [tilespmem:v58+s25+$0x0], $0xffff;
	_ =	sdelay $0x1  }
0x3e4: {  	v11 =	vand.u32 $0xFFFFFF80, v10;
	v59 =	vand.u32 $0xFFFFFF80, v9;
	v10 =	vand.u32 $0x7F, v10  }
0x3e5: {  	v9 =	vand.u32 $0x7F, v9;
	v60 =	vand.u32 $0xFFFFFF80, v7;
	v6 =	vadd.s32 v6, v11  }
0x3e6: {  	v7 =	vand.u32 $0x7F, v7;
	v5 =	vadd.s32 v5, v59;
	v6 =	vor.u32 v10, v6  }
0x3e7: {  	v61 =	vand.u32 $0xFFFFFF80, v8;
	v4 =	vadd.s32 v4, v60;
	v5 =	vor.u32 v9, v5  }
0x3e8: {  	v62 =	vand.u32 $0x7F, v8;
	v3 =	vadd.s32 v3, v61;
	v4 =	vor.u32 v7, v4  }
0x3e9: {  	p1 =	por p0, p0;
	v3 =	vor.u32 v62, v3  }
.Ltmp5:
0x3ea: {  	_ = 	snop;
	(pc) =	sbr.rel @p1 .LBB2_12-.Ltmp5, $4  }
0x3eb: {  	[tilespmem:v6+s16+$0x0] =	vst.idx.add.f32.msk $0xffff, v2  }
0x3ec: {  	[tilespmem:v5+s16+$0x0] =	vst.idx.add.f32.msk $0xffff, v2  }
0x3ed: {  	[tilespmem:v4+s16+$0x0] =	vst.idx.add.f32.msk $0xffff, v2  }
0x3ee: {  	s26 =	simm.s32 $0x40;
	p0 =	por $0x0, $0x0;
	[tilespmem:v3+s16+$0x0] =	vst.idx.add.f32.msk $0xffff, v2  }
0x3ef: {  	s26 =	sshra.s32 s25, $0x2;
	s25 =	sadd.s32 $0x200, s25  }
.LBB2_14:
0x3f0: {  	p0 =	sne.s32 s25, $0xFE00;
	[tilespmem:s26+$0x1C070] =	vst v0  }
0x3f1: {  	[tilespmem:s26+$0x1C000] =	vst v0  }
0x3f2: {  	[tilespmem:s26+$0x1C010] =	vst v0  }
.Ltmp6:
0x3f3: {  	[tilespmem:s26+$0x1C020] =	vst v0;
	(pc) =	sbr.rel @p0 .LBB2_14-.Ltmp6, $4  }
0x3f4: {  	[tilespmem:s26+$0x1C030] =	vst v0  }
0x3f5: {  	[tilespmem:s26+$0x1C040] =	vst v0  }
0x3f6: {  	[tilespmem:s26+$0x1C050] =	vst v0  }
0x3f7: {  	[tilespmem:s26+$0x1C060] =	vst v0;
	s26 =	sshra.s32 s25, $0x2;
	s25 =	sadd.s32 $0x200, s25  }
0x3f8: {  	[tilespmem:s26+$0x1C070] =	vst v0  }
0x3f9: {  	[tilespmem:s26+$0x1C000] =	vst v0  }
0x3fa: {  	[tilespmem:s26+$0x1C010] =	vst v0  }
0x3fb: {  	[tilespmem:s26+$0x1C020] =	vst v0  }
0x3fc: {  	[tilespmem:s26+$0x1C030] =	vst v0  }
0x3fd: {  	[tilespmem:s26+$0x1C040] =	vst v0  }
0x3fe: {  	[tilespmem:s26+$0x1C050] =	vst v0  }
0x3ff: {  	[tilespmem:s26+$0x1C060] =	vst v0;
	s25 =	simm.s32 $0x0  }
0x400: {  	[hbm4b:s9+s25] =	stream.linear.scatter [tilespmem:s20], [sflag:$0x5], $0x4000, $0x38;
	v63 =	vld [tilespmem:$0x0]  }
0x401: {  	_ =	swait.ge [sflag:s21], $0x4000  }
0x402: {  	[sflag:s21] =	ssyncset.done $0x0  }
0x403: {  	p0 =	por $0x1, $0x1;
	[sflag:s21] =	ssyncadd.s32 $0xFFFFC000  }
.LBB2_16:
0x404: {  	s26 =	sor.u32 $0x180, s25  }
0x405: {  	s29 =	sor.u32 $0x190, s25;
	v3 =	vmov s26  }
0x406: {  	v4 =	vmov s29;
	v3 =	vshll.u32 v3, $0x7  }
0x407: {  	s30 =	sor.u32 $0x1A0, s25;
	v4 =	vshll.u32 v4, $0x7;
	v6 =	vor.u32 v1, v3  }
0x408: {  	s31 =	sor.u32 $0x1B0, s25;
	v3 =	vmov s30;
	v5 =	vor.u32 v1, v4  }
0x409: {  	v51 =	vmov s31;
	v3 =	vshll.u32 v3, $0x7  }
0x40a: {  	v7 =	vshll.u32 v51, $0x7;
	v4 =	vor.u32 v1, v3  }
0x40b: {  	v3 =	vor.u32 v1, v7  }
0x40c: {  	v52 =	vld.idx.msk [tilespmem:v6+s2+$0x0], $0xffff  }
0x40d: {  	v8 =	vld.idx.msk [tilespmem:v5+s2+$0x0], $0xffff;
	_ =	sdelay $0x1  }
0x40e: {  	v9 =	vld.idx.msk [tilespmem:v4+s2+$0x0], $0xffff  }
0x40f: {  	v10 =	vld.idx.msk [tilespmem:v3+s2+$0x0], $0xffff;
	_ =	sdelay $0x1  }
0x410: {  	v11 =	vand.u32 $0xFFFFFF80, v52;
	v7 =	vand.u32 $0x7F, v52;
	v12 =	vand.u32 $0xFFFFFF80, v8  }
0x411: {  	v8 =	vand.u32 $0x7F, v8;
	v11 =	vadd.s32 v6, v11;
	v12 =	vadd.s32 v5, v12  }
0x412: {  	v7 =	vor.u32 v7, v11;
	v8 =	vor.u32 v8, v12;
	v53 =	vand.u32 $0xFFFFFF80, v9  }
0x413: {  	v9 =	vand.u32 $0x7F, v9;
	v54 =	vand.u32 $0xFFFFFF80, v10;
	v11 =	vadd.s32 v4, v53  }
0x414: {  	v10 =	vand.u32 $0x7F, v10;
	v55 =	vadd.s32 v3, v54;
	v9 =	vor.u32 v9, v11  }
0x415: {  	v10 =	vor.u32 v10, v55  }
0x416: {  	v56 =	vor.u32 $0x1, v6  }
0x417: {  	v57 =	vor.u32 $0x1, v5;
	[tilespmem:v7+s16+$0x0] =	vst.idx.add.f32.msk $0xffff, v2  }
0x418: {  	v58 =	vor.u32 $0x1, v4;
	[tilespmem:v8+s16+$0x0] =	vst.idx.add.f32.msk $0xffff, v2  }
0x419: {  	[tilespmem:v9+s16+$0x0] =	vst.idx.add.f32.msk $0xffff, v2  }
0x41a: {  	v59 =	vor.u32 $0x1, v3;
	[tilespmem:v10+s16+$0x0] =	vst.idx.add.f32.msk $0xffff, v2  }
0x41b: {  	v10 =	vld.idx.msk [tilespmem:v56+s2+$0x0], $0xffff  }
0x41c: {  	v7 =	vld.idx.msk [tilespmem:v57+s2+$0x0], $0xffff  }
0x41d: {  	v8 =	vld.idx.msk [tilespmem:v58+s2+$0x0], $0xffff;
	_ =	sdelay $0x1  }
0x41e: {  	v9 =	vld.idx.msk [tilespmem:v59+s2+$0x0], $0xffff;
	_ =	sdelay $0x1  }
0x41f: {  	v11 =	vand.u32 $0xFFFFFF80, v10;
	v10 =	vand.u32 $0x7F, v10;
	v60 =	vand.u32 $0xFFFFFF80, v7  }
0x420: {  	v7 =	vand.u32 $0x7F, v7;
	v61 =	vand.u32 $0xFFFFFF80, v8;
	v11 =	vadd.s32 v6, v11  }
0x421: {  	v8 =	vand.u32 $0x7F, v8;
	v12 =	vadd.s32 v5, v60;
	v10 =	vor.u32 v10, v11  }
0x422: {  	v62 =	vand.u32 $0xFFFFFF80, v9;
	v7 =	vor.u32 v7, v12;
	v11 =	vadd.s32 v4, v61  }
0x423: {  	v9 =	vand.u32 $0x7F, v9;
	v15 =	vadd.s32 v3, v62;
	v8 =	vor.u32 v8, v11  }
0x424: {  	v9 =	vor.u32 v9, v15  }
0x425: {  	v16 =	vor.u32 $0x2, v6  }
0x426: {  	v17 =	vor.u32 $0x2, v5;
	[tilespmem:v10+s16+$0x0] =	vst.idx.add.f32.msk $0xffff, v2  }
0x427: {  	v18 =	vor.u32 $0x2, v4;
	[tilespmem:v7+s16+$0x0] =	vst.idx.add.f32.msk $0xffff, v2  }
0x428: {  	[tilespmem:v8+s16+$0x0] =	vst.idx.add.f32.msk $0xffff, v2  }
0x429: {  	v19 =	vor.u32 $0x2, v3;
	[tilespmem:v9+s16+$0x0] =	vst.idx.add.f32.msk $0xffff, v2  }
0x42a: {  	v9 =	vld.idx.msk [tilespmem:v16+s2+$0x0], $0xffff  }
0x42b: {  	v10 =	vld.idx.msk [tilespmem:v17+s2+$0x0], $0xffff  }
0x42c: {  	v7 =	vld.idx.msk [tilespmem:v18+s2+$0x0], $0xffff;
	_ =	sdelay $0x1  }
0x42d: {  	v8 =	vld.idx.msk [tilespmem:v19+s2+$0x0], $0xffff;
	_ =	sdelay $0x1  }
0x42e: {  	v11 =	vand.u32 $0xFFFFFF80, v9;
	v9 =	vand.u32 $0x7F, v9;
	v20 =	vand.u32 $0xFFFFFF80, v10  }
0x42f: {  	v10 =	vand.u32 $0x7F, v10;
	v21 =	vand.u32 $0xFFFFFF80, v7;
	v11 =	vadd.s32 v6, v11  }
0x430: {  	v7 =	vand.u32 $0x7F, v7;
	v12 =	vadd.s32 v5, v20;
	v9 =	vor.u32 v9, v11  }
0x431: {  	v22 =	vand.u32 $0xFFFFFF80, v8;
	v10 =	vor.u32 v10, v12;
	v11 =	vadd.s32 v4, v21  }
0x432: {  	v8 =	vand.u32 $0x7F, v8;
	v23 =	vadd.s32 v3, v22;
	v7 =	vor.u32 v7, v11  }
0x433: {  	v8 =	vor.u32 v8, v23  }
0x434: {  	v24 =	vor.u32 $0x3, v6  }
0x435: {  	v25 =	vor.u32 $0x3, v5;
	[tilespmem:v9+s16+$0x0] =	vst.idx.add.f32.msk $0xffff, v2  }
0x436: {  	v26 =	vor.u32 $0x3, v4;
	[tilespmem:v10+s16+$0x0] =	vst.idx.add.f32.msk $0xffff, v2  }
0x437: {  	[tilespmem:v7+s16+$0x0] =	vst.idx.add.f32.msk $0xffff, v2  }
0x438: {  	v27 =	vor.u32 $0x3, v3;
	[tilespmem:v8+s16+$0x0] =	vst.idx.add.f32.msk $0xffff, v2  }
0x439: {  	v10 =	vld.idx.msk [tilespmem:v24+s2+$0x0], $0xffff  }
0x43a: {  	v9 =	vld.idx.msk [tilespmem:v25+s2+$0x0], $0xffff  }
0x43b: {  	v7 =	vld.idx.msk [tilespmem:v26+s2+$0x0], $0xffff;
	_ =	sdelay $0x1  }
0x43c: {  	v8 =	vld.idx.msk [tilespmem:v27+s2+$0x0], $0xffff;
	_ =	sdelay $0x1  }
0x43d: {  	v11 =	vand.u32 $0xFFFFFF80, v10;
	v10 =	vand.u32 $0x7F, v10;
	v28 =	vand.u32 $0xFFFFFF80, v9  }
0x43e: {  	v9 =	vand.u32 $0x7F, v9;
	v29 =	vand.u32 $0xFFFFFF80, v7;
	v11 =	vadd.s32 v6, v11  }
0x43f: {  	v7 =	vand.u32 $0x7F, v7;
	v12 =	vadd.s32 v5, v28;
	v10 =	vor.u32 v10, v11  }
0x440: {  	v30 =	vand.u32 $0xFFFFFF80, v8;
	v9 =	vor.u32 v9, v12;
	v11 =	vadd.s32 v4, v29  }
0x441: {  	v8 =	vand.u32 $0x7F, v8;
	v31 =	vadd.s32 v3, v30;
	v7 =	vor.u32 v7, v11  }
0x442: {  	v8 =	vor.u32 v8, v31  }
0x443: {  	v32 =	vor.u32 $0x4, v6  }
0x444: {  	v33 =	vor.u32 $0x4, v5;
	[tilespmem:v10+s16+$0x0] =	vst.idx.add.f32.msk $0xffff, v2  }
0x445: {  	v34 =	vor.u32 $0x4, v4;
	[tilespmem:v9+s16+$0x0] =	vst.idx.add.f32.msk $0xffff, v2  }
0x446: {  	[tilespmem:v7+s16+$0x0] =	vst.idx.add.f32.msk $0xffff, v2  }
0x447: {  	v35 =	vor.u32 $0x4, v3;
	[tilespmem:v8+s16+$0x0] =	vst.idx.add.f32.msk $0xffff, v2  }
0x448: {  	v9 =	vld.idx.msk [tilespmem:v32+s2+$0x0], $0xffff  }
0x449: {  	v10 =	vld.idx.msk [tilespmem:v33+s2+$0x0], $0xffff  }
0x44a: {  	v7 =	vld.idx.msk [tilespmem:v34+s2+$0x0], $0xffff;
	_ =	sdelay $0x1  }
0x44b: {  	v8 =	vld.idx.msk [tilespmem:v35+s2+$0x0], $0xffff;
	_ =	sdelay $0x1  }
0x44c: {  	v11 =	vand.u32 $0xFFFFFF80, v9;
	v9 =	vand.u32 $0x7F, v9;
	v36 =	vand.u32 $0xFFFFFF80, v10  }
0x44d: {  	v10 =	vand.u32 $0x7F, v10;
	v37 =	vand.u32 $0xFFFFFF80, v7;
	v11 =	vadd.s32 v6, v11  }
0x44e: {  	v7 =	vand.u32 $0x7F, v7;
	v12 =	vadd.s32 v5, v36;
	v9 =	vor.u32 v9, v11  }
0x44f: {  	v38 =	vand.u32 $0xFFFFFF80, v8;
	v10 =	vor.u32 v10, v12;
	v11 =	vadd.s32 v4, v37  }
0x450: {  	v8 =	vand.u32 $0x7F, v8;
	v39 =	vadd.s32 v3, v38;
	v7 =	vor.u32 v7, v11  }
0x451: {  	v8 =	vor.u32 v8, v39  }
0x452: {  	v40 =	vor.u32 $0x5, v6  }
0x453: {  	v41 =	vor.u32 $0x5, v5;
	[tilespmem:v9+s16+$0x0] =	vst.idx.add.f32.msk $0xffff, v2  }
0x454: {  	v42 =	vor.u32 $0x5, v4;
	[tilespmem:v10+s16+$0x0] =	vst.idx.add.f32.msk $0xffff, v2  }
0x455: {  	[tilespmem:v7+s16+$0x0] =	vst.idx.add.f32.msk $0xffff, v2  }
0x456: {  	v43 =	vor.u32 $0x5, v3;
	[tilespmem:v8+s16+$0x0] =	vst.idx.add.f32.msk $0xffff, v2  }
0x457: {  	v10 =	vld.idx.msk [tilespmem:v40+s2+$0x0], $0xffff  }
0x458: {  	v9 =	vld.idx.msk [tilespmem:v41+s2+$0x0], $0xffff  }
0x459: {  	v7 =	vld.idx.msk [tilespmem:v42+s2+$0x0], $0xffff;
	_ =	sdelay $0x1  }
0x45a: {  	v8 =	vld.idx.msk [tilespmem:v43+s2+$0x0], $0xffff;
	_ =	sdelay $0x1  }
0x45b: {  	v11 =	vand.u32 $0xFFFFFF80, v10;
	v10 =	vand.u32 $0x7F, v10;
	v44 =	vand.u32 $0xFFFFFF80, v9  }
0x45c: {  	v9 =	vand.u32 $0x7F, v9;
	v45 =	vand.u32 $0xFFFFFF80, v7;
	v11 =	vadd.s32 v6, v11  }
0x45d: {  	v7 =	vand.u32 $0x7F, v7;
	v12 =	vadd.s32 v5, v44;
	v10 =	vor.u32 v10, v11  }
0x45e: {  	v46 =	vand.u32 $0xFFFFFF80, v8;
	v9 =	vor.u32 v9, v12;
	v11 =	vadd.s32 v4, v45  }
0x45f: {  	v8 =	vand.u32 $0x7F, v8;
	v47 =	vadd.s32 v3, v46;
	v7 =	vor.u32 v7, v11  }
0x460: {  	v8 =	vor.u32 v8, v47  }
0x461: {  	v48 =	vor.u32 $0x6, v6  }
0x462: {  	v49 =	vor.u32 $0x6, v5;
	[tilespmem:v10+s16+$0x0] =	vst.idx.add.f32.msk $0xffff, v2  }
0x463: {  	v50 =	vor.u32 $0x6, v4;
	[tilespmem:v9+s16+$0x0] =	vst.idx.add.f32.msk $0xffff, v2  }
0x464: {  	[tilespmem:v7+s16+$0x0] =	vst.idx.add.f32.msk $0xffff, v2  }
0x465: {  	v51 =	vor.u32 $0x6, v3;
	[tilespmem:v8+s16+$0x0] =	vst.idx.add.f32.msk $0xffff, v2  }
0x466: {  	v9 =	vld.idx.msk [tilespmem:v48+s2+$0x0], $0xffff  }
0x467: {  	v10 =	vld.idx.msk [tilespmem:v49+s2+$0x0], $0xffff  }
0x468: {  	v7 =	vld.idx.msk [tilespmem:v50+s2+$0x0], $0xffff;
	_ =	sdelay $0x1  }
0x469: {  	v8 =	vld.idx.msk [tilespmem:v51+s2+$0x0], $0xffff;
	_ =	sdelay $0x1  }
0x46a: {  	v11 =	vand.u32 $0xFFFFFF80, v9;
	v9 =	vand.u32 $0x7F, v9;
	v52 =	vand.u32 $0xFFFFFF80, v10  }
0x46b: {  	v10 =	vand.u32 $0x7F, v10;
	v53 =	vand.u32 $0xFFFFFF80, v7;
	v11 =	vadd.s32 v6, v11  }
0x46c: {  	v7 =	vand.u32 $0x7F, v7;
	v12 =	vadd.s32 v5, v52;
	v9 =	vor.u32 v9, v11  }
0x46d: {  	v54 =	vand.u32 $0xFFFFFF80, v8;
	v10 =	vor.u32 v10, v12;
	v11 =	vadd.s32 v4, v53  }
0x46e: {  	v8 =	vand.u32 $0x7F, v8;
	v55 =	vadd.s32 v3, v54;
	v7 =	vor.u32 v7, v11  }
0x46f: {  	v8 =	vor.u32 v8, v55  }
0x470: {  	v56 =	vor.u32 $0x7, v6  }
0x471: {  	v57 =	vor.u32 $0x7, v5;
	[tilespmem:v9+s16+$0x0] =	vst.idx.add.f32.msk $0xffff, v2  }
0x472: {  	v58 =	vor.u32 $0x7, v4;
	[tilespmem:v10+s16+$0x0] =	vst.idx.add.f32.msk $0xffff, v2  }
0x473: {  	[tilespmem:v7+s16+$0x0] =	vst.idx.add.f32.msk $0xffff, v2  }
0x474: {  	v59 =	vor.u32 $0x7, v3;
	[tilespmem:v8+s16+$0x0] =	vst.idx.add.f32.msk $0xffff, v2  }
0x475: {  	v10 =	vld.idx.msk [tilespmem:v56+s2+$0x0], $0xffff  }
0x476: {  	v9 =	vld.idx.msk [tilespmem:v57+s2+$0x0], $0xffff  }
0x477: {  	v7 =	vld.idx.msk [tilespmem:v58+s2+$0x0], $0xffff;
	_ =	sdelay $0x1  }
0x478: {  	v8 =	vld.idx.msk [tilespmem:v59+s2+$0x0], $0xffff;
	_ =	sdelay $0x1  }
0x479: {  	v11 =	vand.u32 $0xFFFFFF80, v10;
	v10 =	vand.u32 $0x7F, v10;
	v60 =	vand.u32 $0xFFFFFF80, v9  }
0x47a: {  	v9 =	vand.u32 $0x7F, v9;
	v61 =	vand.u32 $0xFFFFFF80, v7;
	v11 =	vadd.s32 v6, v11  }
0x47b: {  	v7 =	vand.u32 $0x7F, v7;
	v12 =	vadd.s32 v5, v60;
	v10 =	vor.u32 v10, v11  }
0x47c: {  	v62 =	vand.u32 $0xFFFFFF80, v8;
	v9 =	vor.u32 v9, v12;
	v11 =	vadd.s32 v4, v61  }
0x47d: {  	v8 =	vand.u32 $0x7F, v8;
	v15 =	vadd.s32 v3, v62;
	v7 =	vor.u32 v7, v11  }
0x47e: {  	v8 =	vor.u32 v8, v15  }
0x47f: {  	v16 =	vor.u32 $0x8, v6  }
0x480: {  	v17 =	vor.u32 $0x8, v5;
	[tilespmem:v10+s16+$0x0] =	vst.idx.add.f32.msk $0xffff, v2  }
0x481: {  	v18 =	vor.u32 $0x8, v4;
	[tilespmem:v9+s16+$0x0] =	vst.idx.add.f32.msk $0xffff, v2  }
0x482: {  	[tilespmem:v7+s16+$0x0] =	vst.idx.add.f32.msk $0xffff, v2  }
0x483: {  	v19 =	vor.u32 $0x8, v3;
	[tilespmem:v8+s16+$0x0] =	vst.idx.add.f32.msk $0xffff, v2  }
0x484: {  	v9 =	vld.idx.msk [tilespmem:v16+s2+$0x0], $0xffff  }
0x485: {  	v10 =	vld.idx.msk [tilespmem:v17+s2+$0x0], $0xffff  }
0x486: {  	v7 =	vld.idx.msk [tilespmem:v18+s2+$0x0], $0xffff;
	_ =	sdelay $0x1  }
0x487: {  	v8 =	vld.idx.msk [tilespmem:v19+s2+$0x0], $0xffff;
	_ =	sdelay $0x1  }
0x488: {  	v11 =	vand.u32 $0xFFFFFF80, v9;
	v9 =	vand.u32 $0x7F, v9;
	v20 =	vand.u32 $0xFFFFFF80, v10  }
0x489: {  	v10 =	vand.u32 $0x7F, v10;
	v21 =	vand.u32 $0xFFFFFF80, v7;
	v11 =	vadd.s32 v6, v11  }
0x48a: {  	v7 =	vand.u32 $0x7F, v7;
	v12 =	vadd.s32 v5, v20;
	v9 =	vor.u32 v9, v11  }
0x48b: {  	v22 =	vand.u32 $0xFFFFFF80, v8;
	v10 =	vor.u32 v10, v12;
	v11 =	vadd.s32 v4, v21  }
0x48c: {  	v8 =	vand.u32 $0x7F, v8;
	v23 =	vadd.s32 v3, v22;
	v7 =	vor.u32 v7, v11  }
0x48d: {  	v8 =	vor.u32 v8, v23  }
0x48e: {  	v24 =	vor.u32 $0x9, v6  }
0x48f: {  	v25 =	vor.u32 $0x9, v5;
	[tilespmem:v9+s16+$0x0] =	vst.idx.add.f32.msk $0xffff, v2  }
0x490: {  	v26 =	vor.u32 $0x9, v4;
	[tilespmem:v10+s16+$0x0] =	vst.idx.add.f32.msk $0xffff, v2  }
0x491: {  	[tilespmem:v7+s16+$0x0] =	vst.idx.add.f32.msk $0xffff, v2  }
0x492: {  	v27 =	vor.u32 $0x9, v3;
	[tilespmem:v8+s16+$0x0] =	vst.idx.add.f32.msk $0xffff, v2  }
0x493: {  	v10 =	vld.idx.msk [tilespmem:v24+s2+$0x0], $0xffff  }
0x494: {  	v9 =	vld.idx.msk [tilespmem:v25+s2+$0x0], $0xffff  }
0x495: {  	v7 =	vld.idx.msk [tilespmem:v26+s2+$0x0], $0xffff;
	_ =	sdelay $0x1  }
0x496: {  	v8 =	vld.idx.msk [tilespmem:v27+s2+$0x0], $0xffff;
	_ =	sdelay $0x1  }
0x497: {  	v11 =	vand.u32 $0xFFFFFF80, v10;
	v10 =	vand.u32 $0x7F, v10;
	v28 =	vand.u32 $0xFFFFFF80, v9  }
0x498: {  	v9 =	vand.u32 $0x7F, v9;
	v29 =	vand.u32 $0xFFFFFF80, v7;
	v11 =	vadd.s32 v6, v11  }
0x499: {  	v7 =	vand.u32 $0x7F, v7;
	v12 =	vadd.s32 v5, v28;
	v10 =	vor.u32 v10, v11  }
0x49a: {  	v30 =	vand.u32 $0xFFFFFF80, v8;
	v9 =	vor.u32 v9, v12;
	v11 =	vadd.s32 v4, v29  }
0x49b: {  	v8 =	vand.u32 $0x7F, v8;
	v31 =	vadd.s32 v3, v30;
	v7 =	vor.u32 v7, v11  }
0x49c: {  	v8 =	vor.u32 v8, v31  }
0x49d: {  	v32 =	vor.u32 $0xA, v6  }
0x49e: {  	v33 =	vor.u32 $0xA, v5;
	[tilespmem:v10+s16+$0x0] =	vst.idx.add.f32.msk $0xffff, v2  }
0x49f: {  	v34 =	vor.u32 $0xA, v4;
	[tilespmem:v9+s16+$0x0] =	vst.idx.add.f32.msk $0xffff, v2  }
0x4a0: {  	[tilespmem:v7+s16+$0x0] =	vst.idx.add.f32.msk $0xffff, v2  }
0x4a1: {  	v35 =	vor.u32 $0xA, v3;
	[tilespmem:v8+s16+$0x0] =	vst.idx.add.f32.msk $0xffff, v2  }
0x4a2: {  	v9 =	vld.idx.msk [tilespmem:v32+s2+$0x0], $0xffff  }
0x4a3: {  	v10 =	vld.idx.msk [tilespmem:v33+s2+$0x0], $0xffff  }
0x4a4: {  	v7 =	vld.idx.msk [tilespmem:v34+s2+$0x0], $0xffff;
	_ =	sdelay $0x1  }
0x4a5: {  	v8 =	vld.idx.msk [tilespmem:v35+s2+$0x0], $0xffff;
	_ =	sdelay $0x1  }
0x4a6: {  	v11 =	vand.u32 $0xFFFFFF80, v9;
	v9 =	vand.u32 $0x7F, v9;
	v36 =	vand.u32 $0xFFFFFF80, v10  }
0x4a7: {  	v10 =	vand.u32 $0x7F, v10;
	v37 =	vand.u32 $0xFFFFFF80, v7;
	v11 =	vadd.s32 v6, v11  }
0x4a8: {  	v7 =	vand.u32 $0x7F, v7;
	v12 =	vadd.s32 v5, v36;
	v9 =	vor.u32 v9, v11  }
0x4a9: {  	v38 =	vand.u32 $0xFFFFFF80, v8;
	v10 =	vor.u32 v10, v12;
	v11 =	vadd.s32 v4, v37  }
0x4aa: {  	v8 =	vand.u32 $0x7F, v8;
	v39 =	vadd.s32 v3, v38;
	v7 =	vor.u32 v7, v11  }
0x4ab: {  	v8 =	vor.u32 v8, v39  }
0x4ac: {  	v40 =	vor.u32 $0xB, v6  }
0x4ad: {  	v41 =	vor.u32 $0xB, v5;
	[tilespmem:v9+s16+$0x0] =	vst.idx.add.f32.msk $0xffff, v2  }
0x4ae: {  	v42 =	vor.u32 $0xB, v4;
	[tilespmem:v10+s16+$0x0] =	vst.idx.add.f32.msk $0xffff, v2  }
0x4af: {  	[tilespmem:v7+s16+$0x0] =	vst.idx.add.f32.msk $0xffff, v2  }
0x4b0: {  	v43 =	vor.u32 $0xB, v3;
	[tilespmem:v8+s16+$0x0] =	vst.idx.add.f32.msk $0xffff, v2  }
0x4b1: {  	v10 =	vld.idx.msk [tilespmem:v40+s2+$0x0], $0xffff  }
0x4b2: {  	v9 =	vld.idx.msk [tilespmem:v41+s2+$0x0], $0xffff  }
0x4b3: {  	v7 =	vld.idx.msk [tilespmem:v42+s2+$0x0], $0xffff;
	_ =	sdelay $0x1  }
0x4b4: {  	v8 =	vld.idx.msk [tilespmem:v43+s2+$0x0], $0xffff;
	_ =	sdelay $0x1  }
0x4b5: {  	v11 =	vand.u32 $0xFFFFFF80, v10;
	v10 =	vand.u32 $0x7F, v10;
	v44 =	vand.u32 $0xFFFFFF80, v9  }
0x4b6: {  	v9 =	vand.u32 $0x7F, v9;
	v45 =	vand.u32 $0xFFFFFF80, v7;
	v11 =	vadd.s32 v6, v11  }
0x4b7: {  	v7 =	vand.u32 $0x7F, v7;
	v12 =	vadd.s32 v5, v44;
	v10 =	vor.u32 v10, v11  }
0x4b8: {  	v46 =	vand.u32 $0xFFFFFF80, v8;
	v9 =	vor.u32 v9, v12;
	v11 =	vadd.s32 v4, v45  }
0x4b9: {  	v8 =	vand.u32 $0x7F, v8;
	v47 =	vadd.s32 v3, v46;
	v7 =	vor.u32 v7, v11  }
0x4ba: {  	v8 =	vor.u32 v8, v47  }
0x4bb: {  	v48 =	vor.u32 $0xC, v6  }
0x4bc: {  	v49 =	vor.u32 $0xC, v5;
	[tilespmem:v10+s16+$0x0] =	vst.idx.add.f32.msk $0xffff, v2  }
0x4bd: {  	v50 =	vor.u32 $0xC, v4;
	[tilespmem:v9+s16+$0x0] =	vst.idx.add.f32.msk $0xffff, v2  }
0x4be: {  	[tilespmem:v7+s16+$0x0] =	vst.idx.add.f32.msk $0xffff, v2  }
0x4bf: {  	v51 =	vor.u32 $0xC, v3;
	[tilespmem:v8+s16+$0x0] =	vst.idx.add.f32.msk $0xffff, v2  }
0x4c0: {  	v9 =	vld.idx.msk [tilespmem:v48+s2+$0x0], $0xffff  }
0x4c1: {  	v10 =	vld.idx.msk [tilespmem:v49+s2+$0x0], $0xffff  }
0x4c2: {  	v7 =	vld.idx.msk [tilespmem:v50+s2+$0x0], $0xffff;
	_ =	sdelay $0x1  }
0x4c3: {  	v8 =	vld.idx.msk [tilespmem:v51+s2+$0x0], $0xffff;
	_ =	sdelay $0x1  }
0x4c4: {  	v11 =	vand.u32 $0xFFFFFF80, v9;
	v9 =	vand.u32 $0x7F, v9;
	v52 =	vand.u32 $0xFFFFFF80, v10  }
0x4c5: {  	v10 =	vand.u32 $0x7F, v10;
	v53 =	vand.u32 $0xFFFFFF80, v7;
	v11 =	vadd.s32 v6, v11  }
0x4c6: {  	v7 =	vand.u32 $0x7F, v7;
	v12 =	vadd.s32 v5, v52;
	v9 =	vor.u32 v9, v11  }
0x4c7: {  	v54 =	vand.u32 $0xFFFFFF80, v8;
	v10 =	vor.u32 v10, v12;
	v11 =	vadd.s32 v4, v53  }
0x4c8: {  	v8 =	vand.u32 $0x7F, v8;
	v55 =	vadd.s32 v3, v54;
	v7 =	vor.u32 v7, v11  }
0x4c9: {  	v8 =	vor.u32 v8, v55  }
0x4ca: {  	v56 =	vor.u32 $0xD, v6  }
0x4cb: {  	v57 =	vor.u32 $0xD, v5;
	[tilespmem:v9+s16+$0x0] =	vst.idx.add.f32.msk $0xffff, v2  }
0x4cc: {  	v58 =	vor.u32 $0xD, v4;
	[tilespmem:v10+s16+$0x0] =	vst.idx.add.f32.msk $0xffff, v2  }
0x4cd: {  	[tilespmem:v7+s16+$0x0] =	vst.idx.add.f32.msk $0xffff, v2  }
0x4ce: {  	v59 =	vor.u32 $0xD, v3;
	[tilespmem:v8+s16+$0x0] =	vst.idx.add.f32.msk $0xffff, v2  }
0x4cf: {  	v10 =	vld.idx.msk [tilespmem:v56+s2+$0x0], $0xffff  }
0x4d0: {  	v9 =	vld.idx.msk [tilespmem:v57+s2+$0x0], $0xffff  }
0x4d1: {  	v7 =	vld.idx.msk [tilespmem:v58+s2+$0x0], $0xffff;
	_ =	sdelay $0x1  }
0x4d2: {  	v8 =	vld.idx.msk [tilespmem:v59+s2+$0x0], $0xffff;
	_ =	sdelay $0x1  }
0x4d3: {  	v11 =	vand.u32 $0xFFFFFF80, v10;
	v10 =	vand.u32 $0x7F, v10;
	v60 =	vand.u32 $0xFFFFFF80, v9  }
0x4d4: {  	v9 =	vand.u32 $0x7F, v9;
	v61 =	vand.u32 $0xFFFFFF80, v7;
	v11 =	vadd.s32 v6, v11  }
0x4d5: {  	v7 =	vand.u32 $0x7F, v7;
	v12 =	vadd.s32 v5, v60;
	v10 =	vor.u32 v10, v11  }
0x4d6: {  	v62 =	vand.u32 $0xFFFFFF80, v8;
	v9 =	vor.u32 v9, v12;
	v11 =	vadd.s32 v4, v61  }
0x4d7: {  	v8 =	vand.u32 $0x7F, v8;
	v14 =	vadd.s32 v3, v62;
	v7 =	vor.u32 v7, v11  }
0x4d8: {  	v8 =	vor.u32 v8, v14  }
0x4d9: {  	v15 =	vor.u32 $0xE, v6  }
0x4da: {  	v16 =	vor.u32 $0xE, v5;
	[tilespmem:v10+s16+$0x0] =	vst.idx.add.f32.msk $0xffff, v2  }
0x4db: {  	v17 =	vor.u32 $0xE, v4;
	[tilespmem:v9+s16+$0x0] =	vst.idx.add.f32.msk $0xffff, v2  }
0x4dc: {  	[tilespmem:v7+s16+$0x0] =	vst.idx.add.f32.msk $0xffff, v2  }
0x4dd: {  	v18 =	vor.u32 $0xE, v3;
	[tilespmem:v8+s16+$0x0] =	vst.idx.add.f32.msk $0xffff, v2  }
0x4de: {  	v9 =	vld.idx.msk [tilespmem:v15+s2+$0x0], $0xffff  }
0x4df: {  	v10 =	vld.idx.msk [tilespmem:v16+s2+$0x0], $0xffff  }
0x4e0: {  	v7 =	vld.idx.msk [tilespmem:v17+s2+$0x0], $0xffff;
	_ =	sdelay $0x1  }
0x4e1: {  	v8 =	vld.idx.msk [tilespmem:v18+s2+$0x0], $0xffff;
	_ =	sdelay $0x1  }
0x4e2: {  	v11 =	vand.u32 $0xFFFFFF80, v9;
	v9 =	vand.u32 $0x7F, v9;
	v19 =	vand.u32 $0xFFFFFF80, v10  }
0x4e3: {  	v10 =	vand.u32 $0x7F, v10;
	v20 =	vand.u32 $0xFFFFFF80, v7;
	v11 =	vadd.s32 v6, v11  }
0x4e4: {  	v7 =	vand.u32 $0x7F, v7;
	v12 =	vadd.s32 v5, v19;
	v9 =	vor.u32 v9, v11  }
0x4e5: {  	v21 =	vand.u32 $0xFFFFFF80, v8;
	v10 =	vor.u32 v10, v12;
	v11 =	vadd.s32 v4, v20  }
0x4e6: {  	v8 =	vand.u32 $0x7F, v8;
	v22 =	vadd.s32 v3, v21;
	v7 =	vor.u32 v7, v11  }
0x4e7: {  	v8 =	vor.u32 v8, v22  }
0x4e8: {  	v23 =	vor.u32 $0xF, v6  }
0x4e9: {  	v24 =	vor.u32 $0xF, v5;
	[tilespmem:v9+s16+$0x0] =	vst.idx.add.f32.msk $0xffff, v2  }
0x4ea: {  	v25 =	vor.u32 $0xF, v4;
	[tilespmem:v10+s16+$0x0] =	vst.idx.add.f32.msk $0xffff, v2  }
0x4eb: {  	[tilespmem:v7+s16+$0x0] =	vst.idx.add.f32.msk $0xffff, v2  }
0x4ec: {  	v26 =	vor.u32 $0xF, v3;
	[tilespmem:v8+s16+$0x0] =	vst.idx.add.f32.msk $0xffff, v2  }
0x4ed: {  	v10 =	vld.idx.msk [tilespmem:v23+s2+$0x0], $0xffff  }
0x4ee: {  	v9 =	vld.idx.msk [tilespmem:v24+s2+$0x0], $0xffff  }
0x4ef: {  	v7 =	vld.idx.msk [tilespmem:v25+s2+$0x0], $0xffff;
	_ =	sdelay $0x1  }
0x4f0: {  	v8 =	vld.idx.msk [tilespmem:v26+s2+$0x0], $0xffff;
	_ =	sdelay $0x1  }
0x4f1: {  	v11 =	vand.u32 $0xFFFFFF80, v10;
	v10 =	vand.u32 $0x7F, v10;
	v27 =	vand.u32 $0xFFFFFF80, v9  }
0x4f2: {  	v9 =	vand.u32 $0x7F, v9;
	v28 =	vand.u32 $0xFFFFFF80, v7;
	v11 =	vadd.s32 v6, v11  }
0x4f3: {  	v7 =	vand.u32 $0x7F, v7;
	v12 =	vadd.s32 v5, v27;
	v10 =	vor.u32 v10, v11  }
0x4f4: {  	v29 =	vand.u32 $0xFFFFFF80, v8;
	v9 =	vor.u32 v9, v12;
	v11 =	vadd.s32 v4, v28  }
0x4f5: {  	v8 =	vand.u32 $0x7F, v8;
	v30 =	vadd.s32 v3, v29;
	v7 =	vor.u32 v7, v11  }
0x4f6: {  	v8 =	vor.u32 v8, v30  }
0x4f7: {  	v31 =	vor.u32 $0x10, v6  }
0x4f8: {  	v32 =	vor.u32 $0x10, v5;
	[tilespmem:v10+s16+$0x0] =	vst.idx.add.f32.msk $0xffff, v2  }
0x4f9: {  	v33 =	vor.u32 $0x10, v4;
	[tilespmem:v9+s16+$0x0] =	vst.idx.add.f32.msk $0xffff, v2  }
0x4fa: {  	[tilespmem:v7+s16+$0x0] =	vst.idx.add.f32.msk $0xffff, v2  }
0x4fb: {  	v34 =	vor.u32 $0x10, v3;
	[tilespmem:v8+s16+$0x0] =	vst.idx.add.f32.msk $0xffff, v2  }
0x4fc: {  	v9 =	vld.idx.msk [tilespmem:v31+s2+$0x0], $0xffff  }
0x4fd: {  	v10 =	vld.idx.msk [tilespmem:v32+s2+$0x0], $0xffff  }
0x4fe: {  	v7 =	vld.idx.msk [tilespmem:v33+s2+$0x0], $0xffff;
	_ =	sdelay $0x1  }
0x4ff: {  	v8 =	vld.idx.msk [tilespmem:v34+s2+$0x0], $0xffff;
	_ =	sdelay $0x1  }
0x500: {  	v11 =	vand.u32 $0xFFFFFF80, v9;
	v9 =	vand.u32 $0x7F, v9;
	v35 =	vand.u32 $0xFFFFFF80, v10  }
0x501: {  	v10 =	vand.u32 $0x7F, v10;
	v36 =	vand.u32 $0xFFFFFF80, v7;
	v11 =	vadd.s32 v6, v11  }
0x502: {  	v7 =	vand.u32 $0x7F, v7;
	v12 =	vadd.s32 v5, v35;
	v9 =	vor.u32 v9, v11  }
0x503: {  	v37 =	vand.u32 $0xFFFFFF80, v8;
	v10 =	vor.u32 v10, v12;
	v11 =	vadd.s32 v4, v36  }
0x504: {  	v8 =	vand.u32 $0x7F, v8;
	v38 =	vadd.s32 v3, v37;
	v7 =	vor.u32 v7, v11  }
0x505: {  	v8 =	vor.u32 v8, v38  }
0x506: {  	v39 =	vor.u32 $0x11, v6  }
0x507: {  	v40 =	vor.u32 $0x11, v5;
	[tilespmem:v9+s16+$0x0] =	vst.idx.add.f32.msk $0xffff, v2  }
0x508: {  	v41 =	vor.u32 $0x11, v4;
	[tilespmem:v10+s16+$0x0] =	vst.idx.add.f32.msk $0xffff, v2  }
0x509: {  	[tilespmem:v7+s16+$0x0] =	vst.idx.add.f32.msk $0xffff, v2  }
0x50a: {  	v42 =	vor.u32 $0x11, v3;
	[tilespmem:v8+s16+$0x0] =	vst.idx.add.f32.msk $0xffff, v2  }
0x50b: {  	v10 =	vld.idx.msk [tilespmem:v39+s2+$0x0], $0xffff  }
0x50c: {  	v9 =	vld.idx.msk [tilespmem:v40+s2+$0x0], $0xffff  }
0x50d: {  	v7 =	vld.idx.msk [tilespmem:v41+s2+$0x0], $0xffff;
	_ =	sdelay $0x1  }
0x50e: {  	v8 =	vld.idx.msk [tilespmem:v42+s2+$0x0], $0xffff;
	_ =	sdelay $0x1  }
0x50f: {  	v11 =	vand.u32 $0xFFFFFF80, v10;
	v10 =	vand.u32 $0x7F, v10;
	v43 =	vand.u32 $0xFFFFFF80, v9  }
0x510: {  	v9 =	vand.u32 $0x7F, v9;
	v44 =	vand.u32 $0xFFFFFF80, v7;
	v11 =	vadd.s32 v6, v11  }
0x511: {  	v7 =	vand.u32 $0x7F, v7;
	v12 =	vadd.s32 v5, v43;
	v10 =	vor.u32 v10, v11  }
0x512: {  	v45 =	vand.u32 $0xFFFFFF80, v8;
	v9 =	vor.u32 v9, v12;
	v11 =	vadd.s32 v4, v44  }
0x513: {  	v8 =	vand.u32 $0x7F, v8;
	v46 =	vadd.s32 v3, v45;
	v7 =	vor.u32 v7, v11  }
0x514: {  	v8 =	vor.u32 v8, v46  }
0x515: {  	v47 =	vor.u32 $0x12, v6  }
0x516: {  	v48 =	vor.u32 $0x12, v5;
	[tilespmem:v10+s16+$0x0] =	vst.idx.add.f32.msk $0xffff, v2  }
0x517: {  	v49 =	vor.u32 $0x12, v4;
	[tilespmem:v9+s16+$0x0] =	vst.idx.add.f32.msk $0xffff, v2  }
0x518: {  	[tilespmem:v7+s16+$0x0] =	vst.idx.add.f32.msk $0xffff, v2  }
0x519: {  	v50 =	vor.u32 $0x12, v3;
	[tilespmem:v8+s16+$0x0] =	vst.idx.add.f32.msk $0xffff, v2  }
0x51a: {  	v9 =	vld.idx.msk [tilespmem:v47+s2+$0x0], $0xffff  }
0x51b: {  	v10 =	vld.idx.msk [tilespmem:v48+s2+$0x0], $0xffff  }
0x51c: {  	v7 =	vld.idx.msk [tilespmem:v49+s2+$0x0], $0xffff;
	_ =	sdelay $0x1  }
0x51d: {  	v8 =	vld.idx.msk [tilespmem:v50+s2+$0x0], $0xffff;
	_ =	sdelay $0x1  }
0x51e: {  	v11 =	vand.u32 $0xFFFFFF80, v9;
	v9 =	vand.u32 $0x7F, v9;
	v51 =	vand.u32 $0xFFFFFF80, v10  }
0x51f: {  	v10 =	vand.u32 $0x7F, v10;
	v52 =	vand.u32 $0xFFFFFF80, v7;
	v11 =	vadd.s32 v6, v11  }
0x520: {  	v7 =	vand.u32 $0x7F, v7;
	v12 =	vadd.s32 v5, v51;
	v9 =	vor.u32 v9, v11  }
0x521: {  	v53 =	vand.u32 $0xFFFFFF80, v8;
	v10 =	vor.u32 v10, v12;
	v11 =	vadd.s32 v4, v52  }
0x522: {  	v8 =	vand.u32 $0x7F, v8;
	v54 =	vadd.s32 v3, v53;
	v7 =	vor.u32 v7, v11  }
0x523: {  	v8 =	vor.u32 v8, v54  }
0x524: {  	v55 =	vor.u32 $0x13, v6  }
0x525: {  	v56 =	vor.u32 $0x13, v5;
	[tilespmem:v9+s16+$0x0] =	vst.idx.add.f32.msk $0xffff, v2  }
0x526: {  	v57 =	vor.u32 $0x13, v4;
	[tilespmem:v10+s16+$0x0] =	vst.idx.add.f32.msk $0xffff, v2  }
0x527: {  	[tilespmem:v7+s16+$0x0] =	vst.idx.add.f32.msk $0xffff, v2  }
0x528: {  	v58 =	vor.u32 $0x13, v3;
	[tilespmem:v8+s16+$0x0] =	vst.idx.add.f32.msk $0xffff, v2  }
0x529: {  	v10 =	vld.idx.msk [tilespmem:v55+s2+$0x0], $0xffff  }
0x52a: {  	v9 =	vld.idx.msk [tilespmem:v56+s2+$0x0], $0xffff  }
0x52b: {  	v7 =	vld.idx.msk [tilespmem:v57+s2+$0x0], $0xffff;
	_ =	sdelay $0x1  }
0x52c: {  	v8 =	vld.idx.msk [tilespmem:v58+s2+$0x0], $0xffff;
	_ =	sdelay $0x1  }
0x52d: {  	v11 =	vand.u32 $0xFFFFFF80, v10;
	v59 =	vand.u32 $0xFFFFFF80, v9;
	v10 =	vand.u32 $0x7F, v10  }
0x52e: {  	v9 =	vand.u32 $0x7F, v9;
	v60 =	vand.u32 $0xFFFFFF80, v7;
	v6 =	vadd.s32 v6, v11  }
0x52f: {  	v7 =	vand.u32 $0x7F, v7;
	v5 =	vadd.s32 v5, v59;
	v6 =	vor.u32 v10, v6  }
0x530: {  	v61 =	vand.u32 $0xFFFFFF80, v8;
	v4 =	vadd.s32 v4, v60;
	v5 =	vor.u32 v9, v5  }
0x531: {  	v62 =	vand.u32 $0x7F, v8;
	v3 =	vadd.s32 v3, v61;
	v4 =	vor.u32 v7, v4  }
0x532: {  	p1 =	por p0, p0;
	v3 =	vor.u32 v62, v3  }
.Ltmp7:
0x533: {  	_ = 	snop;
	(pc) =	sbr.rel @p1 .LBB2_16-.Ltmp7, $4  }
0x534: {  	[tilespmem:v6+s16+$0x0] =	vst.idx.add.f32.msk $0xffff, v2  }
0x535: {  	[tilespmem:v5+s16+$0x0] =	vst.idx.add.f32.msk $0xffff, v2  }
0x536: {  	[tilespmem:v4+s16+$0x0] =	vst.idx.add.f32.msk $0xffff, v2  }
0x537: {  	s25 =	simm.s32 $0x40;
	p0 =	por $0x0, $0x0;
	[tilespmem:v3+s16+$0x0] =	vst.idx.add.f32.msk $0xffff, v2  }
0x538: {  	[hbm4b:s10+s2] =	stream.linear.scatter [tilespmem:s22], [sflag:$0x5], $0x4000, $0x38;
	v63 =	vld [tilespmem:$0x0]  }
0x539: {  	_ =	swait.ge [sflag:s23], $0x4000  }
0x53a: {  	[sflag:s23] =	ssyncset.done $0x0  }
0x53b: {  	[sflag:s23] =	ssyncadd.s32 $0xFFFFC000  }
0x53c: {  	_ =	swait.ge [sflag:s23], $0x4000  }
0x53d: {  	[sflag:s23] =	ssyncset.done $0x0  }
0x53e: {  	s24 =	sadd.s32 $0x1, s24;
	[sflag:s23] =	ssyncadd.s32 $0xFFFFC000  }
0x53f: {  	p0 =	sne.s32 s24, s11;
	_ =	swait.ge [sflag:s23], $0x4000  }
.Ltmp8:
0x540: {  	[sflag:s23] =	ssyncset.done $0x0;
	(pc) =	sbr.rel @p0 .LBB2_1-.Ltmp8, $4  }
0x541: {  	[sflag:s23] =	ssyncadd.s32 $0xFFFFC000  }
0x542: {  	_ =	swait.ge [sflag:s23], $0x4000  }
0x543: {  	[sflag:s23] =	ssyncset.done $0x0  }
0x544: {  	[sflag:s23] =	ssyncadd.s32 $0xFFFFC000  }
0x545: {  	_ =	sfence.sel $0x180000  }
0x546: {  	[bflag:$0x0] =	sbarrier.arrive $0xFFFF  }
0x547: {  	p0 =	sne.s32 s1, $0x0;
	_ =	strace $0x90000047  }
0x548: {  	s0 =	sadd.s32 @!p0 $0x100000, s0;
	[bflag:$0x2] =	sbarrier.arrive $0xFFFF  }
0x549: {  	[sflag:s0] =	ssyncadd.tile.s32 @!p0 $0x1;
	_ =	shalt  }
.Lfunc_end2:
_tile_overlayer_lowered:
.L_overlay_start_2:
0x54a: {  	(tag) =	ssettag $0x2  }
0x54b: {  	s0 =	rddreg [dreg:$0x0];
	s2 =	stileid.u32  }
0x54c: {  	s1 =	rddreg [dreg:$0x1];
	p0 =	sne.s32 s2, $0x0  }
0x54d: {  	s3 =	rddreg [dreg:$0x2];
	[bflag:$0x3] =	sbarrier.arrive $0xFFFF;
	s2 =	simm.s32 @!p0 $0x1C06  }
0x54e: {  	[timem:s3], [sflag:s2] =	dma.local @!p0 [hbm:s0], s1  }
0x54f: {  	s0 =	simm.s32 @!p0 $0x6  }
0x550: {  	_ =	swait.ge @!p0 [sflag:s0], s1  }
0x551: {  	s1 =	ssub.s32 @!p0 $0x0, s1;
	[sflag:s0] =	ssyncset.done @!p0 $0x0  }
0x552: {  	[sflag:s0] =	ssyncadd.s32 @!p0 s1  }
0x553: {  	[bflag:$0x3] =	sbarrier.arrive $0xFFFF  }
0x554: {  	_ =	shalt  }

</sc_bundles>
